<compile_context>
chip_gen: v7x
topology: tpu7x:2x2x1
jax: 0.10.2.dev20260603
libtpu: 0.0.44.dev20260713+nightly
codegen_flags: <defaults>
</compile_context>

<pallas_src>
import functools
import jax
import jax.numpy as jnp
from jax import lax
from jax.experimental import pallas as pl
from jax.experimental.pallas import tpu as pltpu
from jax.experimental.pallas import tpu_sc as plsc

_ENTITY_TYPES = ['card1', 'card2', 'card3', 'card4', 'card5', 'card6',
                 'ProductCD', 'P_emaildomain', 'addr1', 'addr2', 'dist1']
_R = len(_ENTITY_TYPES)
_HID = 128
_N = 10000
_NP = 10240
_E = 160000
_EPP = 10240
_ERODS = 80
_K = 256
_NCH = _EPP // _K



def _txh_body(x_ref, wt_ref, b_ref, o_ref):
    o_ref[:] = jax.nn.relu(
        jnp.dot(x_ref[:], wt_ref[:], preferred_element_type=jnp.float32)
        + b_ref[:])


def _txh(tx_x, tx_W, tx_b):
    n, f = tx_x.shape
    br = 2000
    return pl.pallas_call(
        _txh_body,
        grid=(n // br,),
        in_specs=[
            pl.BlockSpec((br, f), lambda i: (i, 0)),
            pl.BlockSpec((f, _HID), lambda i: (0, 0)),
            pl.BlockSpec((1, _HID), lambda i: (0, 0)),
        ],
        out_specs=pl.BlockSpec((br, _HID), lambda i: (i, 0)),
        out_shape=jax.ShapeDtypeStruct((n, _HID), jnp.float32),
    )(tx_x, tx_W.T, tx_b.reshape(1, _HID))


def _gasd_body(e_ref, wt_ref, at2_ref, g_ref, asd_ref):
    g = jnp.dot(e_ref[:], wt_ref[:], preferred_element_type=jnp.float32)
    g_ref[:] = g
    asd_ref[:] = jnp.dot(g, at2_ref[:], preferred_element_type=jnp.float32)


def _gasd(ent_all, gat_W, att_src, att_dst):
    m = ent_all.shape[0]
    at2 = jnp.zeros((_HID, _HID), jnp.float32)
    at2 = at2.at[:, 0].set(att_src).at[:, 1].set(att_dst)
    br = 2560
    return pl.pallas_call(
        _gasd_body,
        grid=(m // br,),
        in_specs=[
            pl.BlockSpec((br, _HID), lambda i: (i, 0)),
            pl.BlockSpec((_HID, _HID), lambda i: (0, 0)),
            pl.BlockSpec((_HID, _HID), lambda i: (0, 0)),
        ],
        out_specs=[
            pl.BlockSpec((br, _HID), lambda i: (i, 0)),
            pl.BlockSpec((br, _HID), lambda i: (i, 0)),
        ],
        out_shape=[
            jax.ShapeDtypeStruct((m, _HID), jnp.float32),
            jax.ShapeDtypeStruct((m, _HID), jnp.float32),
        ],
    )(ent_all, gat_W.T, at2)


def _mlp_body(c_ref, w1_ref, b1_ref, w2_ref, b2_ref, w3_ref, b3_ref, o_ref):
    h1 = jax.nn.relu(
        jnp.dot(c_ref[:], w1_ref[:], preferred_element_type=jnp.float32)
        + b1_ref[:])
    h2 = jax.nn.relu(
        jnp.dot(h1, w2_ref[:], preferred_element_type=jnp.float32)
        + b2_ref[:])
    o_ref[:] = (jnp.dot(h2, w3_ref[:], preferred_element_type=jnp.float32)
                + b3_ref[:])


def _mlp(combined, W1, b1, W2, b2, W3, b3):
    n, cin = combined.shape
    w3p = jnp.zeros((64, _HID), jnp.float32).at[:, 0].set(W3[0])
    b3p = jnp.zeros((1, _HID), jnp.float32).at[0, 0].set(b3[0])
    br = 2000
    out = pl.pallas_call(
        _mlp_body,
        grid=(n // br,),
        in_specs=[
            pl.BlockSpec((br, cin), lambda i: (i, 0)),
            pl.BlockSpec((cin, _HID), lambda i: (0, 0)),
            pl.BlockSpec((1, _HID), lambda i: (0, 0)),
            pl.BlockSpec((_HID, 64), lambda i: (0, 0)),
            pl.BlockSpec((1, 64), lambda i: (0, 0)),
            pl.BlockSpec((64, _HID), lambda i: (0, 0)),
            pl.BlockSpec((1, _HID), lambda i: (0, 0)),
        ],
        out_specs=pl.BlockSpec((br, _HID), lambda i: (i, 0)),
        out_shape=jax.ShapeDtypeStruct((n, _HID), jnp.float32),
    )(combined, W1.T, b1.reshape(1, _HID), W2.T, b2.reshape(1, 64), w3p, b3p)
    return out[:, :1]



def _ent_gather(src_flat, embs):
    mesh = plsc.VectorSubcoreMesh(core_axis_name="c", subcore_axis_name="s")

    @functools.partial(
        pl.kernel,
        out_type=jax.ShapeDtypeStruct((_R * _NP, 128), jnp.float32),
        mesh=mesh,
        compiler_params=pltpu.CompilerParams(needs_layout_passes=False),
        scratch_types=[
            pltpu.VMEM((64,), jnp.int32),
            pltpu.VMEM((64, 128), jnp.float32),
            pltpu.SemaphoreType.DMA,
        ],
    )
    def k(src_h, *args):
        emb_hs = args[:_R]
        ent_h = args[_R]
        gidx_v, grow_v, sem = args[_R + 1:]
        w = lax.axis_index("c") * 16 + lax.axis_index("s")
        boff = w * 320
        for t in range(_R):
            def _chunk(q, cr, t=t):
                pltpu.sync_copy(
                    src_h.at[pl.ds(t * _E + boff + q * 64, 64)], gidx_v)
                pltpu.async_copy(emb_hs[t].at[gidx_v], grow_v, sem).wait()
                pltpu.sync_copy(
                    grow_v, ent_h.at[pl.ds(t * _NP + boff + q * 64, 64)])
                return cr
            lax.fori_loop(0, 5, _chunk, 0)

    return k(src_flat, *embs)


def _edge_sc(srcp, dstp, as_flat, ad_flat, mh_flat, g2a, g2b, bias,
             zeros1, zeros2):
    mesh = plsc.VectorSubcoreMesh(core_axis_name="c", subcore_axis_name="s")

    @functools.partial(
        pl.kernel,
        out_type=[jax.ShapeDtypeStruct((2 * _R * _NP, 64), jnp.float32),
                  jax.ShapeDtypeStruct((2 * _NP, 64), jnp.float32)],
        mesh=mesh,
        compiler_params=pltpu.CompilerParams(
            needs_layout_passes=False, use_tc_tiling_on_sc=False),
        scratch_types=[
            pltpu.VMEM((_EPP,), jnp.int32),
            pltpu.VMEM((_EPP,), jnp.int32),
            pltpu.VMEM((_NP,), jnp.float32),
            pltpu.VMEM((_NP,), jnp.float32),
            pltpu.VMEM((_EPP,), jnp.float32),
            pltpu.VMEM((_EPP,), jnp.float32),
            pltpu.VMEM((_K,), jnp.float32),
            pltpu.VMEM((_K,), jnp.int32),
            pltpu.VMEM((_K,), jnp.int32),
            pltpu.VMEM((_K,), jnp.int32),
            pltpu.VMEM((_K, 64), jnp.float32),
            pltpu.VMEM((16,), jnp.float32),
            pltpu.VMEM((64,), jnp.float32),
            pltpu.VMEM((640,), jnp.float32),
            pltpu.VMEM_SHARED((_NP,), jnp.float32),
            pltpu.VMEM_SHARED((_NP,), jnp.float32),
            pltpu.VMEM_SHARED((_NP, 64), jnp.float32),
            pltpu.SemaphoreType.DMA,
        ],
    )
    def k(srcp_h, dstp_h, as_h, ad_h, mh_h, g2a_h, g2b_h, bias_h,
          z1_h, z2_h, out_h, h1t_h,
          src_v, dst_v, as_v, ad_v, ex_v, den_e, ones_v, idxg_v, didx_v,
          sidx_v, rows_v, mh_v, bias_v, cnt_r, den_sh, cnt_sh, acc_sh,
          sem):
        c = lax.axis_index("c")
        s = lax.axis_index("s")
        pltpu.sync_copy(bias_h.at[pl.ds(c * 64, 64)], bias_v)

        def _ones(i, carry):
            ones_v[pl.ds(i * 16, 16)] = jnp.zeros((16,), jnp.float32) + 1.0
            return carry
        lax.fori_loop(0, _K // 16, _ones, 0)

        def _rel(r, carry):
            pltpu.sync_copy(z1_h, den_sh.at[pl.ds(s * 640, 640)])
            pltpu.sync_copy(z1_h, cnt_sh.at[pl.ds(s * 640, 640)])
            pltpu.sync_copy(z2_h, acc_sh.at[pl.ds(s * 640, 640)])
            coff = (r * 16 + s) * _EPP
            pltpu.sync_copy(srcp_h.at[pl.ds(coff, _EPP)], src_v)
            pltpu.sync_copy(dstp_h.at[pl.ds(coff, _EPP)], dst_v)
            pltpu.sync_copy(as_h.at[pl.ds(r * _NP, _NP)], as_v)
            pltpu.sync_copy(ad_h.at[pl.ds(r * _NP, _NP)], ad_v)
            pltpu.sync_copy(mh_h.at[pl.ds(r * 16, 16)], mh_v)
            plsc.subcore_barrier()
            mh = mh_v[:]

            def _alpha(i, cr):
                sl = pl.ds(i * 16, 16)
                sv = src_v[sl]
                dv = dst_v[sl]
                al = (plsc.load_gather(as_v, [sv])
                      + plsc.load_gather(ad_v, [dv]))
                al = jnp.where(al >= 0.0, al, al * 0.2)
                ex_v[sl] = jnp.exp(al - mh)
                return cr
            lax.fori_loop(0, _EPP // 16, _alpha, 0)

            def _dsc(b, cr):
                base = b * _K

                def _mkidx(j, c2):
                    sl = pl.ds(j * 16, 16)
                    didx_v[sl] = dst_v[pl.ds(base + j * 16, 16)]
                    return c2
                lax.fori_loop(0, _K // 16, _mkidx, 0)
                pltpu.sync_copy(ex_v.at[pl.ds(base, _K)],
                                den_sh.at[didx_v], add=True)
                pltpu.sync_copy(ones_v, cnt_sh.at[didx_v], add=True)
                return cr
            lax.fori_loop(0, _NCH, _dsc, 0)
            plsc.subcore_barrier()

            def _dga(b, cr):
                base = b * _K

                def _mkidx(j, c2):
                    sl = pl.ds(j * 16, 16)
                    didx_v[sl] = dst_v[pl.ds(base + j * 16, 16)]
                    return c2
                lax.fori_loop(0, _K // 16, _mkidx, 0)
                pltpu.sync_copy(den_sh.at[didx_v],
                                den_e.at[pl.ds(base, _K)])
                return cr
            lax.fori_loop(0, _NCH, _dga, 0)

            def _coef(i, cr):
                sl = pl.ds(i * 16, 16)
                ex_v[sl] = ex_v[sl] / (den_e[sl] + 1e-16)
                return cr
            lax.fori_loop(0, _EPP // 16, _coef, 0)

            goff = r * _NP

            def _st5(kk, cr):
                base = kk * _K

                def _mkidx(j, c2):
                    so = pl.ds(base + j * 16, 16)
                    sl = pl.ds(j * 16, 16)
                    idxg_v[sl] = src_v[so] + goff
                    didx_v[sl] = dst_v[so]
                    return c2
                lax.fori_loop(0, _K // 16, _mkidx, 0)

                @pl.when(c == 0)
                def _g0():
                    pltpu.async_copy(g2a_h.at[idxg_v], rows_v, sem).wait()

                @pl.when(c == 1)
                def _g1():
                    pltpu.async_copy(g2b_h.at[idxg_v], rows_v, sem).wait()

                def _scale(j, c2):
                    csp = plsc.load_gather(
                        ex_v, [jnp.zeros((16,), jnp.int32) + (base + j)])
                    for q in range(4):
                        sl = pl.ds(q * 16, 16)
                        rows_v[j, sl] = rows_v[j, sl] * csp
                    return c2
                lax.fori_loop(0, _K, _scale, 0)

                pltpu.sync_copy(rows_v, acc_sh.at[didx_v], add=True)
                return cr
            lax.fori_loop(0, _NCH, _st5, 0)
            plsc.subcore_barrier()

            srow = s * 640
            pltpu.sync_copy(acc_sh.at[pl.ds(srow, 640)],
                            h1t_h.at[pl.ds(c * _NP + srow, 640)])
            pltpu.sync_copy(z2_h, acc_sh.at[pl.ds(srow, 640)])
            plsc.subcore_barrier()

            hoff = c * _NP

            def _st6(kk, cr):
                base = kk * _K

                def _mkidx(j, c2):
                    so = pl.ds(base + j * 16, 16)
                    sl = pl.ds(j * 16, 16)
                    sidx_v[sl] = src_v[so] + hoff
                    didx_v[sl] = dst_v[so]
                    return c2
                lax.fori_loop(0, _K // 16, _mkidx, 0)

                pltpu.async_copy(h1t_h.at[sidx_v], rows_v, sem).wait()
                pltpu.sync_copy(rows_v, acc_sh.at[didx_v], add=True)
                return cr
            lax.fori_loop(0, _NCH, _st6, 0)
            plsc.subcore_barrier()

            row0 = s * 640
            pltpu.sync_copy(cnt_sh.at[pl.ds(row0, 640)], cnt_r)
            orow = (c * _R + r) * _NP + row0
            for q0, ln in ((0, 256), (256, 256), (512, 128)):
                pltpu.sync_copy(acc_sh.at[pl.ds(row0 + q0, ln)],
                                rows_v.at[pl.ds(0, ln)])

                def _fin(j, cr, q0=q0):
                    cs = plsc.load_gather(
                        cnt_r, [jnp.zeros((16,), jnp.int32) + (q0 + j)])
                    scale = 1.0 / jnp.maximum(cs, 1.0)
                    bsel = jnp.where(cs > 0.0, 1.0, 0.0)
                    for q in range(4):
                        sl = pl.ds(q * 16, 16)
                        rows_v[j, sl] = (rows_v[j, sl] * scale
                                         + bias_v[sl] * bsel)
                    return cr
                lax.fori_loop(0, ln, _fin, 0)
                pltpu.sync_copy(rows_v.at[pl.ds(0, ln)],
                                out_h.at[pl.ds(orow + q0, ln)])
            plsc.subcore_barrier()
            return carry
        lax.fori_loop(0, _R, _rel, 0)

    return k(srcp, dstp, as_flat, ad_flat, mh_flat, g2a, g2b, bias,
             zeros1, zeros2)



def kernel(tx_x, edge_index_card1, emb_card1, edge_index_card2, emb_card2,
           edge_index_card3, emb_card3, edge_index_card4, emb_card4,
           edge_index_card5, emb_card5, edge_index_card6, emb_card6,
           edge_index_ProductCD, emb_ProductCD,
           edge_index_P_emaildomain, emb_P_emaildomain,
           edge_index_addr1, emb_addr1, edge_index_addr2, emb_addr2,
           edge_index_dist1, emb_dist1,
           tx_W, tx_b, gat_W, gat_att_src, gat_att_dst, gat_bias,
           cls_W1, cls_b1, cls_W2, cls_b2, cls_W3, cls_b3):
    inp = dict(locals())
    edges = [inp['edge_index_' + t] for t in _ENTITY_TYPES]
    embs = [inp['emb_' + t] for t in _ENTITY_TYPES]

    src_all = jnp.stack([ei[0] for ei in edges])
    dst_all = jnp.stack([ei[1] for ei in edges])

    ENT = _ent_gather(src_all.reshape(-1), embs)

    G_all, ASD_all = _gasd(ENT, gat_W, gat_att_src, gat_att_dst)
    tx_h = _txh(tx_x, tx_W, tx_b)

    rowmask = (jnp.arange(_NP) < _N)[None, :]
    a_s = jnp.where(rowmask, ASD_all[:, 0].reshape(_R, _NP), 0.0)
    a_d = jnp.where(rowmask, ASD_all[:, 1].reshape(_R, _NP), 0.0)
    mh = (jnp.maximum(a_s.max(axis=1), 0.0)
          + jnp.maximum(a_d.max(axis=1), 0.0))
    mh_flat = jnp.broadcast_to(mh[:, None], (_R, 16)).reshape(-1)

    pad_src = jnp.arange(240, dtype=jnp.int32)
    pad_dst = (_N + jnp.arange(240)).astype(jnp.int32)
    src3 = src_all.reshape(_R, 16, _N)
    dst3 = dst_all.reshape(_R, 16, _N)
    srcp = jnp.concatenate(
        [src3, jnp.broadcast_to(pad_src, (_R, 16, 240))],
        axis=2).reshape(-1)
    dstp = jnp.concatenate(
        [dst3, jnp.broadcast_to(pad_dst, (_R, 16, 240))],
        axis=2).reshape(-1)

    zeros1 = jnp.zeros((640,), jnp.float32)
    zeros2 = jnp.zeros((640, 64), jnp.float32)

    out = _edge_sc(srcp, dstp, a_s.reshape(-1), a_d.reshape(-1), mh_flat,
                   G_all[:, :64], G_all[:, 64:], gat_bias, zeros1, zeros2)[0]

    out4 = out.reshape(2, _R, _NP, 64)
    msgs = [jnp.concatenate([out4[0, r, :_N], out4[1, r, :_N]], axis=1)
            for r in range(_R)]
    combined = jnp.concatenate([tx_h] + msgs, axis=1)

    return _mlp(combined, cls_W1, cls_b1, cls_W2, cls_b2, cls_W3, cls_b3)

# --- scband reference (transcript-rebuilt; emitter-appended) ---
"""Pipeline reference for scband-simplified-fraud-detector-gat-87445534147095 (READ-ONLY COPY).

The authoritative reference and input builder live on the scoring server;
editing this copy changes nothing except your own understanding.
"""

import jax, jax.numpy as jnp
import numpy as np

ENTITY_TYPES = ['card1', 'card2', 'card3', 'card4', 'card5', 'card6', 'ProductCD', 'P_emaildomain', 'addr1', 'addr2', 'dist1']
NUM_ENTITY_NODES = 50000
NUM_TX = 10000
E = 160000
TX_FEAT = 256
HID = 128


def setup_inputs(seed: int = 0) -> dict:
    key = jax.random.key(seed)
    ks = iter(jax.random.split(key, 64))
    inp = {}
    inp['tx_x'] = jax.random.normal(next(ks), (NUM_TX, TX_FEAT), dtype=jnp.float32)
    for t in ENTITY_TYPES:
        inp['edge_index_' + t] = jax.random.randint(next(ks), (2, E), 0, NUM_TX, dtype=jnp.int32)
        inp['emb_' + t] = jax.random.normal(next(ks), (NUM_ENTITY_NODES, HID), dtype=jnp.float32) * 0.02
    inp['tx_W'] = jax.random.normal(next(ks), (HID, TX_FEAT), dtype=jnp.float32) * 0.05
    inp['tx_b'] = jnp.zeros((HID,), dtype=jnp.float32)
    inp['gat_W'] = jax.random.normal(next(ks), (HID, HID), dtype=jnp.float32) * 0.05
    inp['gat_att_src'] = jax.random.normal(next(ks), (HID,), dtype=jnp.float32) * 0.1
    inp['gat_att_dst'] = jax.random.normal(next(ks), (HID,), dtype=jnp.float32) * 0.1
    inp['gat_bias'] = jnp.zeros((HID,), dtype=jnp.float32)
    cin = HID + HID * len(ENTITY_TYPES)
    inp['cls_W1'] = jax.random.normal(next(ks), (HID, cin), dtype=jnp.float32) * 0.02
    inp['cls_b1'] = jnp.zeros((HID,), dtype=jnp.float32)
    inp['cls_W2'] = jax.random.normal(next(ks), (64, HID), dtype=jnp.float32) * 0.05
    inp['cls_b2'] = jnp.zeros((64,), dtype=jnp.float32)
    inp['cls_W3'] = jax.random.normal(next(ks), (1, 64), dtype=jnp.float32) * 0.05
    inp['cls_b3'] = jnp.zeros((1,), dtype=jnp.float32)
    return inp


def _gat_conv(x, edge_index, W, att_src, att_dst, bias):
    # GATConv, heads=1, concat=True, negative_slope=0.2, dropout in eval mode (identity)
    N = x.shape[0]
    xw = x @ W.T
    a_src = xw @ att_src
    a_dst = xw @ att_dst
    src = edge_index[0]
    dst = edge_index[1]
    alpha = a_src[src] + a_dst[dst]
    alpha = jnp.where(alpha >= 0, alpha, 0.2 * alpha)
    amax = jax.ops.segment_max(alpha, dst, num_segments=N)
    amax = jnp.where(jnp.isfinite(amax), amax, 0.0)
    ex = jnp.exp(alpha - amax[dst])
    denom = jax.ops.segment_sum(ex, dst, num_segments=N)
    coef = ex / (denom[dst] + 1e-16)
    out = jax.ops.segment_sum(xw[src] * coef[:, None], dst, num_segments=N)
    return out + bias


def reference(tx_x,
              edge_index_card1, emb_card1,
              edge_index_card2, emb_card2,
              edge_index_card3, emb_card3,
              edge_index_card4, emb_card4,
              edge_index_card5, emb_card5,
              edge_index_card6, emb_card6,
              edge_index_ProductCD, emb_ProductCD,
              edge_index_P_emaildomain, emb_P_emaildomain,
              edge_index_addr1, emb_addr1,
              edge_index_addr2, emb_addr2,
              edge_index_dist1, emb_dist1,
              tx_W, tx_b,
              gat_W, gat_att_src, gat_att_dst, gat_bias,
              cls_W1, cls_b1, cls_W2, cls_b2, cls_W3, cls_b3):
    inp = dict(locals())
    tx_x = inp['tx_x']
    num_tx = tx_x.shape[0]
    tx_h = jax.nn.relu(tx_x @ inp['tx_W'].T + inp['tx_b'])
    msgs = []
    for t in ENTITY_TYPES:
        ei = inp['edge_index_' + t]
        src = ei[0]
        dst = ei[1]
        ent = jnp.take(inp['emb_' + t], src, axis=0)
        h = _gat_conv(ent, ei, inp['gat_W'], inp['gat_att_src'], inp['gat_att_dst'], inp['gat_bias'])
        cnt = jax.ops.segment_sum(jnp.ones((src.shape[0],), jnp.float32), dst, num_segments=num_tx)
        cnt = jnp.clip(cnt, 1.0, None)
        agg = jax.ops.segment_sum(jnp.take(h, src, axis=0), dst, num_segments=num_tx) / cnt[:, None]
        msgs.append(agg)
    combined = jnp.concatenate([tx_h] + msgs, axis=-1)
    h1 = jax.nn.relu(combined @ inp['cls_W1'].T + inp['cls_b1'])
    h2 = jax.nn.relu(h1 @ inp['cls_W2'].T + inp['cls_b2'])
    logits = h2 @ inp['cls_W3'].T + inp['cls_b3']
    return logits

if __name__ == "__main__":
    import jax
    _d = setup_inputs()
    print(jax.jit(kernel)(*tuple(_d.values())))

</pallas_src>

<mosaic_0001>
#map = affine_map<(d0, d1) -> (0)>
#map1 = affine_map<(d0, d1) -> (0, 0)>
module attributes {stable_mosaic.version = 14 : i64} {
  func.func @k(%arg0: i32, %arg1: i32, %arg2: memref<1760000xi32, #tpu.memory_space<hbm>>, %arg3: memref<50000x128xf32, #tpu.memory_space<hbm>>, %arg4: memref<50000x128xf32, #tpu.memory_space<hbm>>, %arg5: memref<50000x128xf32, #tpu.memory_space<hbm>>, %arg6: memref<50000x128xf32, #tpu.memory_space<hbm>>, %arg7: memref<50000x128xf32, #tpu.memory_space<hbm>>, %arg8: memref<50000x128xf32, #tpu.memory_space<hbm>>, %arg9: memref<50000x128xf32, #tpu.memory_space<hbm>>, %arg10: memref<50000x128xf32, #tpu.memory_space<hbm>>, %arg11: memref<50000x128xf32, #tpu.memory_space<hbm>>, %arg12: memref<50000x128xf32, #tpu.memory_space<hbm>>, %arg13: memref<50000x128xf32, #tpu.memory_space<hbm>>, %arg14: memref<112640x128xf32, #tpu.memory_space<hbm>>, %arg15: memref<64xi32, #tpu.memory_space<vmem>>, %arg16: memref<64x128xf32, #tpu.memory_space<vmem>>, %arg17: memref<!tpu.dma_semaphore, #tpu.memory_space<semaphore_mem>>) attributes {dimension_semantics = [#tpu.dimension_semantics<core_parallel>, #tpu.dimension_semantics<subcore_parallel>], iteration_bounds = array<i64: 2, 16>, scalar_prefetch = 0 : i64, scratch_operands = 3 : i64, tpu.core_type = #tpu.core_type<sc_vector_subcore>, window_params = [{transform_indices = #map}, {transform_indices = #map1}, {transform_indices = #map1}, {transform_indices = #map1}, {transform_indices = #map1}, {transform_indices = #map1}, {transform_indices = #map1}, {transform_indices = #map1}, {transform_indices = #map1}, {transform_indices = #map1}, {transform_indices = #map1}, {transform_indices = #map1}, {transform_indices = #map1}]} {
    %mul3A = arith.constant 16 : i32
    %mul3A_0 = arith.muli %arg0, %mul3A : i32
    %add3A = arith.addi %mul3A_0, %arg1 : i32
    %mul3A_1 = arith.constant 320 : i32
    %mul3A_2 = arith.muli %add3A, %mul3A_1 : i32
    %scan3A = arith.constant 0 : i32
    %scan3A_3 = arith.constant 0 : i32
    %scan3A_4 = arith.constant 5 : i32
    %scan3A_5 = arith.addi %scan3A_3, %scan3A_4 : i32
    %scan3A_6 = arith.constant 1 : i32
    scf.for %scan3A_68 = %scan3A_3 to %scan3A_5 step %scan3A_6  : i32 {
      %add3A_69 = arith.constant 0 : i32
      %add3A_70 = arith.addi %add3A_69, %mul3A_2 : i32
      %mul3A_71 = arith.constant 64 : i32
      %mul3A_72 = arith.muli %scan3A_68, %mul3A_71 : i32
      %add3A_73 = arith.addi %add3A_70, %mul3A_72 : i32
      "tpu.region"() ({
        %run_scoped3A = tpu.sem_alloc : memref<!tpu.dma_semaphore, #tpu.memory_space<semaphore_mem>>
        %dma_start3A_83 = tpu.memref_slice %arg2[%add3A_73] : memref<1760000xi32, #tpu.memory_space<hbm>> -> memref<64xi32, #tpu.memory_space<hbm>>
        %dma_start3A_84 = tpu.memref_slice %arg2[%add3A_73] : memref<1760000xi32, #tpu.memory_space<hbm>> -> memref<64xi32, #tpu.memory_space<hbm>>
        tpu.enqueue_dma source(%dma_start3A_84 : memref<64xi32, #tpu.memory_space<hbm>>) target(%arg15 : memref<64xi32, #tpu.memory_space<vmem>>) target_semaphore(%run_scoped3A : memref<!tpu.dma_semaphore, #tpu.memory_space<semaphore_mem>>)
        %dma_wait3A_85 = tpu.memref_slice %arg2[%add3A_73] : memref<1760000xi32, #tpu.memory_space<hbm>> -> memref<64xi32, #tpu.memory_space<hbm>>
        %dma_wait3A_86 = tpu.memref_slice %arg2[%add3A_73] : memref<1760000xi32, #tpu.memory_space<hbm>> -> memref<64xi32, #tpu.memory_space<hbm>>
        tpu.wait_dma2 semaphore(%run_scoped3A : memref<!tpu.dma_semaphore, #tpu.memory_space<semaphore_mem>>) src(%dma_wait3A_86 : memref<64xi32, #tpu.memory_space<hbm>>) dst(%arg15 : memref<64xi32, #tpu.memory_space<vmem>>)
        tpu.yield
      }) : () -> ()
      %dma_start3A = arith.constant 0 : i32
      %dma_start3A_74 = arith.constant 0 : i32
      %dma_start3A_75 = tpu.memref_slice %arg3[%dma_start3A, %dma_start3A_74] : memref<50000x128xf32, #tpu.memory_space<hbm>> -> memref<50000x128xf32, #tpu.memory_space<hbm>>
      tpu.enqueue_indirect_dma source(%dma_start3A_75 : memref<50000x128xf32, #tpu.memory_space<hbm>>) target(%arg16 : memref<64x128xf32, #tpu.memory_space<vmem>>) offsets(%arg15 : memref<64xi32, #tpu.memory_space<vmem>>) semaphore(%arg17 : memref<!tpu.dma_semaphore, #tpu.memory_space<semaphore_mem>>)
      %dma_wait3A = arith.constant 0 : i32
      %dma_wait3A_76 = arith.constant 0 : i32
      %dma_wait3A_77 = tpu.memref_slice %arg3[%dma_wait3A, %dma_wait3A_76] : memref<50000x128xf32, #tpu.memory_space<hbm>> -> memref<50000x128xf32, #tpu.memory_space<hbm>>
      tpu.wait_indirect_dma semaphore(%arg17 : memref<!tpu.dma_semaphore, #tpu.memory_space<semaphore_mem>>) src(%dma_wait3A_77 : memref<50000x128xf32, #tpu.memory_space<hbm>>) dst(%arg16 : memref<64x128xf32, #tpu.memory_space<vmem>>)
      %add3A_78 = arith.constant 0 : i32
      %add3A_79 = arith.addi %add3A_78, %mul3A_2 : i32
      %mul3A_80 = arith.constant 64 : i32
      %mul3A_81 = arith.muli %scan3A_68, %mul3A_80 : i32
      %add3A_82 = arith.addi %add3A_79, %mul3A_81 : i32
      "tpu.region"() ({
        %run_scoped3A = tpu.sem_alloc : memref<!tpu.dma_semaphore, #tpu.memory_space<semaphore_mem>>
        %dma_start3A_83 = arith.constant 0 : i32
        %dma_start3A_84 = tpu.memref_slice %arg14[%add3A_82, %dma_start3A_83] : memref<112640x128xf32, #tpu.memory_space<hbm>> -> memref<64x128xf32, #tpu.memory_space<hbm>>
        %dma_start3A_85 = arith.constant 0 : i32
        %dma_start3A_86 = tpu.memref_slice %arg14[%add3A_82, %dma_start3A_85] : memref<112640x128xf32, #tpu.memory_space<hbm>> -> memref<64x128xf32, #tpu.memory_space<hbm>>
        tpu.enqueue_dma source(%arg16 : memref<64x128xf32, #tpu.memory_space<vmem>>) target(%dma_start3A_86 : memref<64x128xf32, #tpu.memory_space<hbm>>) target_semaphore(%run_scoped3A : memref<!tpu.dma_semaphore, #tpu.memory_space<semaphore_mem>>)
        %dma_wait3A_87 = arith.constant 0 : i32
        %dma_wait3A_88 = tpu.memref_slice %arg14[%add3A_82, %dma_wait3A_87] : memref<112640x128xf32, #tpu.memory_space<hbm>> -> memref<64x128xf32, #tpu.memory_space<hbm>>
        %dma_wait3A_89 = arith.constant 0 : i32
        %dma_wait3A_90 = tpu.memref_slice %arg14[%add3A_82, %dma_wait3A_89] : memref<112640x128xf32, #tpu.memory_space<hbm>> -> memref<64x128xf32, #tpu.memory_space<hbm>>
        tpu.wait_dma2 semaphore(%run_scoped3A : memref<!tpu.dma_semaphore, #tpu.memory_space<semaphore_mem>>) src(%arg16 : memref<64x128xf32, #tpu.memory_space<vmem>>) dst(%dma_wait3A_90 : memref<64x128xf32, #tpu.memory_space<hbm>>)
        tpu.yield
      }) : () -> ()
    }
    %scan3A_7 = arith.constant 5 : i32
    %scan3A_8 = arith.constant 0 : i32
    %scan3A_9 = arith.constant 0 : i32
    %scan3A_10 = arith.constant 5 : i32
    %scan3A_11 = arith.addi %scan3A_9, %scan3A_10 : i32
    %scan3A_12 = arith.constant 1 : i32
    scf.for %scan3A_68 = %scan3A_9 to %scan3A_11 step %scan3A_12  : i32 {
      %add3A_69 = arith.constant 160000 : i32
      %add3A_70 = arith.addi %add3A_69, %mul3A_2 : i32
      %mul3A_71 = arith.constant 64 : i32
      %mul3A_72 = arith.muli %scan3A_68, %mul3A_71 : i32
      %add3A_73 = arith.addi %add3A_70, %mul3A_72 : i32
      "tpu.region"() ({
        %run_scoped3A = tpu.sem_alloc : memref<!tpu.dma_semaphore, #tpu.memory_space<semaphore_mem>>
        %dma_start3A_83 = tpu.memref_slice %arg2[%add3A_73] : memref<1760000xi32, #tpu.memory_space<hbm>> -> memref<64xi32, #tpu.memory_space<hbm>>
        %dma_start3A_84 = tpu.memref_slice %arg2[%add3A_73] : memref<1760000xi32, #tpu.memory_space<hbm>> -> memref<64xi32, #tpu.memory_space<hbm>>
        tpu.enqueue_dma source(%dma_start3A_84 : memref<64xi32, #tpu.memory_space<hbm>>) target(%arg15 : memref<64xi32, #tpu.memory_space<vmem>>) target_semaphore(%run_scoped3A : memref<!tpu.dma_semaphore, #tpu.memory_space<semaphore_mem>>)
        %dma_wait3A_85 = tpu.memref_slice %arg2[%add3A_73] : memref<1760000xi32, #tpu.memory_space<hbm>> -> memref<64xi32, #tpu.memory_space<hbm>>
        %dma_wait3A_86 = tpu.memref_slice %arg2[%add3A_73] : memref<1760000xi32, #tpu.memory_space<hbm>> -> memref<64xi32, #tpu.memory_space<hbm>>
        tpu.wait_dma2 semaphore(%run_scoped3A : memref<!tpu.dma_semaphore, #tpu.memory_space<semaphore_mem>>) src(%dma_wait3A_86 : memref<64xi32, #tpu.memory_space<hbm>>) dst(%arg15 : memref<64xi32, #tpu.memory_space<vmem>>)
        tpu.yield
      }) : () -> ()
      %dma_start3A = arith.constant 0 : i32
      %dma_start3A_74 = arith.constant 0 : i32
      %dma_start3A_75 = tpu.memref_slice %arg4[%dma_start3A, %dma_start3A_74] : memref<50000x128xf32, #tpu.memory_space<hbm>> -> memref<50000x128xf32, #tpu.memory_space<hbm>>
      tpu.enqueue_indirect_dma source(%dma_start3A_75 : memref<50000x128xf32, #tpu.memory_space<hbm>>) target(%arg16 : memref<64x128xf32, #tpu.memory_space<vmem>>) offsets(%arg15 : memref<64xi32, #tpu.memory_space<vmem>>) semaphore(%arg17 : memref<!tpu.dma_semaphore, #tpu.memory_space<semaphore_mem>>)
      %dma_wait3A = arith.constant 0 : i32
      %dma_wait3A_76 = arith.constant 0 : i32
      %dma_wait3A_77 = tpu.memref_slice %arg4[%dma_wait3A, %dma_wait3A_76] : memref<50000x128xf32, #tpu.memory_space<hbm>> -> memref<50000x128xf32, #tpu.memory_space<hbm>>
      tpu.wait_indirect_dma semaphore(%arg17 : memref<!tpu.dma_semaphore, #tpu.memory_space<semaphore_mem>>) src(%dma_wait3A_77 : memref<50000x128xf32, #tpu.memory_space<hbm>>) dst(%arg16 : memref<64x128xf32, #tpu.memory_space<vmem>>)
      %add3A_78 = arith.constant 10240 : i32
      %add3A_79 = arith.addi %add3A_78, %mul3A_2 : i32
      %mul3A_80 = arith.constant 64 : i32
      %mul3A_81 = arith.muli %scan3A_68, %mul3A_80 : i32
      %add3A_82 = arith.addi %add3A_79, %mul3A_81 : i32
      "tpu.region"() ({
        %run_scoped3A = tpu.sem_alloc : memref<!tpu.dma_semaphore, #tpu.memory_space<semaphore_mem>>
        %dma_start3A_83 = arith.constant 0 : i32
        %dma_start3A_84 = tpu.memref_slice %arg14[%add3A_82, %dma_start3A_83] : memref<112640x128xf32, #tpu.memory_space<hbm>> -> memref<64x128xf32, #tpu.memory_space<hbm>>
        %dma_start3A_85 = arith.constant 0 : i32
        %dma_start3A_86 = tpu.memref_slice %arg14[%add3A_82, %dma_start3A_85] : memref<112640x128xf32, #tpu.memory_space<hbm>> -> memref<64x128xf32, #tpu.memory_space<hbm>>
        tpu.enqueue_dma source(%arg16 : memref<64x128xf32, #tpu.memory_space<vmem>>) target(%dma_start3A_86 : memref<64x128xf32, #tpu.memory_space<hbm>>) target_semaphore(%run_scoped3A : memref<!tpu.dma_semaphore, #tpu.memory_space<semaphore_mem>>)
        %dma_wait3A_87 = arith.constant 0 : i32
        %dma_wait3A_88 = tpu.memref_slice %arg14[%add3A_82, %dma_wait3A_87] : memref<112640x128xf32, #tpu.memory_space<hbm>> -> memref<64x128xf32, #tpu.memory_space<hbm>>
        %dma_wait3A_89 = arith.constant 0 : i32
        %dma_wait3A_90 = tpu.memref_slice %arg14[%add3A_82, %dma_wait3A_89] : memref<112640x128xf32, #tpu.memory_space<hbm>> -> memref<64x128xf32, #tpu.memory_space<hbm>>
        tpu.wait_dma2 semaphore(%run_scoped3A : memref<!tpu.dma_semaphore, #tpu.memory_space<semaphore_mem>>) src(%arg16 : memref<64x128xf32, #tpu.memory_space<vmem>>) dst(%dma_wait3A_90 : memref<64x128xf32, #tpu.memory_space<hbm>>)
        tpu.yield
      }) : () -> ()
    }
    %scan3A_13 = arith.constant 5 : i32
    %scan3A_14 = arith.constant 0 : i32
    %scan3A_15 = arith.constant 0 : i32
    %scan3A_16 = arith.constant 5 : i32
    %scan3A_17 = arith.addi %scan3A_15, %scan3A_16 : i32
    %scan3A_18 = arith.constant 1 : i32
    scf.for %scan3A_68 = %scan3A_15 to %scan3A_17 step %scan3A_18  : i32 {
      %add3A_69 = arith.constant 320000 : i32
      %add3A_70 = arith.addi %add3A_69, %mul3A_2 : i32
      %mul3A_71 = arith.constant 64 : i32
      %mul3A_72 = arith.muli %scan3A_68, %mul3A_71 : i32
      %add3A_73 = arith.addi %add3A_70, %mul3A_72 : i32
      "tpu.region"() ({
        %run_scoped3A = tpu.sem_alloc : memref<!tpu.dma_semaphore, #tpu.memory_space<semaphore_mem>>
        %dma_start3A_83 = tpu.memref_slice %arg2[%add3A_73] : memref<1760000xi32, #tpu.memory_space<hbm>> -> memref<64xi32, #tpu.memory_space<hbm>>
        %dma_start3A_84 = tpu.memref_slice %arg2[%add3A_73] : memref<1760000xi32, #tpu.memory_space<hbm>> -> memref<64xi32, #tpu.memory_space<hbm>>
        tpu.enqueue_dma source(%dma_start3A_84 : memref<64xi32, #tpu.memory_space<hbm>>) target(%arg15 : memref<64xi32, #tpu.memory_space<vmem>>) target_semaphore(%run_scoped3A : memref<!tpu.dma_semaphore, #tpu.memory_space<semaphore_mem>>)
        %dma_wait3A_85 = tpu.memref_slice %arg2[%add3A_73] : memref<1760000xi32, #tpu.memory_space<hbm>> -> memref<64xi32, #tpu.memory_space<hbm>>
        %dma_wait3A_86 = tpu.memref_slice %arg2[%add3A_73] : memref<1760000xi32, #tpu.memory_space<hbm>> -> memref<64xi32, #tpu.memory_space<hbm>>
        tpu.wait_dma2 semaphore(%run_scoped3A : memref<!tpu.dma_semaphore, #tpu.memory_space<semaphore_mem>>) src(%dma_wait3A_86 : memref<64xi32, #tpu.memory_space<hbm>>) dst(%arg15 : memref<64xi32, #tpu.memory_space<vmem>>)
        tpu.yield
      }) : () -> ()
      %dma_start3A = arith.constant 0 : i32
      %dma_start3A_74 = arith.constant 0 : i32
      %dma_start3A_75 = tpu.memref_slice %arg5[%dma_start3A, %dma_start3A_74] : memref<50000x128xf32, #tpu.memory_space<hbm>> -> memref<50000x128xf32, #tpu.memory_space<hbm>>
      tpu.enqueue_indirect_dma source(%dma_start3A_75 : memref<50000x128xf32, #tpu.memory_space<hbm>>) target(%arg16 : memref<64x128xf32, #tpu.memory_space<vmem>>) offsets(%arg15 : memref<64xi32, #tpu.memory_space<vmem>>) semaphore(%arg17 : memref<!tpu.dma_semaphore, #tpu.memory_space<semaphore_mem>>)
      %dma_wait3A = arith.constant 0 : i32
      %dma_wait3A_76 = arith.constant 0 : i32
      %dma_wait3A_77 = tpu.memref_slice %arg5[%dma_wait3A, %dma_wait3A_76] : memref<50000x128xf32, #tpu.memory_space<hbm>> -> memref<50000x128xf32, #tpu.memory_space<hbm>>
      tpu.wait_indirect_dma semaphore(%arg17 : memref<!tpu.dma_semaphore, #tpu.memory_space<semaphore_mem>>) src(%dma_wait3A_77 : memref<50000x128xf32, #tpu.memory_space<hbm>>) dst(%arg16 : memref<64x128xf32, #tpu.memory_space<vmem>>)
      %add3A_78 = arith.constant 20480 : i32
      %add3A_79 = arith.addi %add3A_78, %mul3A_2 : i32
      %mul3A_80 = arith.constant 64 : i32
      %mul3A_81 = arith.muli %scan3A_68, %mul3A_80 : i32
      %add3A_82 = arith.addi %add3A_79, %mul3A_81 : i32
      "tpu.region"() ({
        %run_scoped3A = tpu.sem_alloc : memref<!tpu.dma_semaphore, #tpu.memory_space<semaphore_mem>>
        %dma_start3A_83 = arith.constant 0 : i32
        %dma_start3A_84 = tpu.memref_slice %arg14[%add3A_82, %dma_start3A_83] : memref<112640x128xf32, #tpu.memory_space<hbm>> -> memref<64x128xf32, #tpu.memory_space<hbm>>
        %dma_start3A_85 = arith.constant 0 : i32
        %dma_start3A_86 = tpu.memref_slice %arg14[%add3A_82, %dma_start3A_85] : memref<112640x128xf32, #tpu.memory_space<hbm>> -> memref<64x128xf32, #tpu.memory_space<hbm>>
        tpu.enqueue_dma source(%arg16 : memref<64x128xf32, #tpu.memory_space<vmem>>) target(%dma_start3A_86 : memref<64x128xf32, #tpu.memory_space<hbm>>) target_semaphore(%run_scoped3A : memref<!tpu.dma_semaphore, #tpu.memory_space<semaphore_mem>>)
        %dma_wait3A_87 = arith.constant 0 : i32
        %dma_wait3A_88 = tpu.memref_slice %arg14[%add3A_82, %dma_wait3A_87] : memref<112640x128xf32, #tpu.memory_space<hbm>> -> memref<64x128xf32, #tpu.memory_space<hbm>>
        %dma_wait3A_89 = arith.constant 0 : i32
        %dma_wait3A_90 = tpu.memref_slice %arg14[%add3A_82, %dma_wait3A_89] : memref<112640x128xf32, #tpu.memory_space<hbm>> -> memref<64x128xf32, #tpu.memory_space<hbm>>
        tpu.wait_dma2 semaphore(%run_scoped3A : memref<!tpu.dma_semaphore, #tpu.memory_space<semaphore_mem>>) src(%arg16 : memref<64x128xf32, #tpu.memory_space<vmem>>) dst(%dma_wait3A_90 : memref<64x128xf32, #tpu.memory_space<hbm>>)
        tpu.yield
      }) : () -> ()
    }
    %scan3A_19 = arith.constant 5 : i32
    %scan3A_20 = arith.constant 0 : i32
    %scan3A_21 = arith.constant 0 : i32
    %scan3A_22 = arith.constant 5 : i32
    %scan3A_23 = arith.addi %scan3A_21, %scan3A_22 : i32
    %scan3A_24 = arith.constant 1 : i32
    scf.for %scan3A_68 = %scan3A_21 to %scan3A_23 step %scan3A_24  : i32 {
      %add3A_69 = arith.constant 480000 : i32
      %add3A_70 = arith.addi %add3A_69, %mul3A_2 : i32
      %mul3A_71 = arith.constant 64 : i32
      %mul3A_72 = arith.muli %scan3A_68, %mul3A_71 : i32
      %add3A_73 = arith.addi %add3A_70, %mul3A_72 : i32
      "tpu.region"() ({
        %run_scoped3A = tpu.sem_alloc : memref<!tpu.dma_semaphore, #tpu.memory_space<semaphore_mem>>
        %dma_start3A_83 = tpu.memref_slice %arg2[%add3A_73] : memref<1760000xi32, #tpu.memory_space<hbm>> -> memref<64xi32, #tpu.memory_space<hbm>>
        %dma_start3A_84 = tpu.memref_slice %arg2[%add3A_73] : memref<1760000xi32, #tpu.memory_space<hbm>> -> memref<64xi32, #tpu.memory_space<hbm>>
        tpu.enqueue_dma source(%dma_start3A_84 : memref<64xi32, #tpu.memory_space<hbm>>) target(%arg15 : memref<64xi32, #tpu.memory_space<vmem>>) target_semaphore(%run_scoped3A : memref<!tpu.dma_semaphore, #tpu.memory_space<semaphore_mem>>)
        %dma_wait3A_85 = tpu.memref_slice %arg2[%add3A_73] : memref<1760000xi32, #tpu.memory_space<hbm>> -> memref<64xi32, #tpu.memory_space<hbm>>
        %dma_wait3A_86 = tpu.memref_slice %arg2[%add3A_73] : memref<1760000xi32, #tpu.memory_space<hbm>> -> memref<64xi32, #tpu.memory_space<hbm>>
        tpu.wait_dma2 semaphore(%run_scoped3A : memref<!tpu.dma_semaphore, #tpu.memory_space<semaphore_mem>>) src(%dma_wait3A_86 : memref<64xi32, #tpu.memory_space<hbm>>) dst(%arg15 : memref<64xi32, #tpu.memory_space<vmem>>)
        tpu.yield
      }) : () -> ()
      %dma_start3A = arith.constant 0 : i32
      %dma_start3A_74 = arith.constant 0 : i32
      %dma_start3A_75 = tpu.memref_slice %arg6[%dma_start3A, %dma_start3A_74] : memref<50000x128xf32, #tpu.memory_space<hbm>> -> memref<50000x128xf32, #tpu.memory_space<hbm>>
      tpu.enqueue_indirect_dma source(%dma_start3A_75 : memref<50000x128xf32, #tpu.memory_space<hbm>>) target(%arg16 : memref<64x128xf32, #tpu.memory_space<vmem>>) offsets(%arg15 : memref<64xi32, #tpu.memory_space<vmem>>) semaphore(%arg17 : memref<!tpu.dma_semaphore, #tpu.memory_space<semaphore_mem>>)
      %dma_wait3A = arith.constant 0 : i32
      %dma_wait3A_76 = arith.constant 0 : i32
      %dma_wait3A_77 = tpu.memref_slice %arg6[%dma_wait3A, %dma_wait3A_76] : memref<50000x128xf32, #tpu.memory_space<hbm>> -> memref<50000x128xf32, #tpu.memory_space<hbm>>
      tpu.wait_indirect_dma semaphore(%arg17 : memref<!tpu.dma_semaphore, #tpu.memory_space<semaphore_mem>>) src(%dma_wait3A_77 : memref<50000x128xf32, #tpu.memory_space<hbm>>) dst(%arg16 : memref<64x128xf32, #tpu.memory_space<vmem>>)
      %add3A_78 = arith.constant 30720 : i32
      %add3A_79 = arith.addi %add3A_78, %mul3A_2 : i32
      %mul3A_80 = arith.constant 64 : i32
      %mul3A_81 = arith.muli %scan3A_68, %mul3A_80 : i32
      %add3A_82 = arith.addi %add3A_79, %mul3A_81 : i32
      "tpu.region"() ({
        %run_scoped3A = tpu.sem_alloc : memref<!tpu.dma_semaphore, #tpu.memory_space<semaphore_mem>>
        %dma_start3A_83 = arith.constant 0 : i32
        %dma_start3A_84 = tpu.memref_slice %arg14[%add3A_82, %dma_start3A_83] : memref<112640x128xf32, #tpu.memory_space<hbm>> -> memref<64x128xf32, #tpu.memory_space<hbm>>
        %dma_start3A_85 = arith.constant 0 : i32
        %dma_start3A_86 = tpu.memref_slice %arg14[%add3A_82, %dma_start3A_85] : memref<112640x128xf32, #tpu.memory_space<hbm>> -> memref<64x128xf32, #tpu.memory_space<hbm>>
        tpu.enqueue_dma source(%arg16 : memref<64x128xf32, #tpu.memory_space<vmem>>) target(%dma_start3A_86 : memref<64x128xf32, #tpu.memory_space<hbm>>) target_semaphore(%run_scoped3A : memref<!tpu.dma_semaphore, #tpu.memory_space<semaphore_mem>>)
        %dma_wait3A_87 = arith.constant 0 : i32
        %dma_wait3A_88 = tpu.memref_slice %arg14[%add3A_82, %dma_wait3A_87] : memref<112640x128xf32, #tpu.memory_space<hbm>> -> memref<64x128xf32, #tpu.memory_space<hbm>>
        %dma_wait3A_89 = arith.constant 0 : i32
        %dma_wait3A_90 = tpu.memref_slice %arg14[%add3A_82, %dma_wait3A_89] : memref<112640x128xf32, #tpu.memory_space<hbm>> -> memref<64x128xf32, #tpu.memory_space<hbm>>
        tpu.wait_dma2 semaphore(%run_scoped3A : memref<!tpu.dma_semaphore, #tpu.memory_space<semaphore_mem>>) src(%arg16 : memref<64x128xf32, #tpu.memory_space<vmem>>) dst(%dma_wait3A_90 : memref<64x128xf32, #tpu.memory_space<hbm>>)
        tpu.yield
      }) : () -> ()
    }
    %scan3A_25 = arith.constant 5 : i32
    %scan3A_26 = arith.constant 0 : i32
    %scan3A_27 = arith.constant 0 : i32
    %scan3A_28 = arith.constant 5 : i32
    %scan3A_29 = arith.addi %scan3A_27, %scan3A_28 : i32
    %scan3A_30 = arith.constant 1 : i32
    scf.for %scan3A_68 = %scan3A_27 to %scan3A_29 step %scan3A_30  : i32 {
      %add3A_69 = arith.constant 640000 : i32
      %add3A_70 = arith.addi %add3A_69, %mul3A_2 : i32
      %mul3A_71 = arith.constant 64 : i32
      %mul3A_72 = arith.muli %scan3A_68, %mul3A_71 : i32
      %add3A_73 = arith.addi %add3A_70, %mul3A_72 : i32
      "tpu.region"() ({
        %run_scoped3A = tpu.sem_alloc : memref<!tpu.dma_semaphore, #tpu.memory_space<semaphore_mem>>
        %dma_start3A_83 = tpu.memref_slice %arg2[%add3A_73] : memref<1760000xi32, #tpu.memory_space<hbm>> -> memref<64xi32, #tpu.memory_space<hbm>>
        %dma_start3A_84 = tpu.memref_slice %arg2[%add3A_73] : memref<1760000xi32, #tpu.memory_space<hbm>> -> memref<64xi32, #tpu.memory_space<hbm>>
        tpu.enqueue_dma source(%dma_start3A_84 : memref<64xi32, #tpu.memory_space<hbm>>) target(%arg15 : memref<64xi32, #tpu.memory_space<vmem>>) target_semaphore(%run_scoped3A : memref<!tpu.dma_semaphore, #tpu.memory_space<semaphore_mem>>)
        %dma_wait3A_85 = tpu.memref_slice %arg2[%add3A_73] : memref<1760000xi32, #tpu.memory_space<hbm>> -> memref<64xi32, #tpu.memory_space<hbm>>
        %dma_wait3A_86 = tpu.memref_slice %arg2[%add3A_73] : memref<1760000xi32, #tpu.memory_space<hbm>> -> memref<64xi32, #tpu.memory_space<hbm>>
        tpu.wait_dma2 semaphore(%run_scoped3A : memref<!tpu.dma_semaphore, #tpu.memory_space<semaphore_mem>>) src(%dma_wait3A_86 : memref<64xi32, #tpu.memory_space<hbm>>) dst(%arg15 : memref<64xi32, #tpu.memory_space<vmem>>)
        tpu.yield
      }) : () -> ()
      %dma_start3A = arith.constant 0 : i32
      %dma_start3A_74 = arith.constant 0 : i32
      %dma_start3A_75 = tpu.memref_slice %arg7[%dma_start3A, %dma_start3A_74] : memref<50000x128xf32, #tpu.memory_space<hbm>> -> memref<50000x128xf32, #tpu.memory_space<hbm>>
      tpu.enqueue_indirect_dma source(%dma_start3A_75 : memref<50000x128xf32, #tpu.memory_space<hbm>>) target(%arg16 : memref<64x128xf32, #tpu.memory_space<vmem>>) offsets(%arg15 : memref<64xi32, #tpu.memory_space<vmem>>) semaphore(%arg17 : memref<!tpu.dma_semaphore, #tpu.memory_space<semaphore_mem>>)
      %dma_wait3A = arith.constant 0 : i32
      %dma_wait3A_76 = arith.constant 0 : i32
      %dma_wait3A_77 = tpu.memref_slice %arg7[%dma_wait3A, %dma_wait3A_76] : memref<50000x128xf32, #tpu.memory_space<hbm>> -> memref<50000x128xf32, #tpu.memory_space<hbm>>
      tpu.wait_indirect_dma semaphore(%arg17 : memref<!tpu.dma_semaphore, #tpu.memory_space<semaphore_mem>>) src(%dma_wait3A_77 : memref<50000x128xf32, #tpu.memory_space<hbm>>) dst(%arg16 : memref<64x128xf32, #tpu.memory_space<vmem>>)
      %add3A_78 = arith.constant 40960 : i32
      %add3A_79 = arith.addi %add3A_78, %mul3A_2 : i32
      %mul3A_80 = arith.constant 64 : i32
      %mul3A_81 = arith.muli %scan3A_68, %mul3A_80 : i32
      %add3A_82 = arith.addi %add3A_79, %mul3A_81 : i32
      "tpu.region"() ({
        %run_scoped3A = tpu.sem_alloc : memref<!tpu.dma_semaphore, #tpu.memory_space<semaphore_mem>>
        %dma_start3A_83 = arith.constant 0 : i32
        %dma_start3A_84 = tpu.memref_slice %arg14[%add3A_82, %dma_start3A_83] : memref<112640x128xf32, #tpu.memory_space<hbm>> -> memref<64x128xf32, #tpu.memory_space<hbm>>
        %dma_start3A_85 = arith.constant 0 : i32
        %dma_start3A_86 = tpu.memref_slice %arg14[%add3A_82, %dma_start3A_85] : memref<112640x128xf32, #tpu.memory_space<hbm>> -> memref<64x128xf32, #tpu.memory_space<hbm>>
        tpu.enqueue_dma source(%arg16 : memref<64x128xf32, #tpu.memory_space<vmem>>) target(%dma_start3A_86 : memref<64x128xf32, #tpu.memory_space<hbm>>) target_semaphore(%run_scoped3A : memref<!tpu.dma_semaphore, #tpu.memory_space<semaphore_mem>>)
        %dma_wait3A_87 = arith.constant 0 : i32
        %dma_wait3A_88 = tpu.memref_slice %arg14[%add3A_82, %dma_wait3A_87] : memref<112640x128xf32, #tpu.memory_space<hbm>> -> memref<64x128xf32, #tpu.memory_space<hbm>>
        %dma_wait3A_89 = arith.constant 0 : i32
        %dma_wait3A_90 = tpu.memref_slice %arg14[%add3A_82, %dma_wait3A_89] : memref<112640x128xf32, #tpu.memory_space<hbm>> -> memref<64x128xf32, #tpu.memory_space<hbm>>
        tpu.wait_dma2 semaphore(%run_scoped3A : memref<!tpu.dma_semaphore, #tpu.memory_space<semaphore_mem>>) src(%arg16 : memref<64x128xf32, #tpu.memory_space<vmem>>) dst(%dma_wait3A_90 : memref<64x128xf32, #tpu.memory_space<hbm>>)
        tpu.yield
      }) : () -> ()
    }
    %scan3A_31 = arith.constant 5 : i32
    %scan3A_32 = arith.constant 0 : i32
    %scan3A_33 = arith.constant 0 : i32
    %scan3A_34 = arith.constant 5 : i32
    %scan3A_35 = arith.addi %scan3A_33, %scan3A_34 : i32
    %scan3A_36 = arith.constant 1 : i32
    scf.for %scan3A_68 = %scan3A_33 to %scan3A_35 step %scan3A_36  : i32 {
      %add3A_69 = arith.constant 800000 : i32
      %add3A_70 = arith.addi %add3A_69, %mul3A_2 : i32
      %mul3A_71 = arith.constant 64 : i32
      %mul3A_72 = arith.muli %scan3A_68, %mul3A_71 : i32
      %add3A_73 = arith.addi %add3A_70, %mul3A_72 : i32
      "tpu.region"() ({
        %run_scoped3A = tpu.sem_alloc : memref<!tpu.dma_semaphore, #tpu.memory_space<semaphore_mem>>
        %dma_start3A_83 = tpu.memref_slice %arg2[%add3A_73] : memref<1760000xi32, #tpu.memory_space<hbm>> -> memref<64xi32, #tpu.memory_space<hbm>>
        %dma_start3A_84 = tpu.memref_slice %arg2[%add3A_73] : memref<1760000xi32, #tpu.memory_space<hbm>> -> memref<64xi32, #tpu.memory_space<hbm>>
        tpu.enqueue_dma source(%dma_start3A_84 : memref<64xi32, #tpu.memory_space<hbm>>) target(%arg15 : memref<64xi32, #tpu.memory_space<vmem>>) target_semaphore(%run_scoped3A : memref<!tpu.dma_semaphore, #tpu.memory_space<semaphore_mem>>)
        %dma_wait3A_85 = tpu.memref_slice %arg2[%add3A_73] : memref<1760000xi32, #tpu.memory_space<hbm>> -> memref<64xi32, #tpu.memory_space<hbm>>
        %dma_wait3A_86 = tpu.memref_slice %arg2[%add3A_73] : memref<1760000xi32, #tpu.memory_space<hbm>> -> memref<64xi32, #tpu.memory_space<hbm>>
        tpu.wait_dma2 semaphore(%run_scoped3A : memref<!tpu.dma_semaphore, #tpu.memory_space<semaphore_mem>>) src(%dma_wait3A_86 : memref<64xi32, #tpu.memory_space<hbm>>) dst(%arg15 : memref<64xi32, #tpu.memory_space<vmem>>)
        tpu.yield
      }) : () -> ()
      %dma_start3A = arith.constant 0 : i32
      %dma_start3A_74 = arith.constant 0 : i32
      %dma_start3A_75 = tpu.memref_slice %arg8[%dma_start3A, %dma_start3A_74] : memref<50000x128xf32, #tpu.memory_space<hbm>> -> memref<50000x128xf32, #tpu.memory_space<hbm>>
      tpu.enqueue_indirect_dma source(%dma_start3A_75 : memref<50000x128xf32, #tpu.memory_space<hbm>>) target(%arg16 : memref<64x128xf32, #tpu.memory_space<vmem>>) offsets(%arg15 : memref<64xi32, #tpu.memory_space<vmem>>) semaphore(%arg17 : memref<!tpu.dma_semaphore, #tpu.memory_space<semaphore_mem>>)
      %dma_wait3A = arith.constant 0 : i32
      %dma_wait3A_76 = arith.constant 0 : i32
      %dma_wait3A_77 = tpu.memref_slice %arg8[%dma_wait3A, %dma_wait3A_76] : memref<50000x128xf32, #tpu.memory_space<hbm>> -> memref<50000x128xf32, #tpu.memory_space<hbm>>
      tpu.wait_indirect_dma semaphore(%arg17 : memref<!tpu.dma_semaphore, #tpu.memory_space<semaphore_mem>>) src(%dma_wait3A_77 : memref<50000x128xf32, #tpu.memory_space<hbm>>) dst(%arg16 : memref<64x128xf32, #tpu.memory_space<vmem>>)
      %add3A_78 = arith.constant 51200 : i32
      %add3A_79 = arith.addi %add3A_78, %mul3A_2 : i32
      %mul3A_80 = arith.constant 64 : i32
      %mul3A_81 = arith.muli %scan3A_68, %mul3A_80 : i32
      %add3A_82 = arith.addi %add3A_79, %mul3A_81 : i32
      "tpu.region"() ({
        %run_scoped3A = tpu.sem_alloc : memref<!tpu.dma_semaphore, #tpu.memory_space<semaphore_mem>>
        %dma_start3A_83 = arith.constant 0 : i32
        %dma_start3A_84 = tpu.memref_slice %arg14[%add3A_82, %dma_start3A_83] : memref<112640x128xf32, #tpu.memory_space<hbm>> -> memref<64x128xf32, #tpu.memory_space<hbm>>
        %dma_start3A_85 = arith.constant 0 : i32
        %dma_start3A_86 = tpu.memref_slice %arg14[%add3A_82, %dma_start3A_85] : memref<112640x128xf32, #tpu.memory_space<hbm>> -> memref<64x128xf32, #tpu.memory_space<hbm>>
        tpu.enqueue_dma source(%arg16 : memref<64x128xf32, #tpu.memory_space<vmem>>) target(%dma_start3A_86 : memref<64x128xf32, #tpu.memory_space<hbm>>) target_semaphore(%run_scoped3A : memref<!tpu.dma_semaphore, #tpu.memory_space<semaphore_mem>>)
        %dma_wait3A_87 = arith.constant 0 : i32
        %dma_wait3A_88 = tpu.memref_slice %arg14[%add3A_82, %dma_wait3A_87] : memref<112640x128xf32, #tpu.memory_space<hbm>> -> memref<64x128xf32, #tpu.memory_space<hbm>>
        %dma_wait3A_89 = arith.constant 0 : i32
        %dma_wait3A_90 = tpu.memref_slice %arg14[%add3A_82, %dma_wait3A_89] : memref<112640x128xf32, #tpu.memory_space<hbm>> -> memref<64x128xf32, #tpu.memory_space<hbm>>
        tpu.wait_dma2 semaphore(%run_scoped3A : memref<!tpu.dma_semaphore, #tpu.memory_space<semaphore_mem>>) src(%arg16 : memref<64x128xf32, #tpu.memory_space<vmem>>) dst(%dma_wait3A_90 : memref<64x128xf32, #tpu.memory_space<hbm>>)
        tpu.yield
      }) : () -> ()
    }
    %scan3A_37 = arith.constant 5 : i32
    %scan3A_38 = arith.constant 0 : i32
    %scan3A_39 = arith.constant 0 : i32
    %scan3A_40 = arith.constant 5 : i32
    %scan3A_41 = arith.addi %scan3A_39, %scan3A_40 : i32
    %scan3A_42 = arith.constant 1 : i32
    scf.for %scan3A_68 = %scan3A_39 to %scan3A_41 step %scan3A_42  : i32 {
      %add3A_69 = arith.constant 960000 : i32
      %add3A_70 = arith.addi %add3A_69, %mul3A_2 : i32
      %mul3A_71 = arith.constant 64 : i32
      %mul3A_72 = arith.muli %scan3A_68, %mul3A_71 : i32
      %add3A_73 = arith.addi %add3A_70, %mul3A_72 : i32
      "tpu.region"() ({
        %run_scoped3A = tpu.sem_alloc : memref<!tpu.dma_semaphore, #tpu.memory_space<semaphore_mem>>
        %dma_start3A_83 = tpu.memref_slice %arg2[%add3A_73] : memref<1760000xi32, #tpu.memory_space<hbm>> -> memref<64xi32, #tpu.memory_space<hbm>>
        %dma_start3A_84 = tpu.memref_slice %arg2[%add3A_73] : memref<1760000xi32, #tpu.memory_space<hbm>> -> memref<64xi32, #tpu.memory_space<hbm>>
        tpu.enqueue_dma source(%dma_start3A_84 : memref<64xi32, #tpu.memory_space<hbm>>) target(%arg15 : memref<64xi32, #tpu.memory_space<vmem>>) target_semaphore(%run_scoped3A : memref<!tpu.dma_semaphore, #tpu.memory_space<semaphore_mem>>)
        %dma_wait3A_85 = tpu.memref_slice %arg2[%add3A_73] : memref<1760000xi32, #tpu.memory_space<hbm>> -> memref<64xi32, #tpu.memory_space<hbm>>
        %dma_wait3A_86 = tpu.memref_slice %arg2[%add3A_73] : memref<1760000xi32, #tpu.memory_space<hbm>> -> memref<64xi32, #tpu.memory_space<hbm>>
        tpu.wait_dma2 semaphore(%run_scoped3A : memref<!tpu.dma_semaphore, #tpu.memory_space<semaphore_mem>>) src(%dma_wait3A_86 : memref<64xi32, #tpu.memory_space<hbm>>) dst(%arg15 : memref<64xi32, #tpu.memory_space<vmem>>)
        tpu.yield
      }) : () -> ()
      %dma_start3A = arith.constant 0 : i32
      %dma_start3A_74 = arith.constant 0 : i32
      %dma_start3A_75 = tpu.memref_slice %arg9[%dma_start3A, %dma_start3A_74] : memref<50000x128xf32, #tpu.memory_space<hbm>> -> memref<50000x128xf32, #tpu.memory_space<hbm>>
      tpu.enqueue_indirect_dma source(%dma_start3A_75 : memref<50000x128xf32, #tpu.memory_space<hbm>>) target(%arg16 : memref<64x128xf32, #tpu.memory_space<vmem>>) offsets(%arg15 : memref<64xi32, #tpu.memory_space<vmem>>) semaphore(%arg17 : memref<!tpu.dma_semaphore, #tpu.memory_space<semaphore_mem>>)
      %dma_wait3A = arith.constant 0 : i32
      %dma_wait3A_76 = arith.constant 0 : i32
      %dma_wait3A_77 = tpu.memref_slice %arg9[%dma_wait3A, %dma_wait3A_76] : memref<50000x128xf32, #tpu.memory_space<hbm>> -> memref<50000x128xf32, #tpu.memory_space<hbm>>
      tpu.wait_indirect_dma semaphore(%arg17 : memref<!tpu.dma_semaphore, #tpu.memory_space<semaphore_mem>>) src(%dma_wait3A_77 : memref<50000x128xf32, #tpu.memory_space<hbm>>) dst(%arg16 : memref<64x128xf32, #tpu.memory_space<vmem>>)
      %add3A_78 = arith.constant 61440 : i32
      %add3A_79 = arith.addi %add3A_78, %mul3A_2 : i32
      %mul3A_80 = arith.constant 64 : i32
      %mul3A_81 = arith.muli %scan3A_68, %mul3A_80 : i32
      %add3A_82 = arith.addi %add3A_79, %mul3A_81 : i32
      "tpu.region"() ({
        %run_scoped3A = tpu.sem_alloc : memref<!tpu.dma_semaphore, #tpu.memory_space<semaphore_mem>>
        %dma_start3A_83 = arith.constant 0 : i32
        %dma_start3A_84 = tpu.memref_slice %arg14[%add3A_82, %dma_start3A_83] : memref<112640x128xf32, #tpu.memory_space<hbm>> -> memref<64x128xf32, #tpu.memory_space<hbm>>
        %dma_start3A_85 = arith.constant 0 : i32
        %dma_start3A_86 = tpu.memref_slice %arg14[%add3A_82, %dma_start3A_85] : memref<112640x128xf32, #tpu.memory_space<hbm>> -> memref<64x128xf32, #tpu.memory_space<hbm>>
        tpu.enqueue_dma source(%arg16 : memref<64x128xf32, #tpu.memory_space<vmem>>) target(%dma_start3A_86 : memref<64x128xf32, #tpu.memory_space<hbm>>) target_semaphore(%run_scoped3A : memref<!tpu.dma_semaphore, #tpu.memory_space<semaphore_mem>>)
        %dma_wait3A_87 = arith.constant 0 : i32
        %dma_wait3A_88 = tpu.memref_slice %arg14[%add3A_82, %dma_wait3A_87] : memref<112640x128xf32, #tpu.memory_space<hbm>> -> memref<64x128xf32, #tpu.memory_space<hbm>>
        %dma_wait3A_89 = arith.constant 0 : i32
        %dma_wait3A_90 = tpu.memref_slice %arg14[%add3A_82, %dma_wait3A_89] : memref<112640x128xf32, #tpu.memory_space<hbm>> -> memref<64x128xf32, #tpu.memory_space<hbm>>
        tpu.wait_dma2 semaphore(%run_scoped3A : memref<!tpu.dma_semaphore, #tpu.memory_space<semaphore_mem>>) src(%arg16 : memref<64x128xf32, #tpu.memory_space<vmem>>) dst(%dma_wait3A_90 : memref<64x128xf32, #tpu.memory_space<hbm>>)
        tpu.yield
      }) : () -> ()
    }
    %scan3A_43 = arith.constant 5 : i32
    %scan3A_44 = arith.constant 0 : i32
    %scan3A_45 = arith.constant 0 : i32
    %scan3A_46 = arith.constant 5 : i32
    %scan3A_47 = arith.addi %scan3A_45, %scan3A_46 : i32
    %scan3A_48 = arith.constant 1 : i32
    scf.for %scan3A_68 = %scan3A_45 to %scan3A_47 step %scan3A_48  : i32 {
      %add3A_69 = arith.constant 1120000 : i32
      %add3A_70 = arith.addi %add3A_69, %mul3A_2 : i32
      %mul3A_71 = arith.constant 64 : i32
      %mul3A_72 = arith.muli %scan3A_68, %mul3A_71 : i32
      %add3A_73 = arith.addi %add3A_70, %mul3A_72 : i32
      "tpu.region"() ({
        %run_scoped3A = tpu.sem_alloc : memref<!tpu.dma_semaphore, #tpu.memory_space<semaphore_mem>>
        %dma_start3A_83 = tpu.memref_slice %arg2[%add3A_73] : memref<1760000xi32, #tpu.memory_space<hbm>> -> memref<64xi32, #tpu.memory_space<hbm>>
        %dma_start3A_84 = tpu.memref_slice %arg2[%add3A_73] : memref<1760000xi32, #tpu.memory_space<hbm>> -> memref<64xi32, #tpu.memory_space<hbm>>
        tpu.enqueue_dma source(%dma_start3A_84 : memref<64xi32, #tpu.memory_space<hbm>>) target(%arg15 : memref<64xi32, #tpu.memory_space<vmem>>) target_semaphore(%run_scoped3A : memref<!tpu.dma_semaphore, #tpu.memory_space<semaphore_mem>>)
        %dma_wait3A_85 = tpu.memref_slice %arg2[%add3A_73] : memref<1760000xi32, #tpu.memory_space<hbm>> -> memref<64xi32, #tpu.memory_space<hbm>>
        %dma_wait3A_86 = tpu.memref_slice %arg2[%add3A_73] : memref<1760000xi32, #tpu.memory_space<hbm>> -> memref<64xi32, #tpu.memory_space<hbm>>
        tpu.wait_dma2 semaphore(%run_scoped3A : memref<!tpu.dma_semaphore, #tpu.memory_space<semaphore_mem>>) src(%dma_wait3A_86 : memref<64xi32, #tpu.memory_space<hbm>>) dst(%arg15 : memref<64xi32, #tpu.memory_space<vmem>>)
        tpu.yield
      }) : () -> ()
      %dma_start3A = arith.constant 0 : i32
      %dma_start3A_74 = arith.constant 0 : i32
      %dma_start3A_75 = tpu.memref_slice %arg10[%dma_start3A, %dma_start3A_74] : memref<50000x128xf32, #tpu.memory_space<hbm>> -> memref<50000x128xf32, #tpu.memory_space<hbm>>
      tpu.enqueue_indirect_dma source(%dma_start3A_75 : memref<50000x128xf32, #tpu.memory_space<hbm>>) target(%arg16 : memref<64x128xf32, #tpu.memory_space<vmem>>) offsets(%arg15 : memref<64xi32, #tpu.memory_space<vmem>>) semaphore(%arg17 : memref<!tpu.dma_semaphore, #tpu.memory_space<semaphore_mem>>)
      %dma_wait3A = arith.constant 0 : i32
      %dma_wait3A_76 = arith.constant 0 : i32
      %dma_wait3A_77 = tpu.memref_slice %arg10[%dma_wait3A, %dma_wait3A_76] : memref<50000x128xf32, #tpu.memory_space<hbm>> -> memref<50000x128xf32, #tpu.memory_space<hbm>>
      tpu.wait_indirect_dma semaphore(%arg17 : memref<!tpu.dma_semaphore, #tpu.memory_space<semaphore_mem>>) src(%dma_wait3A_77 : memref<50000x128xf32, #tpu.memory_space<hbm>>) dst(%arg16 : memref<64x128xf32, #tpu.memory_space<vmem>>)
      %add3A_78 = arith.constant 71680 : i32
      %add3A_79 = arith.addi %add3A_78, %mul3A_2 : i32
      %mul3A_80 = arith.constant 64 : i32
      %mul3A_81 = arith.muli %scan3A_68, %mul3A_80 : i32
      %add3A_82 = arith.addi %add3A_79, %mul3A_81 : i32
      "tpu.region"() ({
        %run_scoped3A = tpu.sem_alloc : memref<!tpu.dma_semaphore, #tpu.memory_space<semaphore_mem>>
        %dma_start3A_83 = arith.constant 0 : i32
        %dma_start3A_84 = tpu.memref_slice %arg14[%add3A_82, %dma_start3A_83] : memref<112640x128xf32, #tpu.memory_space<hbm>> -> memref<64x128xf32, #tpu.memory_space<hbm>>
        %dma_start3A_85 = arith.constant 0 : i32
        %dma_start3A_86 = tpu.memref_slice %arg14[%add3A_82, %dma_start3A_85] : memref<112640x128xf32, #tpu.memory_space<hbm>> -> memref<64x128xf32, #tpu.memory_space<hbm>>
        tpu.enqueue_dma source(%arg16 : memref<64x128xf32, #tpu.memory_space<vmem>>) target(%dma_start3A_86 : memref<64x128xf32, #tpu.memory_space<hbm>>) target_semaphore(%run_scoped3A : memref<!tpu.dma_semaphore, #tpu.memory_space<semaphore_mem>>)
        %dma_wait3A_87 = arith.constant 0 : i32
        %dma_wait3A_88 = tpu.memref_slice %arg14[%add3A_82, %dma_wait3A_87] : memref<112640x128xf32, #tpu.memory_space<hbm>> -> memref<64x128xf32, #tpu.memory_space<hbm>>
        %dma_wait3A_89 = arith.constant 0 : i32
        %dma_wait3A_90 = tpu.memref_slice %arg14[%add3A_82, %dma_wait3A_89] : memref<112640x128xf32, #tpu.memory_space<hbm>> -> memref<64x128xf32, #tpu.memory_space<hbm>>
        tpu.wait_dma2 semaphore(%run_scoped3A : memref<!tpu.dma_semaphore, #tpu.memory_space<semaphore_mem>>) src(%arg16 : memref<64x128xf32, #tpu.memory_space<vmem>>) dst(%dma_wait3A_90 : memref<64x128xf32, #tpu.memory_space<hbm>>)
        tpu.yield
      }) : () -> ()
    }
    %scan3A_49 = arith.constant 5 : i32
    %scan3A_50 = arith.constant 0 : i32
    %scan3A_51 = arith.constant 0 : i32
    %scan3A_52 = arith.constant 5 : i32
    %scan3A_53 = arith.addi %scan3A_51, %scan3A_52 : i32
    %scan3A_54 = arith.constant 1 : i32
    scf.for %scan3A_68 = %scan3A_51 to %scan3A_53 step %scan3A_54  : i32 {
      %add3A_69 = arith.constant 1280000 : i32
      %add3A_70 = arith.addi %add3A_69, %mul3A_2 : i32
      %mul3A_71 = arith.constant 64 : i32
      %mul3A_72 = arith.muli %scan3A_68, %mul3A_71 : i32
      %add3A_73 = arith.addi %add3A_70, %mul3A_72 : i32
      "tpu.region"() ({
        %run_scoped3A = tpu.sem_alloc : memref<!tpu.dma_semaphore, #tpu.memory_space<semaphore_mem>>
        %dma_start3A_83 = tpu.memref_slice %arg2[%add3A_73] : memref<1760000xi32, #tpu.memory_space<hbm>> -> memref<64xi32, #tpu.memory_space<hbm>>
        %dma_start3A_84 = tpu.memref_slice %arg2[%add3A_73] : memref<1760000xi32, #tpu.memory_space<hbm>> -> memref<64xi32, #tpu.memory_space<hbm>>
        tpu.enqueue_dma source(%dma_start3A_84 : memref<64xi32, #tpu.memory_space<hbm>>) target(%arg15 : memref<64xi32, #tpu.memory_space<vmem>>) target_semaphore(%run_scoped3A : memref<!tpu.dma_semaphore, #tpu.memory_space<semaphore_mem>>)
        %dma_wait3A_85 = tpu.memref_slice %arg2[%add3A_73] : memref<1760000xi32, #tpu.memory_space<hbm>> -> memref<64xi32, #tpu.memory_space<hbm>>
        %dma_wait3A_86 = tpu.memref_slice %arg2[%add3A_73] : memref<1760000xi32, #tpu.memory_space<hbm>> -> memref<64xi32, #tpu.memory_space<hbm>>
        tpu.wait_dma2 semaphore(%run_scoped3A : memref<!tpu.dma_semaphore, #tpu.memory_space<semaphore_mem>>) src(%dma_wait3A_86 : memref<64xi32, #tpu.memory_space<hbm>>) dst(%arg15 : memref<64xi32, #tpu.memory_space<vmem>>)
        tpu.yield
      }) : () -> ()
      %dma_start3A = arith.constant 0 : i32
      %dma_start3A_74 = arith.constant 0 : i32
      %dma_start3A_75 = tpu.memref_slice %arg11[%dma_start3A, %dma_start3A_74] : memref<50000x128xf32, #tpu.memory_space<hbm>> -> memref<50000x128xf32, #tpu.memory_space<hbm>>
      tpu.enqueue_indirect_dma source(%dma_start3A_75 : memref<50000x128xf32, #tpu.memory_space<hbm>>) target(%arg16 : memref<64x128xf32, #tpu.memory_space<vmem>>) offsets(%arg15 : memref<64xi32, #tpu.memory_space<vmem>>) semaphore(%arg17 : memref<!tpu.dma_semaphore, #tpu.memory_space<semaphore_mem>>)
      %dma_wait3A = arith.constant 0 : i32
      %dma_wait3A_76 = arith.constant 0 : i32
      %dma_wait3A_77 = tpu.memref_slice %arg11[%dma_wait3A, %dma_wait3A_76] : memref<50000x128xf32, #tpu.memory_space<hbm>> -> memref<50000x128xf32, #tpu.memory_space<hbm>>
      tpu.wait_indirect_dma semaphore(%arg17 : memref<!tpu.dma_semaphore, #tpu.memory_space<semaphore_mem>>) src(%dma_wait3A_77 : memref<50000x128xf32, #tpu.memory_space<hbm>>) dst(%arg16 : memref<64x128xf32, #tpu.memory_space<vmem>>)
      %add3A_78 = arith.constant 81920 : i32
      %add3A_79 = arith.addi %add3A_78, %mul3A_2 : i32
      %mul3A_80 = arith.constant 64 : i32
      %mul3A_81 = arith.muli %scan3A_68, %mul3A_80 : i32
      %add3A_82 = arith.addi %add3A_79, %mul3A_81 : i32
      "tpu.region"() ({
        %run_scoped3A = tpu.sem_alloc : memref<!tpu.dma_semaphore, #tpu.memory_space<semaphore_mem>>
        %dma_start3A_83 = arith.constant 0 : i32
        %dma_start3A_84 = tpu.memref_slice %arg14[%add3A_82, %dma_start3A_83] : memref<112640x128xf32, #tpu.memory_space<hbm>> -> memref<64x128xf32, #tpu.memory_space<hbm>>
        %dma_start3A_85 = arith.constant 0 : i32
        %dma_start3A_86 = tpu.memref_slice %arg14[%add3A_82, %dma_start3A_85] : memref<112640x128xf32, #tpu.memory_space<hbm>> -> memref<64x128xf32, #tpu.memory_space<hbm>>
        tpu.enqueue_dma source(%arg16 : memref<64x128xf32, #tpu.memory_space<vmem>>) target(%dma_start3A_86 : memref<64x128xf32, #tpu.memory_space<hbm>>) target_semaphore(%run_scoped3A : memref<!tpu.dma_semaphore, #tpu.memory_space<semaphore_mem>>)
        %dma_wait3A_87 = arith.constant 0 : i32
        %dma_wait3A_88 = tpu.memref_slice %arg14[%add3A_82, %dma_wait3A_87] : memref<112640x128xf32, #tpu.memory_space<hbm>> -> memref<64x128xf32, #tpu.memory_space<hbm>>
        %dma_wait3A_89 = arith.constant 0 : i32
        %dma_wait3A_90 = tpu.memref_slice %arg14[%add3A_82, %dma_wait3A_89] : memref<112640x128xf32, #tpu.memory_space<hbm>> -> memref<64x128xf32, #tpu.memory_space<hbm>>
        tpu.wait_dma2 semaphore(%run_scoped3A : memref<!tpu.dma_semaphore, #tpu.memory_space<semaphore_mem>>) src(%arg16 : memref<64x128xf32, #tpu.memory_space<vmem>>) dst(%dma_wait3A_90 : memref<64x128xf32, #tpu.memory_space<hbm>>)
        tpu.yield
      }) : () -> ()
    }
    %scan3A_55 = arith.constant 5 : i32
    %scan3A_56 = arith.constant 0 : i32
    %scan3A_57 = arith.constant 0 : i32
    %scan3A_58 = arith.constant 5 : i32
    %scan3A_59 = arith.addi %scan3A_57, %scan3A_58 : i32
    %scan3A_60 = arith.constant 1 : i32
    scf.for %scan3A_68 = %scan3A_57 to %scan3A_59 step %scan3A_60  : i32 {
      %add3A_69 = arith.constant 1440000 : i32
      %add3A_70 = arith.addi %add3A_69, %mul3A_2 : i32
      %mul3A_71 = arith.constant 64 : i32
      %mul3A_72 = arith.muli %scan3A_68, %mul3A_71 : i32
      %add3A_73 = arith.addi %add3A_70, %mul3A_72 : i32
      "tpu.region"() ({
        %run_scoped3A = tpu.sem_alloc : memref<!tpu.dma_semaphore, #tpu.memory_space<semaphore_mem>>
        %dma_start3A_83 = tpu.memref_slice %arg2[%add3A_73] : memref<1760000xi32, #tpu.memory_space<hbm>> -> memref<64xi32, #tpu.memory_space<hbm>>
        %dma_start3A_84 = tpu.memref_slice %arg2[%add3A_73] : memref<1760000xi32, #tpu.memory_space<hbm>> -> memref<64xi32, #tpu.memory_space<hbm>>
        tpu.enqueue_dma source(%dma_start3A_84 : memref<64xi32, #tpu.memory_space<hbm>>) target(%arg15 : memref<64xi32, #tpu.memory_space<vmem>>) target_semaphore(%run_scoped3A : memref<!tpu.dma_semaphore, #tpu.memory_space<semaphore_mem>>)
        %dma_wait3A_85 = tpu.memref_slice %arg2[%add3A_73] : memref<1760000xi32, #tpu.memory_space<hbm>> -> memref<64xi32, #tpu.memory_space<hbm>>
        %dma_wait3A_86 = tpu.memref_slice %arg2[%add3A_73] : memref<1760000xi32, #tpu.memory_space<hbm>> -> memref<64xi32, #tpu.memory_space<hbm>>
        tpu.wait_dma2 semaphore(%run_scoped3A : memref<!tpu.dma_semaphore, #tpu.memory_space<semaphore_mem>>) src(%dma_wait3A_86 : memref<64xi32, #tpu.memory_space<hbm>>) dst(%arg15 : memref<64xi32, #tpu.memory_space<vmem>>)
        tpu.yield
      }) : () -> ()
      %dma_start3A = arith.constant 0 : i32
      %dma_start3A_74 = arith.constant 0 : i32
      %dma_start3A_75 = tpu.memref_slice %arg12[%dma_start3A, %dma_start3A_74] : memref<50000x128xf32, #tpu.memory_space<hbm>> -> memref<50000x128xf32, #tpu.memory_space<hbm>>
      tpu.enqueue_indirect_dma source(%dma_start3A_75 : memref<50000x128xf32, #tpu.memory_space<hbm>>) target(%arg16 : memref<64x128xf32, #tpu.memory_space<vmem>>) offsets(%arg15 : memref<64xi32, #tpu.memory_space<vmem>>) semaphore(%arg17 : memref<!tpu.dma_semaphore, #tpu.memory_space<semaphore_mem>>)
      %dma_wait3A = arith.constant 0 : i32
      %dma_wait3A_76 = arith.constant 0 : i32
      %dma_wait3A_77 = tpu.memref_slice %arg12[%dma_wait3A, %dma_wait3A_76] : memref<50000x128xf32, #tpu.memory_space<hbm>> -> memref<50000x128xf32, #tpu.memory_space<hbm>>
      tpu.wait_indirect_dma semaphore(%arg17 : memref<!tpu.dma_semaphore, #tpu.memory_space<semaphore_mem>>) src(%dma_wait3A_77 : memref<50000x128xf32, #tpu.memory_space<hbm>>) dst(%arg16 : memref<64x128xf32, #tpu.memory_space<vmem>>)
      %add3A_78 = arith.constant 92160 : i32
      %add3A_79 = arith.addi %add3A_78, %mul3A_2 : i32
      %mul3A_80 = arith.constant 64 : i32
      %mul3A_81 = arith.muli %scan3A_68, %mul3A_80 : i32
      %add3A_82 = arith.addi %add3A_79, %mul3A_81 : i32
      "tpu.region"() ({
        %run_scoped3A = tpu.sem_alloc : memref<!tpu.dma_semaphore, #tpu.memory_space<semaphore_mem>>
        %dma_start3A_83 = arith.constant 0 : i32
        %dma_start3A_84 = tpu.memref_slice %arg14[%add3A_82, %dma_start3A_83] : memref<112640x128xf32, #tpu.memory_space<hbm>> -> memref<64x128xf32, #tpu.memory_space<hbm>>
        %dma_start3A_85 = arith.constant 0 : i32
        %dma_start3A_86 = tpu.memref_slice %arg14[%add3A_82, %dma_start3A_85] : memref<112640x128xf32, #tpu.memory_space<hbm>> -> memref<64x128xf32, #tpu.memory_space<hbm>>
        tpu.enqueue_dma source(%arg16 : memref<64x128xf32, #tpu.memory_space<vmem>>) target(%dma_start3A_86 : memref<64x128xf32, #tpu.memory_space<hbm>>) target_semaphore(%run_scoped3A : memref<!tpu.dma_semaphore, #tpu.memory_space<semaphore_mem>>)
        %dma_wait3A_87 = arith.constant 0 : i32
        %dma_wait3A_88 = tpu.memref_slice %arg14[%add3A_82, %dma_wait3A_87] : memref<112640x128xf32, #tpu.memory_space<hbm>> -> memref<64x128xf32, #tpu.memory_space<hbm>>
        %dma_wait3A_89 = arith.constant 0 : i32
        %dma_wait3A_90 = tpu.memref_slice %arg14[%add3A_82, %dma_wait3A_89] : memref<112640x128xf32, #tpu.memory_space<hbm>> -> memref<64x128xf32, #tpu.memory_space<hbm>>
        tpu.wait_dma2 semaphore(%run_scoped3A : memref<!tpu.dma_semaphore, #tpu.memory_space<semaphore_mem>>) src(%arg16 : memref<64x128xf32, #tpu.memory_space<vmem>>) dst(%dma_wait3A_90 : memref<64x128xf32, #tpu.memory_space<hbm>>)
        tpu.yield
      }) : () -> ()
    }
    %scan3A_61 = arith.constant 5 : i32
    %scan3A_62 = arith.constant 0 : i32
    %scan3A_63 = arith.constant 0 : i32
    %scan3A_64 = arith.constant 5 : i32
    %scan3A_65 = arith.addi %scan3A_63, %scan3A_64 : i32
    %scan3A_66 = arith.constant 1 : i32
    scf.for %scan3A_68 = %scan3A_63 to %scan3A_65 step %scan3A_66  : i32 {
      %add3A_69 = arith.constant 1600000 : i32
      %add3A_70 = arith.addi %add3A_69, %mul3A_2 : i32
      %mul3A_71 = arith.constant 64 : i32
      %mul3A_72 = arith.muli %scan3A_68, %mul3A_71 : i32
      %add3A_73 = arith.addi %add3A_70, %mul3A_72 : i32
      "tpu.region"() ({
        %run_scoped3A = tpu.sem_alloc : memref<!tpu.dma_semaphore, #tpu.memory_space<semaphore_mem>>
        %dma_start3A_83 = tpu.memref_slice %arg2[%add3A_73] : memref<1760000xi32, #tpu.memory_space<hbm>> -> memref<64xi32, #tpu.memory_space<hbm>>
        %dma_start3A_84 = tpu.memref_slice %arg2[%add3A_73] : memref<1760000xi32, #tpu.memory_space<hbm>> -> memref<64xi32, #tpu.memory_space<hbm>>
        tpu.enqueue_dma source(%dma_start3A_84 : memref<64xi32, #tpu.memory_space<hbm>>) target(%arg15 : memref<64xi32, #tpu.memory_space<vmem>>) target_semaphore(%run_scoped3A : memref<!tpu.dma_semaphore, #tpu.memory_space<semaphore_mem>>)
        %dma_wait3A_85 = tpu.memref_slice %arg2[%add3A_73] : memref<1760000xi32, #tpu.memory_space<hbm>> -> memref<64xi32, #tpu.memory_space<hbm>>
        %dma_wait3A_86 = tpu.memref_slice %arg2[%add3A_73] : memref<1760000xi32, #tpu.memory_space<hbm>> -> memref<64xi32, #tpu.memory_space<hbm>>
        tpu.wait_dma2 semaphore(%run_scoped3A : memref<!tpu.dma_semaphore, #tpu.memory_space<semaphore_mem>>) src(%dma_wait3A_86 : memref<64xi32, #tpu.memory_space<hbm>>) dst(%arg15 : memref<64xi32, #tpu.memory_space<vmem>>)
        tpu.yield
      }) : () -> ()
      %dma_start3A = arith.constant 0 : i32
      %dma_start3A_74 = arith.constant 0 : i32
      %dma_start3A_75 = tpu.memref_slice %arg13[%dma_start3A, %dma_start3A_74] : memref<50000x128xf32, #tpu.memory_space<hbm>> -> memref<50000x128xf32, #tpu.memory_space<hbm>>
      tpu.enqueue_indirect_dma source(%dma_start3A_75 : memref<50000x128xf32, #tpu.memory_space<hbm>>) target(%arg16 : memref<64x128xf32, #tpu.memory_space<vmem>>) offsets(%arg15 : memref<64xi32, #tpu.memory_space<vmem>>) semaphore(%arg17 : memref<!tpu.dma_semaphore, #tpu.memory_space<semaphore_mem>>)
      %dma_wait3A = arith.constant 0 : i32
      %dma_wait3A_76 = arith.constant 0 : i32
      %dma_wait3A_77 = tpu.memref_slice %arg13[%dma_wait3A, %dma_wait3A_76] : memref<50000x128xf32, #tpu.memory_space<hbm>> -> memref<50000x128xf32, #tpu.memory_space<hbm>>
      tpu.wait_indirect_dma semaphore(%arg17 : memref<!tpu.dma_semaphore, #tpu.memory_space<semaphore_mem>>) src(%dma_wait3A_77 : memref<50000x128xf32, #tpu.memory_space<hbm>>) dst(%arg16 : memref<64x128xf32, #tpu.memory_space<vmem>>)
      %add3A_78 = arith.constant 102400 : i32
      %add3A_79 = arith.addi %add3A_78, %mul3A_2 : i32
      %mul3A_80 = arith.constant 64 : i32
      %mul3A_81 = arith.muli %scan3A_68, %mul3A_80 : i32
      %add3A_82 = arith.addi %add3A_79, %mul3A_81 : i32
      "tpu.region"() ({
        %run_scoped3A = tpu.sem_alloc : memref<!tpu.dma_semaphore, #tpu.memory_space<semaphore_mem>>
        %dma_start3A_83 = arith.constant 0 : i32
        %dma_start3A_84 = tpu.memref_slice %arg14[%add3A_82, %dma_start3A_83] : memref<112640x128xf32, #tpu.memory_space<hbm>> -> memref<64x128xf32, #tpu.memory_space<hbm>>
        %dma_start3A_85 = arith.constant 0 : i32
        %dma_start3A_86 = tpu.memref_slice %arg14[%add3A_82, %dma_start3A_85] : memref<112640x128xf32, #tpu.memory_space<hbm>> -> memref<64x128xf32, #tpu.memory_space<hbm>>
        tpu.enqueue_dma source(%arg16 : memref<64x128xf32, #tpu.memory_space<vmem>>) target(%dma_start3A_86 : memref<64x128xf32, #tpu.memory_space<hbm>>) target_semaphore(%run_scoped3A : memref<!tpu.dma_semaphore, #tpu.memory_space<semaphore_mem>>)
        %dma_wait3A_87 = arith.constant 0 : i32
        %dma_wait3A_88 = tpu.memref_slice %arg14[%add3A_82, %dma_wait3A_87] : memref<112640x128xf32, #tpu.memory_space<hbm>> -> memref<64x128xf32, #tpu.memory_space<hbm>>
        %dma_wait3A_89 = arith.constant 0 : i32
        %dma_wait3A_90 = tpu.memref_slice %arg14[%add3A_82, %dma_wait3A_89] : memref<112640x128xf32, #tpu.memory_space<hbm>> -> memref<64x128xf32, #tpu.memory_space<hbm>>
        tpu.wait_dma2 semaphore(%run_scoped3A : memref<!tpu.dma_semaphore, #tpu.memory_space<semaphore_mem>>) src(%arg16 : memref<64x128xf32, #tpu.memory_space<vmem>>) dst(%dma_wait3A_90 : memref<64x128xf32, #tpu.memory_space<hbm>>)
        tpu.yield
      }) : () -> ()
    }
    %scan3A_67 = arith.constant 5 : i32
    return
  }
}

#map = affine_map<(d0, d1) -> (0)>
#map1 = affine_map<(d0, d1) -> (0, 0)>
module attributes {stable_mosaic.version = 14 : i64} {
  func.func @k(%arg0: i32, %arg1: i32, %arg2: memref<1802240xi32, #tpu.memory_space<hbm>>, %arg3: memref<1802240xi32, #tpu.memory_space<hbm>>, %arg4: memref<112640xf32, #tpu.memory_space<hbm>>, %arg5: memref<112640xf32, #tpu.memory_space<hbm>>, %arg6: memref<176xf32, #tpu.memory_space<hbm>>, %arg7: memref<112640x64xf32, #tpu.memory_space<hbm>>, %arg8: memref<112640x64xf32, #tpu.memory_space<hbm>>, %arg9: memref<128xf32, #tpu.memory_space<hbm>>, %arg10: memref<640xf32, #tpu.memory_space<hbm>>, %arg11: memref<640x64xf32, #tpu.memory_space<hbm>>, %arg12: memref<225280x64xf32, #tpu.memory_space<hbm>>, %arg13: memref<20480x64xf32, #tpu.memory_space<hbm>>, %arg14: memref<10240xi32, #tpu.memory_space<vmem>>, %arg15: memref<10240xi32, #tpu.memory_space<vmem>>, %arg16: memref<10240xf32, #tpu.memory_space<vmem>>, %arg17: memref<10240xf32, #tpu.memory_space<vmem>>, %arg18: memref<10240xf32, #tpu.memory_space<vmem>>, %arg19: memref<10240xf32, #tpu.memory_space<vmem>>, %arg20: memref<256xf32, #tpu.memory_space<vmem>>, %arg21: memref<256xi32, #tpu.memory_space<vmem>>, %arg22: memref<256xi32, #tpu.memory_space<vmem>>, %arg23: memref<256xi32, #tpu.memory_space<vmem>>, %arg24: memref<256x64xf32, #tpu.memory_space<vmem>>, %arg25: memref<16xf32, #tpu.memory_space<vmem>>, %arg26: memref<64xf32, #tpu.memory_space<vmem>>, %arg27: memref<640xf32, #tpu.memory_space<vmem>>, %arg28: memref<10240xf32, #tpu.memory_space<vmem_shared>>, %arg29: memref<10240xf32, #tpu.memory_space<vmem_shared>>, %arg30: memref<10240x64xf32, #tpu.memory_space<vmem_shared>>, %arg31: memref<!tpu.dma_semaphore, #tpu.memory_space<semaphore_mem>>) attributes {dimension_semantics = [#tpu.dimension_semantics<core_parallel>, #tpu.dimension_semantics<subcore_parallel>], iteration_bounds = array<i64: 2, 16>, scalar_prefetch = 0 : i64, scratch_operands = 18 : i64, tpu.core_type = #tpu.core_type<sc_vector_subcore>, window_params = [{transform_indices = #map}, {transform_indices = #map}, {transform_indices = #map}, {transform_indices = #map}, {transform_indices = #map}, {transform_indices = #map1}, {transform_indices = #map1}, {transform_indices = #map}, {transform_indices = #map}, {transform_indices = #map1}, {transform_indices = #map1}, {transform_indices = #map1}]} {
    %mul3A = arith.constant 64 : i32
    %mul3A_0 = arith.muli %arg0, %mul3A : i32
    "tpu.region"() ({
      %run_scoped3A = tpu.sem_alloc : memref<!tpu.dma_semaphore, #tpu.memory_space<semaphore_mem>>
      %dma_start3A = tpu.memref_slice %arg9[%mul3A_0] : memref<128xf32, #tpu.memory_space<hbm>> -> memref<64xf32, #tpu.memory_space<hbm>>
      %dma_start3A_12 = tpu.memref_slice %arg9[%mul3A_0] : memref<128xf32, #tpu.memory_space<hbm>> -> memref<64xf32, #tpu.memory_space<hbm>>
      tpu.enqueue_dma source(%dma_start3A_12 : memref<64xf32, #tpu.memory_space<hbm>>) target(%arg26 : memref<64xf32, #tpu.memory_space<vmem>>) target_semaphore(%run_scoped3A : memref<!tpu.dma_semaphore, #tpu.memory_space<semaphore_mem>>)
      %dma_wait3A = tpu.memref_slice %arg9[%mul3A_0] : memref<128xf32, #tpu.memory_space<hbm>> -> memref<64xf32, #tpu.memory_space<hbm>>
      %dma_wait3A_13 = tpu.memref_slice %arg9[%mul3A_0] : memref<128xf32, #tpu.memory_space<hbm>> -> memref<64xf32, #tpu.memory_space<hbm>>
      tpu.wait_dma2 semaphore(%run_scoped3A : memref<!tpu.dma_semaphore, #tpu.memory_space<semaphore_mem>>) src(%dma_wait3A_13 : memref<64xf32, #tpu.memory_space<hbm>>) dst(%arg26 : memref<64xf32, #tpu.memory_space<vmem>>)
      tpu.yield
    }) : () -> ()
    %scan3A = arith.constant 0 : i32
    %scan3A_1 = arith.constant 0 : i32
    %scan3A_2 = arith.constant 16 : i32
    %scan3A_3 = arith.addi %scan3A_1, %scan3A_2 : i32
    %scan3A_4 = arith.constant 1 : i32
    scf.for %scan3A_12 = %scan3A_1 to %scan3A_3 step %scan3A_4  : i32 {
      %broadcast_in_dim3A = arith.constant 0.000000e+00 : f32
      %broadcast_in_dim3A_13 = vector.broadcast %broadcast_in_dim3A : f32 to vector<16xf32>
      %add3A = arith.constant 1.000000e+00 : f32
      %add3A_14 = vector.broadcast %add3A : f32 to vector<16xf32>
      %add3A_15 = arith.addf %broadcast_in_dim3A_13, %add3A_14 : vector<16xf32>
      %mul3A_16 = arith.constant 16 : i32
      %mul3A_17 = arith.muli %scan3A_12, %mul3A_16 : i32
      %swap3A = arith.index_cast %mul3A_17 : i32 to index
      %swap3A_18 = tpu.vector_load %arg20[%swap3A] {strides = array<i32>} : memref<256xf32, #tpu.memory_space<vmem>>, vector<16xf32>,
      tpu.vector_store %arg20[%swap3A], %add3A_15 {strides = array<i32>} : memref<256xf32, #tpu.memory_space<vmem>>, vector<16xf32>,
    }
    %scan3A_5 = arith.constant 16 : i32
    %scan3A_6 = arith.constant 0 : i32
    %scan3A_7 = arith.constant 0 : i32
    %scan3A_8 = arith.constant 11 : i32
    %scan3A_9 = arith.addi %scan3A_7, %scan3A_8 : i32
    %scan3A_10 = arith.constant 1 : i32
    scf.for %scan3A_12 = %scan3A_7 to %scan3A_9 step %scan3A_10  : i32 {
      %mul3A_13 = arith.constant 640 : i32
      %mul3A_14 = arith.muli %arg1, %mul3A_13 : i32
      "tpu.region"() ({
        %run_scoped3A = tpu.sem_alloc : memref<!tpu.dma_semaphore, #tpu.memory_space<semaphore_mem>>
        %dma_start3A = tpu.memref_slice %arg28[%mul3A_14] : memref<10240xf32, #tpu.memory_space<vmem_shared>> -> memref<640xf32, #tpu.memory_space<vmem_shared>>
        tpu.enqueue_dma source(%arg10 : memref<640xf32, #tpu.memory_space<hbm>>) target(%dma_start3A : memref<640xf32, #tpu.memory_space<vmem_shared>>) target_semaphore(%run_scoped3A : memref<!tpu.dma_semaphore, #tpu.memory_space<semaphore_mem>>)
        %dma_wait3A = tpu.memref_slice %arg28[%mul3A_14] : memref<10240xf32, #tpu.memory_space<vmem_shared>> -> memref<640xf32, #tpu.memory_space<vmem_shared>>
        tpu.wait_dma2 semaphore(%run_scoped3A : memref<!tpu.dma_semaphore, #tpu.memory_space<semaphore_mem>>) src(%arg10 : memref<640xf32, #tpu.memory_space<hbm>>) dst(%dma_wait3A : memref<640xf32, #tpu.memory_space<vmem_shared>>)
        tpu.yield
      }) : () -> ()
      %mul3A_15 = arith.constant 640 : i32
      %mul3A_16 = arith.muli %arg1, %mul3A_15 : i32
      "tpu.region"() ({
        %run_scoped3A = tpu.sem_alloc : memref<!tpu.dma_semaphore, #tpu.memory_space<semaphore_mem>>
        %dma_start3A = tpu.memref_slice %arg29[%mul3A_16] : memref<10240xf32, #tpu.memory_space<vmem_shared>> -> memref<640xf32, #tpu.memory_space<vmem_shared>>
        tpu.enqueue_dma source(%arg10 : memref<640xf32, #tpu.memory_space<hbm>>) target(%dma_start3A : memref<640xf32, #tpu.memory_space<vmem_shared>>) target_semaphore(%run_scoped3A : memref<!tpu.dma_semaphore, #tpu.memory_space<semaphore_mem>>)
        %dma_wait3A = tpu.memref_slice %arg29[%mul3A_16] : memref<10240xf32, #tpu.memory_space<vmem_shared>> -> memref<640xf32, #tpu.memory_space<vmem_shared>>
        tpu.wait_dma2 semaphore(%run_scoped3A : memref<!tpu.dma_semaphore, #tpu.memory_space<semaphore_mem>>) src(%arg10 : memref<640xf32, #tpu.memory_space<hbm>>) dst(%dma_wait3A : memref<640xf32, #tpu.memory_space<vmem_shared>>)
        tpu.yield
      }) : () -> ()
      %mul3A_17 = arith.constant 640 : i32
      %mul3A_18 = arith.muli %arg1, %mul3A_17 : i32
      "tpu.region"() ({
        %run_scoped3A = tpu.sem_alloc : memref<!tpu.dma_semaphore, #tpu.memory_space<semaphore_mem>>
        %dma_start3A = arith.constant 0 : i32
        %dma_start3A_118 = tpu.memref_slice %arg30[%mul3A_18, %dma_start3A] : memref<10240x64xf32, #tpu.memory_space<vmem_shared>> -> memref<640x64xf32, #tpu.memory_space<vmem_shared>>
        tpu.enqueue_dma source(%arg11 : memref<640x64xf32, #tpu.memory_space<hbm>>) target(%dma_start3A_118 : memref<640x64xf32, #tpu.memory_space<vmem_shared>>) target_semaphore(%run_scoped3A : memref<!tpu.dma_semaphore, #tpu.memory_space<semaphore_mem>>)
        %dma_wait3A = arith.constant 0 : i32
        %dma_wait3A_119 = tpu.memref_slice %arg30[%mul3A_18, %dma_wait3A] : memref<10240x64xf32, #tpu.memory_space<vmem_shared>> -> memref<640x64xf32, #tpu.memory_space<vmem_shared>>
        tpu.wait_dma2 semaphore(%run_scoped3A : memref<!tpu.dma_semaphore, #tpu.memory_space<semaphore_mem>>) src(%arg11 : memref<640x64xf32, #tpu.memory_space<hbm>>) dst(%dma_wait3A_119 : memref<640x64xf32, #tpu.memory_space<vmem_shared>>)
        tpu.yield
      }) : () -> ()
      %mul3A_19 = arith.constant 16 : i32
      %mul3A_20 = arith.muli %scan3A_12, %mul3A_19 : i32
      %add3A = arith.addi %mul3A_20, %arg1 : i32
      %mul3A_21 = arith.constant 10240 : i32
      %mul3A_22 = arith.muli %add3A, %mul3A_21 : i32
      "tpu.region"() ({
        %run_scoped3A = tpu.sem_alloc : memref<!tpu.dma_semaphore, #tpu.memory_space<semaphore_mem>>
        %dma_start3A = tpu.memref_slice %arg2[%mul3A_22] : memref<1802240xi32, #tpu.memory_space<hbm>> -> memref<10240xi32, #tpu.memory_space<hbm>>
        %dma_start3A_118 = tpu.memref_slice %arg2[%mul3A_22] : memref<1802240xi32, #tpu.memory_space<hbm>> -> memref<10240xi32, #tpu.memory_space<hbm>>
        tpu.enqueue_dma source(%dma_start3A_118 : memref<10240xi32, #tpu.memory_space<hbm>>) target(%arg14 : memref<10240xi32, #tpu.memory_space<vmem>>) target_semaphore(%run_scoped3A : memref<!tpu.dma_semaphore, #tpu.memory_space<semaphore_mem>>)
        %dma_wait3A = tpu.memref_slice %arg2[%mul3A_22] : memref<1802240xi32, #tpu.memory_space<hbm>> -> memref<10240xi32, #tpu.memory_space<hbm>>
        %dma_wait3A_119 = tpu.memref_slice %arg2[%mul3A_22] : memref<1802240xi32, #tpu.memory_space<hbm>> -> memref<10240xi32, #tpu.memory_space<hbm>>
        tpu.wait_dma2 semaphore(%run_scoped3A : memref<!tpu.dma_semaphore, #tpu.memory_space<semaphore_mem>>) src(%dma_wait3A_119 : memref<10240xi32, #tpu.memory_space<hbm>>) dst(%arg14 : memref<10240xi32, #tpu.memory_space<vmem>>)
        tpu.yield
      }) : () -> ()
      "tpu.region"() ({
        %run_scoped3A = tpu.sem_alloc : memref<!tpu.dma_semaphore, #tpu.memory_space<semaphore_mem>>
        %dma_start3A = tpu.memref_slice %arg3[%mul3A_22] : memref<1802240xi32, #tpu.memory_space<hbm>> -> memref<10240xi32, #tpu.memory_space<hbm>>
        %dma_start3A_118 = tpu.memref_slice %arg3[%mul3A_22] : memref<1802240xi32, #tpu.memory_space<hbm>> -> memref<10240xi32, #tpu.memory_space<hbm>>
        tpu.enqueue_dma source(%dma_start3A_118 : memref<10240xi32, #tpu.memory_space<hbm>>) target(%arg15 : memref<10240xi32, #tpu.memory_space<vmem>>) target_semaphore(%run_scoped3A : memref<!tpu.dma_semaphore, #tpu.memory_space<semaphore_mem>>)
        %dma_wait3A = tpu.memref_slice %arg3[%mul3A_22] : memref<1802240xi32, #tpu.memory_space<hbm>> -> memref<10240xi32, #tpu.memory_space<hbm>>
        %dma_wait3A_119 = tpu.memref_slice %arg3[%mul3A_22] : memref<1802240xi32, #tpu.memory_space<hbm>> -> memref<10240xi32, #tpu.memory_space<hbm>>
        tpu.wait_dma2 semaphore(%run_scoped3A : memref<!tpu.dma_semaphore, #tpu.memory_space<semaphore_mem>>) src(%dma_wait3A_119 : memref<10240xi32, #tpu.memory_space<hbm>>) dst(%arg15 : memref<10240xi32, #tpu.memory_space<vmem>>)
        tpu.yield
      }) : () -> ()
      %mul3A_23 = arith.constant 10240 : i32
      %mul3A_24 = arith.muli %scan3A_12, %mul3A_23 : i32
      "tpu.region"() ({
        %run_scoped3A = tpu.sem_alloc : memref<!tpu.dma_semaphore, #tpu.memory_space<semaphore_mem>>
        %dma_start3A = tpu.memref_slice %arg4[%mul3A_24] : memref<112640xf32, #tpu.memory_space<hbm>> -> memref<10240xf32, #tpu.memory_space<hbm>>
        %dma_start3A_118 = tpu.memref_slice %arg4[%mul3A_24] : memref<112640xf32, #tpu.memory_space<hbm>> -> memref<10240xf32, #tpu.memory_space<hbm>>
        tpu.enqueue_dma source(%dma_start3A_118 : memref<10240xf32, #tpu.memory_space<hbm>>) target(%arg16 : memref<10240xf32, #tpu.memory_space<vmem>>) target_semaphore(%run_scoped3A : memref<!tpu.dma_semaphore, #tpu.memory_space<semaphore_mem>>)
        %dma_wait3A = tpu.memref_slice %arg4[%mul3A_24] : memref<112640xf32, #tpu.memory_space<hbm>> -> memref<10240xf32, #tpu.memory_space<hbm>>
        %dma_wait3A_119 = tpu.memref_slice %arg4[%mul3A_24] : memref<112640xf32, #tpu.memory_space<hbm>> -> memref<10240xf32, #tpu.memory_space<hbm>>
        tpu.wait_dma2 semaphore(%run_scoped3A : memref<!tpu.dma_semaphore, #tpu.memory_space<semaphore_mem>>) src(%dma_wait3A_119 : memref<10240xf32, #tpu.memory_space<hbm>>) dst(%arg16 : memref<10240xf32, #tpu.memory_space<vmem>>)
        tpu.yield
      }) : () -> ()
      %mul3A_25 = arith.constant 10240 : i32
      %mul3A_26 = arith.muli %scan3A_12, %mul3A_25 : i32
      "tpu.region"() ({
        %run_scoped3A = tpu.sem_alloc : memref<!tpu.dma_semaphore, #tpu.memory_space<semaphore_mem>>
        %dma_start3A = tpu.memref_slice %arg5[%mul3A_26] : memref<112640xf32, #tpu.memory_space<hbm>> -> memref<10240xf32, #tpu.memory_space<hbm>>
        %dma_start3A_118 = tpu.memref_slice %arg5[%mul3A_26] : memref<112640xf32, #tpu.memory_space<hbm>> -> memref<10240xf32, #tpu.memory_space<hbm>>
        tpu.enqueue_dma source(%dma_start3A_118 : memref<10240xf32, #tpu.memory_space<hbm>>) target(%arg17 : memref<10240xf32, #tpu.memory_space<vmem>>) target_semaphore(%run_scoped3A : memref<!tpu.dma_semaphore, #tpu.memory_space<semaphore_mem>>)
        %dma_wait3A = tpu.memref_slice %arg5[%mul3A_26] : memref<112640xf32, #tpu.memory_space<hbm>> -> memref<10240xf32, #tpu.memory_space<hbm>>
        %dma_wait3A_119 = tpu.memref_slice %arg5[%mul3A_26] : memref<112640xf32, #tpu.memory_space<hbm>> -> memref<10240xf32, #tpu.memory_space<hbm>>
        tpu.wait_dma2 semaphore(%run_scoped3A : memref<!tpu.dma_semaphore, #tpu.memory_space<semaphore_mem>>) src(%dma_wait3A_119 : memref<10240xf32, #tpu.memory_space<hbm>>) dst(%arg17 : memref<10240xf32, #tpu.memory_space<vmem>>)
        tpu.yield
      }) : () -> ()
      %mul3A_27 = arith.constant 16 : i32
      %mul3A_28 = arith.muli %scan3A_12, %mul3A_27 : i32
      "tpu.region"() ({
        %run_scoped3A = tpu.sem_alloc : memref<!tpu.dma_semaphore, #tpu.memory_space<semaphore_mem>>
        %dma_start3A = tpu.memref_slice %arg6[%mul3A_28] : memref<176xf32, #tpu.memory_space<hbm>> -> memref<16xf32, #tpu.memory_space<hbm>>
        %dma_start3A_118 = tpu.memref_slice %arg6[%mul3A_28] : memref<176xf32, #tpu.memory_space<hbm>> -> memref<16xf32, #tpu.memory_space<hbm>>
        tpu.enqueue_dma source(%dma_start3A_118 : memref<16xf32, #tpu.memory_space<hbm>>) target(%arg25 : memref<16xf32, #tpu.memory_space<vmem>>) target_semaphore(%run_scoped3A : memref<!tpu.dma_semaphore, #tpu.memory_space<semaphore_mem>>)
        %dma_wait3A = tpu.memref_slice %arg6[%mul3A_28] : memref<176xf32, #tpu.memory_space<hbm>> -> memref<16xf32, #tpu.memory_space<hbm>>
        %dma_wait3A_119 = tpu.memref_slice %arg6[%mul3A_28] : memref<176xf32, #tpu.memory_space<hbm>> -> memref<16xf32, #tpu.memory_space<hbm>>
        tpu.wait_dma2 semaphore(%run_scoped3A : memref<!tpu.dma_semaphore, #tpu.memory_space<semaphore_mem>>) src(%dma_wait3A_119 : memref<16xf32, #tpu.memory_space<hbm>>) dst(%arg25 : memref<16xf32, #tpu.memory_space<vmem>>)
        tpu.yield
      }) : () -> ()
      %barrier3A = arith.constant 0 : index
      tpu.barrier barrier_id(%barrier3A)
      %get3A = arith.constant 0 : index
      %get3A_29 = tpu.vector_load %arg25[%get3A] {strides = array<i32>} : memref<16xf32, #tpu.memory_space<vmem>>, vector<16xf32>,
      %scan3A_30 = arith.constant 0 : i32
      %scan3A_31 = arith.constant 0 : i32
      %scan3A_32 = arith.constant 640 : i32
      %scan3A_33 = arith.addi %scan3A_31, %scan3A_32 : i32
      %scan3A_34 = arith.constant 1 : i32
      scf.for %scan3A_118 = %scan3A_31 to %scan3A_33 step %scan3A_34  : i32 {
        %mul3A_119 = arith.constant 16 : i32
        %mul3A_120 = arith.muli %scan3A_118, %mul3A_119 : i32
        %get3A_121 = arith.index_cast %mul3A_120 : i32 to index
        %get3A_122 = tpu.vector_load %arg14[%get3A_121] {strides = array<i32>} : memref<10240xi32, #tpu.memory_space<vmem>>, vector<16xi32>,
        %get3A_123 = arith.index_cast %mul3A_120 : i32 to index
        %get3A_124 = tpu.vector_load %arg15[%get3A_123] {strides = array<i32>} : memref<10240xi32, #tpu.memory_space<vmem>>, vector<16xi32>,
        %gather3A = tpu.vector_load_idx %arg16[%get3A_122] : memref<10240xf32, #tpu.memory_space<vmem>>[vector<16xi32>], vector<16xf32>,
        %gather3A_125 = tpu.vector_load_idx %arg17[%get3A_124] : memref<10240xf32, #tpu.memory_space<vmem>>[vector<16xi32>], vector<16xf32>,
        %add3A_126 = arith.addf %gather3A, %gather3A_125 : vector<16xf32>
        %ge3A = arith.constant 0.000000e+00 : f32
        %ge3A_127 = vector.broadcast %ge3A : f32 to vector<16xf32>
        %ge3A_128 = arith.cmpf oge, %add3A_126, %ge3A_127 : vector<16xf32>
        %mul3A_129 = arith.constant 2.000000e-01 : f32
        %mul3A_130 = vector.broadcast %mul3A_129 : f32 to vector<16xf32>
        %mul3A_131 = arith.mulf %add3A_126, %mul3A_130 : vector<16xf32>
        %select_n3A = arith.select %ge3A_128, %add3A_126, %mul3A_131 : vector<16xi1>, vector<16xf32>
        %sub3A = arith.subf %select_n3A, %get3A_29 : vector<16xf32>
        %exp3A = math.exp %sub3A : vector<16xf32>
        %swap3A = arith.index_cast %mul3A_120 : i32 to index
        %swap3A_132 = tpu.vector_load %arg18[%swap3A] {strides = array<i32>} : memref<10240xf32, #tpu.memory_space<vmem>>, vector<16xf32>,
        tpu.vector_store %arg18[%swap3A], %exp3A {strides = array<i32>} : memref<10240xf32, #tpu.memory_space<vmem>>, vector<16xf32>,
      }
      %scan3A_35 = arith.constant 640 : i32
      %scan3A_36 = arith.constant 0 : i32
      %scan3A_37 = arith.constant 0 : i32
      %scan3A_38 = arith.constant 40 : i32
      %scan3A_39 = arith.addi %scan3A_37, %scan3A_38 : i32
      %scan3A_40 = arith.constant 1 : i32
      scf.for %scan3A_118 = %scan3A_37 to %scan3A_39 step %scan3A_40  : i32 {
        %mul3A_119 = arith.constant 256 : i32
        %mul3A_120 = arith.muli %scan3A_118, %mul3A_119 : i32
        %scan3A_121 = arith.constant 0 : i32
        %scan3A_122 = arith.constant 0 : i32
        %scan3A_123 = arith.constant 16 : i32
        %scan3A_124 = arith.addi %scan3A_122, %scan3A_123 : i32
        %scan3A_125 = arith.constant 1 : i32
        scf.for %scan3A_127 = %scan3A_122 to %scan3A_124 step %scan3A_125  : i32 {
          %mul3A_128 = arith.constant 16 : i32
          %mul3A_129 = arith.muli %scan3A_127, %mul3A_128 : i32
          %mul3A_130 = arith.constant 16 : i32
          %mul3A_131 = arith.muli %scan3A_127, %mul3A_130 : i32
          %add3A_132 = arith.addi %mul3A_120, %mul3A_131 : i32
          %get3A_133 = arith.index_cast %add3A_132 : i32 to index
          %get3A_134 = tpu.vector_load %arg15[%get3A_133] {strides = array<i32>} : memref<10240xi32, #tpu.memory_space<vmem>>, vector<16xi32>,
          %swap3A = arith.index_cast %mul3A_129 : i32 to index
          %swap3A_135 = tpu.vector_load %arg22[%swap3A] {strides = array<i32>} : memref<256xi32, #tpu.memory_space<vmem>>, vector<16xi32>,
          tpu.vector_store %arg22[%swap3A], %get3A_134 {strides = array<i32>} : memref<256xi32, #tpu.memory_space<vmem>>, vector<16xi32>,
        }
        %scan3A_126 = arith.constant 16 : i32
        "tpu.region"() ({
          %run_scoped3A = tpu.sem_alloc : memref<!tpu.dma_semaphore, #tpu.memory_space<semaphore_mem>>
          %dma_start3A = tpu.memref_slice %arg18[%mul3A_120] : memref<10240xf32, #tpu.memory_space<vmem>> -> memref<256xf32, #tpu.memory_space<vmem>>
          %dma_start3A_127 = arith.constant 0 : i32
          %dma_start3A_128 = tpu.memref_slice %arg28[%dma_start3A_127] : memref<10240xf32, #tpu.memory_space<vmem_shared>> -> memref<10240xf32, #tpu.memory_space<vmem_shared>>
          tpu.enqueue_indirect_dma source(%dma_start3A : memref<256xf32, #tpu.memory_space<vmem>>) target(%dma_start3A_128 : memref<10240xf32, #tpu.memory_space<vmem_shared>>) offsets(%arg22 : memref<256xi32, #tpu.memory_space<vmem>>) semaphore(%run_scoped3A : memref<!tpu.dma_semaphore, #tpu.memory_space<semaphore_mem>>) {add = true}
          %dma_wait3A = tpu.memref_slice %arg18[%mul3A_120] : memref<10240xf32, #tpu.memory_space<vmem>> -> memref<256xf32, #tpu.memory_space<vmem>>
          %dma_wait3A_129 = arith.constant 0 : i32
          %dma_wait3A_130 = tpu.memref_slice %arg28[%dma_wait3A_129] : memref<10240xf32, #tpu.memory_space<vmem_shared>> -> memref<10240xf32, #tpu.memory_space<vmem_shared>>
          tpu.wait_indirect_dma semaphore(%run_scoped3A : memref<!tpu.dma_semaphore, #tpu.memory_space<semaphore_mem>>) src(%dma_wait3A : memref<256xf32, #tpu.memory_space<vmem>>) dst(%dma_wait3A_130 : memref<10240xf32, #tpu.memory_space<vmem_shared>>)
          tpu.yield
        }) : () -> ()
        "tpu.region"() ({
          %run_scoped3A = tpu.sem_alloc : memref<!tpu.dma_semaphore, #tpu.memory_space<semaphore_mem>>
          %dma_start3A = arith.constant 0 : i32
          %dma_start3A_127 = tpu.memref_slice %arg29[%dma_start3A] : memref<10240xf32, #tpu.memory_space<vmem_shared>> -> memref<10240xf32, #tpu.memory_space<vmem_shared>>
          tpu.enqueue_indirect_dma source(%arg20 : memref<256xf32, #tpu.memory_space<vmem>>) target(%dma_start3A_127 : memref<10240xf32, #tpu.memory_space<vmem_shared>>) offsets(%arg22 : memref<256xi32, #tpu.memory_space<vmem>>) semaphore(%run_scoped3A : memref<!tpu.dma_semaphore, #tpu.memory_space<semaphore_mem>>) {add = true}
          %dma_wait3A = arith.constant 0 : i32
          %dma_wait3A_128 = tpu.memref_slice %arg29[%dma_wait3A] : memref<10240xf32, #tpu.memory_space<vmem_shared>> -> memref<10240xf32, #tpu.memory_space<vmem_shared>>
          tpu.wait_indirect_dma semaphore(%run_scoped3A : memref<!tpu.dma_semaphore, #tpu.memory_space<semaphore_mem>>) src(%arg20 : memref<256xf32, #tpu.memory_space<vmem>>) dst(%dma_wait3A_128 : memref<10240xf32, #tpu.memory_space<vmem_shared>>)
          tpu.yield
        }) : () -> ()
      }
      %scan3A_41 = arith.constant 40 : i32
      %barrier3A_42 = arith.constant 0 : index
      tpu.barrier barrier_id(%barrier3A_42)
      %scan3A_43 = arith.constant 0 : i32
      %scan3A_44 = arith.constant 0 : i32
      %scan3A_45 = arith.constant 40 : i32
      %scan3A_46 = arith.addi %scan3A_44, %scan3A_45 : i32
      %scan3A_47 = arith.constant 1 : i32
      scf.for %scan3A_118 = %scan3A_44 to %scan3A_46 step %scan3A_47  : i32 {
        %mul3A_119 = arith.constant 256 : i32
        %mul3A_120 = arith.muli %scan3A_118, %mul3A_119 : i32
        %scan3A_121 = arith.constant 0 : i32
        %scan3A_122 = arith.constant 0 : i32
        %scan3A_123 = arith.constant 16 : i32
        %scan3A_124 = arith.addi %scan3A_122, %scan3A_123 : i32
        %scan3A_125 = arith.constant 1 : i32
        scf.for %scan3A_127 = %scan3A_122 to %scan3A_124 step %scan3A_125  : i32 {
          %mul3A_128 = arith.constant 16 : i32
          %mul3A_129 = arith.muli %scan3A_127, %mul3A_128 : i32
          %mul3A_130 = arith.constant 16 : i32
          %mul3A_131 = arith.muli %scan3A_127, %mul3A_130 : i32
          %add3A_132 = arith.addi %mul3A_120, %mul3A_131 : i32
          %get3A_133 = arith.index_cast %add3A_132 : i32 to index
          %get3A_134 = tpu.vector_load %arg15[%get3A_133] {strides = array<i32>} : memref<10240xi32, #tpu.memory_space<vmem>>, vector<16xi32>,
          %swap3A = arith.index_cast %mul3A_129 : i32 to index
          %swap3A_135 = tpu.vector_load %arg22[%swap3A] {strides = array<i32>} : memref<256xi32, #tpu.memory_space<vmem>>, vector<16xi32>,
          tpu.vector_store %arg22[%swap3A], %get3A_134 {strides = array<i32>} : memref<256xi32, #tpu.memory_space<vmem>>, vector<16xi32>,
        }
        %scan3A_126 = arith.constant 16 : i32
        "tpu.region"() ({
          %run_scoped3A = tpu.sem_alloc : memref<!tpu.dma_semaphore, #tpu.memory_space<semaphore_mem>>
          %dma_start3A = tpu.memref_slice %arg19[%mul3A_120] : memref<10240xf32, #tpu.memory_space<vmem>> -> memref<256xf32, #tpu.memory_space<vmem>>
          %dma_start3A_127 = arith.constant 0 : i32
          %dma_start3A_128 = tpu.memref_slice %arg28[%dma_start3A_127] : memref<10240xf32, #tpu.memory_space<vmem_shared>> -> memref<10240xf32, #tpu.memory_space<vmem_shared>>
          tpu.enqueue_indirect_dma source(%dma_start3A_128 : memref<10240xf32, #tpu.memory_space<vmem_shared>>) target(%dma_start3A : memref<256xf32, #tpu.memory_space<vmem>>) offsets(%arg22 : memref<256xi32, #tpu.memory_space<vmem>>) semaphore(%run_scoped3A : memref<!tpu.dma_semaphore, #tpu.memory_space<semaphore_mem>>)
          %dma_wait3A = tpu.memref_slice %arg19[%mul3A_120] : memref<10240xf32, #tpu.memory_space<vmem>> -> memref<256xf32, #tpu.memory_space<vmem>>
          %dma_wait3A_129 = arith.constant 0 : i32
          %dma_wait3A_130 = tpu.memref_slice %arg28[%dma_wait3A_129] : memref<10240xf32, #tpu.memory_space<vmem_shared>> -> memref<10240xf32, #tpu.memory_space<vmem_shared>>
          tpu.wait_indirect_dma semaphore(%run_scoped3A : memref<!tpu.dma_semaphore, #tpu.memory_space<semaphore_mem>>) src(%dma_wait3A_130 : memref<10240xf32, #tpu.memory_space<vmem_shared>>) dst(%dma_wait3A : memref<256xf32, #tpu.memory_space<vmem>>)
          tpu.yield
        }) : () -> ()
      }
      %scan3A_48 = arith.constant 40 : i32
      %scan3A_49 = arith.constant 0 : i32
      %scan3A_50 = arith.constant 0 : i32
      %scan3A_51 = arith.constant 640 : i32
      %scan3A_52 = arith.addi %scan3A_50, %scan3A_51 : i32
      %scan3A_53 = arith.constant 1 : i32
      scf.for %scan3A_118 = %scan3A_50 to %scan3A_52 step %scan3A_53  : i32 {
        %mul3A_119 = arith.constant 16 : i32
        %mul3A_120 = arith.muli %scan3A_118, %mul3A_119 : i32
        %get3A_121 = arith.index_cast %mul3A_120 : i32 to index
        %get3A_122 = tpu.vector_load %arg18[%get3A_121] {strides = array<i32>} : memref<10240xf32, #tpu.memory_space<vmem>>, vector<16xf32>,
        %get3A_123 = arith.index_cast %mul3A_120 : i32 to index
        %get3A_124 = tpu.vector_load %arg19[%get3A_123] {strides = array<i32>} : memref<10240xf32, #tpu.memory_space<vmem>>, vector<16xf32>,
        %add3A_125 = arith.constant 1.000000e-16 : f32
        %add3A_126 = vector.broadcast %add3A_125 : f32 to vector<16xf32>
        %add3A_127 = arith.addf %get3A_124, %add3A_126 : vector<16xf32>
        %div3A = arith.divf %get3A_122, %add3A_127 : vector<16xf32>
        %swap3A = arith.index_cast %mul3A_120 : i32 to index
        %swap3A_128 = tpu.vector_load %arg18[%swap3A] {strides = array<i32>} : memref<10240xf32, #tpu.memory_space<vmem>>, vector<16xf32>,
        tpu.vector_store %arg18[%swap3A], %div3A {strides = array<i32>} : memref<10240xf32, #tpu.memory_space<vmem>>, vector<16xf32>,
      }
      %scan3A_54 = arith.constant 640 : i32
      %mul3A_55 = arith.constant 10240 : i32
      %mul3A_56 = arith.muli %scan3A_12, %mul3A_55 : i32
      %scan3A_57 = arith.constant 0 : i32
      %scan3A_58 = arith.constant 0 : i32
      %scan3A_59 = arith.constant 40 : i32
      %scan3A_60 = arith.addi %scan3A_58, %scan3A_59 : i32
      %scan3A_61 = arith.constant 1 : i32
      scf.for %scan3A_118 = %scan3A_58 to %scan3A_60 step %scan3A_61  : i32 {
        %mul3A_119 = arith.constant 256 : i32
        %mul3A_120 = arith.muli %scan3A_118, %mul3A_119 : i32
        %scan3A_121 = arith.constant 0 : i32
        %scan3A_122 = arith.constant 0 : i32
        %scan3A_123 = arith.constant 16 : i32
        %scan3A_124 = arith.addi %scan3A_122, %scan3A_123 : i32
        %scan3A_125 = arith.constant 1 : i32
        scf.for %scan3A_140 = %scan3A_122 to %scan3A_124 step %scan3A_125  : i32 {
          %mul3A_141 = arith.constant 16 : i32
          %mul3A_142 = arith.muli %scan3A_140, %mul3A_141 : i32
          %add3A_143 = arith.addi %mul3A_120, %mul3A_142 : i32
          %mul3A_144 = arith.constant 16 : i32
          %mul3A_145 = arith.muli %scan3A_140, %mul3A_144 : i32
          %get3A_146 = arith.index_cast %add3A_143 : i32 to index
          %get3A_147 = tpu.vector_load %arg14[%get3A_146] {strides = array<i32>} : memref<10240xi32, #tpu.memory_space<vmem>>, vector<16xi32>,
          %add3A_148 = vector.broadcast %mul3A_56 : i32 to vector<16xi32>
          %add3A_149 = arith.addi %get3A_147, %add3A_148 : vector<16xi32>
          %swap3A = arith.index_cast %mul3A_145 : i32 to index
          %swap3A_150 = tpu.vector_load %arg21[%swap3A] {strides = array<i32>} : memref<256xi32, #tpu.memory_space<vmem>>, vector<16xi32>,
          tpu.vector_store %arg21[%swap3A], %add3A_149 {strides = array<i32>} : memref<256xi32, #tpu.memory_space<vmem>>, vector<16xi32>,
          %get3A_151 = arith.index_cast %add3A_143 : i32 to index
          %get3A_152 = tpu.vector_load %arg15[%get3A_151] {strides = array<i32>} : memref<10240xi32, #tpu.memory_space<vmem>>, vector<16xi32>,
          %swap3A_153 = arith.index_cast %mul3A_145 : i32 to index
          %swap3A_154 = tpu.vector_load %arg22[%swap3A_153] {strides = array<i32>} : memref<256xi32, #tpu.memory_space<vmem>>, vector<16xi32>,
          tpu.vector_store %arg22[%swap3A_153], %get3A_152 {strides = array<i32>} : memref<256xi32, #tpu.memory_space<vmem>>, vector<16xi32>,
        }
        %scan3A_126 = arith.constant 16 : i32
        %eq3A = arith.constant 0 : i32
        %eq3A_127 = arith.cmpi eq, %arg0, %eq3A : i32
        %convert_element_type3A = arith.extui %eq3A_127 : i1 to i32
        %cond3A = arith.constant 0 : i32
        %cond3A_128 = arith.cmpi ne, %convert_element_type3A, %cond3A : i32
        scf.if %cond3A_128 {
          %dma_start3A = arith.constant 0 : i32
          %dma_start3A_140 = arith.constant 0 : i32
          %dma_start3A_141 = tpu.memref_slice %arg7[%dma_start3A, %dma_start3A_140] : memref<112640x64xf32, #tpu.memory_space<hbm>> -> memref<112640x64xf32, #tpu.memory_space<hbm>>
          tpu.enqueue_indirect_dma source(%dma_start3A_141 : memref<112640x64xf32, #tpu.memory_space<hbm>>) target(%arg24 : memref<256x64xf32, #tpu.memory_space<vmem>>) offsets(%arg21 : memref<256xi32, #tpu.memory_space<vmem>>) semaphore(%arg31 : memref<!tpu.dma_semaphore, #tpu.memory_space<semaphore_mem>>)
          %dma_wait3A = arith.constant 0 : i32
          %dma_wait3A_142 = arith.constant 0 : i32
          %dma_wait3A_143 = tpu.memref_slice %arg7[%dma_wait3A, %dma_wait3A_142] : memref<112640x64xf32, #tpu.memory_space<hbm>> -> memref<112640x64xf32, #tpu.memory_space<hbm>>
          tpu.wait_indirect_dma semaphore(%arg31 : memref<!tpu.dma_semaphore, #tpu.memory_space<semaphore_mem>>) src(%dma_wait3A_143 : memref<112640x64xf32, #tpu.memory_space<hbm>>) dst(%arg24 : memref<256x64xf32, #tpu.memory_space<vmem>>)
        } else {
        }
        %eq3A_129 = arith.constant 1 : i32
        %eq3A_130 = arith.cmpi eq, %arg0, %eq3A_129 : i32
        %convert_element_type3A_131 = arith.extui %eq3A_130 : i1 to i32
        %cond3A_132 = arith.constant 0 : i32
        %cond3A_133 = arith.cmpi ne, %convert_element_type3A_131, %cond3A_132 : i32
        scf.if %cond3A_133 {
          %dma_start3A = arith.constant 0 : i32
          %dma_start3A_140 = arith.constant 0 : i32
          %dma_start3A_141 = tpu.memref_slice %arg8[%dma_start3A, %dma_start3A_140] : memref<112640x64xf32, #tpu.memory_space<hbm>> -> memref<112640x64xf32, #tpu.memory_space<hbm>>
          tpu.enqueue_indirect_dma source(%dma_start3A_141 : memref<112640x64xf32, #tpu.memory_space<hbm>>) target(%arg24 : memref<256x64xf32, #tpu.memory_space<vmem>>) offsets(%arg21 : memref<256xi32, #tpu.memory_space<vmem>>) semaphore(%arg31 : memref<!tpu.dma_semaphore, #tpu.memory_space<semaphore_mem>>)
          %dma_wait3A = arith.constant 0 : i32
          %dma_wait3A_142 = arith.constant 0 : i32
          %dma_wait3A_143 = tpu.memref_slice %arg8[%dma_wait3A, %dma_wait3A_142] : memref<112640x64xf32, #tpu.memory_space<hbm>> -> memref<112640x64xf32, #tpu.memory_space<hbm>>
          tpu.wait_indirect_dma semaphore(%arg31 : memref<!tpu.dma_semaphore, #tpu.memory_space<semaphore_mem>>) src(%dma_wait3A_143 : memref<112640x64xf32, #tpu.memory_space<hbm>>) dst(%arg24 : memref<256x64xf32, #tpu.memory_space<vmem>>)
        } else {
        }
        %scan3A_134 = arith.constant 0 : i32
        %scan3A_135 = arith.constant 0 : i32
        %scan3A_136 = arith.constant 256 : i32
        %scan3A_137 = arith.addi %scan3A_135, %scan3A_136 : i32
        %scan3A_138 = arith.constant 1 : i32
        scf.for %scan3A_140 = %scan3A_135 to %scan3A_137 step %scan3A_138  : i32 {
          %broadcast_in_dim3A = arith.constant 0 : i32
          %broadcast_in_dim3A_141 = vector.broadcast %broadcast_in_dim3A : i32 to vector<16xi32>
          %add3A_142 = arith.addi %mul3A_120, %scan3A_140 : i32
          %add3A_143 = vector.broadcast %add3A_142 : i32 to vector<16xi32>
          %add3A_144 = arith.addi %broadcast_in_dim3A_141, %add3A_143 : vector<16xi32>
          %gather3A = tpu.vector_load_idx %arg18[%add3A_144] : memref<10240xf32, #tpu.memory_space<vmem>>[vector<16xi32>], vector<16xf32>,
          %get3A_145 = arith.index_cast %scan3A_140 : i32 to index
          %get3A_146 = arith.constant 0 : index
          %get3A_147 = tpu.vector_load %arg24[%get3A_145, %get3A_146] {strides = array<i32>} : memref<256x64xf32, #tpu.memory_space<vmem>>, vector<16xf32>,
          %mul3A_148 = arith.mulf %get3A_147, %gather3A : vector<16xf32>
          %swap3A = arith.index_cast %scan3A_140 : i32 to index
          %swap3A_149 = arith.constant 0 : index
          %swap3A_150 = tpu.vector_load %arg24[%swap3A, %swap3A_149] {strides = array<i32>} : memref<256x64xf32, #tpu.memory_space<vmem>>, vector<16xf32>,
          tpu.vector_store %arg24[%swap3A, %swap3A_149], %mul3A_148 {strides = array<i32>} : memref<256x64xf32, #tpu.memory_space<vmem>>, vector<16xf32>,
          %get3A_151 = arith.index_cast %scan3A_140 : i32 to index
          %get3A_152 = arith.constant 16 : index
          %get3A_153 = tpu.vector_load %arg24[%get3A_151, %get3A_152] {strides = array<i32>} : memref<256x64xf32, #tpu.memory_space<vmem>>, vector<16xf32>,
          %mul3A_154 = arith.mulf %get3A_153, %gather3A : vector<16xf32>
          %swap3A_155 = arith.index_cast %scan3A_140 : i32 to index
          %swap3A_156 = arith.constant 16 : index
          %swap3A_157 = tpu.vector_load %arg24[%swap3A_155, %swap3A_156] {strides = array<i32>} : memref<256x64xf32, #tpu.memory_space<vmem>>, vector<16xf32>,
          tpu.vector_store %arg24[%swap3A_155, %swap3A_156], %mul3A_154 {strides = array<i32>} : memref<256x64xf32, #tpu.memory_space<vmem>>, vector<16xf32>,
          %get3A_158 = arith.index_cast %scan3A_140 : i32 to index
          %get3A_159 = arith.constant 32 : index
          %get3A_160 = tpu.vector_load %arg24[%get3A_158, %get3A_159] {strides = array<i32>} : memref<256x64xf32, #tpu.memory_space<vmem>>, vector<16xf32>,
          %mul3A_161 = arith.mulf %get3A_160, %gather3A : vector<16xf32>
          %swap3A_162 = arith.index_cast %scan3A_140 : i32 to index
          %swap3A_163 = arith.constant 32 : index
          %swap3A_164 = tpu.vector_load %arg24[%swap3A_162, %swap3A_163] {strides = array<i32>} : memref<256x64xf32, #tpu.memory_space<vmem>>, vector<16xf32>,
          tpu.vector_store %arg24[%swap3A_162, %swap3A_163], %mul3A_161 {strides = array<i32>} : memref<256x64xf32, #tpu.memory_space<vmem>>, vector<16xf32>,
          %get3A_165 = arith.index_cast %scan3A_140 : i32 to index
          %get3A_166 = arith.constant 48 : index
          %get3A_167 = tpu.vector_load %arg24[%get3A_165, %get3A_166] {strides = array<i32>} : memref<256x64xf32, #tpu.memory_space<vmem>>, vector<16xf32>,
          %mul3A_168 = arith.mulf %get3A_167, %gather3A : vector<16xf32>
          %swap3A_169 = arith.index_cast %scan3A_140 : i32 to index
          %swap3A_170 = arith.constant 48 : index
          %swap3A_171 = tpu.vector_load %arg24[%swap3A_169, %swap3A_170] {strides = array<i32>} : memref<256x64xf32, #tpu.memory_space<vmem>>, vector<16xf32>,
          tpu.vector_store %arg24[%swap3A_169, %swap3A_170], %mul3A_168 {strides = array<i32>} : memref<256x64xf32, #tpu.memory_space<vmem>>, vector<16xf32>,
        }
        %scan3A_139 = arith.constant 256 : i32
        "tpu.region"() ({
          %run_scoped3A = tpu.sem_alloc : memref<!tpu.dma_semaphore, #tpu.memory_space<semaphore_mem>>
          %dma_start3A = arith.constant 0 : i32
          %dma_start3A_140 = arith.constant 0 : i32
          %dma_start3A_141 = tpu.memref_slice %arg30[%dma_start3A, %dma_start3A_140] : memref<10240x64xf32, #tpu.memory_space<vmem_shared>> -> memref<10240x64xf32, #tpu.memory_space<vmem_shared>>
          tpu.enqueue_indirect_dma source(%arg24 : memref<256x64xf32, #tpu.memory_space<vmem>>) target(%dma_start3A_141 : memref<10240x64xf32, #tpu.memory_space<vmem_shared>>) offsets(%arg22 : memref<256xi32, #tpu.memory_space<vmem>>) semaphore(%run_scoped3A : memref<!tpu.dma_semaphore, #tpu.memory_space<semaphore_mem>>) {add = true}
          %dma_wait3A = arith.constant 0 : i32
          %dma_wait3A_142 = arith.constant 0 : i32
          %dma_wait3A_143 = tpu.memref_slice %arg30[%dma_wait3A, %dma_wait3A_142] : memref<10240x64xf32, #tpu.memory_space<vmem_shared>> -> memref<10240x64xf32, #tpu.memory_space<vmem_shared>>
          tpu.wait_indirect_dma semaphore(%run_scoped3A : memref<!tpu.dma_semaphore, #tpu.memory_space<semaphore_mem>>) src(%arg24 : memref<256x64xf32, #tpu.memory_space<vmem>>) dst(%dma_wait3A_143 : memref<10240x64xf32, #tpu.memory_space<vmem_shared>>)
          tpu.yield
        }) : () -> ()
      }
      %scan3A_62 = arith.constant 40 : i32
      %barrier3A_63 = arith.constant 0 : index
      tpu.barrier barrier_id(%barrier3A_63)
      %mul3A_64 = arith.constant 640 : i32
      %mul3A_65 = arith.muli %arg1, %mul3A_64 : i32
      %mul3A_66 = arith.constant 10240 : i32
      %mul3A_67 = arith.muli %arg0, %mul3A_66 : i32
      %add3A_68 = arith.addi %mul3A_67, %mul3A_65 : i32
      "tpu.region"() ({
        %run_scoped3A = tpu.sem_alloc : memref<!tpu.dma_semaphore, #tpu.memory_space<semaphore_mem>>
        %dma_start3A = arith.constant 0 : i32
        %dma_start3A_118 = tpu.memref_slice %arg13[%add3A_68, %dma_start3A] : memref<20480x64xf32, #tpu.memory_space<hbm>> -> memref<640x64xf32, #tpu.memory_space<hbm>>
        %dma_start3A_119 = arith.constant 0 : i32
        %dma_start3A_120 = tpu.memref_slice %arg30[%mul3A_65, %dma_start3A_119] : memref<10240x64xf32, #tpu.memory_space<vmem_shared>> -> memref<640x64xf32, #tpu.memory_space<vmem_shared>>
        tpu.enqueue_dma source(%dma_start3A_120 : memref<640x64xf32, #tpu.memory_space<vmem_shared>>) target(%dma_start3A_118 : memref<640x64xf32, #tpu.memory_space<hbm>>) target_semaphore(%run_scoped3A : memref<!tpu.dma_semaphore, #tpu.memory_space<semaphore_mem>>)
        %dma_wait3A = arith.constant 0 : i32
        %dma_wait3A_121 = tpu.memref_slice %arg13[%add3A_68, %dma_wait3A] : memref<20480x64xf32, #tpu.memory_space<hbm>> -> memref<640x64xf32, #tpu.memory_space<hbm>>
        %dma_wait3A_122 = arith.constant 0 : i32
        %dma_wait3A_123 = tpu.memref_slice %arg30[%mul3A_65, %dma_wait3A_122] : memref<10240x64xf32, #tpu.memory_space<vmem_shared>> -> memref<640x64xf32, #tpu.memory_space<vmem_shared>>
        tpu.wait_dma2 semaphore(%run_scoped3A : memref<!tpu.dma_semaphore, #tpu.memory_space<semaphore_mem>>) src(%dma_wait3A_123 : memref<640x64xf32, #tpu.memory_space<vmem_shared>>) dst(%dma_wait3A_121 : memref<640x64xf32, #tpu.memory_space<hbm>>)
        tpu.yield
      }) : () -> ()
      "tpu.region"() ({
        %run_scoped3A = tpu.sem_alloc : memref<!tpu.dma_semaphore, #tpu.memory_space<semaphore_mem>>
        %dma_start3A = arith.constant 0 : i32
        %dma_start3A_118 = tpu.memref_slice %arg30[%mul3A_65, %dma_start3A] : memref<10240x64xf32, #tpu.memory_space<vmem_shared>> -> memref<640x64xf32, #tpu.memory_space<vmem_shared>>
        tpu.enqueue_dma source(%arg11 : memref<640x64xf32, #tpu.memory_space<hbm>>) target(%dma_start3A_118 : memref<640x64xf32, #tpu.memory_space<vmem_shared>>) target_semaphore(%run_scoped3A : memref<!tpu.dma_semaphore, #tpu.memory_space<semaphore_mem>>)
        %dma_wait3A = arith.constant 0 : i32
        %dma_wait3A_119 = tpu.memref_slice %arg30[%mul3A_65, %dma_wait3A] : memref<10240x64xf32, #tpu.memory_space<vmem_shared>> -> memref<640x64xf32, #tpu.memory_space<vmem_shared>>
        tpu.wait_dma2 semaphore(%run_scoped3A : memref<!tpu.dma_semaphore, #tpu.memory_space<semaphore_mem>>) src(%arg11 : memref<640x64xf32, #tpu.memory_space<hbm>>) dst(%dma_wait3A_119 : memref<640x64xf32, #tpu.memory_space<vmem_shared>>)
        tpu.yield
      }) : () -> ()
      %barrier3A_69 = arith.constant 0 : index
      tpu.barrier barrier_id(%barrier3A_69)
      %mul3A_70 = arith.constant 10240 : i32
      %mul3A_71 = arith.muli %arg0, %mul3A_70 : i32
      %scan3A_72 = arith.constant 0 : i32
      %scan3A_73 = arith.constant 0 : i32
      %scan3A_74 = arith.constant 40 : i32
      %scan3A_75 = arith.addi %scan3A_73, %scan3A_74 : i32
      %scan3A_76 = arith.constant 1 : i32
      scf.for %scan3A_118 = %scan3A_73 to %scan3A_75 step %scan3A_76  : i32 {
        %mul3A_119 = arith.constant 256 : i32
        %mul3A_120 = arith.muli %scan3A_118, %mul3A_119 : i32
        %scan3A_121 = arith.constant 0 : i32
        %scan3A_122 = arith.constant 0 : i32
        %scan3A_123 = arith.constant 16 : i32
        %scan3A_124 = arith.addi %scan3A_122, %scan3A_123 : i32
        %scan3A_125 = arith.constant 1 : i32
        scf.for %scan3A_131 = %scan3A_122 to %scan3A_124 step %scan3A_125  : i32 {
          %mul3A_132 = arith.constant 16 : i32
          %mul3A_133 = arith.muli %scan3A_131, %mul3A_132 : i32
          %add3A_134 = arith.addi %mul3A_120, %mul3A_133 : i32
          %mul3A_135 = arith.constant 16 : i32
          %mul3A_136 = arith.muli %scan3A_131, %mul3A_135 : i32
          %get3A_137 = arith.index_cast %add3A_134 : i32 to index
          %get3A_138 = tpu.vector_load %arg14[%get3A_137] {strides = array<i32>} : memref<10240xi32, #tpu.memory_space<vmem>>, vector<16xi32>,
          %add3A_139 = vector.broadcast %mul3A_71 : i32 to vector<16xi32>
          %add3A_140 = arith.addi %get3A_138, %add3A_139 : vector<16xi32>
          %swap3A = arith.index_cast %mul3A_136 : i32 to index
          %swap3A_141 = tpu.vector_load %arg23[%swap3A] {strides = array<i32>} : memref<256xi32, #tpu.memory_space<vmem>>, vector<16xi32>,
          tpu.vector_store %arg23[%swap3A], %add3A_140 {strides = array<i32>} : memref<256xi32, #tpu.memory_space<vmem>>, vector<16xi32>,
          %get3A_142 = arith.index_cast %add3A_134 : i32 to index
          %get3A_143 = tpu.vector_load %arg15[%get3A_142] {strides = array<i32>} : memref<10240xi32, #tpu.memory_space<vmem>>, vector<16xi32>,
          %swap3A_144 = arith.index_cast %mul3A_136 : i32 to index
          %swap3A_145 = tpu.vector_load %arg22[%swap3A_144] {strides = array<i32>} : memref<256xi32, #tpu.memory_space<vmem>>, vector<16xi32>,
          tpu.vector_store %arg22[%swap3A_144], %get3A_143 {strides = array<i32>} : memref<256xi32, #tpu.memory_space<vmem>>, vector<16xi32>,
        }
        %scan3A_126 = arith.constant 16 : i32
        %dma_start3A = arith.constant 0 : i32
        %dma_start3A_127 = arith.constant 0 : i32
        %dma_start3A_128 = tpu.memref_slice %arg13[%dma_start3A, %dma_start3A_127] : memref<20480x64xf32, #tpu.memory_space<hbm>> -> memref<20480x64xf32, #tpu.memory_space<hbm>>
        tpu.enqueue_indirect_dma source(%dma_start3A_128 : memref<20480x64xf32, #tpu.memory_space<hbm>>) target(%arg24 : memref<256x64xf32, #tpu.memory_space<vmem>>) offsets(%arg23 : memref<256xi32, #tpu.memory_space<vmem>>) semaphore(%arg31 : memref<!tpu.dma_semaphore, #tpu.memory_space<semaphore_mem>>)
        %dma_wait3A = arith.constant 0 : i32
        %dma_wait3A_129 = arith.constant 0 : i32
        %dma_wait3A_130 = tpu.memref_slice %arg13[%dma_wait3A, %dma_wait3A_129] : memref<20480x64xf32, #tpu.memory_space<hbm>> -> memref<20480x64xf32, #tpu.memory_space<hbm>>
        tpu.wait_indirect_dma semaphore(%arg31 : memref<!tpu.dma_semaphore, #tpu.memory_space<semaphore_mem>>) src(%dma_wait3A_130 : memref<20480x64xf32, #tpu.memory_space<hbm>>) dst(%arg24 : memref<256x64xf32, #tpu.memory_space<vmem>>)
        "tpu.region"() ({
          %run_scoped3A = tpu.sem_alloc : memref<!tpu.dma_semaphore, #tpu.memory_space<semaphore_mem>>
          %dma_start3A_131 = arith.constant 0 : i32
          %dma_start3A_132 = arith.constant 0 : i32
          %dma_start3A_133 = tpu.memref_slice %arg30[%dma_start3A_131, %dma_start3A_132] : memref<10240x64xf32, #tpu.memory_space<vmem_shared>> -> memref<10240x64xf32, #tpu.memory_space<vmem_shared>>
          tpu.enqueue_indirect_dma source(%arg24 : memref<256x64xf32, #tpu.memory_space<vmem>>) target(%dma_start3A_133 : memref<10240x64xf32, #tpu.memory_space<vmem_shared>>) offsets(%arg22 : memref<256xi32, #tpu.memory_space<vmem>>) semaphore(%run_scoped3A : memref<!tpu.dma_semaphore, #tpu.memory_space<semaphore_mem>>) {add = true}
          %dma_wait3A_134 = arith.constant 0 : i32
          %dma_wait3A_135 = arith.constant 0 : i32
          %dma_wait3A_136 = tpu.memref_slice %arg30[%dma_wait3A_134, %dma_wait3A_135] : memref<10240x64xf32, #tpu.memory_space<vmem_shared>> -> memref<10240x64xf32, #tpu.memory_space<vmem_shared>>
          tpu.wait_indirect_dma semaphore(%run_scoped3A : memref<!tpu.dma_semaphore, #tpu.memory_space<semaphore_mem>>) src(%arg24 : memref<256x64xf32, #tpu.memory_space<vmem>>) dst(%dma_wait3A_136 : memref<10240x64xf32, #tpu.memory_space<vmem_shared>>)
          tpu.yield
        }) : () -> ()
      }
      %scan3A_77 = arith.constant 40 : i32
      %barrier3A_78 = arith.constant 0 : index
      tpu.barrier barrier_id(%barrier3A_78)
      %mul3A_79 = arith.constant 640 : i32
      %mul3A_80 = arith.muli %arg1, %mul3A_79 : i32
      "tpu.region"() ({
        %run_scoped3A = tpu.sem_alloc : memref<!tpu.dma_semaphore, #tpu.memory_space<semaphore_mem>>
        %dma_start3A = tpu.memref_slice %arg29[%mul3A_80] : memref<10240xf32, #tpu.memory_space<vmem_shared>> -> memref<640xf32, #tpu.memory_space<vmem_shared>>
        %dma_start3A_118 = tpu.memref_slice %arg29[%mul3A_80] : memref<10240xf32, #tpu.memory_space<vmem_shared>> -> memref<640xf32, #tpu.memory_space<vmem_shared>>
        tpu.enqueue_dma source(%dma_start3A_118 : memref<640xf32, #tpu.memory_space<vmem_shared>>) target(%arg27 : memref<640xf32, #tpu.memory_space<vmem>>) target_semaphore(%run_scoped3A : memref<!tpu.dma_semaphore, #tpu.memory_space<semaphore_mem>>)
        %dma_wait3A = tpu.memref_slice %arg29[%mul3A_80] : memref<10240xf32, #tpu.memory_space<vmem_shared>> -> memref<640xf32, #tpu.memory_space<vmem_shared>>
        %dma_wait3A_119 = tpu.memref_slice %arg29[%mul3A_80] : memref<10240xf32, #tpu.memory_space<vmem_shared>> -> memref<640xf32, #tpu.memory_space<vmem_shared>>
        tpu.wait_dma2 semaphore(%run_scoped3A : memref<!tpu.dma_semaphore, #tpu.memory_space<semaphore_mem>>) src(%dma_wait3A_119 : memref<640xf32, #tpu.memory_space<vmem_shared>>) dst(%arg27 : memref<640xf32, #tpu.memory_space<vmem>>)
        tpu.yield
      }) : () -> ()
      %mul3A_81 = arith.constant 11 : i32
      %mul3A_82 = arith.muli %arg0, %mul3A_81 : i32
      %add3A_83 = arith.addi %mul3A_82, %scan3A_12 : i32
      %mul3A_84 = arith.constant 10240 : i32
      %mul3A_85 = arith.muli %add3A_83, %mul3A_84 : i32
      %add3A_86 = arith.addi %mul3A_85, %mul3A_80 : i32
      %add3A_87 = arith.constant 0 : i32
      %add3A_88 = arith.addi %mul3A_80, %add3A_87 : i32
      "tpu.region"() ({
        %run_scoped3A = tpu.sem_alloc : memref<!tpu.dma_semaphore, #tpu.memory_space<semaphore_mem>>
        %dma_start3A = arith.constant 0 : i32
        %dma_start3A_118 = arith.constant 0 : i32
        %dma_start3A_119 = tpu.memref_slice %arg24[%dma_start3A, %dma_start3A_118] : memref<256x64xf32, #tpu.memory_space<vmem>> -> memref<256x64xf32, #tpu.memory_space<vmem>>
        %dma_start3A_120 = arith.constant 0 : i32
        %dma_start3A_121 = tpu.memref_slice %arg30[%add3A_88, %dma_start3A_120] : memref<10240x64xf32, #tpu.memory_space<vmem_shared>> -> memref<256x64xf32, #tpu.memory_space<vmem_shared>>
        %dma_start3A_122 = arith.constant 0 : i32
        %dma_start3A_123 = arith.constant 0 : i32
        %dma_start3A_124 = tpu.memref_slice %arg24[%dma_start3A_122, %dma_start3A_123] : memref<256x64xf32, #tpu.memory_space<vmem>> -> memref<256x64xf32, #tpu.memory_space<vmem>>
        %dma_start3A_125 = arith.constant 0 : i32
        %dma_start3A_126 = tpu.memref_slice %arg30[%add3A_88, %dma_start3A_125] : memref<10240x64xf32, #tpu.memory_space<vmem_shared>> -> memref<256x64xf32, #tpu.memory_space<vmem_shared>>
        tpu.enqueue_dma source(%dma_start3A_126 : memref<256x64xf32, #tpu.memory_space<vmem_shared>>) target(%dma_start3A_124 : memref<256x64xf32, #tpu.memory_space<vmem>>) target_semaphore(%run_scoped3A : memref<!tpu.dma_semaphore, #tpu.memory_space<semaphore_mem>>)
        %dma_wait3A = arith.constant 0 : i32
        %dma_wait3A_127 = arith.constant 0 : i32
        %dma_wait3A_128 = tpu.memref_slice %arg24[%dma_wait3A, %dma_wait3A_127] : memref<256x64xf32, #tpu.memory_space<vmem>> -> memref<256x64xf32, #tpu.memory_space<vmem>>
        %dma_wait3A_129 = arith.constant 0 : i32
        %dma_wait3A_130 = tpu.memref_slice %arg30[%add3A_88, %dma_wait3A_129] : memref<10240x64xf32, #tpu.memory_space<vmem_shared>> -> memref<256x64xf32, #tpu.memory_space<vmem_shared>>
        %dma_wait3A_131 = arith.constant 0 : i32
        %dma_wait3A_132 = arith.constant 0 : i32
        %dma_wait3A_133 = tpu.memref_slice %arg24[%dma_wait3A_131, %dma_wait3A_132] : memref<256x64xf32, #tpu.memory_space<vmem>> -> memref<256x64xf32, #tpu.memory_space<vmem>>
        %dma_wait3A_134 = arith.constant 0 : i32
        %dma_wait3A_135 = tpu.memref_slice %arg30[%add3A_88, %dma_wait3A_134] : memref<10240x64xf32, #tpu.memory_space<vmem_shared>> -> memref<256x64xf32, #tpu.memory_space<vmem_shared>>
        tpu.wait_dma2 semaphore(%run_scoped3A : memref<!tpu.dma_semaphore, #tpu.memory_space<semaphore_mem>>) src(%dma_wait3A_135 : memref<256x64xf32, #tpu.memory_space<vmem_shared>>) dst(%dma_wait3A_133 : memref<256x64xf32, #tpu.memory_space<vmem>>)
        tpu.yield
      }) : () -> ()
      %scan3A_89 = arith.constant 0 : i32
      %scan3A_90 = arith.constant 0 : i32
      %scan3A_91 = arith.constant 256 : i32
      %scan3A_92 = arith.addi %scan3A_90, %scan3A_91 : i32
      %scan3A_93 = arith.constant 1 : i32
      scf.for %scan3A_118 = %scan3A_90 to %scan3A_92 step %scan3A_93  : i32 {
        %broadcast_in_dim3A = arith.constant 0 : i32
        %broadcast_in_dim3A_119 = vector.broadcast %broadcast_in_dim3A : i32 to vector<16xi32>
        %add3A_120 = arith.constant 0 : i32
        %add3A_121 = arith.addi %add3A_120, %scan3A_118 : i32
        %add3A_122 = vector.broadcast %add3A_121 : i32 to vector<16xi32>
        %add3A_123 = arith.addi %broadcast_in_dim3A_119, %add3A_122 : vector<16xi32>
        %gather3A = tpu.vector_load_idx %arg27[%add3A_123] : memref<640xf32, #tpu.memory_space<vmem>>[vector<16xi32>], vector<16xf32>,
        %max3A = arith.constant 1.000000e+00 : f32
        %max3A_124 = vector.broadcast %max3A : f32 to vector<16xf32>
        %max3A_125 = arith.maximumf %gather3A, %max3A_124 : vector<16xf32>
        %div3A = arith.constant 1.000000e+00 : f32
        %div3A_126 = vector.broadcast %div3A : f32 to vector<16xf32>
        %div3A_127 = arith.divf %div3A_126, %max3A_125 : vector<16xf32>
        %gt3A = arith.constant 0.000000e+00 : f32
        %gt3A_128 = vector.broadcast %gt3A : f32 to vector<16xf32>
        %gt3A_129 = arith.cmpf ogt, %gather3A, %gt3A_128 : vector<16xf32>
        %jit3A = arith.constant 1.000000e+00 : f32
        %jit3A_130 = arith.constant 0.000000e+00 : f32
        %broadcast_in_dim3A_131 = vector.broadcast %jit3A : f32 to vector<16xf32>
        %broadcast_in_dim3A_132 = vector.broadcast %jit3A_130 : f32 to vector<16xf32>
        %select_n3A = arith.select %gt3A_129, %broadcast_in_dim3A_131, %broadcast_in_dim3A_132 : vector<16xi1>, vector<16xf32>
        %get3A_133 = arith.index_cast %scan3A_118 : i32 to index
        %get3A_134 = arith.constant 0 : index
        %get3A_135 = tpu.vector_load %arg24[%get3A_133, %get3A_134] {strides = array<i32>} : memref<256x64xf32, #tpu.memory_space<vmem>>, vector<16xf32>,
        %mul3A_136 = arith.mulf %get3A_135, %div3A_127 : vector<16xf32>
        %get3A_137 = arith.constant 0 : index
        %get3A_138 = tpu.vector_load %arg26[%get3A_137] {strides = array<i32>} : memref<64xf32, #tpu.memory_space<vmem>>, vector<16xf32>,
        %mul3A_139 = arith.mulf %get3A_138, %select_n3A : vector<16xf32>
        %add3A_140 = arith.addf %mul3A_136, %mul3A_139 : vector<16xf32>
        %swap3A = arith.index_cast %scan3A_118 : i32 to index
        %swap3A_141 = arith.constant 0 : index
        %swap3A_142 = tpu.vector_load %arg24[%swap3A, %swap3A_141] {strides = array<i32>} : memref<256x64xf32, #tpu.memory_space<vmem>>, vector<16xf32>,
        tpu.vector_store %arg24[%swap3A, %swap3A_141], %add3A_140 {strides = array<i32>} : memref<256x64xf32, #tpu.memory_space<vmem>>, vector<16xf32>,
        %get3A_143 = arith.index_cast %scan3A_118 : i32 to index
        %get3A_144 = arith.constant 16 : index
        %get3A_145 = tpu.vector_load %arg24[%get3A_143, %get3A_144] {strides = array<i32>} : memref<256x64xf32, #tpu.memory_space<vmem>>, vector<16xf32>,
        %mul3A_146 = arith.mulf %get3A_145, %div3A_127 : vector<16xf32>
        %get3A_147 = arith.constant 16 : index
        %get3A_148 = tpu.vector_load %arg26[%get3A_147] {strides = array<i32>} : memref<64xf32, #tpu.memory_space<vmem>>, vector<16xf32>,
        %mul3A_149 = arith.mulf %get3A_148, %select_n3A : vector<16xf32>
        %add3A_150 = arith.addf %mul3A_146, %mul3A_149 : vector<16xf32>
        %swap3A_151 = arith.index_cast %scan3A_118 : i32 to index
        %swap3A_152 = arith.constant 16 : index
        %swap3A_153 = tpu.vector_load %arg24[%swap3A_151, %swap3A_152] {strides = array<i32>} : memref<256x64xf32, #tpu.memory_space<vmem>>, vector<16xf32>,
        tpu.vector_store %arg24[%swap3A_151, %swap3A_152], %add3A_150 {strides = array<i32>} : memref<256x64xf32, #tpu.memory_space<vmem>>, vector<16xf32>,
        %get3A_154 = arith.index_cast %scan3A_118 : i32 to index
        %get3A_155 = arith.constant 32 : index
        %get3A_156 = tpu.vector_load %arg24[%get3A_154, %get3A_155] {strides = array<i32>} : memref<256x64xf32, #tpu.memory_space<vmem>>, vector<16xf32>,
        %mul3A_157 = arith.mulf %get3A_156, %div3A_127 : vector<16xf32>
        %get3A_158 = arith.constant 32 : index
        %get3A_159 = tpu.vector_load %arg26[%get3A_158] {strides = array<i32>} : memref<64xf32, #tpu.memory_space<vmem>>, vector<16xf32>,
        %mul3A_160 = arith.mulf %get3A_159, %select_n3A : vector<16xf32>
        %add3A_161 = arith.addf %mul3A_157, %mul3A_160 : vector<16xf32>
        %swap3A_162 = arith.index_cast %scan3A_118 : i32 to index
        %swap3A_163 = arith.constant 32 : index
        %swap3A_164 = tpu.vector_load %arg24[%swap3A_162, %swap3A_163] {strides = array<i32>} : memref<256x64xf32, #tpu.memory_space<vmem>>, vector<16xf32>,
        tpu.vector_store %arg24[%swap3A_162, %swap3A_163], %add3A_161 {strides = array<i32>} : memref<256x64xf32, #tpu.memory_space<vmem>>, vector<16xf32>,
        %get3A_165 = arith.index_cast %scan3A_118 : i32 to index
        %get3A_166 = arith.constant 48 : index
        %get3A_167 = tpu.vector_load %arg24[%get3A_165, %get3A_166] {strides = array<i32>} : memref<256x64xf32, #tpu.memory_space<vmem>>, vector<16xf32>,
        %mul3A_168 = arith.mulf %get3A_167, %div3A_127 : vector<16xf32>
        %get3A_169 = arith.constant 48 : index
        %get3A_170 = tpu.vector_load %arg26[%get3A_169] {strides = array<i32>} : memref<64xf32, #tpu.memory_space<vmem>>, vector<16xf32>,
        %mul3A_171 = arith.mulf %get3A_170, %select_n3A : vector<16xf32>
        %add3A_172 = arith.addf %mul3A_168, %mul3A_171 : vector<16xf32>
        %swap3A_173 = arith.index_cast %scan3A_118 : i32 to index
        %swap3A_174 = arith.constant 48 : index
        %swap3A_175 = tpu.vector_load %arg24[%swap3A_173, %swap3A_174] {strides = array<i32>} : memref<256x64xf32, #tpu.memory_space<vmem>>, vector<16xf32>,
        tpu.vector_store %arg24[%swap3A_173, %swap3A_174], %add3A_172 {strides = array<i32>} : memref<256x64xf32, #tpu.memory_space<vmem>>, vector<16xf32>,
      }
      %scan3A_94 = arith.constant 256 : i32
      %add3A_95 = arith.constant 0 : i32
      %add3A_96 = arith.addi %add3A_86, %add3A_95 : i32
      "tpu.region"() ({
        %run_scoped3A = tpu.sem_alloc : memref<!tpu.dma_semaphore, #tpu.memory_space<semaphore_mem>>
        %dma_start3A = arith.constant 0 : i32
        %dma_start3A_118 = arith.constant 0 : i32
        %dma_start3A_119 = tpu.memref_slice %arg24[%dma_start3A, %dma_start3A_118] : memref<256x64xf32, #tpu.memory_space<vmem>> -> memref<256x64xf32, #tpu.memory_space<vmem>>
        %dma_start3A_120 = arith.constant 0 : i32
        %dma_start3A_121 = tpu.memref_slice %arg12[%add3A_96, %dma_start3A_120] : memref<225280x64xf32, #tpu.memory_space<hbm>> -> memref<256x64xf32, #tpu.memory_space<hbm>>
        %dma_start3A_122 = arith.constant 0 : i32
        %dma_start3A_123 = tpu.memref_slice %arg12[%add3A_96, %dma_start3A_122] : memref<225280x64xf32, #tpu.memory_space<hbm>> -> memref<256x64xf32, #tpu.memory_space<hbm>>
        %dma_start3A_124 = arith.constant 0 : i32
        %dma_start3A_125 = arith.constant 0 : i32
        %dma_start3A_126 = tpu.memref_slice %arg24[%dma_start3A_124, %dma_start3A_125] : memref<256x64xf32, #tpu.memory_space<vmem>> -> memref<256x64xf32, #tpu.memory_space<vmem>>
        tpu.enqueue_dma source(%dma_start3A_126 : memref<256x64xf32, #tpu.memory_space<vmem>>) target(%dma_start3A_123 : memref<256x64xf32, #tpu.memory_space<hbm>>) target_semaphore(%run_scoped3A : memref<!tpu.dma_semaphore, #tpu.memory_space<semaphore_mem>>)
        %dma_wait3A = arith.constant 0 : i32
        %dma_wait3A_127 = arith.constant 0 : i32
        %dma_wait3A_128 = tpu.memref_slice %arg24[%dma_wait3A, %dma_wait3A_127] : memref<256x64xf32, #tpu.memory_space<vmem>> -> memref<256x64xf32, #tpu.memory_space<vmem>>
        %dma_wait3A_129 = arith.constant 0 : i32
        %dma_wait3A_130 = tpu.memref_slice %arg12[%add3A_96, %dma_wait3A_129] : memref<225280x64xf32, #tpu.memory_space<hbm>> -> memref<256x64xf32, #tpu.memory_space<hbm>>
        %dma_wait3A_131 = arith.constant 0 : i32
        %dma_wait3A_132 = tpu.memref_slice %arg12[%add3A_96, %dma_wait3A_131] : memref<225280x64xf32, #tpu.memory_space<hbm>> -> memref<256x64xf32, #tpu.memory_space<hbm>>
        %dma_wait3A_133 = arith.constant 0 : i32
        %dma_wait3A_134 = arith.constant 0 : i32
        %dma_wait3A_135 = tpu.memref_slice %arg24[%dma_wait3A_133, %dma_wait3A_134] : memref<256x64xf32, #tpu.memory_space<vmem>> -> memref<256x64xf32, #tpu.memory_space<vmem>>
        tpu.wait_dma2 semaphore(%run_scoped3A : memref<!tpu.dma_semaphore, #tpu.memory_space<semaphore_mem>>) src(%dma_wait3A_135 : memref<256x64xf32, #tpu.memory_space<vmem>>) dst(%dma_wait3A_132 : memref<256x64xf32, #tpu.memory_space<hbm>>)
        tpu.yield
      }) : () -> ()
      %add3A_97 = arith.constant 256 : i32
      %add3A_98 = arith.addi %mul3A_80, %add3A_97 : i32
      "tpu.region"() ({
        %run_scoped3A = tpu.sem_alloc : memref<!tpu.dma_semaphore, #tpu.memory_space<semaphore_mem>>
        %dma_start3A = arith.constant 0 : i32
        %dma_start3A_118 = arith.constant 0 : i32
        %dma_start3A_119 = tpu.memref_slice %arg24[%dma_start3A, %dma_start3A_118] : memref<256x64xf32, #tpu.memory_space<vmem>> -> memref<256x64xf32, #tpu.memory_space<vmem>>
        %dma_start3A_120 = arith.constant 0 : i32
        %dma_start3A_121 = tpu.memref_slice %arg30[%add3A_98, %dma_start3A_120] : memref<10240x64xf32, #tpu.memory_space<vmem_shared>> -> memref<256x64xf32, #tpu.memory_space<vmem_shared>>
        %dma_start3A_122 = arith.constant 0 : i32
        %dma_start3A_123 = arith.constant 0 : i32
        %dma_start3A_124 = tpu.memref_slice %arg24[%dma_start3A_122, %dma_start3A_123] : memref<256x64xf32, #tpu.memory_space<vmem>> -> memref<256x64xf32, #tpu.memory_space<vmem>>
        %dma_start3A_125 = arith.constant 0 : i32
        %dma_start3A_126 = tpu.memref_slice %arg30[%add3A_98, %dma_start3A_125] : memref<10240x64xf32, #tpu.memory_space<vmem_shared>> -> memref<256x64xf32, #tpu.memory_space<vmem_shared>>
        tpu.enqueue_dma source(%dma_start3A_126 : memref<256x64xf32, #tpu.memory_space<vmem_shared>>) target(%dma_start3A_124 : memref<256x64xf32, #tpu.memory_space<vmem>>) target_semaphore(%run_scoped3A : memref<!tpu.dma_semaphore, #tpu.memory_space<semaphore_mem>>)
        %dma_wait3A = arith.constant 0 : i32
        %dma_wait3A_127 = arith.constant 0 : i32
        %dma_wait3A_128 = tpu.memref_slice %arg24[%dma_wait3A, %dma_wait3A_127] : memref<256x64xf32, #tpu.memory_space<vmem>> -> memref<256x64xf32, #tpu.memory_space<vmem>>
        %dma_wait3A_129 = arith.constant 0 : i32
        %dma_wait3A_130 = tpu.memref_slice %arg30[%add3A_98, %dma_wait3A_129] : memref<10240x64xf32, #tpu.memory_space<vmem_shared>> -> memref<256x64xf32, #tpu.memory_space<vmem_shared>>
        %dma_wait3A_131 = arith.constant 0 : i32
        %dma_wait3A_132 = arith.constant 0 : i32
        %dma_wait3A_133 = tpu.memref_slice %arg24[%dma_wait3A_131, %dma_wait3A_132] : memref<256x64xf32, #tpu.memory_space<vmem>> -> memref<256x64xf32, #tpu.memory_space<vmem>>
        %dma_wait3A_134 = arith.constant 0 : i32
        %dma_wait3A_135 = tpu.memref_slice %arg30[%add3A_98, %dma_wait3A_134] : memref<10240x64xf32, #tpu.memory_space<vmem_shared>> -> memref<256x64xf32, #tpu.memory_space<vmem_shared>>
        tpu.wait_dma2 semaphore(%run_scoped3A : memref<!tpu.dma_semaphore, #tpu.memory_space<semaphore_mem>>) src(%dma_wait3A_135 : memref<256x64xf32, #tpu.memory_space<vmem_shared>>) dst(%dma_wait3A_133 : memref<256x64xf32, #tpu.memory_space<vmem>>)
        tpu.yield
      }) : () -> ()
      %scan3A_99 = arith.constant 0 : i32
      %scan3A_100 = arith.constant 0 : i32
      %scan3A_101 = arith.constant 256 : i32
      %scan3A_102 = arith.addi %scan3A_100, %scan3A_101 : i32
      %scan3A_103 = arith.constant 1 : i32
      scf.for %scan3A_118 = %scan3A_100 to %scan3A_102 step %scan3A_103  : i32 {
        %broadcast_in_dim3A = arith.constant 0 : i32
        %broadcast_in_dim3A_119 = vector.broadcast %broadcast_in_dim3A : i32 to vector<16xi32>
        %add3A_120 = arith.constant 256 : i32
        %add3A_121 = arith.addi %add3A_120, %scan3A_118 : i32
        %add3A_122 = vector.broadcast %add3A_121 : i32 to vector<16xi32>
        %add3A_123 = arith.addi %broadcast_in_dim3A_119, %add3A_122 : vector<16xi32>
        %gather3A = tpu.vector_load_idx %arg27[%add3A_123] : memref<640xf32, #tpu.memory_space<vmem>>[vector<16xi32>], vector<16xf32>,
        %max3A = arith.constant 1.000000e+00 : f32
        %max3A_124 = vector.broadcast %max3A : f32 to vector<16xf32>
        %max3A_125 = arith.maximumf %gather3A, %max3A_124 : vector<16xf32>
        %div3A = arith.constant 1.000000e+00 : f32
        %div3A_126 = vector.broadcast %div3A : f32 to vector<16xf32>
        %div3A_127 = arith.divf %div3A_126, %max3A_125 : vector<16xf32>
        %gt3A = arith.constant 0.000000e+00 : f32
        %gt3A_128 = vector.broadcast %gt3A : f32 to vector<16xf32>
        %gt3A_129 = arith.cmpf ogt, %gather3A, %gt3A_128 : vector<16xf32>
        %jit3A = arith.constant 1.000000e+00 : f32
        %jit3A_130 = arith.constant 0.000000e+00 : f32
        %broadcast_in_dim3A_131 = vector.broadcast %jit3A : f32 to vector<16xf32>
        %broadcast_in_dim3A_132 = vector.broadcast %jit3A_130 : f32 to vector<16xf32>
        %select_n3A = arith.select %gt3A_129, %broadcast_in_dim3A_131, %broadcast_in_dim3A_132 : vector<16xi1>, vector<16xf32>
        %get3A_133 = arith.index_cast %scan3A_118 : i32 to index
        %get3A_134 = arith.constant 0 : index
        %get3A_135 = tpu.vector_load %arg24[%get3A_133, %get3A_134] {strides = array<i32>} : memref<256x64xf32, #tpu.memory_space<vmem>>, vector<16xf32>,
        %mul3A_136 = arith.mulf %get3A_135, %div3A_127 : vector<16xf32>
        %get3A_137 = arith.constant 0 : index
        %get3A_138 = tpu.vector_load %arg26[%get3A_137] {strides = array<i32>} : memref<64xf32, #tpu.memory_space<vmem>>, vector<16xf32>,
        %mul3A_139 = arith.mulf %get3A_138, %select_n3A : vector<16xf32>
        %add3A_140 = arith.addf %mul3A_136, %mul3A_139 : vector<16xf32>
        %swap3A = arith.index_cast %scan3A_118 : i32 to index
        %swap3A_141 = arith.constant 0 : index
        %swap3A_142 = tpu.vector_load %arg24[%swap3A, %swap3A_141] {strides = array<i32>} : memref<256x64xf32, #tpu.memory_space<vmem>>, vector<16xf32>,
        tpu.vector_store %arg24[%swap3A, %swap3A_141], %add3A_140 {strides = array<i32>} : memref<256x64xf32, #tpu.memory_space<vmem>>, vector<16xf32>,
        %get3A_143 = arith.index_cast %scan3A_118 : i32 to index
        %get3A_144 = arith.constant 16 : index
        %get3A_145 = tpu.vector_load %arg24[%get3A_143, %get3A_144] {strides = array<i32>} : memref<256x64xf32, #tpu.memory_space<vmem>>, vector<16xf32>,
        %mul3A_146 = arith.mulf %get3A_145, %div3A_127 : vector<16xf32>
        %get3A_147 = arith.constant 16 : index
        %get3A_148 = tpu.vector_load %arg26[%get3A_147] {strides = array<i32>} : memref<64xf32, #tpu.memory_space<vmem>>, vector<16xf32>,
        %mul3A_149 = arith.mulf %get3A_148, %select_n3A : vector<16xf32>
        %add3A_150 = arith.addf %mul3A_146, %mul3A_149 : vector<16xf32>
        %swap3A_151 = arith.index_cast %scan3A_118 : i32 to index
        %swap3A_152 = arith.constant 16 : index
        %swap3A_153 = tpu.vector_load %arg24[%swap3A_151, %swap3A_152] {strides = array<i32>} : memref<256x64xf32, #tpu.memory_space<vmem>>, vector<16xf32>,
        tpu.vector_store %arg24[%swap3A_151, %swap3A_152], %add3A_150 {strides = array<i32>} : memref<256x64xf32, #tpu.memory_space<vmem>>, vector<16xf32>,
        %get3A_154 = arith.index_cast %scan3A_118 : i32 to index
        %get3A_155 = arith.constant 32 : index
        %get3A_156 = tpu.vector_load %arg24[%get3A_154, %get3A_155] {strides = array<i32>} : memref<256x64xf32, #tpu.memory_space<vmem>>, vector<16xf32>,
        %mul3A_157 = arith.mulf %get3A_156, %div3A_127 : vector<16xf32>
        %get3A_158 = arith.constant 32 : index
        %get3A_159 = tpu.vector_load %arg26[%get3A_158] {strides = array<i32>} : memref<64xf32, #tpu.memory_space<vmem>>, vector<16xf32>,
        %mul3A_160 = arith.mulf %get3A_159, %select_n3A : vector<16xf32>
        %add3A_161 = arith.addf %mul3A_157, %mul3A_160 : vector<16xf32>
        %swap3A_162 = arith.index_cast %scan3A_118 : i32 to index
        %swap3A_163 = arith.constant 32 : index
        %swap3A_164 = tpu.vector_load %arg24[%swap3A_162, %swap3A_163] {strides = array<i32>} : memref<256x64xf32, #tpu.memory_space<vmem>>, vector<16xf32>,
        tpu.vector_store %arg24[%swap3A_162, %swap3A_163], %add3A_161 {strides = array<i32>} : memref<256x64xf32, #tpu.memory_space<vmem>>, vector<16xf32>,
        %get3A_165 = arith.index_cast %scan3A_118 : i32 to index
        %get3A_166 = arith.constant 48 : index
        %get3A_167 = tpu.vector_load %arg24[%get3A_165, %get3A_166] {strides = array<i32>} : memref<256x64xf32, #tpu.memory_space<vmem>>, vector<16xf32>,
        %mul3A_168 = arith.mulf %get3A_167, %div3A_127 : vector<16xf32>
        %get3A_169 = arith.constant 48 : index
        %get3A_170 = tpu.vector_load %arg26[%get3A_169] {strides = array<i32>} : memref<64xf32, #tpu.memory_space<vmem>>, vector<16xf32>,
        %mul3A_171 = arith.mulf %get3A_170, %select_n3A : vector<16xf32>
        %add3A_172 = arith.addf %mul3A_168, %mul3A_171 : vector<16xf32>
        %swap3A_173 = arith.index_cast %scan3A_118 : i32 to index
        %swap3A_174 = arith.constant 48 : index
        %swap3A_175 = tpu.vector_load %arg24[%swap3A_173, %swap3A_174] {strides = array<i32>} : memref<256x64xf32, #tpu.memory_space<vmem>>, vector<16xf32>,
        tpu.vector_store %arg24[%swap3A_173, %swap3A_174], %add3A_172 {strides = array<i32>} : memref<256x64xf32, #tpu.memory_space<vmem>>, vector<16xf32>,
      }
      %scan3A_104 = arith.constant 256 : i32
      %add3A_105 = arith.constant 256 : i32
      %add3A_106 = arith.addi %add3A_86, %add3A_105 : i32
      "tpu.region"() ({
        %run_scoped3A = tpu.sem_alloc : memref<!tpu.dma_semaphore, #tpu.memory_space<semaphore_mem>>
        %dma_start3A = arith.constant 0 : i32
        %dma_start3A_118 = arith.constant 0 : i32
        %dma_start3A_119 = tpu.memref_slice %arg24[%dma_start3A, %dma_start3A_118] : memref<256x64xf32, #tpu.memory_space<vmem>> -> memref<256x64xf32, #tpu.memory_space<vmem>>
        %dma_start3A_120 = arith.constant 0 : i32
        %dma_start3A_121 = tpu.memref_slice %arg12[%add3A_106, %dma_start3A_120] : memref<225280x64xf32, #tpu.memory_space<hbm>> -> memref<256x64xf32, #tpu.memory_space<hbm>>
        %dma_start3A_122 = arith.constant 0 : i32
        %dma_start3A_123 = tpu.memref_slice %arg12[%add3A_106, %dma_start3A_122] : memref<225280x64xf32, #tpu.memory_space<hbm>> -> memref<256x64xf32, #tpu.memory_space<hbm>>
        %dma_start3A_124 = arith.constant 0 : i32
        %dma_start3A_125 = arith.constant 0 : i32
        %dma_start3A_126 = tpu.memref_slice %arg24[%dma_start3A_124, %dma_start3A_125] : memref<256x64xf32, #tpu.memory_space<vmem>> -> memref<256x64xf32, #tpu.memory_space<vmem>>
        tpu.enqueue_dma source(%dma_start3A_126 : memref<256x64xf32, #tpu.memory_space<vmem>>) target(%dma_start3A_123 : memref<256x64xf32, #tpu.memory_space<hbm>>) target_semaphore(%run_scoped3A : memref<!tpu.dma_semaphore, #tpu.memory_space<semaphore_mem>>)
        %dma_wait3A = arith.constant 0 : i32
        %dma_wait3A_127 = arith.constant 0 : i32
        %dma_wait3A_128 = tpu.memref_slice %arg24[%dma_wait3A, %dma_wait3A_127] : memref<256x64xf32, #tpu.memory_space<vmem>> -> memref<256x64xf32, #tpu.memory_space<vmem>>
        %dma_wait3A_129 = arith.constant 0 : i32
        %dma_wait3A_130 = tpu.memref_slice %arg12[%add3A_106, %dma_wait3A_129] : memref<225280x64xf32, #tpu.memory_space<hbm>> -> memref<256x64xf32, #tpu.memory_space<hbm>>
        %dma_wait3A_131 = arith.constant 0 : i32
        %dma_wait3A_132 = tpu.memref_slice %arg12[%add3A_106, %dma_wait3A_131] : memref<225280x64xf32, #tpu.memory_space<hbm>> -> memref<256x64xf32, #tpu.memory_space<hbm>>
        %dma_wait3A_133 = arith.constant 0 : i32
        %dma_wait3A_134 = arith.constant 0 : i32
        %dma_wait3A_135 = tpu.memref_slice %arg24[%dma_wait3A_133, %dma_wait3A_134] : memref<256x64xf32, #tpu.memory_space<vmem>> -> memref<256x64xf32, #tpu.memory_space<vmem>>
        tpu.wait_dma2 semaphore(%run_scoped3A : memref<!tpu.dma_semaphore, #tpu.memory_space<semaphore_mem>>) src(%dma_wait3A_135 : memref<256x64xf32, #tpu.memory_space<vmem>>) dst(%dma_wait3A_132 : memref<256x64xf32, #tpu.memory_space<hbm>>)
        tpu.yield
      }) : () -> ()
      %add3A_107 = arith.constant 512 : i32
      %add3A_108 = arith.addi %mul3A_80, %add3A_107 : i32
      "tpu.region"() ({
        %run_scoped3A = tpu.sem_alloc : memref<!tpu.dma_semaphore, #tpu.memory_space<semaphore_mem>>
        %dma_start3A = arith.constant 0 : i32
        %dma_start3A_118 = arith.constant 0 : i32
        %dma_start3A_119 = tpu.memref_slice %arg24[%dma_start3A, %dma_start3A_118] : memref<256x64xf32, #tpu.memory_space<vmem>> -> memref<128x64xf32, #tpu.memory_space<vmem>>
        %dma_start3A_120 = arith.constant 0 : i32
        %dma_start3A_121 = tpu.memref_slice %arg30[%add3A_108, %dma_start3A_120] : memref<10240x64xf32, #tpu.memory_space<vmem_shared>> -> memref<128x64xf32, #tpu.memory_space<vmem_shared>>
        %dma_start3A_122 = arith.constant 0 : i32
        %dma_start3A_123 = arith.constant 0 : i32
        %dma_start3A_124 = tpu.memref_slice %arg24[%dma_start3A_122, %dma_start3A_123] : memref<256x64xf32, #tpu.memory_space<vmem>> -> memref<128x64xf32, #tpu.memory_space<vmem>>
        %dma_start3A_125 = arith.constant 0 : i32
        %dma_start3A_126 = tpu.memref_slice %arg30[%add3A_108, %dma_start3A_125] : memref<10240x64xf32, #tpu.memory_space<vmem_shared>> -> memref<128x64xf32, #tpu.memory_space<vmem_shared>>
        tpu.enqueue_dma source(%dma_start3A_126 : memref<128x64xf32, #tpu.memory_space<vmem_shared>>) target(%dma_start3A_124 : memref<128x64xf32, #tpu.memory_space<vmem>>) target_semaphore(%run_scoped3A : memref<!tpu.dma_semaphore, #tpu.memory_space<semaphore_mem>>)
        %dma_wait3A = arith.constant 0 : i32
        %dma_wait3A_127 = arith.constant 0 : i32
        %dma_wait3A_128 = tpu.memref_slice %arg24[%dma_wait3A, %dma_wait3A_127] : memref<256x64xf32, #tpu.memory_space<vmem>> -> memref<128x64xf32, #tpu.memory_space<vmem>>
        %dma_wait3A_129 = arith.constant 0 : i32
        %dma_wait3A_130 = tpu.memref_slice %arg30[%add3A_108, %dma_wait3A_129] : memref<10240x64xf32, #tpu.memory_space<vmem_shared>> -> memref<128x64xf32, #tpu.memory_space<vmem_shared>>
        %dma_wait3A_131 = arith.constant 0 : i32
        %dma_wait3A_132 = arith.constant 0 : i32
        %dma_wait3A_133 = tpu.memref_slice %arg24[%dma_wait3A_131, %dma_wait3A_132] : memref<256x64xf32, #tpu.memory_space<vmem>> -> memref<128x64xf32, #tpu.memory_space<vmem>>
        %dma_wait3A_134 = arith.constant 0 : i32
        %dma_wait3A_135 = tpu.memref_slice %arg30[%add3A_108, %dma_wait3A_134] : memref<10240x64xf32, #tpu.memory_space<vmem_shared>> -> memref<128x64xf32, #tpu.memory_space<vmem_shared>>
        tpu.wait_dma2 semaphore(%run_scoped3A : memref<!tpu.dma_semaphore, #tpu.memory_space<semaphore_mem>>) src(%dma_wait3A_135 : memref<128x64xf32, #tpu.memory_space<vmem_shared>>) dst(%dma_wait3A_133 : memref<128x64xf32, #tpu.memory_space<vmem>>)
        tpu.yield
      }) : () -> ()
      %scan3A_109 = arith.constant 0 : i32
      %scan3A_110 = arith.constant 0 : i32
      %scan3A_111 = arith.constant 128 : i32
      %scan3A_112 = arith.addi %scan3A_110, %scan3A_111 : i32
      %scan3A_113 = arith.constant 1 : i32
      scf.for %scan3A_118 = %scan3A_110 to %scan3A_112 step %scan3A_113  : i32 {
        %broadcast_in_dim3A = arith.constant 0 : i32
        %broadcast_in_dim3A_119 = vector.broadcast %broadcast_in_dim3A : i32 to vector<16xi32>
        %add3A_120 = arith.constant 512 : i32
        %add3A_121 = arith.addi %add3A_120, %scan3A_118 : i32
        %add3A_122 = vector.broadcast %add3A_121 : i32 to vector<16xi32>
        %add3A_123 = arith.addi %broadcast_in_dim3A_119, %add3A_122 : vector<16xi32>
        %gather3A = tpu.vector_load_idx %arg27[%add3A_123] : memref<640xf32, #tpu.memory_space<vmem>>[vector<16xi32>], vector<16xf32>,
        %max3A = arith.constant 1.000000e+00 : f32
        %max3A_124 = vector.broadcast %max3A : f32 to vector<16xf32>
        %max3A_125 = arith.maximumf %gather3A, %max3A_124 : vector<16xf32>
        %div3A = arith.constant 1.000000e+00 : f32
        %div3A_126 = vector.broadcast %div3A : f32 to vector<16xf32>
        %div3A_127 = arith.divf %div3A_126, %max3A_125 : vector<16xf32>
        %gt3A = arith.constant 0.000000e+00 : f32
        %gt3A_128 = vector.broadcast %gt3A : f32 to vector<16xf32>
        %gt3A_129 = arith.cmpf ogt, %gather3A, %gt3A_128 : vector<16xf32>
        %jit3A = arith.constant 1.000000e+00 : f32
        %jit3A_130 = arith.constant 0.000000e+00 : f32
        %broadcast_in_dim3A_131 = vector.broadcast %jit3A : f32 to vector<16xf32>
        %broadcast_in_dim3A_132 = vector.broadcast %jit3A_130 : f32 to vector<16xf32>
        %select_n3A = arith.select %gt3A_129, %broadcast_in_dim3A_131, %broadcast_in_dim3A_132 : vector<16xi1>, vector<16xf32>
        %get3A_133 = arith.index_cast %scan3A_118 : i32 to index
        %get3A_134 = arith.constant 0 : index
        %get3A_135 = tpu.vector_load %arg24[%get3A_133, %get3A_134] {strides = array<i32>} : memref<256x64xf32, #tpu.memory_space<vmem>>, vector<16xf32>,
        %mul3A_136 = arith.mulf %get3A_135, %div3A_127 : vector<16xf32>
        %get3A_137 = arith.constant 0 : index
        %get3A_138 = tpu.vector_load %arg26[%get3A_137] {strides = array<i32>} : memref<64xf32, #tpu.memory_space<vmem>>, vector<16xf32>,
        %mul3A_139 = arith.mulf %get3A_138, %select_n3A : vector<16xf32>
        %add3A_140 = arith.addf %mul3A_136, %mul3A_139 : vector<16xf32>
        %swap3A = arith.index_cast %scan3A_118 : i32 to index
        %swap3A_141 = arith.constant 0 : index
        %swap3A_142 = tpu.vector_load %arg24[%swap3A, %swap3A_141] {strides = array<i32>} : memref<256x64xf32, #tpu.memory_space<vmem>>, vector<16xf32>,
        tpu.vector_store %arg24[%swap3A, %swap3A_141], %add3A_140 {strides = array<i32>} : memref<256x64xf32, #tpu.memory_space<vmem>>, vector<16xf32>,
        %get3A_143 = arith.index_cast %scan3A_118 : i32 to index
        %get3A_144 = arith.constant 16 : index
        %get3A_145 = tpu.vector_load %arg24[%get3A_143, %get3A_144] {strides = array<i32>} : memref<256x64xf32, #tpu.memory_space<vmem>>, vector<16xf32>,
        %mul3A_146 = arith.mulf %get3A_145, %div3A_127 : vector<16xf32>
        %get3A_147 = arith.constant 16 : index
        %get3A_148 = tpu.vector_load %arg26[%get3A_147] {strides = array<i32>} : memref<64xf32, #tpu.memory_space<vmem>>, vector<16xf32>,
        %mul3A_149 = arith.mulf %get3A_148, %select_n3A : vector<16xf32>
        %add3A_150 = arith.addf %mul3A_146, %mul3A_149 : vector<16xf32>
        %swap3A_151 = arith.index_cast %scan3A_118 : i32 to index
        %swap3A_152 = arith.constant 16 : index
        %swap3A_153 = tpu.vector_load %arg24[%swap3A_151, %swap3A_152] {strides = array<i32>} : memref<256x64xf32, #tpu.memory_space<vmem>>, vector<16xf32>,
        tpu.vector_store %arg24[%swap3A_151, %swap3A_152], %add3A_150 {strides = array<i32>} : memref<256x64xf32, #tpu.memory_space<vmem>>, vector<16xf32>,
        %get3A_154 = arith.index_cast %scan3A_118 : i32 to index
        %get3A_155 = arith.constant 32 : index
        %get3A_156 = tpu.vector_load %arg24[%get3A_154, %get3A_155] {strides = array<i32>} : memref<256x64xf32, #tpu.memory_space<vmem>>, vector<16xf32>,
        %mul3A_157 = arith.mulf %get3A_156, %div3A_127 : vector<16xf32>
        %get3A_158 = arith.constant 32 : index
        %get3A_159 = tpu.vector_load %arg26[%get3A_158] {strides = array<i32>} : memref<64xf32, #tpu.memory_space<vmem>>, vector<16xf32>,
        %mul3A_160 = arith.mulf %get3A_159, %select_n3A : vector<16xf32>
        %add3A_161 = arith.addf %mul3A_157, %mul3A_160 : vector<16xf32>
        %swap3A_162 = arith.index_cast %scan3A_118 : i32 to index
        %swap3A_163 = arith.constant 32 : index
        %swap3A_164 = tpu.vector_load %arg24[%swap3A_162, %swap3A_163] {strides = array<i32>} : memref<256x64xf32, #tpu.memory_space<vmem>>, vector<16xf32>,
        tpu.vector_store %arg24[%swap3A_162, %swap3A_163], %add3A_161 {strides = array<i32>} : memref<256x64xf32, #tpu.memory_space<vmem>>, vector<16xf32>,
        %get3A_165 = arith.index_cast %scan3A_118 : i32 to index
        %get3A_166 = arith.constant 48 : index
        %get3A_167 = tpu.vector_load %arg24[%get3A_165, %get3A_166] {strides = array<i32>} : memref<256x64xf32, #tpu.memory_space<vmem>>, vector<16xf32>,
        %mul3A_168 = arith.mulf %get3A_167, %div3A_127 : vector<16xf32>
        %get3A_169 = arith.constant 48 : index
        %get3A_170 = tpu.vector_load %arg26[%get3A_169] {strides = array<i32>} : memref<64xf32, #tpu.memory_space<vmem>>, vector<16xf32>,
        %mul3A_171 = arith.mulf %get3A_170, %select_n3A : vector<16xf32>
        %add3A_172 = arith.addf %mul3A_168, %mul3A_171 : vector<16xf32>
        %swap3A_173 = arith.index_cast %scan3A_118 : i32 to index
        %swap3A_174 = arith.constant 48 : index
        %swap3A_175 = tpu.vector_load %arg24[%swap3A_173, %swap3A_174] {strides = array<i32>} : memref<256x64xf32, #tpu.memory_space<vmem>>, vector<16xf32>,
        tpu.vector_store %arg24[%swap3A_173, %swap3A_174], %add3A_172 {strides = array<i32>} : memref<256x64xf32, #tpu.memory_space<vmem>>, vector<16xf32>,
      }
      %scan3A_114 = arith.constant 128 : i32
      %add3A_115 = arith.constant 512 : i32
      %add3A_116 = arith.addi %add3A_86, %add3A_115 : i32
      "tpu.region"() ({
        %run_scoped3A = tpu.sem_alloc : memref<!tpu.dma_semaphore, #tpu.memory_space<semaphore_mem>>
        %dma_start3A = arith.constant 0 : i32
        %dma_start3A_118 = arith.constant 0 : i32
        %dma_start3A_119 = tpu.memref_slice %arg24[%dma_start3A, %dma_start3A_118] : memref<256x64xf32, #tpu.memory_space<vmem>> -> memref<128x64xf32, #tpu.memory_space<vmem>>
        %dma_start3A_120 = arith.constant 0 : i32
        %dma_start3A_121 = tpu.memref_slice %arg12[%add3A_116, %dma_start3A_120] : memref<225280x64xf32, #tpu.memory_space<hbm>> -> memref<128x64xf32, #tpu.memory_space<hbm>>
        %dma_start3A_122 = arith.constant 0 : i32
        %dma_start3A_123 = tpu.memref_slice %arg12[%add3A_116, %dma_start3A_122] : memref<225280x64xf32, #tpu.memory_space<hbm>> -> memref<128x64xf32, #tpu.memory_space<hbm>>
        %dma_start3A_124 = arith.constant 0 : i32
        %dma_start3A_125 = arith.constant 0 : i32
        %dma_start3A_126 = tpu.memref_slice %arg24[%dma_start3A_124, %dma_start3A_125] : memref<256x64xf32, #tpu.memory_space<vmem>> -> memref<128x64xf32, #tpu.memory_space<vmem>>
        tpu.enqueue_dma source(%dma_start3A_126 : memref<128x64xf32, #tpu.memory_space<vmem>>) target(%dma_start3A_123 : memref<128x64xf32, #tpu.memory_space<hbm>>) target_semaphore(%run_scoped3A : memref<!tpu.dma_semaphore, #tpu.memory_space<semaphore_mem>>)
        %dma_wait3A = arith.constant 0 : i32
        %dma_wait3A_127 = arith.constant 0 : i32
        %dma_wait3A_128 = tpu.memref_slice %arg24[%dma_wait3A, %dma_wait3A_127] : memref<256x64xf32, #tpu.memory_space<vmem>> -> memref<128x64xf32, #tpu.memory_space<vmem>>
        %dma_wait3A_129 = arith.constant 0 : i32
        %dma_wait3A_130 = tpu.memref_slice %arg12[%add3A_116, %dma_wait3A_129] : memref<225280x64xf32, #tpu.memory_space<hbm>> -> memref<128x64xf32, #tpu.memory_space<hbm>>
        %dma_wait3A_131 = arith.constant 0 : i32
        %dma_wait3A_132 = tpu.memref_slice %arg12[%add3A_116, %dma_wait3A_131] : memref<225280x64xf32, #tpu.memory_space<hbm>> -> memref<128x64xf32, #tpu.memory_space<hbm>>
        %dma_wait3A_133 = arith.constant 0 : i32
        %dma_wait3A_134 = arith.constant 0 : i32
        %dma_wait3A_135 = tpu.memref_slice %arg24[%dma_wait3A_133, %dma_wait3A_134] : memref<256x64xf32, #tpu.memory_space<vmem>> -> memref<128x64xf32, #tpu.memory_space<vmem>>
        tpu.wait_dma2 semaphore(%run_scoped3A : memref<!tpu.dma_semaphore, #tpu.memory_space<semaphore_mem>>) src(%dma_wait3A_135 : memref<128x64xf32, #tpu.memory_space<vmem>>) dst(%dma_wait3A_132 : memref<128x64xf32, #tpu.memory_space<hbm>>)
        tpu.yield
      }) : () -> ()
      %barrier3A_117 = arith.constant 0 : index
      tpu.barrier barrier_id(%barrier3A_117)
    }
    %scan3A_11 = arith.constant 11 : i32
    return
  }
}

module attributes {stable_mosaic.version = 14 : i64} {
  func.func @_gasd_body(%arg0: i32, %arg1: memref<2560x128xf32, #tpu.memory_space<vmem>>, %arg2: memref<128x128xf32, #tpu.memory_space<vmem>>, %arg3: memref<128x128xf32, #tpu.memory_space<vmem>>, %arg4: memref<2560x128xf32, #tpu.memory_space<vmem>>, %arg5: memref<2560x128xf32, #tpu.memory_space<vmem>>) attributes {dimension_semantics = [#tpu.dimension_semantics<arbitrary>], iteration_bounds = array<i64: 44>, scalar_prefetch = 0 : i64, scratch_operands = 0 : i64, tpu.core_type = #tpu.core_type<tc>, window_params = [{transform_indices = @transform_0, window_bounds = array<i64: 2560, 128>}, {pipeline_mode = #tpu.pipeline_mode<synchronous>, transform_indices = @transform_1, window_bounds = array<i64: 128, 128>}, {pipeline_mode = #tpu.pipeline_mode<synchronous>, transform_indices = @transform_2, window_bounds = array<i64: 128, 128>}, {transform_indices = @transform_3, window_bounds = array<i64: 2560, 128>}, {transform_indices = @transform_4, window_bounds = array<i64: 2560, 128>}]} {
    %get3A = arith.constant 0 : index
    %get3A_0 = arith.constant 0 : index
    %get3A_1 = vector.load %arg1[%get3A, %get3A_0] : memref<2560x128xf32, #tpu.memory_space<vmem>>, vector<2560x128xf32>
    %get3A_2 = arith.constant 0 : index
    %get3A_3 = arith.constant 0 : index
    %get3A_4 = vector.load %arg2[%get3A_2, %get3A_3] : memref<128x128xf32, #tpu.memory_space<vmem>>, vector<128x128xf32>
    %dot_general3A = arith.constant dense<0.000000e+00> : vector<2560x128xf32>
    %dot_general3A_5 = tpu.matmul %get3A_1, %get3A_4, %dot_general3A {dimension_numbers = #tpu.dot_dimension_numbers<[1], [0], [0], [1], [0, 0, 1, 1], [], []>, transpose_lhs_hint = false} : vector<2560x128xf32>, vector<128x128xf32>, vector<2560x128xf32> -> vector<2560x128xf32>
    %swap3A = arith.constant 0 : index
    %swap3A_6 = arith.constant 0 : index
    %swap3A_7 = vector.load %arg4[%swap3A, %swap3A_6] : memref<2560x128xf32, #tpu.memory_space<vmem>>, vector<2560x128xf32>
    tpu.vector_store %arg4[%swap3A, %swap3A_6], %dot_general3A_5 {strides = array<i32>} : memref<2560x128xf32, #tpu.memory_space<vmem>>, vector<2560x128xf32>,
    %get3A_8 = arith.constant 0 : index
    %get3A_9 = arith.constant 0 : index
    %get3A_10 = vector.load %arg3[%get3A_8, %get3A_9] : memref<128x128xf32, #tpu.memory_space<vmem>>, vector<128x128xf32>
    %dot_general3A_11 = arith.constant dense<0.000000e+00> : vector<2560x128xf32>
    %dot_general3A_12 = tpu.matmul %dot_general3A_5, %get3A_10, %dot_general3A_11 {dimension_numbers = #tpu.dot_dimension_numbers<[1], [0], [0], [1], [0, 0, 1, 1], [], []>, transpose_lhs_hint = false} : vector<2560x128xf32>, vector<128x128xf32>, vector<2560x128xf32> -> vector<2560x128xf32>
    %swap3A_13 = arith.constant 0 : index
    %swap3A_14 = arith.constant 0 : index
    %swap3A_15 = vector.load %arg5[%swap3A_13, %swap3A_14] : memref<2560x128xf32, #tpu.memory_space<vmem>>, vector<2560x128xf32>
    tpu.vector_store %arg5[%swap3A_13, %swap3A_14], %dot_general3A_12 {strides = array<i32>} : memref<2560x128xf32, #tpu.memory_space<vmem>>, vector<2560x128xf32>,
    return
  }
  func.func @transform_0(%arg0: i32) -> (i32, i32) {
    %c0_i32 = arith.constant 0 : i32
    %c0_i32_0 = arith.constant 0 : i32
    return %arg0, %c0_i32 : i32, i32
  }
  func.func @transform_1(%arg0: i32) -> (i32, i32) {
    %c0_i32 = arith.constant 0 : i32
    %c0_i32_0 = arith.constant 0 : i32
    %c0_i32_1 = arith.constant 0 : i32
    return %c0_i32, %c0_i32_0 : i32, i32
  }
  func.func @transform_2(%arg0: i32) -> (i32, i32) {
    %c0_i32 = arith.constant 0 : i32
    %c0_i32_0 = arith.constant 0 : i32
    %c0_i32_1 = arith.constant 0 : i32
    return %c0_i32, %c0_i32_0 : i32, i32
  }
  func.func @transform_3(%arg0: i32) -> (i32, i32) {
    %c0_i32 = arith.constant 0 : i32
    %c0_i32_0 = arith.constant 0 : i32
    return %arg0, %c0_i32 : i32, i32
  }
  func.func @transform_4(%arg0: i32) -> (i32, i32) {
    %c0_i32 = arith.constant 0 : i32
    %c0_i32_0 = arith.constant 0 : i32
    return %arg0, %c0_i32 : i32, i32
  }
}

module attributes {stable_mosaic.version = 14 : i64} {
  func.func @_txh_body(%arg0: i32, %arg1: memref<2000x256xf32, #tpu.memory_space<vmem>>, %arg2: memref<256x128xf32, #tpu.memory_space<vmem>>, %arg3: memref<1x128xf32, #tpu.memory_space<vmem>>, %arg4: memref<2000x128xf32, #tpu.memory_space<vmem>>) attributes {dimension_semantics = [#tpu.dimension_semantics<arbitrary>], iteration_bounds = array<i64: 5>, scalar_prefetch = 0 : i64, scratch_operands = 0 : i64, tpu.core_type = #tpu.core_type<tc>, window_params = [{transform_indices = @transform_0, window_bounds = array<i64: 2000, 256>}, {pipeline_mode = #tpu.pipeline_mode<synchronous>, transform_indices = @transform_1, window_bounds = array<i64: 256, 128>}, {pipeline_mode = #tpu.pipeline_mode<synchronous>, transform_indices = @transform_2, window_bounds = array<i64: 1, 128>}, {transform_indices = @transform_3, window_bounds = array<i64: 2000, 128>}]} {
    %get3A = arith.constant 0 : index
    %get3A_0 = arith.constant 0 : index
    %get3A_1 = vector.load %arg1[%get3A, %get3A_0] : memref<2000x256xf32, #tpu.memory_space<vmem>>, vector<2000x256xf32>
    %get3A_2 = arith.constant 0 : index
    %get3A_3 = arith.constant 0 : index
    %get3A_4 = vector.load %arg2[%get3A_2, %get3A_3] : memref<256x128xf32, #tpu.memory_space<vmem>>, vector<256x128xf32>
    %dot_general3A = arith.constant dense<0.000000e+00> : vector<2000x128xf32>
    %dot_general3A_5 = tpu.matmul %get3A_1, %get3A_4, %dot_general3A {dimension_numbers = #tpu.dot_dimension_numbers<[1], [0], [0], [1], [0, 0, 1, 1], [], []>, transpose_lhs_hint = false} : vector<2000x256xf32>, vector<256x128xf32>, vector<2000x128xf32> -> vector<2000x128xf32>
    %get3A_6 = arith.constant 0 : index
    %get3A_7 = arith.constant 0 : index
    %get3A_8 = vector.load %arg3[%get3A_6, %get3A_7] : memref<1x128xf32, #tpu.memory_space<vmem>>, vector<1x128xf32>
    %add3A = vector.broadcast %get3A_8 : vector<1x128xf32> to vector<2000x128xf32>
    %add3A_9 = arith.addf %dot_general3A_5, %add3A : vector<2000x128xf32>
    %max3A = arith.constant 0.000000e+00 : f32
    %max3A_10 = vector.broadcast %max3A : f32 to vector<2000x128xf32>
    %max3A_11 = arith.maximumf %add3A_9, %max3A_10 : vector<2000x128xf32>
    %swap3A = arith.constant 0 : index
    %swap3A_12 = arith.constant 0 : index
    %swap3A_13 = vector.load %arg4[%swap3A, %swap3A_12] : memref<2000x128xf32, #tpu.memory_space<vmem>>, vector<2000x128xf32>
    tpu.vector_store %arg4[%swap3A, %swap3A_12], %max3A_11 {strides = array<i32>} : memref<2000x128xf32, #tpu.memory_space<vmem>>, vector<2000x128xf32>,
    return
  }
  func.func @transform_0(%arg0: i32) -> (i32, i32) {
    %c0_i32 = arith.constant 0 : i32
    %c0_i32_0 = arith.constant 0 : i32
    return %arg0, %c0_i32 : i32, i32
  }
  func.func @transform_1(%arg0: i32) -> (i32, i32) {
    %c0_i32 = arith.constant 0 : i32
    %c0_i32_0 = arith.constant 0 : i32
    %c0_i32_1 = arith.constant 0 : i32
    return %c0_i32, %c0_i32_0 : i32, i32
  }
  func.func @transform_2(%arg0: i32) -> (i32, i32) {
    %c0_i32 = arith.constant 0 : i32
    %c0_i32_0 = arith.constant 0 : i32
    %c0_i32_1 = arith.constant 0 : i32
    return %c0_i32, %c0_i32_0 : i32, i32
  }
  func.func @transform_3(%arg0: i32) -> (i32, i32) {
    %c0_i32 = arith.constant 0 : i32
    %c0_i32_0 = arith.constant 0 : i32
    return %arg0, %c0_i32 : i32, i32
  }
}

module attributes {stable_mosaic.version = 14 : i64} {
  func.func @_mlp_body(%arg0: i32, %arg1: memref<2000x1536xf32, #tpu.memory_space<vmem>>, %arg2: memref<1536x128xf32, #tpu.memory_space<vmem>>, %arg3: memref<1x128xf32, #tpu.memory_space<vmem>>, %arg4: memref<128x64xf32, #tpu.memory_space<vmem>>, %arg5: memref<1x64xf32, #tpu.memory_space<vmem>>, %arg6: memref<64x128xf32, #tpu.memory_space<vmem>>, %arg7: memref<1x128xf32, #tpu.memory_space<vmem>>, %arg8: memref<2000x128xf32, #tpu.memory_space<vmem>>) attributes {dimension_semantics = [#tpu.dimension_semantics<arbitrary>], iteration_bounds = array<i64: 5>, scalar_prefetch = 0 : i64, scratch_operands = 0 : i64, tpu.core_type = #tpu.core_type<tc>, window_params = [{transform_indices = @transform_0, window_bounds = array<i64: 2000, 1536>}, {pipeline_mode = #tpu.pipeline_mode<synchronous>, transform_indices = @transform_1, window_bounds = array<i64: 1536, 128>}, {pipeline_mode = #tpu.pipeline_mode<synchronous>, transform_indices = @transform_2, window_bounds = array<i64: 1, 128>}, {pipeline_mode = #tpu.pipeline_mode<synchronous>, transform_indices = @transform_3, window_bounds = array<i64: 128, 64>}, {pipeline_mode = #tpu.pipeline_mode<synchronous>, transform_indices = @transform_4, window_bounds = array<i64: 1, 64>}, {pipeline_mode = #tpu.pipeline_mode<synchronous>, transform_indices = @transform_5, window_bounds = array<i64: 64, 128>}, {pipeline_mode = #tpu.pipeline_mode<synchronous>, transform_indices = @transform_6, window_bounds = array<i64: 1, 128>}, {transform_indices = @transform_7, window_bounds = array<i64: 2000, 128>}]} {
    %get3A = arith.constant 0 : index
    %get3A_0 = arith.constant 0 : index
    %get3A_1 = vector.load %arg1[%get3A, %get3A_0] : memref<2000x1536xf32, #tpu.memory_space<vmem>>, vector<2000x1536xf32>
    %get3A_2 = arith.constant 0 : index
    %get3A_3 = arith.constant 0 : index
    %get3A_4 = vector.load %arg2[%get3A_2, %get3A_3] : memref<1536x128xf32, #tpu.memory_space<vmem>>, vector<1536x128xf32>
    %dot_general3A = arith.constant dense<0.000000e+00> : vector<2000x128xf32>
    %dot_general3A_5 = tpu.matmul %get3A_1, %get3A_4, %dot_general3A {dimension_numbers = #tpu.dot_dimension_numbers<[1], [0], [0], [1], [0, 0, 1, 1], [], []>, transpose_lhs_hint = false} : vector<2000x1536xf32>, vector<1536x128xf32>, vector<2000x128xf32> -> vector<2000x128xf32>
    %get3A_6 = arith.constant 0 : index
    %get3A_7 = arith.constant 0 : index
    %get3A_8 = vector.load %arg3[%get3A_6, %get3A_7] : memref<1x128xf32, #tpu.memory_space<vmem>>, vector<1x128xf32>
    %add3A = vector.broadcast %get3A_8 : vector<1x128xf32> to vector<2000x128xf32>
    %add3A_9 = arith.addf %dot_general3A_5, %add3A : vector<2000x128xf32>
    %max3A = arith.constant 0.000000e+00 : f32
    %max3A_10 = vector.broadcast %max3A : f32 to vector<2000x128xf32>
    %max3A_11 = arith.maximumf %add3A_9, %max3A_10 : vector<2000x128xf32>
    %get3A_12 = arith.constant 0 : index
    %get3A_13 = arith.constant 0 : index
    %get3A_14 = vector.load %arg4[%get3A_12, %get3A_13] : memref<128x64xf32, #tpu.memory_space<vmem>>, vector<128x64xf32>
    %dot_general3A_15 = arith.constant dense<0.000000e+00> : vector<2000x64xf32>
    %dot_general3A_16 = tpu.matmul %max3A_11, %get3A_14, %dot_general3A_15 {dimension_numbers = #tpu.dot_dimension_numbers<[1], [0], [0], [1], [0, 0, 1, 1], [], []>, transpose_lhs_hint = false} : vector<2000x128xf32>, vector<128x64xf32>, vector<2000x64xf32> -> vector<2000x64xf32>
    %get3A_17 = arith.constant 0 : index
    %get3A_18 = arith.constant 0 : index
    %get3A_19 = vector.load %arg5[%get3A_17, %get3A_18] : memref<1x64xf32, #tpu.memory_space<vmem>>, vector<1x64xf32>
    %add3A_20 = vector.broadcast %get3A_19 : vector<1x64xf32> to vector<2000x64xf32>
    %add3A_21 = arith.addf %dot_general3A_16, %add3A_20 : vector<2000x64xf32>
    %max3A_22 = arith.constant 0.000000e+00 : f32
    %max3A_23 = vector.broadcast %max3A_22 : f32 to vector<2000x64xf32>
    %max3A_24 = arith.maximumf %add3A_21, %max3A_23 : vector<2000x64xf32>
    %get3A_25 = arith.constant 0 : index
    %get3A_26 = arith.constant 0 : index
    %get3A_27 = vector.load %arg6[%get3A_25, %get3A_26] : memref<64x128xf32, #tpu.memory_space<vmem>>, vector<64x128xf32>
    %dot_general3A_28 = arith.constant dense<0.000000e+00> : vector<2000x128xf32>
    %dot_general3A_29 = tpu.matmul %max3A_24, %get3A_27, %dot_general3A_28 {dimension_numbers = #tpu.dot_dimension_numbers<[1], [0], [0], [1], [0, 0, 1, 1], [], []>, transpose_lhs_hint = false} : vector<2000x64xf32>, vector<64x128xf32>, vector<2000x128xf32> -> vector<2000x128xf32>
    %get3A_30 = arith.constant 0 : index
    %get3A_31 = arith.constant 0 : index
    %get3A_32 = vector.load %arg7[%get3A_30, %get3A_31] : memref<1x128xf32, #tpu.memory_space<vmem>>, vector<1x128xf32>
    %add3A_33 = vector.broadcast %get3A_32 : vector<1x128xf32> to vector<2000x128xf32>
    %add3A_34 = arith.addf %dot_general3A_29, %add3A_33 : vector<2000x128xf32>
    %swap3A = arith.constant 0 : index
    %swap3A_35 = arith.constant 0 : index
    %swap3A_36 = vector.load %arg8[%swap3A, %swap3A_35] : memref<2000x128xf32, #tpu.memory_space<vmem>>, vector<2000x128xf32>
    tpu.vector_store %arg8[%swap3A, %swap3A_35], %add3A_34 {strides = array<i32>} : memref<2000x128xf32, #tpu.memory_space<vmem>>, vector<2000x128xf32>,
    return
  }
  func.func @transform_0(%arg0: i32) -> (i32, i32) {
    %c0_i32 = arith.constant 0 : i32
    %c0_i32_0 = arith.constant 0 : i32
    return %arg0, %c0_i32 : i32, i32
  }
  func.func @transform_1(%arg0: i32) -> (i32, i32) {
    %c0_i32 = arith.constant 0 : i32
    %c0_i32_0 = arith.constant 0 : i32
    %c0_i32_1 = arith.constant 0 : i32
    return %c0_i32, %c0_i32_0 : i32, i32
  }
  func.func @transform_2(%arg0: i32) -> (i32, i32) {
    %c0_i32 = arith.constant 0 : i32
    %c0_i32_0 = arith.constant 0 : i32
    %c0_i32_1 = arith.constant 0 : i32
    return %c0_i32, %c0_i32_0 : i32, i32
  }
  func.func @transform_3(%arg0: i32) -> (i32, i32) {
    %c0_i32 = arith.constant 0 : i32
    %c0_i32_0 = arith.constant 0 : i32
    %c0_i32_1 = arith.constant 0 : i32
    return %c0_i32, %c0_i32_0 : i32, i32
  }
  func.func @transform_4(%arg0: i32) -> (i32, i32) {
    %c0_i32 = arith.constant 0 : i32
    %c0_i32_0 = arith.constant 0 : i32
    %c0_i32_1 = arith.constant 0 : i32
    return %c0_i32, %c0_i32_0 : i32, i32
  }
  func.func @transform_5(%arg0: i32) -> (i32, i32) {
    %c0_i32 = arith.constant 0 : i32
    %c0_i32_0 = arith.constant 0 : i32
    %c0_i32_1 = arith.constant 0 : i32
    return %c0_i32, %c0_i32_0 : i32, i32
  }
  func.func @transform_6(%arg0: i32) -> (i32, i32) {
    %c0_i32 = arith.constant 0 : i32
    %c0_i32_0 = arith.constant 0 : i32
    %c0_i32_1 = arith.constant 0 : i32
    return %c0_i32, %c0_i32_0 : i32, i32
  }
  func.func @transform_7(%arg0: i32) -> (i32, i32) {
    %c0_i32 = arith.constant 0 : i32
    %c0_i32_0 = arith.constant 0 : i32
    return %arg0, %c0_i32 : i32, i32
  }
}

</mosaic_0001>

<sc_bundles>
// kernel: kernel.10.cloned.1.call-start
scs
__scs_entry_jumppad:
0x0: {  	(pc) =	sbr.rel $0x88, $3  }
0x1: {  	(tag) =	ssettag $0x0;
	lr =	simm.s32 $0x1  }
0x2: {  	[smem:$0x3F7E] =	sst lr;
	_ =	strace $0xD0000000  }
0x3: {  	_ = 	snop  }
0x4: {  	_ = 	snop  }
0x5: {  	_ = 	snop  }
0x6: {  	_ = 	snop  }
0x7: {  	_ = 	snop  }
__scs_overlays_trampoline_lowered:
0x8: {  	[smem:$0x3F8D] =	sst s0  }
0x9: {  	[smem:$0x3F8E] =	sst s1  }
0xa: {  	[smem:$0x3F8F] =	sst s2  }
0xb: {  	[smem:$0x3F90] =	sst s3  }
0xc: {  	[smem:$0x3F91] =	sst s4  }
0xd: {  	[smem:$0x3F92] =	sst s5  }
0xe: {  	[smem:$0x3F93] =	sst s6  }
0xf: {  	[smem:$0x3F94] =	sst s7  }
0x10: {  	[smem:$0x3F95] =	sst s8  }
0x11: {  	[smem:$0x3F96] =	sst s9;
	s0 =	simm.s32 @!p0 $0x0  }
0x12: {  	s1 =	sld [smem:$0x3F7C];
	s0 =	simm.s32 @p0 $0x1  }
0x13: {  	[smem:$0x3F97] =	sst s0;
	s0 =	simm.s32 @!p1 $0x0  }
0x14: {  	s2 =	sld [smem:$0x3F7B];
	s0 =	simm.s32 @p1 $0x1  }
0x15: {  	[smem:$0x3F98] =	sst s0;
	s0 =	simm.s32 @!p2 $0x0  }
0x16: {  	s3 =	sld [smem:$0x3FDB];
	s0 =	simm.s32 @p2 $0x1  }
0x17: {  	s4 =	simm.s32 $0x1BF5;
	[smem:$0x3F9A] =	sst s0  }
0x18: {  	s0 =	sld [smem:$0x3F7D];
	_ =	swait.ge [sflag:s4], $0x0  }
0x19: {  	s7 =	sld [smem:$0x3F7E]  }
0x1a: {  	s8 =	sadd.s32 $0xFFFFE003, lr  }
0x1b: {  	s9 =	sadd.s32 $0xFFFFFEF7, lr;
	s5 =	simm.s32 $0xFFFFFFFF;
	p2 =	slt.u32 s8, $0xFFFFF086  }
0x1c: {  	p1 =	slt.u32 s9, $0xF7A;
	s5 =	simm.s32 @!p2 $0x0  }
0x1d: {  	s5 =	simm.s32 @p1 $0x1;
	p0 =	seq.s32 s7, s2  }
0x1e: {  	s7 =	smul.u32 @!p0 $0xF7A, s2;
	p2 =	seq.s32 @!p0 s5, $0x0  }
0x1f: {  	s9 =	smul.u32 $0xF7A, s1;
	s8 =	simm.s32 @!p0 $0x1BF5;
	p2 =	por !p2, p0  }
0x20: {  	[sflag:s8] =	ssyncset.s32 @!p0 $0xFFFFF086;
	s6 =	sadd.s32 @!p0 s3, s7;
	s7 =	simm.s32 @!p0 $0x108  }
0x21: {  	s3 =	sadd.s32 s3, s9;
	s6 =	sadd.s32 @!p0 $0x88, s6;
	s7 =	simm.s32 @p2 $0x1082  }
0x22: {  	[simem:s7], [sflag:s8] =	dma.local @!p0 [hbm:s6], $0xF7A  }
0x23: {  	s9 =	sor.u32 $0xD0000000, s2;
	s6 =	simm.s32 $0x108;
	_ =	swait.ge @!p0 [sflag:s8], $0x0  }
0x24: {  	s3 =	sadd.s32 $0x88, s3;
	s6 =	simm.s32 @!p1 $0x1082;
	[sflag:s4] =	ssyncset.s32 $0xFFFFF086  }
0x25: {  	[simem:s6], [sflag:s4] =	dma.local [hbm:s3], $0xF7A  }
0x26: {  	[smem:$0x3F7E] =	sst s1;
	(tag) =	ssettag s2;
	_ =	strace s9  }
0x27: {  	s1 =	sld [smem:$0x3F8E]  }
0x28: {  	s2 =	sld [smem:$0x3F8F]  }
0x29: {  	s4 =	sld [smem:$0x3F91]  }
0x2a: {  	p0 =	seq.s32 s5, $0x0;
	s5 =	sld [smem:$0x3F92]  }
0x2b: {  	s6 =	sld [smem:$0x3F93]  }
0x2c: {  	s7 =	sld [smem:$0x3F94]  }
0x2d: {  	s3 =	simm.s32 $0x108;
	s8 =	sld [smem:$0x3F95]  }
0x2e: {  	s3 =	simm.s32 @!p0 $0x1082;
	s9 =	sld [smem:$0x3F96]  }
0x2f: {  	lr =	sadd.s32 s0, s3;
	s0 =	sld [smem:$0x3F8D]  }
0x30: {  	s3 =	sld [smem:$0x3F90]  }
0x31: {  	[smem:$0x3F99] =	sst s10  }
0x32: {  	s10 =	sld [smem:$0x3F97];
	_ =	sdelay $0x3  }
0x33: {  	p0 =	seq.s32 s10, $0x1;
	s10 =	sld [smem:$0x3F99];
	_ =	sdelay $0x3  }
0x34: {  	[smem:$0x3F99] =	sst s10  }
0x35: {  	s10 =	sld [smem:$0x3F98];
	_ =	sdelay $0x3  }
0x36: {  	p1 =	seq.s32 s10, $0x1;
	s10 =	sld [smem:$0x3F99];
	_ =	sdelay $0x3  }
0x37: {  	[smem:$0x3F99] =	sst s10  }
0x38: {  	s10 =	sld [smem:$0x3F9A]  }
0x39: {  	_ = 	snop;
	(pc) =	sbr.ind lr, $3  }
0x3a: {  	_ = 	snop  }
0x3b: {  	_ = 	snop  }
0x3c: {  	p2 =	seq.s32 s10, $0x1;
	s10 =	sld [smem:$0x3F99]  }
0x3d: {  	_ =	shalt  }
0x3e: {  	_ =	shalt  }
0x3f: {  	_ =	shalt  }
0x40: {  	_ =	shalt  }
0x41: {  	_ =	shalt  }
0x42: {  	_ =	shalt  }
0x43: {  	_ =	shalt  }
0x44: {  	_ =	shalt  }
0x45: {  	_ =	shalt  }
0x46: {  	_ =	shalt  }
0x47: {  	_ =	shalt  }
0x48: {  	_ =	shalt  }
0x49: {  	_ =	shalt  }
0x4a: {  	_ =	shalt  }
0x4b: {  	_ =	shalt  }
0x4c: {  	_ =	shalt  }
0x4d: {  	_ =	shalt  }
0x4e: {  	_ =	shalt  }
0x4f: {  	_ =	shalt  }
0x50: {  	_ =	shalt  }
0x51: {  	_ =	shalt  }
0x52: {  	_ =	shalt  }
0x53: {  	_ =	shalt  }
0x54: {  	_ =	shalt  }
0x55: {  	_ =	shalt  }
0x56: {  	_ =	shalt  }
0x57: {  	_ =	shalt  }
0x58: {  	_ =	shalt  }
0x59: {  	_ =	shalt  }
0x5a: {  	_ =	shalt  }
0x5b: {  	_ =	shalt  }
0x5c: {  	_ =	shalt  }
0x5d: {  	_ =	shalt  }
0x5e: {  	_ =	shalt  }
0x5f: {  	_ =	shalt  }
0x60: {  	_ =	shalt  }
0x61: {  	_ =	shalt  }
0x62: {  	_ =	shalt  }
0x63: {  	_ =	shalt  }
0x64: {  	_ =	shalt  }
0x65: {  	_ =	shalt  }
0x66: {  	_ =	shalt  }
0x67: {  	_ =	shalt  }
0x68: {  	_ =	shalt  }
0x69: {  	_ =	shalt  }
0x6a: {  	_ =	shalt  }
0x6b: {  	_ =	shalt  }
0x6c: {  	_ =	shalt  }
0x6d: {  	_ =	shalt  }
0x6e: {  	_ =	shalt  }
0x6f: {  	_ =	shalt  }
0x70: {  	_ =	shalt  }
0x71: {  	_ =	shalt  }
0x72: {  	_ =	shalt  }
0x73: {  	_ =	shalt  }
0x74: {  	_ =	shalt  }
0x75: {  	_ =	shalt  }
0x76: {  	_ =	shalt  }
0x77: {  	_ =	shalt  }
0x78: {  	_ =	shalt  }
0x79: {  	_ =	shalt  }
0x7a: {  	_ =	shalt  }
0x7b: {  	_ =	shalt  }
0x7c: {  	_ =	shalt  }
0x7d: {  	_ =	shalt  }
0x7e: {  	_ =	shalt  }
0x7f: {  	_ =	shalt  }
0x80: {  	_ =	shalt  }
0x81: {  	_ =	shalt  }
0x82: {  	_ =	shalt  }
0x83: {  	_ =	shalt  }
0x84: {  	_ =	shalt  }
0x85: {  	_ =	shalt  }
0x86: {  	_ =	shalt  }
0x87: {  	_ =	shalt  }
.Lfunc_end0:
.L_simem_size_0:
called_computation.1_lowered:
.L_overlay_start_0:
0x88: {  	s2 =	sld [smem:$0x3FD9]  }
0x89: {  	s3 =	sld [smem:$0x3FFE];
	_ =	sdelay $0x1  }
0x8a: {  	s1 =	srdreg.scid  }
0x8b: {  	s0 =	sand.u32 $0x1, s1  }
0x8c: {  	s17 =	sshll.u32 s0, $0xA;
	s2 =	sadd.s32 s3, s2  }
0x8d: {  	s2 =	sadd.s32 s2, s17  }
0x8e: {  	[smem:$0x3FA5] =	sst s2  }
0x8f: {  	_ = 	snop  }
0x90: {  	s2 =	sld [smem:$0x3FAD];
	(tm) =	ssettm $0x1  }
0x91: {  	s18 =	sld [smem:$0x3FFB];
	_ =	sdelay $0x3  }
0x92: {  	_ =	strace s18  }
0x93: {  	s3 =	sld [smem:$0x3FFC];
	_ =	sdelay $0x3  }
0x94: {  	_ =	strace s3  }
0x95: {  	s3 =	sld [smem:$0x3FFD];
	_ =	sdelay $0x3  }
0x96: {  	_ =	strace s3  }
0x97: {  	_ =	strace $0x8FFFFFFF  }
0x98: {  	s19 =	sld [smem:$0x3FDB];
	_ =	sdelay $0x1  }
0x99: {  	s4 =	simm.s32 $_scs_section_size  }
0x9a: {  	s5 =	simm.s32 $_size__tile_overlayer_lowered;
	s6 =	simm.s32 $_tile_overlayer_lowered  }
0x9b: {  	s22 =	simm.s32 $0x1BFF;
	s21 =	sshll.u32 s6, $0x1;
	s3 =	sadd.s32 s4, s19  }
0x9c: {  	s7 =	simm.s32 $0x0;
	s20 =	sshll.u32 s5, $0x1;
	s5 =	sadd.s32 s21, s3  }
0x9d: {  	[timem:s7], [sflag:s22] =	dma.local [hbm:s5], s20  }
0x9e: {  	_ =	swait.ge [sflag:s22], s20  }
0x9f: {  	s4 =	ssub.s32 $0x0, s20;
	[sflag:s22] =	ssyncset.done $0x0  }
0xa0: {  	[sflag:s22] =	ssyncadd.s32 s4;
	_ =	sdelay $0x1  }
0xa1: {  	s23 =	simm.s32 $0x1B8B  }
0xa2: {  	_ =	swait.ge [sflag:s23], $0x1  }
0xa3: {  	[sflag:s23] =	ssyncset.done $0x0  }
0xa4: {  	s25 =	simm.s32 $0x1B8E;
	s24 =	sld [smem:$0x3FFE];
	[sflag:s23] =	ssyncadd.s32 $0xFFFFFFFF  }
0xa5: {  	s26 =	simm.s32 $execute0_lowered;
	[smem:$0x3FD2] =	sst s25  }
0xa6: {  	s5 =	sshll.u32 s26, $0x1;
	_ =	strace $0x80000049;
	[dreg:$0x1] =	wrdreg $0xFFFFFFFF  }
0xa7: {  	s28 =	simm.s32 $_size_execute0_lowered;
	s3 =	sadd.s32 s3, s5;
	[dreg:$0x0] =	wrdreg $0x0  }
0xa8: {  	s5 =	sshll.u32 s28, $0x1;
	[dreg:$0x2] =	wrdreg s3  }
0xa9: {  	[dreg:$0x3] =	wrdreg s5  }
0xaa: {  	[dreg:$0x4] =	wrdreg $0xC0  }
0xab: {  	_ =	task [dreg:s7], $0x5FFFF  }
0xac: {  	[dreg:$0x1] =	wrdreg $0xFFFFFFFF  }
0xad: {  	[dreg:$0x0] =	wrdreg $0x60  }
0xae: {  	[dreg:$0x2] =	wrdreg s24  }
0xaf: {  	[dreg:$0x3] =	wrdreg s2  }
0xb0: {  	[dreg:$0x4] =	wrdreg $0x136D00  }
0xb1: {  	[dreg:$0x5] =	wrdreg $0x139500  }
0xb2: {  	[dreg:$0x6] =	wrdreg $0x13BD00  }
0xb3: {  	[dreg:$0x7] =	wrdreg $0x9  }
0xb4: {  	_ =	task.clear_ibuf [dreg:s7], $0x8FFFF;
	_ =	strace $0x90000049  }
0xb5: {  	s29 =	simm.s32 $0x9;
	_ =	strace $0x8000004B  }
0xb6: {  	_ =	swait.ge [sflag:s29], $0x1  }
0xb7: {  	[sflag:s29] =	ssyncadd.s32 $0xFFFFFFFF  }
0xb8: {  	_ =	strace $0x9000004B  }
0xb9: {  	_ =	sfence  }
0xba: {  	s30 =	sld [smem:$0x0];
	_ =	sdelay $0x2  }
0xbb: {  	s31 =	sshll.u32 s1, $0xD;
	s1 =	sshrl.u32 s1, $0x2  }
0xbc: {  	s3 =	sand.u32 $0x4000, s31;
	s1 =	sadd.s32 s1, s30  }
0xbd: {  	s0 =	sor.u32 s3, s0;
	s1 =	sshll.u32 s1, $0x11  }
0xbe: {  	s0 =	sor.u32 s1, s0  }
0xbf: {  	s0 =	sadd.s32 $0x8F2B, s0  }
0xc0: {  	[sflag:s0] =	ssyncadd.remote.s32 $0x1  }
0xc1: {  	_ =	sfence.sel $0xFFFF  }
0xc2: {  	[dreg:$0x0] =	wrdreg $0xFFFFFFFF;
	(pc) =	sbr.abs _section_cstart, $3  }
0xc3: {  	[dreg:$0x1] =	wrdreg $0xFFFFFFFF  }
0xc4: {  	_ =	task.clear_ibuf [dreg:s7], $0x2FFFF;
	_ =	strace $0x9FFFFFFF  }
0xc5: {  	(tm) =	ssettm $0x7FFFFFFF  }
tec
execute0_lowered:
.L_overlay_start_1:
0x0: {  	(tag) =	ssettag $0x1  }
0x1: {  	s0 =	rddreg [dreg:$0x0]  }
0x2: {  	s4 =	rddreg [dreg:$0x1]  }
0x3: {  	s1 =	rddreg [dreg:$0x2]  }
0x4: {  	s2 =	rddreg [dreg:$0x3]  }
0x5: {  	s3 =	rddreg [dreg:$0x4];
	s24 =	simm.s32 $0x0;
	s16 =	srdreg.scid  }
0x6: {  	s7 =	stileid.u32;
	[smem:$0x7FF] =	sst s24;
	s5 =	sadd.s32 $0x3C600, s0  }
0x7: {  	s11 =	sadd.s32 $0x278200, s0;
	_ =	strace $0x8000004A;
	[dreg:$0x6] =	wrdreg s5  }
0x8: {  	s30 =	simm.s32 $0x2;
	s12 =	sadd.s32 $0x8E00, s0;
	[dreg:$0x7] =	wrdreg s11  }
0x9: {  	s29 =	simm.s32 $0x7800;
	s13 =	sadd.s32 $0x5600, s0;
	[dreg:$0x8] =	wrdreg s12  }
0xa: {  	s31 =	simm.s32 $0xF200;
	s14 =	sadd.s32 $0x5400, s0;
	[dreg:$0x9] =	wrdreg s13  }
0xb: {  	s15 =	sadd.s32 $0xDA00, s0;
	s6 =	sadd.s32 $0x73600, s0;
	[dreg:$0xa] =	wrdreg s14  }
0xc: {  	s22 =	sadd.s32 $0x73E00, s0;
	[dreg:$0xb] =	wrdreg s15;
	s12 =	sadd.s32 $0xC600, s0  }
0xd: {  	[dreg:$0xc] =	wrdreg s6;
	s5 =	sand.u32 $0x1, s16;
	s11 =	smul.u32 $0x280, s7  }
0xe: {  	s15 =	sadd.s32 $0xDC00, s0;
	s7 =	smul.u32 $0x28000, s7;
	[dreg:$0x11] =	wrdreg s22  }
0xf: {  	s16 =	simm.s32 $0xF000;
	s17 =	ssub.s32 $0x2, s5;
	s10 =	smul.u32 $0x2800, s5  }
0x10: {  	s9 =	sshll.u32 s5, $0x3;
	p0 =	seq.s32 s5, $0x1;
	s21 =	smul.u32 $0xB, s5  }
0x11: {  	s5 =	simm.s32 $0xF400;
	s8 =	sshrl.u32 s17, $0x1;
	s4 =	sadd.s32 s4, s9  }
0x12: {  	s18 =	sshrl.u32 s7, $0x2;
	s19 =	sadd.s32 s11, s1;
	[dreg:$0xd] =	wrdreg s11  }
0x13: {  	s9 =	simm.s32 $0xF100;
	s7 =	simm.s32 $0xA000;
	s6 =	ssub.s32 s17, s8  }
0x14: {  	[dreg:$0xe] =	wrdreg s4;
	s17 =	sadd.s32 s18, s3;
	s20 =	sadd.s32 s11, s10  }
0x15: {  	s8 =	simm.s32 $0x467200;
	[dreg:$0x10] =	wrdreg s21;
	s25 =	sshrl.u32 s19, $0x3  }
0x16: {  	v0 =	vmov s10;
	s10 =	simm.s32 $0x13450;
	s4 =	sshll.u32 s20, $0x3;
	s8 =	simm.s32 @!p0 $0x2AF200  }
0x17: {  	s23 =	smax.u32 s6, $0x1;
	[dreg:$0x14] =	wrdreg s25;
	s25 =	sadd.s32 s11, s2  }
0x18: {  	s26 =	sadd.s32 $0x4000, s17;
	s28 =	sadd.s32 $0x8000, s17;
	[dreg:$0x13] =	wrdreg s23  }
0x19: {  	s6 =	simm.s32 $0x1;
	s11 =	simm.s32 $0x0;
	[dreg:$0x15] =	wrdreg s26  }
0x1a: {  	s4 =	sadd.s32 s15, s4;
	s21 =	sadd.s32 s8, s0;
	[dreg:$0x16] =	wrdreg s28  }
0x1b: {  	s0 =	sadd.s32 $0x74600, s0;
	s23 =	simm.s32 $0x100;
	[dreg:$0xf] =	wrdreg s4  }
0x1c: {  	v1 =	vimm.f32 $1.000000000e+00;
	v2 =	vimm.f32 $0.0e+00;
	s8 =	simm.s32 $0xF300;
	[dreg:$0x12] =	wrdreg s0;
	s0 =	simm.s32 $0x5000  }
.LBB2_1:
0x1d: {  	[dreg:$0x17] =	wrdreg s11  }
0x1e: {  	s4 =	rddreg [dreg:$0xe];
	s26 =	simm.s32 $0x13410  }
0x1f: {  	[tilespmem:s26], [sflag:$0x2] =	stream.linear.gather [hbm4b:s4+s24], $0x40, $0x38;
	[tilespmem:$0x1DBD0] =	vst v63  }
0x20: {  	_ =	swait.ge [sflag:s30], $0x40  }
0x21: {  	[sflag:s30] =	ssyncset.done $0x0  }
0x22: {  	[sflag:s30] =	ssyncadd.s32 $0xFFFFFFC0  }
0x23: {  	[tilespmem:$0xF000] =	vst v1  }
0x24: {  	[tilespmem:$0xF010] =	vst v1  }
0x25: {  	[tilespmem:$0xF020] =	vst v1  }
0x26: {  	[tilespmem:$0xF030] =	vst v1  }
0x27: {  	[tilespmem:$0xF040] =	vst v1  }
0x28: {  	[tilespmem:$0xF050] =	vst v1  }
0x29: {  	[tilespmem:$0xF060] =	vst v1  }
0x2a: {  	[tilespmem:$0xF070] =	vst v1  }
0x2b: {  	[tilespmem:$0xF080] =	vst v1  }
0x2c: {  	[tilespmem:$0xF090] =	vst v1  }
0x2d: {  	[tilespmem:$0xF0A0] =	vst v1  }
0x2e: {  	[tilespmem:$0xF0B0] =	vst v1  }
0x2f: {  	[tilespmem:$0xF0C0] =	vst v1  }
0x30: {  	s28 =	stileid.u32;
	[tilespmem:$0xF0D0] =	vst v1  }
0x31: {  	s4 =	sshll.u32 s28, $0x6;
	[tilespmem:$0xF0E0] =	vst v1  }
0x32: {  	s14 =	simm.s32 $0x0;
	s13 =	sor.u32 $0x1C02, s4;
	[tilespmem:$0xF0F0] =	vst v1  }
.LBB2_2:
0x33: {  	s11 =	rddreg [dreg:$0xb]  }
0x34: {  	s4 =	rddreg [dreg:$0x14]  }
0x35: {  	[spmem:s4], [sflag:s13] =	dma.local [hbm:s11], $0x50  }
0x36: {  	_ =	swait.ge [sflag:s30], $0x50  }
0x37: {  	[sflag:s30] =	ssyncset.done $0x0  }
0x38: {  	s28 =	sshrl.u32 s25, $0x3;
	[sflag:s30] =	ssyncadd.s32 $0xFFFFFFB0  }
0x39: {  	[spmem:s28], [sflag:s13] =	dma.local [hbm:s11], $0x50  }
0x3a: {  	_ =	swait.ge [sflag:s30], $0x50  }
0x3b: {  	s19 =	stileid.u32;
	s11 =	sshll.u32 s14, $0x4;
	[sflag:s30] =	ssyncset.done $0x0  }
0x3c: {  	s18 =	sshrl.u32 s17, $0x3;
	s4 =	sor.u32 s19, s11;
	[sflag:s30] =	ssyncadd.s32 $0xFFFFFFB0  }
0x3d: {  	[spmem:s18], [sflag:s13] =	dma.local [hbm:s12], $0x1400  }
0x3e: {  	s4 =	smul.u32 $0x500, s4;
	_ =	swait.ge [sflag:s30], $0x1400  }
0x3f: {  	[sflag:s30] =	ssyncset.done $0x0;
	s20 =	rddreg [dreg:$0x6]  }
0x40: {  	[sflag:s30] =	ssyncadd.s32 $0xFFFFEC00;
	s19 =	sadd.s32 s20, s4;
	s20 =	simm.s32 $0x0  }
0x41: {  	[tilespmem:s20], [sflag:$0x2] =	stream.linear.gather [hbm4b:s19+s20], $0x2800, $0x38;
	[tilespmem:$0x1DBD0] =	vst v63  }
0x42: {  	_ =	swait.ge [sflag:s30], $0x2800  }
0x43: {  	s24 =	simm.s32 $0x2800;
	[sflag:s30] =	ssyncset.done $0x0;
	s22 =	rddreg [dreg:$0x7]  }
0x44: {  	s19 =	smul.u32 $0x2800, s14;
	[sflag:s30] =	ssyncadd.s32 $0xFFFFD800;
	s4 =	sadd.s32 s22, s4  }
0x45: {  	[tilespmem:s24], [sflag:$0x2] =	stream.linear.gather [hbm4b:s4+s20], $0x2800, $0x38;
	[tilespmem:$0x1DBD0] =	vst v63  }
0x46: {  	_ =	swait.ge [sflag:s30], $0x2800  }
0x47: {  	s26 =	sshrl.u32 s19, $0x3;
	[sflag:s30] =	ssyncset.done $0x0;
	s28 =	rddreg [dreg:$0x8]  }
0x48: {  	[sflag:s30] =	ssyncadd.s32 $0xFFFFD800;
	s22 =	sadd.s32 s28, s26  }
0x49: {  	[tilespmem:s0], [sflag:$0x2] =	stream.linear.gather [hbm4b:s22+s20], $0x2800, $0x38;
	[tilespmem:$0x1DBD0] =	vst v63  }
0x4a: {  	_ =	swait.ge [sflag:s30], $0x2800  }
0x4b: {  	[sflag:s30] =	ssyncset.done $0x0;
	s22 =	rddreg [dreg:$0x9]  }
0x4c: {  	[sflag:s30] =	ssyncadd.s32 $0xFFFFD800;
	s4 =	sadd.s32 s22, s26  }
0x4d: {  	[tilespmem:s29], [sflag:$0x2] =	stream.linear.gather [hbm4b:s4+s20], $0x2800, $0x38;
	[tilespmem:$0x1DBD0] =	vst v63  }
0x4e: {  	_ =	swait.ge [sflag:s30], $0x2800  }
0x4f: {  	s24 =	sshll.u32 s14, $0x1;
	[sflag:s30] =	ssyncset.done $0x0;
	s26 =	rddreg [dreg:$0xa]  }
0x50: {  	s28 =	simm.s32 $0x13400;
	[sflag:s30] =	ssyncadd.s32 $0xFFFFD800;
	s4 =	sadd.s32 s26, s24  }
0x51: {  	[tilespmem:s28], [sflag:$0x2] =	stream.linear.gather [hbm4b:s4+s20], $0x10, $0x38;
	[tilespmem:$0x1DBD0] =	vst v63  }
0x52: {  	_ =	swait.ge [sflag:s30], $0x10  }
0x53: {  	[sflag:s30] =	ssyncset.done $0x0  }
0x54: {  	[sflag:s30] =	ssyncadd.s32 $0xFFFFFFF0  }
0x55: {  	s20 =	simm.s32 $0x0;
	[bflag:$0x0] =	sbarrier.arrive $0xFFFF  }
0x56: {  	v3 =	vld [tilespmem:s20+$0x2800]  }
0x57: {  	v4 =	vld [tilespmem:s20+$0x0];
	_ =	sdelay $0x6  }
0x58: {  	v5 =	vld.idx.msk [tilespmem:v3+s29+$0x0], $0xffff  }
0x59: {  	v4 =	vld.idx.msk [tilespmem:v4+s0+$0x0], $0xffff;
	_ =	sdelay $0x4  }
0x5a: {  	v3 =	vld [tilespmem:$0x13400];
	v4 =	vadd.f32 v5, v4;
	_ =	sdelay $0x1  }
0x5b: {  	v5 =	vmul.f32 $2.000000030e-01, v4  }
0x5c: {  	vm0 =	vge.f32 v4, $0.0e+00  }
0x5d: {  	v4 =	vsel vm0, v4, v5  }
0x5e: {  	v4 =	vsub.f32 v4, v3;
	_ =	sdelay $0x1  }
0x5f: {  	v4 =	vmul.f32 $1.442695020e+00, v4;
	_ =	sdelay $0x1  }
0x60: {  	(erf) = vpow2.f32 v4;
	_ =	sdelay $0x1  }
0x61: {  	s4 =	simm.s32 $0x10  }
0x62: {  	s22 =	simm.s32 $0x80;
	v4 =	vld [tilespmem:s4+$0x2800]  }
.LBB2_3:
0x63: {  	p0 =	sne.s32 s22, $0x9FC0;
	v5 =	vld [tilespmem:s4+$0x0];
	_ =	sdelay $0x4  }
0x64: {  	v6 =	vpop (erf)  }
0x65: {  	[tilespmem:s20+$0xA000] =	vst v6;
	s20 =	smov.u32 s4  }
0x66: {  	v4 =	vld.idx.msk [tilespmem:v4+s29+$0x0], $0xffff  }
0x67: {  	v5 =	vld.idx.msk [tilespmem:v5+s0+$0x0], $0xffff;
	_ =	sdelay $0x5  }
0x68: {  	v4 =	vadd.f32 v4, v5;
	_ =	sdelay $0x1  }
0x69: {  	v5 =	vmul.f32 $2.000000030e-01, v4  }
0x6a: {  	vm0 =	vge.f32 v4, $0.0e+00  }
0x6b: {  	v4 =	vsel vm0, v4, v5  }
0x6c: {  	v4 =	vsub.f32 v4, v3;
	_ =	sdelay $0x1  }
0x6d: {  	v4 =	vmul.f32 $1.442695020e+00, v4  }
.Ltmp0:
0x6e: {  	(pc) =	sbr.rel @p0 .LBB2_3-.Ltmp0, $3  }
0x6f: {  	(erf) = vpow2.f32 v4;
	_ =	sdelay $0x1  }
0x70: {  	s4 =	sshra.s32 s22, $0x2  }
0x71: {  	s22 =	sadd.s32 $0x40, s22;
	v4 =	vld [tilespmem:s4+$0x2800]  }
0x72: {  	_ = 	snop  }
0x73: {  	v5 =	vld [tilespmem:s4+$0x0];
	_ =	sdelay $0x4  }
0x74: {  	v6 =	vpop (erf)  }
0x75: {  	[tilespmem:s20+$0xA000] =	vst v6  }
0x76: {  	v4 =	vld.idx.msk [tilespmem:v4+s29+$0x0], $0xffff  }
0x77: {  	v5 =	vld.idx.msk [tilespmem:v5+s0+$0x0], $0xffff;
	_ =	sdelay $0x4  }
0x78: {  	v4 =	vadd.f32 v4, v5;
	_ =	sdelay $0x1  }
0x79: {  	v5 =	vmul.f32 $2.000000030e-01, v4  }
0x7a: {  	vm0 =	vge.f32 v4, $0.0e+00  }
0x7b: {  	v4 =	vsel vm0, v4, v5  }
0x7c: {  	v3 =	vsub.f32 v4, v3;
	_ =	sdelay $0x1  }
0x7d: {  	v3 =	vmul.f32 $1.442695020e+00, v3;
	_ =	sdelay $0x1  }
0x7e: {  	(erf) = vpow2.f32 v3;
	_ =	sdelay $0x8  }
0x7f: {  	v3 =	vpop (erf)  }
0x80: {  	s26 =	simm.s32 $0x0;
	[tilespmem:s4+$0xA000] =	vst v3  }
0x81: {  	v3 =	vld [tilespmem:s26+$0x2800];
	_ =	sdelay $0x4  }
0x82: {  	[tilespmem:$0xF200] =	vst v3  }
0x83: {  	v3 =	vld [tilespmem:s26+$0x2810];
	_ =	sdelay $0x4  }
0x84: {  	[tilespmem:$0xF210] =	vst v3  }
0x85: {  	v3 =	vld [tilespmem:s26+$0x2820];
	_ =	sdelay $0x4  }
0x86: {  	[tilespmem:$0xF220] =	vst v3  }
0x87: {  	v3 =	vld [tilespmem:s26+$0x2830];
	_ =	sdelay $0x4  }
0x88: {  	[tilespmem:$0xF230] =	vst v3  }
0x89: {  	v3 =	vld [tilespmem:s26+$0x2840];
	_ =	sdelay $0x4  }
0x8a: {  	[tilespmem:$0xF240] =	vst v3  }
0x8b: {  	v3 =	vld [tilespmem:s26+$0x2850];
	_ =	sdelay $0x4  }
0x8c: {  	[tilespmem:$0xF250] =	vst v3  }
0x8d: {  	v3 =	vld [tilespmem:s26+$0x2860];
	_ =	sdelay $0x4  }
0x8e: {  	[tilespmem:$0xF260] =	vst v3  }
0x8f: {  	v3 =	vld [tilespmem:s26+$0x2870];
	_ =	sdelay $0x4  }
0x90: {  	[tilespmem:$0xF270] =	vst v3  }
0x91: {  	v3 =	vld [tilespmem:s26+$0x2880];
	_ =	sdelay $0x4  }
0x92: {  	[tilespmem:$0xF280] =	vst v3  }
0x93: {  	v3 =	vld [tilespmem:s26+$0x2890];
	_ =	sdelay $0x4  }
0x94: {  	[tilespmem:$0xF290] =	vst v3  }
0x95: {  	v3 =	vld [tilespmem:s26+$0x28A0];
	_ =	sdelay $0x4  }
0x96: {  	[tilespmem:$0xF2A0] =	vst v3  }
0x97: {  	v3 =	vld [tilespmem:s26+$0x28B0];
	_ =	sdelay $0x4  }
0x98: {  	[tilespmem:$0xF2B0] =	vst v3  }
0x99: {  	v3 =	vld [tilespmem:s26+$0x28C0];
	_ =	sdelay $0x4  }
0x9a: {  	[tilespmem:$0xF2C0] =	vst v3  }
0x9b: {  	v3 =	vld [tilespmem:s26+$0x28D0];
	_ =	sdelay $0x4  }
0x9c: {  	[tilespmem:$0xF2D0] =	vst v3  }
0x9d: {  	v3 =	vld [tilespmem:s26+$0x28E0];
	_ =	sdelay $0x4  }
0x9e: {  	[tilespmem:$0xF2E0] =	vst v3  }
0x9f: {  	v3 =	vld [tilespmem:s26+$0x28F0];
	_ =	sdelay $0x4  }
0xa0: {  	s28 =	simm.s32 $0xA000;
	[tilespmem:$0xF2F0] =	vst v3  }
0xa1: {  	[spmem:s1] =	stream.indirect.scatter.add.f32 [tilespmem:s28], [sflag:$0x2], $0x1, s31, s23, $0xb8;
	[tilespmem:$0x1DBD0] =	vst v63  }
0xa2: {  	_ =	swait.ge [sflag:s30], $0x100  }
0xa3: {  	[sflag:s30] =	ssyncset.done $0x0  }
0xa4: {  	[sflag:s30] =	ssyncadd.s32 $0xFFFFFF00  }
0xa5: {  	[spmem:s2] =	stream.indirect.scatter.add.f32 [tilespmem:s16], [sflag:$0x2], $0x1, s31, s23, $0xb8;
	[tilespmem:$0x1DBD0] =	vst v63  }
0xa6: {  	_ =	swait.ge [sflag:s30], $0x100  }
0xa7: {  	s20 =	simm.s32 $0x400;
	s4 =	simm.s32 $0x800;
	[sflag:s30] =	ssyncset.done $0x0  }
.LBB2_5:
0xa8: {  	s24 =	sshra.s32 s20, $0x2  }
0xa9: {  	[sflag:s30] =	ssyncadd.s32 $0xFFFFFF00;
	s20 =	smov.u32 s4;
	s22 =	sadd.s32 $0x400, s4  }
0xaa: {  	p0 =	sne.s32 s4, $0x9C00;
	v3 =	vld [tilespmem:s24+$0x2800];
	_ =	sdelay $0x4  }
0xab: {  	[tilespmem:$0xF200] =	vst v3  }
0xac: {  	v3 =	vld [tilespmem:s24+$0x2810];
	_ =	sdelay $0x4  }
0xad: {  	[tilespmem:$0xF210] =	vst v3  }
0xae: {  	v3 =	vld [tilespmem:s24+$0x2820];
	_ =	sdelay $0x4  }
0xaf: {  	[tilespmem:$0xF220] =	vst v3  }
0xb0: {  	v3 =	vld [tilespmem:s24+$0x2830];
	_ =	sdelay $0x4  }
0xb1: {  	[tilespmem:$0xF230] =	vst v3  }
0xb2: {  	v3 =	vld [tilespmem:s24+$0x2840];
	_ =	sdelay $0x4  }
0xb3: {  	[tilespmem:$0xF240] =	vst v3  }
0xb4: {  	v3 =	vld [tilespmem:s24+$0x2850];
	_ =	sdelay $0x4  }
0xb5: {  	[tilespmem:$0xF250] =	vst v3  }
0xb6: {  	v3 =	vld [tilespmem:s24+$0x2860];
	_ =	sdelay $0x4  }
0xb7: {  	[tilespmem:$0xF260] =	vst v3  }
0xb8: {  	v3 =	vld [tilespmem:s24+$0x2870];
	_ =	sdelay $0x4  }
0xb9: {  	[tilespmem:$0xF270] =	vst v3  }
0xba: {  	v3 =	vld [tilespmem:s24+$0x2880];
	_ =	sdelay $0x4  }
0xbb: {  	[tilespmem:$0xF280] =	vst v3  }
0xbc: {  	v3 =	vld [tilespmem:s24+$0x2890];
	_ =	sdelay $0x4  }
0xbd: {  	[tilespmem:$0xF290] =	vst v3  }
0xbe: {  	v3 =	vld [tilespmem:s24+$0x28A0];
	_ =	sdelay $0x4  }
0xbf: {  	[tilespmem:$0xF2A0] =	vst v3  }
0xc0: {  	v3 =	vld [tilespmem:s24+$0x28B0];
	_ =	sdelay $0x4  }
0xc1: {  	[tilespmem:$0xF2B0] =	vst v3  }
0xc2: {  	v3 =	vld [tilespmem:s24+$0x28C0];
	_ =	sdelay $0x4  }
0xc3: {  	[tilespmem:$0xF2C0] =	vst v3  }
0xc4: {  	v3 =	vld [tilespmem:s24+$0x28D0];
	_ =	sdelay $0x4  }
0xc5: {  	[tilespmem:$0xF2D0] =	vst v3  }
0xc6: {  	v3 =	vld [tilespmem:s24+$0x28E0];
	_ =	sdelay $0x4  }
0xc7: {  	[tilespmem:$0xF2E0] =	vst v3  }
0xc8: {  	v3 =	vld [tilespmem:s24+$0x28F0];
	_ =	sdelay $0x4  }
0xc9: {  	s4 =	sadd.s32 $0xA000, s24;
	[tilespmem:$0xF2F0] =	vst v3  }
0xca: {  	[spmem:s1] =	stream.indirect.scatter.add.f32 [tilespmem:s4], [sflag:$0x2], $0x1, s31, s23, $0xb8;
	[tilespmem:$0x1DBD0] =	vst v63  }
0xcb: {  	_ =	swait.ge [sflag:s30], $0x100  }
.Ltmp1:
0xcc: {  	[sflag:s30] =	ssyncset.done $0x0;
	(pc) =	sbr.rel @p0 .LBB2_5-.Ltmp1, $4  }
0xcd: {  	[sflag:s30] =	ssyncadd.s32 $0xFFFFFF00  }
0xce: {  	[spmem:s2] =	stream.indirect.scatter.add.f32 [tilespmem:s16], [sflag:$0x2], $0x1, s31, s23, $0xb8;
	[tilespmem:$0x1DBD0] =	vst v63  }
0xcf: {  	_ =	swait.ge [sflag:s30], $0x100  }
0xd0: {  	s4 =	smov.u32 s22;
	[sflag:s30] =	ssyncset.done $0x0  }
0xd1: {  	s4 =	sshra.s32 s20, $0x2;
	[sflag:s30] =	ssyncadd.s32 $0xFFFFFF00  }
0xd2: {  	v3 =	vld [tilespmem:s4+$0x2800];
	_ =	sdelay $0x4  }
0xd3: {  	[tilespmem:$0xF200] =	vst v3  }
0xd4: {  	v3 =	vld [tilespmem:s4+$0x2810];
	_ =	sdelay $0x4  }
0xd5: {  	[tilespmem:$0xF210] =	vst v3  }
0xd6: {  	v3 =	vld [tilespmem:s4+$0x2820];
	_ =	sdelay $0x4  }
0xd7: {  	[tilespmem:$0xF220] =	vst v3  }
0xd8: {  	v3 =	vld [tilespmem:s4+$0x2830];
	_ =	sdelay $0x4  }
0xd9: {  	[tilespmem:$0xF230] =	vst v3  }
0xda: {  	v3 =	vld [tilespmem:s4+$0x2840];
	_ =	sdelay $0x4  }
0xdb: {  	[tilespmem:$0xF240] =	vst v3  }
0xdc: {  	v3 =	vld [tilespmem:s4+$0x2850];
	_ =	sdelay $0x4  }
0xdd: {  	[tilespmem:$0xF250] =	vst v3  }
0xde: {  	v3 =	vld [tilespmem:s4+$0x2860];
	_ =	sdelay $0x4  }
0xdf: {  	[tilespmem:$0xF260] =	vst v3  }
0xe0: {  	v3 =	vld [tilespmem:s4+$0x2870];
	_ =	sdelay $0x4  }
0xe1: {  	[tilespmem:$0xF270] =	vst v3  }
0xe2: {  	v3 =	vld [tilespmem:s4+$0x2880];
	_ =	sdelay $0x4  }
0xe3: {  	[tilespmem:$0xF280] =	vst v3  }
0xe4: {  	v3 =	vld [tilespmem:s4+$0x2890];
	_ =	sdelay $0x4  }
0xe5: {  	[tilespmem:$0xF290] =	vst v3  }
0xe6: {  	v3 =	vld [tilespmem:s4+$0x28A0];
	_ =	sdelay $0x4  }
0xe7: {  	[tilespmem:$0xF2A0] =	vst v3  }
0xe8: {  	v3 =	vld [tilespmem:s4+$0x28B0];
	_ =	sdelay $0x4  }
0xe9: {  	[tilespmem:$0xF2B0] =	vst v3  }
0xea: {  	v3 =	vld [tilespmem:s4+$0x28C0];
	_ =	sdelay $0x4  }
0xeb: {  	[tilespmem:$0xF2C0] =	vst v3  }
0xec: {  	v3 =	vld [tilespmem:s4+$0x28D0];
	_ =	sdelay $0x4  }
0xed: {  	[tilespmem:$0xF2D0] =	vst v3  }
0xee: {  	v3 =	vld [tilespmem:s4+$0x28E0];
	_ =	sdelay $0x4  }
0xef: {  	[tilespmem:$0xF2E0] =	vst v3  }
0xf0: {  	v3 =	vld [tilespmem:s4+$0x28F0];
	_ =	sdelay $0x4  }
0xf1: {  	s4 =	sadd.s32 $0xA000, s4;
	[tilespmem:$0xF2F0] =	vst v3  }
0xf2: {  	[spmem:s1] =	stream.indirect.scatter.add.f32 [tilespmem:s4], [sflag:$0x2], $0x1, s31, s23, $0xb8;
	[tilespmem:$0x1DBD0] =	vst v63  }
0xf3: {  	_ =	swait.ge [sflag:s30], $0x100  }
0xf4: {  	[sflag:s30] =	ssyncset.done $0x0  }
0xf5: {  	[sflag:s30] =	ssyncadd.s32 $0xFFFFFF00  }
0xf6: {  	[spmem:s2] =	stream.indirect.scatter.add.f32 [tilespmem:s16], [sflag:$0x2], $0x1, s31, s23, $0xb8;
	[tilespmem:$0x1DBD0] =	vst v63  }
0xf7: {  	_ =	swait.ge [sflag:s30], $0x100  }
0xf8: {  	[sflag:s30] =	ssyncset.done $0x0  }
0xf9: {  	[sflag:s30] =	ssyncadd.s32 $0xFFFFFF00  }
0xfa: {  	s26 =	simm.s32 $0x0;
	[bflag:$0x0] =	sbarrier.arrive $0xFFFF  }
0xfb: {  	v3 =	vld [tilespmem:s26+$0x2800];
	_ =	sdelay $0x4  }
0xfc: {  	[tilespmem:$0xF200] =	vst v3  }
0xfd: {  	v3 =	vld [tilespmem:s26+$0x2810];
	_ =	sdelay $0x4  }
0xfe: {  	[tilespmem:$0xF210] =	vst v3  }
0xff: {  	v3 =	vld [tilespmem:s26+$0x2820];
	_ =	sdelay $0x4  }
0x100: {  	[tilespmem:$0xF220] =	vst v3  }
0x101: {  	v3 =	vld [tilespmem:s26+$0x2830];
	_ =	sdelay $0x4  }
0x102: {  	[tilespmem:$0xF230] =	vst v3  }
0x103: {  	v3 =	vld [tilespmem:s26+$0x2840];
	_ =	sdelay $0x4  }
0x104: {  	[tilespmem:$0xF240] =	vst v3  }
0x105: {  	v3 =	vld [tilespmem:s26+$0x2850];
	_ =	sdelay $0x4  }
0x106: {  	[tilespmem:$0xF250] =	vst v3  }
0x107: {  	v3 =	vld [tilespmem:s26+$0x2860];
	_ =	sdelay $0x4  }
0x108: {  	[tilespmem:$0xF260] =	vst v3  }
0x109: {  	v3 =	vld [tilespmem:s26+$0x2870];
	_ =	sdelay $0x4  }
0x10a: {  	[tilespmem:$0xF270] =	vst v3  }
0x10b: {  	v3 =	vld [tilespmem:s26+$0x2880];
	_ =	sdelay $0x4  }
0x10c: {  	[tilespmem:$0xF280] =	vst v3  }
0x10d: {  	v3 =	vld [tilespmem:s26+$0x2890];
	_ =	sdelay $0x4  }
0x10e: {  	[tilespmem:$0xF290] =	vst v3  }
0x10f: {  	v3 =	vld [tilespmem:s26+$0x28A0];
	_ =	sdelay $0x4  }
0x110: {  	[tilespmem:$0xF2A0] =	vst v3  }
0x111: {  	v3 =	vld [tilespmem:s26+$0x28B0];
	_ =	sdelay $0x4  }
0x112: {  	[tilespmem:$0xF2B0] =	vst v3  }
0x113: {  	v3 =	vld [tilespmem:s26+$0x28C0];
	_ =	sdelay $0x4  }
0x114: {  	[tilespmem:$0xF2C0] =	vst v3  }
0x115: {  	v3 =	vld [tilespmem:s26+$0x28D0];
	_ =	sdelay $0x4  }
0x116: {  	[tilespmem:$0xF2D0] =	vst v3  }
0x117: {  	v3 =	vld [tilespmem:s26+$0x28E0];
	_ =	sdelay $0x4  }
0x118: {  	[tilespmem:$0xF2E0] =	vst v3  }
0x119: {  	v3 =	vld [tilespmem:s26+$0x28F0];
	_ =	sdelay $0x4  }
0x11a: {  	s28 =	simm.s32 $0xC800;
	[tilespmem:$0xF2F0] =	vst v3  }
0x11b: {  	[tilespmem:s28], [sflag:$0x2] =	stream.indirect.gather [spmem:s1], $0x1, s31, s23, $0xb8;
	[tilespmem:$0x1DBD0] =	vst v63  }
0x11c: {  	_ =	swait.ge [sflag:s30], $0x100  }
0x11d: {  	s20 =	simm.s32 $0x400;
	s4 =	simm.s32 $0x800;
	[sflag:s30] =	ssyncset.done $0x0  }
.LBB2_7:
0x11e: {  	s24 =	sshra.s32 s20, $0x2  }
0x11f: {  	[sflag:s30] =	ssyncadd.s32 $0xFFFFFF00;
	s20 =	smov.u32 s4;
	s22 =	sadd.s32 $0x400, s4  }
0x120: {  	p0 =	seq.s32 s4, $0x9C00;
	v3 =	vld [tilespmem:s24+$0x2800];
	_ =	sdelay $0x4  }
0x121: {  	[tilespmem:$0xF200] =	vst v3  }
0x122: {  	v3 =	vld [tilespmem:s24+$0x2810];
	_ =	sdelay $0x4  }
0x123: {  	[tilespmem:$0xF210] =	vst v3  }
0x124: {  	v3 =	vld [tilespmem:s24+$0x2820];
	_ =	sdelay $0x4  }
0x125: {  	[tilespmem:$0xF220] =	vst v3  }
0x126: {  	v3 =	vld [tilespmem:s24+$0x2830];
	_ =	sdelay $0x4  }
0x127: {  	[tilespmem:$0xF230] =	vst v3  }
0x128: {  	v3 =	vld [tilespmem:s24+$0x2840];
	_ =	sdelay $0x4  }
0x129: {  	[tilespmem:$0xF240] =	vst v3  }
0x12a: {  	v3 =	vld [tilespmem:s24+$0x2850];
	_ =	sdelay $0x4  }
0x12b: {  	[tilespmem:$0xF250] =	vst v3  }
0x12c: {  	v3 =	vld [tilespmem:s24+$0x2860];
	_ =	sdelay $0x4  }
0x12d: {  	[tilespmem:$0xF260] =	vst v3  }
0x12e: {  	v3 =	vld [tilespmem:s24+$0x2870];
	_ =	sdelay $0x4  }
0x12f: {  	[tilespmem:$0xF270] =	vst v3  }
0x130: {  	v3 =	vld [tilespmem:s24+$0x2880];
	_ =	sdelay $0x4  }
0x131: {  	[tilespmem:$0xF280] =	vst v3  }
0x132: {  	v3 =	vld [tilespmem:s24+$0x2890];
	_ =	sdelay $0x4  }
0x133: {  	[tilespmem:$0xF290] =	vst v3  }
0x134: {  	v3 =	vld [tilespmem:s24+$0x28A0];
	_ =	sdelay $0x4  }
0x135: {  	[tilespmem:$0xF2A0] =	vst v3  }
0x136: {  	v3 =	vld [tilespmem:s24+$0x28B0];
	_ =	sdelay $0x4  }
0x137: {  	[tilespmem:$0xF2B0] =	vst v3  }
0x138: {  	v3 =	vld [tilespmem:s24+$0x28C0];
	_ =	sdelay $0x4  }
0x139: {  	[tilespmem:$0xF2C0] =	vst v3  }
0x13a: {  	v3 =	vld [tilespmem:s24+$0x28D0];
	_ =	sdelay $0x4  }
0x13b: {  	[tilespmem:$0xF2D0] =	vst v3  }
0x13c: {  	v3 =	vld [tilespmem:s24+$0x28E0];
	_ =	sdelay $0x4  }
0x13d: {  	[tilespmem:$0xF2E0] =	vst v3  }
0x13e: {  	v3 =	vld [tilespmem:s24+$0x28F0];
	_ =	sdelay $0x3  }
.Ltmp2:
0x13f: {  	(pc) =	sbr.rel @!p0 .LBB2_7-.Ltmp2, $4  }
0x140: {  	s4 =	sadd.s32 $0xC800, s24;
	[tilespmem:$0xF2F0] =	vst v3  }
0x141: {  	[tilespmem:s4], [sflag:$0x2] =	stream.indirect.gather [spmem:s1], $0x1, s31, s23, $0xb8;
	[tilespmem:$0x1DBD0] =	vst v63  }
0x142: {  	_ =	swait.ge [sflag:s30], $0x100  }
0x143: {  	s4 =	smov.u32 s22;
	[sflag:s30] =	ssyncset.done $0x0  }
0x144: {  	s4 =	sshra.s32 s20, $0x2;
	[sflag:s30] =	ssyncadd.s32 $0xFFFFFF00  }
0x145: {  	v3 =	vld [tilespmem:s4+$0x2800];
	_ =	sdelay $0x4  }
0x146: {  	[tilespmem:$0xF200] =	vst v3  }
0x147: {  	v3 =	vld [tilespmem:s4+$0x2810];
	_ =	sdelay $0x4  }
0x148: {  	[tilespmem:$0xF210] =	vst v3  }
0x149: {  	v3 =	vld [tilespmem:s4+$0x2820];
	_ =	sdelay $0x4  }
0x14a: {  	[tilespmem:$0xF220] =	vst v3  }
0x14b: {  	v3 =	vld [tilespmem:s4+$0x2830];
	_ =	sdelay $0x4  }
0x14c: {  	[tilespmem:$0xF230] =	vst v3  }
0x14d: {  	v3 =	vld [tilespmem:s4+$0x2840];
	_ =	sdelay $0x4  }
0x14e: {  	[tilespmem:$0xF240] =	vst v3  }
0x14f: {  	v3 =	vld [tilespmem:s4+$0x2850];
	_ =	sdelay $0x4  }
0x150: {  	[tilespmem:$0xF250] =	vst v3  }
0x151: {  	v3 =	vld [tilespmem:s4+$0x2860];
	_ =	sdelay $0x4  }
0x152: {  	[tilespmem:$0xF260] =	vst v3  }
0x153: {  	v3 =	vld [tilespmem:s4+$0x2870];
	_ =	sdelay $0x4  }
0x154: {  	[tilespmem:$0xF270] =	vst v3  }
0x155: {  	v3 =	vld [tilespmem:s4+$0x2880];
	_ =	sdelay $0x4  }
0x156: {  	[tilespmem:$0xF280] =	vst v3  }
0x157: {  	v3 =	vld [tilespmem:s4+$0x2890];
	_ =	sdelay $0x4  }
0x158: {  	[tilespmem:$0xF290] =	vst v3  }
0x159: {  	v3 =	vld [tilespmem:s4+$0x28A0];
	_ =	sdelay $0x4  }
0x15a: {  	[tilespmem:$0xF2A0] =	vst v3  }
0x15b: {  	v3 =	vld [tilespmem:s4+$0x28B0];
	_ =	sdelay $0x4  }
0x15c: {  	[tilespmem:$0xF2B0] =	vst v3  }
0x15d: {  	v3 =	vld [tilespmem:s4+$0x28C0];
	_ =	sdelay $0x4  }
0x15e: {  	[tilespmem:$0xF2C0] =	vst v3  }
0x15f: {  	v3 =	vld [tilespmem:s4+$0x28D0];
	_ =	sdelay $0x4  }
0x160: {  	[tilespmem:$0xF2D0] =	vst v3  }
0x161: {  	v3 =	vld [tilespmem:s4+$0x28E0];
	_ =	sdelay $0x4  }
0x162: {  	[tilespmem:$0xF2E0] =	vst v3  }
0x163: {  	v3 =	vld [tilespmem:s4+$0x28F0];
	_ =	sdelay $0x4  }
0x164: {  	s4 =	sadd.s32 $0xC800, s4;
	[tilespmem:$0xF2F0] =	vst v3  }
0x165: {  	[tilespmem:s4], [sflag:$0x2] =	stream.indirect.gather [spmem:s1], $0x1, s31, s23, $0xb8;
	[tilespmem:$0x1DBD0] =	vst v63  }
0x166: {  	_ =	swait.ge [sflag:s30], $0x100  }
0x167: {  	[sflag:s30] =	ssyncset.done $0x0  }
0x168: {  	s22 =	simm.s32 $0x0;
	[sflag:s30] =	ssyncadd.s32 $0xFFFFFF00  }
0x169: {  	v3 =	vld [tilespmem:s22+$0xC800];
	_ =	sdelay $0x4  }
0x16a: {  	v3 =	vadd.f32 $1.000000020e-16, v3  }
0x16b: {  	s20 =	simm.s32 $0x10  }
0x16c: {  	v4 =	vld [tilespmem:s20+$0xC800];
	(erf) = vrcp.f32 v3;
	_ =	sdelay $0x4  }
0x16d: {  	v4 =	vadd.f32 $1.000000020e-16, v4;
	v3 =	vld [tilespmem:s22+$0xA000];
	_ =	sdelay $0x1  }
0x16e: {  	(erf) = vrcp.f32 v4  }
0x16f: {  	s24 =	simm.s32 $0xC0;
	s4 =	simm.s32 $0x20  }
.LBB2_9:
0x170: {  	p0 =	seq.s32 s24, $0x9FC0;
	v4 =	vld [tilespmem:s4+$0xC800];
	v5 =	vpop (erf)  }
0x171: {  	v3 =	vmul.f32 v5, v3;
	_ =	sdelay $0x1  }
.Ltmp3:
0x172: {  	[tilespmem:s22+$0xA000] =	vst v3;
	s22 =	smov.u32 s20;
	s20 =	smov.u32 s4;
	(pc) =	sbr.rel @!p0 .LBB2_9-.Ltmp3, $3  }
0x173: {  	v3 =	vld [tilespmem:s22+$0xA000]  }
0x174: {  	v4 =	vadd.f32 $1.000000020e-16, v4;
	_ =	sdelay $0x1  }
0x175: {  	s4 =	sshra.s32 s24, $0x2;
	s24 =	sadd.s32 $0x40, s24;
	(erf) = vrcp.f32 v4  }
0x176: {  	v4 =	vld [tilespmem:s4+$0xC800]  }
0x177: {  	v5 =	vpop (erf)  }
0x178: {  	v3 =	vmul.f32 v5, v3;
	_ =	sdelay $0x1  }
0x179: {  	[tilespmem:s22+$0xA000] =	vst v3  }
0x17a: {  	v3 =	vld [tilespmem:s20+$0xA000];
	v4 =	vadd.f32 $1.000000020e-16, v4;
	_ =	sdelay $0x2  }
0x17b: {  	(erf) = vrcp.f32 v4  }
0x17c: {  	v4 =	vpop (erf)  }
0x17d: {  	v3 =	vmul.f32 v4, v3;
	_ =	sdelay $0x1  }
0x17e: {  	[tilespmem:s20+$0xA000] =	vst v3  }
0x17f: {  	v3 =	vld [tilespmem:s4+$0xA000];
	_ =	sdelay $0x3  }
0x180: {  	v4 =	vpop (erf)  }
0x181: {  	v3 =	vmul.f32 v4, v3  }
0x182: {  	s24 =	simm.s32 $0x0  }
0x183: {  	s22 =	simm.s32 $0x0;
	s20 =	simm.s32 $0x2800;
	[tilespmem:s4+$0xA000] =	vst v3;
	v3 =	vmov s19;
	s19 =	simm.s32 $0x0  }
.LBB2_11:
0x184: {  	v5 =	vmov s22;
	_ =	sdelay $0x3  }
0x185: {  	v4 =	vmov s20;
	s4 =	simm.s32 $0x0;
	s26 =	simm.s32 $0x40  }
.LBB2_12:
0x186: {  	p0 =	sne.s32 s26, $0x3C0;
	v6 =	vld.idx.msk [tilespmem:v5+s4+$0x0 ss:$0x1], $0xffff;
	_ =	sdelay $0x5  }
0x187: {  	v6 =	vadd.s32 v3, v6  }
0x188: {  	[tilespmem:s4+$0xF100] =	vst v6  }
0x189: {  	v6 =	vld.idx.msk [tilespmem:v4+s4+$0x0 ss:$0x1], $0xffff;
	_ =	sdelay $0x1  }
.Ltmp4:
0x18a: {  	(pc) =	sbr.rel @p0 .LBB2_12-.Ltmp4, $2  }
0x18b: {  	_ =	sdelay $0x2  }
0x18c: {  	[tilespmem:s4+$0xF200] =	vst v6;
	s4 =	sshra.s32 s26, $0x2;
	s26 =	sadd.s32 $0x40, s26  }
0x18d: {  	_ =	sdelay $0x3  }
0x18e: {  	v5 =	vld.idx.msk [tilespmem:v5+s4+$0x0 ss:$0x1], $0xffff;
	_ =	sdelay $0x4  }
0x18f: {  	v5 =	vadd.s32 v3, v5  }
0x190: {  	[tilespmem:s4+$0xF100] =	vst v5  }
0x191: {  	v4 =	vld.idx.msk [tilespmem:v4+s4+$0x0 ss:$0x1], $0xffff;
	_ =	sdelay $0x4  }
0x192: {  	s26 =	sadd.s32 $0x0, s19;
	[tilespmem:s4+$0xF200] =	vst v4  }
0x193: {  	[tilespmem:s5], [sflag:$0x1] =	stream.indirect.gather [hbm4b:s21+s23], $0x40, s9, s23, $0xb8;
	[tilespmem:$0x1DBD0] =	vst v63  }
0x194: {  	v4 =	vmov s26;
	_ =	swait.ge [sflag:s6], $0x4000  }
0x195: {  	[sflag:s6] =	ssyncset.done $0x0  }
0x196: {  	s26 =	simm.s32 $0xF420;
	[sflag:s6] =	ssyncadd.s32 $0xFFFFC000  }
0x197: {  	v6 =	vld [tilespmem:s26+$0xFFFFFFF0]  }
0x198: {  	v7 =	vld [tilespmem:s26+$0x10]  }
0x199: {  	v9 =	vld.idx.msk [tilespmem:v4+s7+$0x0], $0xffff  }
0x19a: {  	v4 =	vld [tilespmem:s26+$0xFFFFFFE0]  }
0x19b: {  	v10 =	vld [tilespmem:s26+$0x0];
	_ =	sdelay $0x3  }
0x19c: {  	s11 =	sadd.s32 $0x1, s19;
	v5 =	vmul.f32 v4, v9;
	v8 =	vmul.f32 v7, v9  }
0x19d: {  	s28 =	simm.s32 $0x2;
	s4 =	simm.s32 $0xF420;
	v4 =	vmov s11;
	v7 =	vmul.f32 v6, v9;
	v6 =	vmul.f32 v10, v9  }
.LBB2_14:
0x19e: {  	p0 =	sne.s32 s28, $0xFF  }
0x19f: {  	[tilespmem:s26+$0x10] =	vst v8;
	s4 =	sadd.s32 $0x40, s4;
	s11 =	smov.u32 s28;
	s28 =	sadd.s32 $0x1, s28  }
0x1a0: {  	[tilespmem:s26+$0xFFFFFFE0] =	vst v5  }
0x1a1: {  	v9 =	vld [tilespmem:s4+$0xFFFFFFF0];
	[tilespmem:s26+$0xFFFFFFF0] =	vst v7  }
0x1a2: {  	v7 =	vld [tilespmem:s4+$0x10];
	[tilespmem:s26+$0x0] =	vst v6;
	s26 =	smov.u32 s4  }
0x1a3: {  	v6 =	vld.idx.msk [tilespmem:v4+s7+$0x0], $0xffff  }
0x1a4: {  	v4 =	vld [tilespmem:s4+$0xFFFFFFE0]  }
0x1a5: {  	v10 =	vld [tilespmem:s4+$0x0]  }
.Ltmp5:
0x1a6: {  	(pc) =	sbr.rel @p0 .LBB2_14-.Ltmp5, $3  }
0x1a7: {  	_ =	sdelay $0x1  }
0x1a8: {  	s11 =	sadd.s32 s11, s19;
	v8 =	vmul.f32 v7, v6;
	v5 =	vmul.f32 v4, v6  }
0x1a9: {  	v7 =	vmul.f32 v9, v6;
	v4 =	vmov s11;
	v6 =	vmul.f32 v10, v6  }
0x1aa: {  	[tilespmem:s26+$0x10] =	vst v8  }
0x1ab: {  	s4 =	sadd.s32 $0x40, s4;
	[tilespmem:s26+$0xFFFFFFE0] =	vst v5  }
0x1ac: {  	v5 =	vld [tilespmem:s4+$0xFFFFFFF0];
	[tilespmem:s26+$0xFFFFFFF0] =	vst v7  }
0x1ad: {  	v7 =	vld [tilespmem:s4+$0x10];
	[tilespmem:s26+$0x0] =	vst v6  }
0x1ae: {  	v4 =	vld.idx.msk [tilespmem:v4+s7+$0x0], $0xffff  }
0x1af: {  	v6 =	vld [tilespmem:s4+$0xFFFFFFE0];
	_ =	sdelay $0x1  }
0x1b0: {  	v8 =	vld [tilespmem:s4+$0x0];
	_ =	sdelay $0x1  }
0x1b1: {  	v7 =	vmul.f32 v7, v4  }
0x1b2: {  	v6 =	vmul.f32 v6, v4  }
0x1b3: {  	v5 =	vmul.f32 v5, v4;
	[tilespmem:s4+$0x10] =	vst v7  }
0x1b4: {  	s24 =	sadd.s32 $0x1, s24;
	v4 =	vmul.f32 v8, v4;
	[tilespmem:s4+$0xFFFFFFE0] =	vst v6  }
0x1b5: {  	p0 =	sne.s32 s24, $0x28;
	[tilespmem:s4+$0xFFFFFFF0] =	vst v5  }
.Ltmp6:
0x1b6: {  	[tilespmem:s4+$0x0] =	vst v4;
	(pc) =	sbr.rel @p0 .LBB2_11-.Ltmp6, $4  }
0x1b7: {  	[spmem:s3] =	stream.indirect.scatter.add.f32 [tilespmem:s5], [sflag:$0x2], $0x40, s31, s23, $0xb8;
	[tilespmem:$0x1DBD0] =	vst v63  }
0x1b8: {  	_ =	swait.ge [sflag:s30], $0x4000  }
0x1b9: {  	s20 =	sadd.s32 $0x100, s20;
	[sflag:s30] =	ssyncset.done $0x0  }
0x1ba: {  	s22 =	sadd.s32 $0x100, s22;
	s19 =	sadd.s32 $0x100, s19;
	[sflag:s30] =	ssyncadd.s32 $0xFFFFC000  }
0x1bb: {  	[bflag:$0x0] =	sbarrier.arrive $0xFFFF  }
0x1bc: {  	s4 =	rddreg [dreg:$0xf]  }
0x1bd: {  	[hbm:s4], [sflag:s13] =	dma.local [spmem:s18], $0x1400  }
0x1be: {  	_ =	swait.ge [sflag:s30], $0x1400  }
0x1bf: {  	[sflag:s30] =	ssyncset.done $0x0  }
0x1c0: {  	[sflag:s30] =	ssyncadd.s32 $0xFFFFEC00  }
0x1c1: {  	[spmem:s18], [sflag:s13] =	dma.local [hbm:s12], $0x1400  }
0x1c2: {  	_ =	swait.ge [sflag:s30], $0x1400  }
0x1c3: {  	[sflag:s30] =	ssyncset.done $0x0  }
0x1c4: {  	s19 =	simm.s32 $0x2800;
	s20 =	simm.s32 $0x0;
	[sflag:s30] =	ssyncadd.s32 $0xFFFFEC00  }
0x1c5: {  	s24 =	simm.s32 $0x0;
	s18 =	simm.s32 $0x0;
	[bflag:$0x0] =	sbarrier.arrive $0xFFFF  }
.LBB2_17:
0x1c6: {  	v4 =	vmov s18;
	_ =	sdelay $0x3  }
0x1c7: {  	v3 =	vmov s19;
	s4 =	simm.s32 $0x0;
	s22 =	simm.s32 $0x40  }
.LBB2_18:
0x1c8: {  	p0 =	sne.s32 s22, $0x3C0;
	v5 =	vld.idx.msk [tilespmem:v4+s4+$0x0 ss:$0x1], $0xffff;
	_ =	sdelay $0x5  }
0x1c9: {  	v5 =	vadd.s32 v0, v5  }
0x1ca: {  	[tilespmem:s4+$0xF300] =	vst v5  }
0x1cb: {  	v5 =	vld.idx.msk [tilespmem:v3+s4+$0x0 ss:$0x1], $0xffff;
	_ =	sdelay $0x1  }
.Ltmp7:
0x1cc: {  	(pc) =	sbr.rel @p0 .LBB2_18-.Ltmp7, $2  }
0x1cd: {  	_ =	sdelay $0x2  }
0x1ce: {  	[tilespmem:s4+$0xF200] =	vst v5;
	s4 =	sshra.s32 s22, $0x2;
	s22 =	sadd.s32 $0x40, s22  }
0x1cf: {  	_ =	sdelay $0x3  }
0x1d0: {  	v4 =	vld.idx.msk [tilespmem:v4+s4+$0x0 ss:$0x1], $0xffff;
	_ =	sdelay $0x4  }
0x1d1: {  	v4 =	vadd.s32 v0, v4  }
0x1d2: {  	[tilespmem:s4+$0xF300] =	vst v4  }
0x1d3: {  	v3 =	vld.idx.msk [tilespmem:v3+s4+$0x0 ss:$0x1], $0xffff;
	_ =	sdelay $0x4  }
0x1d4: {  	[tilespmem:s4+$0xF200] =	vst v3  }
0x1d5: {  	[tilespmem:s5], [sflag:$0x1] =	stream.indirect.gather [hbm4b:s15+s23], $0x40, s8, s23, $0xb8;
	[tilespmem:$0x1DBD0] =	vst v63  }
0x1d6: {  	s20 =	sadd.s32 $0x1, s20;
	_ =	swait.ge [sflag:s6], $0x4000  }
0x1d7: {  	p0 =	sne.s32 s20, $0x28;
	[sflag:s6] =	ssyncset.done $0x0  }
.Ltmp8:
0x1d8: {  	[sflag:s6] =	ssyncadd.s32 $0xFFFFC000;
	(pc) =	sbr.rel @p0 .LBB2_17-.Ltmp8, $4  }
0x1d9: {  	[spmem:s3] =	stream.indirect.scatter.add.f32 [tilespmem:s5], [sflag:$0x2], $0x40, s31, s23, $0xb8;
	[tilespmem:$0x1DBD0] =	vst v63  }
0x1da: {  	_ =	swait.ge [sflag:s30], $0x4000  }
0x1db: {  	[sflag:s30] =	ssyncset.done $0x0  }
0x1dc: {  	s18 =	sadd.s32 $0x100, s18;
	s19 =	sadd.s32 $0x100, s19;
	[sflag:s30] =	ssyncadd.s32 $0xFFFFC000  }
0x1dd: {  	[bflag:$0x0] =	sbarrier.arrive $0xFFFF  }
0x1de: {  	[tilespmem:s10], [sflag:$0x2] =	stream.linear.gather [spmem:s25], $0x280, $0x38;
	[tilespmem:$0x1DBD0] =	vst v63  }
0x1df: {  	_ =	swait.ge [sflag:s30], $0x280  }
0x1e0: {  	s4 =	simm.s32 $0x0;
	[sflag:s30] =	ssyncset.done $0x0  }
0x1e1: {  	v3 =	vmov s4;
	[sflag:s30] =	ssyncadd.s32 $0xFFFFFD80  }
0x1e2: {  	[tilespmem:s5], [sflag:$0x2] =	stream.linear.gather [spmem:s17], $0x4000, $0x38;
	[tilespmem:$0x1DBD0] =	vst v63  }
0x1e3: {  	_ =	swait.ge [sflag:s30], $0x4000  }
0x1e4: {  	[sflag:s30] =	ssyncset.done $0x0  }
0x1e5: {  	[sflag:s30] =	ssyncadd.s32 $0xFFFFC000  }
0x1e6: {  	v3 =	vld.idx.msk [tilespmem:v3+s10+$0x0], $0xffff;
	_ =	sdelay $0x4  }
0x1e7: {  	v4 =	vmax.f32 v3, $1.000000000e+00  }
0x1e8: {  	(erf) = vrcp.f32 v4;
	_ =	sdelay $0x3  }
0x1e9: {  	s18 =	simm.s32 $0xF420;
	v5 =	vld [tilespmem:$0x13410]  }
0x1ea: {  	v4 =	vld [tilespmem:s18+$0xFFFFFFE0];
	_ =	sdelay $0x2  }
0x1eb: {  	vm0 =	vgt.f32 v3, $0.0e+00  }
0x1ec: {  	v3 =	vsel vm0, $0x3F800000, v2;
	v6 =	vpop (erf)  }
0x1ed: {  	v5 =	vmul.f32 v3, v5;
	v4 =	vmul.f32 v6, v4;
	_ =	sdelay $0x1  }
0x1ee: {  	v4 =	vadd.f32 v5, v4;
	_ =	sdelay $0x1  }
0x1ef: {  	[tilespmem:s18+$0xFFFFFFE0] =	vst v4;
	v4 =	vld [tilespmem:s18+$0xFFFFFFF0]  }
0x1f0: {  	v5 =	vld [tilespmem:$0x13420];
	_ =	sdelay $0x4  }
0x1f1: {  	v4 =	vmul.f32 v4, v6;
	v5 =	vmul.f32 v5, v3;
	_ =	sdelay $0x1  }
0x1f2: {  	v4 =	vadd.f32 v5, v4;
	_ =	sdelay $0x1  }
0x1f3: {  	[tilespmem:s18+$0xFFFFFFF0] =	vst v4;
	v4 =	vld [tilespmem:s18+$0x0]  }
0x1f4: {  	v5 =	vld [tilespmem:$0x13430];
	_ =	sdelay $0x4  }
0x1f5: {  	v4 =	vmul.f32 v4, v6;
	v5 =	vmul.f32 v5, v3;
	_ =	sdelay $0x1  }
0x1f6: {  	v4 =	vadd.f32 v5, v4;
	_ =	sdelay $0x1  }
0x1f7: {  	[tilespmem:s18+$0x0] =	vst v4;
	v4 =	vld [tilespmem:s18+$0x10]  }
0x1f8: {  	v5 =	vld [tilespmem:$0x13440];
	_ =	sdelay $0x3  }
0x1f9: {  	s28 =	simm.s32 $0x1  }
0x1fa: {  	v4 =	vmul.f32 v4, v6;
	v5 =	vmul.f32 v5, v3;
	v3 =	vmov s28;
	_ =	sdelay $0x1  }
0x1fb: {  	s19 =	simm.s32 $0x2;
	v4 =	vadd.f32 v5, v4  }
.LBB2_21:
0x1fc: {  	p0 =	sne.s32 s19, $0xFF  }
0x1fd: {  	s20 =	smov.u32 s19;
	s19 =	sadd.s32 $0x1, s19;
	[tilespmem:s18+$0x10] =	vst v4;
	s18 =	sadd.s32 $0x40, s18  }
0x1fe: {  	v3 =	vld.idx.msk [tilespmem:v3+s10+$0x0], $0xffff;
	_ =	sdelay $0x5  }
0x1ff: {  	v4 =	vmax.f32 v3, $1.000000000e+00;
	vm0 =	vgt.f32 v3, $0.0e+00  }
0x200: {  	(erf) = vrcp.f32 v4;
	_ =	sdelay $0x3  }
0x201: {  	v3 =	vld [tilespmem:s18+$0xFFFFFFE0]  }
0x202: {  	v4 =	vld [tilespmem:$0x13410];
	_ =	sdelay $0x3  }
0x203: {  	v5 =	vsel vm0, $0x3F800000, v2;
	v6 =	vpop (erf)  }
0x204: {  	v3 =	vmul.f32 v6, v3;
	v4 =	vmul.f32 v5, v4;
	_ =	sdelay $0x1  }
0x205: {  	v3 =	vadd.f32 v4, v3;
	_ =	sdelay $0x1  }
0x206: {  	[tilespmem:s18+$0xFFFFFFE0] =	vst v3;
	v3 =	vld [tilespmem:s18+$0xFFFFFFF0]  }
0x207: {  	v4 =	vld [tilespmem:$0x13420];
	_ =	sdelay $0x4  }
0x208: {  	v3 =	vmul.f32 v3, v6;
	v4 =	vmul.f32 v4, v5;
	_ =	sdelay $0x1  }
0x209: {  	v3 =	vadd.f32 v4, v3;
	_ =	sdelay $0x1  }
0x20a: {  	[tilespmem:s18+$0xFFFFFFF0] =	vst v3;
	v3 =	vld [tilespmem:s18+$0x0]  }
0x20b: {  	v4 =	vld [tilespmem:$0x13430];
	_ =	sdelay $0x4  }
0x20c: {  	v3 =	vmul.f32 v3, v6;
	v4 =	vmul.f32 v4, v5;
	_ =	sdelay $0x1  }
0x20d: {  	v3 =	vadd.f32 v4, v3;
	_ =	sdelay $0x1  }
0x20e: {  	[tilespmem:s18+$0x0] =	vst v3;
	v4 =	vld [tilespmem:s18+$0x10]  }
0x20f: {  	v7 =	vld [tilespmem:$0x13440];
	_ =	sdelay $0x2  }
.Ltmp9:
0x210: {  	(pc) =	sbr.rel @p0 .LBB2_21-.Ltmp9, $3  }
0x211: {  	_ = 	snop  }
0x212: {  	v3 =	vmov s20;
	v4 =	vmul.f32 v4, v6;
	v5 =	vmul.f32 v7, v5;
	_ =	sdelay $0x1  }
0x213: {  	v4 =	vadd.f32 v5, v4  }
0x214: {  	_ =	sdelay $0x2  }
0x215: {  	[tilespmem:s18+$0x10] =	vst v4  }
0x216: {  	v3 =	vld.idx.msk [tilespmem:v3+s10+$0x0], $0xffff;
	_ =	sdelay $0x4  }
0x217: {  	v4 =	vmax.f32 v3, $1.000000000e+00  }
0x218: {  	(erf) = vrcp.f32 v4;
	_ =	sdelay $0x3  }
0x219: {  	s4 =	sadd.s32 $0x40, s18;
	v5 =	vld [tilespmem:$0x13410]  }
0x21a: {  	v4 =	vld [tilespmem:s4+$0xFFFFFFE0];
	_ =	sdelay $0x2  }
0x21b: {  	vm0 =	vgt.f32 v3, $0.0e+00  }
0x21c: {  	v3 =	vsel vm0, $0x3F800000, v2;
	v6 =	vpop (erf)  }
0x21d: {  	v5 =	vmul.f32 v3, v5;
	v4 =	vmul.f32 v6, v4;
	_ =	sdelay $0x1  }
0x21e: {  	v4 =	vadd.f32 v5, v4;
	_ =	sdelay $0x1  }
0x21f: {  	[tilespmem:s4+$0xFFFFFFE0] =	vst v4;
	v4 =	vld [tilespmem:s4+$0xFFFFFFF0]  }
0x220: {  	v5 =	vld [tilespmem:$0x13420];
	_ =	sdelay $0x4  }
0x221: {  	v4 =	vmul.f32 v4, v6;
	v5 =	vmul.f32 v5, v3;
	_ =	sdelay $0x1  }
0x222: {  	v4 =	vadd.f32 v5, v4;
	_ =	sdelay $0x1  }
0x223: {  	[tilespmem:s4+$0xFFFFFFF0] =	vst v4;
	v4 =	vld [tilespmem:s4+$0x0]  }
0x224: {  	v5 =	vld [tilespmem:$0x13430];
	_ =	sdelay $0x4  }
0x225: {  	v4 =	vmul.f32 v4, v6;
	v5 =	vmul.f32 v5, v3;
	_ =	sdelay $0x1  }
0x226: {  	v4 =	vadd.f32 v5, v4;
	_ =	sdelay $0x1  }
0x227: {  	[tilespmem:s4+$0x0] =	vst v4;
	v4 =	vld [tilespmem:s4+$0x10]  }
0x228: {  	v5 =	vld [tilespmem:$0x13440];
	_ =	sdelay $0x2  }
0x229: {  	s11 =	rddreg [dreg:$0x10]  }
0x22a: {  	s11 =	sadd.s32 s11, s14  }
0x22b: {  	s11 =	smul.u32 $0x2800, s11;
	v4 =	vmul.f32 v4, v6;
	v3 =	vmul.f32 v5, v3  }
0x22c: {  	s19 =	rddreg [dreg:$0xd]  }
0x22d: {  	s11 =	sadd.s32 s19, s11;
	v3 =	vadd.f32 v3, v4  }
0x22e: {  	s20 =	rddreg [dreg:$0xc];
	s18 =	sshll.u32 s11, $0x3  }
0x22f: {  	[tilespmem:s4+$0x10] =	vst v3;
	s4 =	sadd.s32 s20, s18  }
0x230: {  	[hbm4b:s4+s24] =	stream.linear.scatter [tilespmem:s5], [sflag:$0x2], $0x4000, $0x38;
	[tilespmem:$0x1DBD0] =	vst v63  }
0x231: {  	_ =	swait.ge [sflag:s30], $0x4000  }
0x232: {  	s22 =	simm.s32 $0x100;
	[sflag:s30] =	ssyncset.done $0x0  }
0x233: {  	v3 =	vmov s22;
	s26 =	rddreg [dreg:$0x15];
	[sflag:s30] =	ssyncadd.s32 $0xFFFFC000  }
0x234: {  	[tilespmem:s5], [sflag:$0x2] =	stream.linear.gather [spmem:s26], $0x4000, $0x38;
	[tilespmem:$0x1DBD0] =	vst v63  }
0x235: {  	_ =	swait.ge [sflag:s30], $0x4000  }
0x236: {  	[sflag:s30] =	ssyncset.done $0x0  }
0x237: {  	[sflag:s30] =	ssyncadd.s32 $0xFFFFC000  }
0x238: {  	v3 =	vld.idx.msk [tilespmem:v3+s10+$0x0], $0xffff;
	_ =	sdelay $0x4  }
0x239: {  	v4 =	vmax.f32 v3, $1.000000000e+00  }
0x23a: {  	(erf) = vrcp.f32 v4;
	_ =	sdelay $0x3  }
0x23b: {  	s19 =	simm.s32 $0xF420;
	v5 =	vld [tilespmem:$0x13410]  }
0x23c: {  	v4 =	vld [tilespmem:s19+$0xFFFFFFE0];
	_ =	sdelay $0x2  }
0x23d: {  	vm15 =	vgt.f32 v3, $0.0e+00  }
0x23e: {  	v3 =	vsel vm15, $0x3F800000, v2;
	v6 =	vpop (erf)  }
0x23f: {  	v5 =	vmul.f32 v3, v5;
	v4 =	vmul.f32 v6, v4;
	_ =	sdelay $0x1  }
0x240: {  	v4 =	vadd.f32 v5, v4;
	_ =	sdelay $0x1  }
0x241: {  	[tilespmem:s19+$0xFFFFFFE0] =	vst v4;
	v4 =	vld [tilespmem:s19+$0xFFFFFFF0]  }
0x242: {  	v5 =	vld [tilespmem:$0x13420];
	_ =	sdelay $0x4  }
0x243: {  	v4 =	vmul.f32 v4, v6;
	v5 =	vmul.f32 v5, v3;
	_ =	sdelay $0x1  }
0x244: {  	v4 =	vadd.f32 v5, v4;
	_ =	sdelay $0x1  }
0x245: {  	[tilespmem:s19+$0xFFFFFFF0] =	vst v4;
	v4 =	vld [tilespmem:s19+$0x0]  }
0x246: {  	v5 =	vld [tilespmem:$0x13430];
	_ =	sdelay $0x4  }
0x247: {  	v4 =	vmul.f32 v4, v6;
	v5 =	vmul.f32 v5, v3;
	_ =	sdelay $0x1  }
0x248: {  	v4 =	vadd.f32 v5, v4;
	_ =	sdelay $0x1  }
0x249: {  	[tilespmem:s19+$0x0] =	vst v4;
	v4 =	vld [tilespmem:s19+$0x10]  }
0x24a: {  	v5 =	vld [tilespmem:$0x13440];
	_ =	sdelay $0x3  }
0x24b: {  	s28 =	simm.s32 $0x101  }
0x24c: {  	v4 =	vmul.f32 v4, v6;
	v5 =	vmul.f32 v5, v3;
	v3 =	vmov s28;
	_ =	sdelay $0x1  }
0x24d: {  	s20 =	simm.s32 $0x102;
	v4 =	vadd.f32 v5, v4  }
.LBB2_23:
0x24e: {  	p0 =	sne.s32 s20, $0x1FF  }
0x24f: {  	s22 =	smov.u32 s20;
	s20 =	sadd.s32 $0x1, s20;
	[tilespmem:s19+$0x10] =	vst v4;
	s19 =	sadd.s32 $0x40, s19  }
0x250: {  	v3 =	vld.idx.msk [tilespmem:v3+s10+$0x0], $0xffff;
	_ =	sdelay $0x5  }
0x251: {  	v4 =	vmax.f32 v3, $1.000000000e+00;
	vm0 =	vgt.f32 v3, $0.0e+00  }
0x252: {  	(erf) = vrcp.f32 v4;
	_ =	sdelay $0x3  }
0x253: {  	v3 =	vld [tilespmem:s19+$0xFFFFFFE0]  }
0x254: {  	v4 =	vld [tilespmem:$0x13410];
	_ =	sdelay $0x3  }
0x255: {  	v5 =	vsel vm0, $0x3F800000, v2;
	v6 =	vpop (erf)  }
0x256: {  	v3 =	vmul.f32 v6, v3;
	v4 =	vmul.f32 v5, v4;
	_ =	sdelay $0x1  }
0x257: {  	v3 =	vadd.f32 v4, v3;
	_ =	sdelay $0x1  }
0x258: {  	[tilespmem:s19+$0xFFFFFFE0] =	vst v3;
	v3 =	vld [tilespmem:s19+$0xFFFFFFF0]  }
0x259: {  	v4 =	vld [tilespmem:$0x13420];
	_ =	sdelay $0x4  }
0x25a: {  	v3 =	vmul.f32 v3, v6;
	v4 =	vmul.f32 v4, v5;
	_ =	sdelay $0x1  }
0x25b: {  	v3 =	vadd.f32 v4, v3;
	_ =	sdelay $0x1  }
0x25c: {  	[tilespmem:s19+$0xFFFFFFF0] =	vst v3;
	v3 =	vld [tilespmem:s19+$0x0]  }
0x25d: {  	v4 =	vld [tilespmem:$0x13430];
	_ =	sdelay $0x4  }
0x25e: {  	v3 =	vmul.f32 v3, v6;
	v4 =	vmul.f32 v4, v5;
	_ =	sdelay $0x1  }
0x25f: {  	v3 =	vadd.f32 v4, v3;
	_ =	sdelay $0x1  }
0x260: {  	[tilespmem:s19+$0x0] =	vst v3;
	v4 =	vld [tilespmem:s19+$0x10]  }
0x261: {  	v7 =	vld [tilespmem:$0x13440];
	_ =	sdelay $0x2  }
.Ltmp10:
0x262: {  	(pc) =	sbr.rel @p0 .LBB2_23-.Ltmp10, $3  }
0x263: {  	_ = 	snop  }
0x264: {  	v3 =	vmov s22;
	v4 =	vmul.f32 v4, v6;
	v5 =	vmul.f32 v7, v5;
	_ =	sdelay $0x1  }
0x265: {  	v4 =	vadd.f32 v5, v4  }
0x266: {  	_ =	sdelay $0x2  }
0x267: {  	[tilespmem:s19+$0x10] =	vst v4  }
0x268: {  	v3 =	vld.idx.msk [tilespmem:v3+s10+$0x0], $0xffff;
	_ =	sdelay $0x4  }
0x269: {  	v4 =	vmax.f32 v3, $1.000000000e+00  }
0x26a: {  	(erf) = vrcp.f32 v4;
	_ =	sdelay $0x3  }
0x26b: {  	s4 =	sadd.s32 $0x40, s19;
	v5 =	vld [tilespmem:$0x13410]  }
0x26c: {  	v4 =	vld [tilespmem:s4+$0xFFFFFFE0];
	_ =	sdelay $0x2  }
0x26d: {  	vm0 =	vgt.f32 v3, $0.0e+00  }
0x26e: {  	v3 =	vsel vm0, $0x3F800000, v2;
	v6 =	vpop (erf)  }
0x26f: {  	v5 =	vmul.f32 v3, v5;
	v4 =	vmul.f32 v6, v4;
	_ =	sdelay $0x1  }
0x270: {  	v4 =	vadd.f32 v5, v4;
	_ =	sdelay $0x1  }
0x271: {  	[tilespmem:s4+$0xFFFFFFE0] =	vst v4;
	v4 =	vld [tilespmem:s4+$0xFFFFFFF0]  }
0x272: {  	v5 =	vld [tilespmem:$0x13420];
	_ =	sdelay $0x4  }
0x273: {  	v4 =	vmul.f32 v4, v6;
	v5 =	vmul.f32 v5, v3;
	_ =	sdelay $0x1  }
0x274: {  	v4 =	vadd.f32 v5, v4;
	_ =	sdelay $0x1  }
0x275: {  	[tilespmem:s4+$0xFFFFFFF0] =	vst v4;
	v4 =	vld [tilespmem:s4+$0x0]  }
0x276: {  	v5 =	vld [tilespmem:$0x13430];
	_ =	sdelay $0x4  }
0x277: {  	v4 =	vmul.f32 v4, v6;
	v5 =	vmul.f32 v5, v3;
	_ =	sdelay $0x1  }
0x278: {  	v4 =	vadd.f32 v5, v4;
	_ =	sdelay $0x1  }
0x279: {  	[tilespmem:s4+$0x0] =	vst v4;
	v4 =	vld [tilespmem:s4+$0x10]  }
0x27a: {  	v5 =	vld [tilespmem:$0x13440];
	_ =	sdelay $0x4  }
0x27b: {  	v4 =	vmul.f32 v4, v6;
	v3 =	vmul.f32 v5, v3;
	_ =	sdelay $0x1  }
0x27c: {  	v3 =	vadd.f32 v3, v4  }
0x27d: {  	s20 =	rddreg [dreg:$0x11]  }
0x27e: {  	[tilespmem:s4+$0x10] =	vst v3;
	s4 =	sadd.s32 s18, s20  }
0x27f: {  	[hbm4b:s4+s24] =	stream.linear.scatter [tilespmem:s5], [sflag:$0x2], $0x4000, $0x38;
	[tilespmem:$0x1DBD0] =	vst v63  }
0x280: {  	_ =	swait.ge [sflag:s30], $0x4000  }
0x281: {  	s22 =	simm.s32 $0x200;
	[sflag:s30] =	ssyncset.done $0x0  }
0x282: {  	v3 =	vmov s22;
	s26 =	rddreg [dreg:$0x16];
	[sflag:s30] =	ssyncadd.s32 $0xFFFFC000  }
0x283: {  	[tilespmem:s5], [sflag:$0x2] =	stream.linear.gather [spmem:s26], $0x2000, $0x38;
	[tilespmem:$0x1DBD0] =	vst v63  }
0x284: {  	_ =	swait.ge [sflag:s30], $0x2000  }
0x285: {  	[sflag:s30] =	ssyncset.done $0x0  }
0x286: {  	[sflag:s30] =	ssyncadd.s32 $0xFFFFE000  }
0x287: {  	v3 =	vld.idx.msk [tilespmem:v3+s10+$0x0], $0xffff;
	_ =	sdelay $0x4  }
0x288: {  	v4 =	vmax.f32 v3, $1.000000000e+00  }
0x289: {  	(erf) = vrcp.f32 v4;
	_ =	sdelay $0x3  }
0x28a: {  	s19 =	simm.s32 $0xF420;
	v5 =	vld [tilespmem:$0x13410]  }
0x28b: {  	v4 =	vld [tilespmem:s19+$0xFFFFFFE0];
	_ =	sdelay $0x2  }
0x28c: {  	vm15 =	vgt.f32 v3, $0.0e+00  }
0x28d: {  	v3 =	vsel vm15, $0x3F800000, v2;
	v6 =	vpop (erf)  }
0x28e: {  	v5 =	vmul.f32 v3, v5;
	v4 =	vmul.f32 v6, v4;
	_ =	sdelay $0x1  }
0x28f: {  	v4 =	vadd.f32 v5, v4;
	_ =	sdelay $0x1  }
0x290: {  	[tilespmem:s19+$0xFFFFFFE0] =	vst v4;
	v4 =	vld [tilespmem:s19+$0xFFFFFFF0]  }
0x291: {  	v5 =	vld [tilespmem:$0x13420];
	_ =	sdelay $0x4  }
0x292: {  	v4 =	vmul.f32 v4, v6;
	v5 =	vmul.f32 v5, v3;
	_ =	sdelay $0x1  }
0x293: {  	v4 =	vadd.f32 v5, v4;
	_ =	sdelay $0x1  }
0x294: {  	[tilespmem:s19+$0xFFFFFFF0] =	vst v4;
	v4 =	vld [tilespmem:s19+$0x0]  }
0x295: {  	v5 =	vld [tilespmem:$0x13430];
	_ =	sdelay $0x4  }
0x296: {  	v4 =	vmul.f32 v4, v6;
	v5 =	vmul.f32 v5, v3;
	_ =	sdelay $0x1  }
0x297: {  	v4 =	vadd.f32 v5, v4;
	_ =	sdelay $0x1  }
0x298: {  	[tilespmem:s19+$0x0] =	vst v4;
	v4 =	vld [tilespmem:s19+$0x10]  }
0x299: {  	v5 =	vld [tilespmem:$0x13440];
	_ =	sdelay $0x3  }
0x29a: {  	s28 =	simm.s32 $0x201  }
0x29b: {  	v4 =	vmul.f32 v4, v6;
	v5 =	vmul.f32 v5, v3;
	v3 =	vmov s28;
	_ =	sdelay $0x1  }
0x29c: {  	s20 =	simm.s32 $0x202;
	v4 =	vadd.f32 v5, v4  }
.LBB2_25:
0x29d: {  	p0 =	sne.s32 s20, $0x27F  }
0x29e: {  	s22 =	smov.u32 s20;
	s20 =	sadd.s32 $0x1, s20;
	[tilespmem:s19+$0x10] =	vst v4;
	s19 =	sadd.s32 $0x40, s19  }
0x29f: {  	v3 =	vld.idx.msk [tilespmem:v3+s10+$0x0], $0xffff;
	_ =	sdelay $0x5  }
0x2a0: {  	v4 =	vmax.f32 v3, $1.000000000e+00;
	vm0 =	vgt.f32 v3, $0.0e+00  }
0x2a1: {  	(erf) = vrcp.f32 v4;
	_ =	sdelay $0x3  }
0x2a2: {  	v3 =	vld [tilespmem:s19+$0xFFFFFFE0]  }
0x2a3: {  	v4 =	vld [tilespmem:$0x13410];
	_ =	sdelay $0x3  }
0x2a4: {  	v5 =	vsel vm0, $0x3F800000, v2;
	v6 =	vpop (erf)  }
0x2a5: {  	v3 =	vmul.f32 v6, v3;
	v4 =	vmul.f32 v5, v4;
	_ =	sdelay $0x1  }
0x2a6: {  	v3 =	vadd.f32 v4, v3;
	_ =	sdelay $0x1  }
0x2a7: {  	[tilespmem:s19+$0xFFFFFFE0] =	vst v3;
	v3 =	vld [tilespmem:s19+$0xFFFFFFF0]  }
0x2a8: {  	v4 =	vld [tilespmem:$0x13420];
	_ =	sdelay $0x4  }
0x2a9: {  	v3 =	vmul.f32 v3, v6;
	v4 =	vmul.f32 v4, v5;
	_ =	sdelay $0x1  }
0x2aa: {  	v3 =	vadd.f32 v4, v3;
	_ =	sdelay $0x1  }
0x2ab: {  	[tilespmem:s19+$0xFFFFFFF0] =	vst v3;
	v3 =	vld [tilespmem:s19+$0x0]  }
0x2ac: {  	v4 =	vld [tilespmem:$0x13430];
	_ =	sdelay $0x4  }
0x2ad: {  	v3 =	vmul.f32 v3, v6;
	v4 =	vmul.f32 v4, v5;
	_ =	sdelay $0x1  }
0x2ae: {  	v3 =	vadd.f32 v4, v3;
	_ =	sdelay $0x1  }
0x2af: {  	[tilespmem:s19+$0x0] =	vst v3;
	v4 =	vld [tilespmem:s19+$0x10]  }
0x2b0: {  	v7 =	vld [tilespmem:$0x13440];
	_ =	sdelay $0x2  }
.Ltmp11:
0x2b1: {  	(pc) =	sbr.rel @p0 .LBB2_25-.Ltmp11, $3  }
0x2b2: {  	_ = 	snop  }
0x2b3: {  	v3 =	vmov s22;
	v4 =	vmul.f32 v4, v6;
	v5 =	vmul.f32 v7, v5;
	_ =	sdelay $0x1  }
0x2b4: {  	v4 =	vadd.f32 v5, v4  }
0x2b5: {  	_ =	sdelay $0x2  }
0x2b6: {  	[tilespmem:s19+$0x10] =	vst v4  }
0x2b7: {  	v3 =	vld.idx.msk [tilespmem:v3+s10+$0x0], $0xffff;
	_ =	sdelay $0x4  }
0x2b8: {  	v56 =	vmax.f32 v3, $1.000000000e+00  }
0x2b9: {  	(erf) = vrcp.f32 v56;
	_ =	sdelay $0x2  }
0x2ba: {  	s4 =	sadd.s32 $0x40, s19  }
0x2bb: {  	v57 =	vld [tilespmem:s4+$0xFFFFFFE0]  }
0x2bc: {  	v5 =	vld [tilespmem:$0x13410];
	_ =	sdelay $0x2  }
0x2bd: {  	vm0 =	vgt.f32 v3, $0.0e+00  }
0x2be: {  	v3 =	vsel vm0, $0x3F800000, v2;
	v6 =	vpop (erf)  }
0x2bf: {  	v5 =	vmul.f32 v3, v5;
	v4 =	vmul.f32 v6, v57;
	_ =	sdelay $0x1  }
0x2c0: {  	v4 =	vadd.f32 v5, v4;
	_ =	sdelay $0x1  }
0x2c1: {  	v58 =	vld [tilespmem:s4+$0xFFFFFFF0];
	[tilespmem:s4+$0xFFFFFFE0] =	vst v4  }
0x2c2: {  	v59 =	vld [tilespmem:$0x13420];
	_ =	sdelay $0x4  }
0x2c3: {  	v4 =	vmul.f32 v58, v6;
	v5 =	vmul.f32 v59, v3;
	_ =	sdelay $0x1  }
0x2c4: {  	v4 =	vadd.f32 v5, v4;
	_ =	sdelay $0x1  }
0x2c5: {  	v60 =	vld [tilespmem:s4+$0x0];
	[tilespmem:s4+$0xFFFFFFF0] =	vst v4  }
0x2c6: {  	v61 =	vld [tilespmem:$0x13430];
	_ =	sdelay $0x4  }
0x2c7: {  	v4 =	vmul.f32 v60, v6;
	v5 =	vmul.f32 v61, v3;
	_ =	sdelay $0x1  }
0x2c8: {  	v4 =	vadd.f32 v5, v4;
	_ =	sdelay $0x1  }
0x2c9: {  	v62 =	vld [tilespmem:s4+$0x10];
	[tilespmem:s4+$0x0] =	vst v4  }
0x2ca: {  	v63 =	vld [tilespmem:$0x13440];
	_ =	sdelay $0x4  }
0x2cb: {  	v4 =	vmul.f32 v62, v6;
	v3 =	vmul.f32 v63, v3;
	_ =	sdelay $0x1  }
0x2cc: {  	v3 =	vadd.f32 v3, v4  }
0x2cd: {  	s28 =	rddreg [dreg:$0x12];
	s14 =	sadd.s32 $0x1, s14  }
0x2ce: {  	p0 =	sne.s32 s14, $0xB;
	[tilespmem:s4+$0x10] =	vst v3;
	s4 =	sadd.s32 s18, s28  }
0x2cf: {  	[hbm4b:s4+s24] =	stream.linear.scatter [tilespmem:s5], [sflag:$0x2], $0x2000, $0x38;
	[tilespmem:$0x1DBD0] =	vst v63  }
.Ltmp12:
0x2d0: {  	_ =	swait.ge [sflag:s30], $0x2000;
	(pc) =	sbr.rel @p0 .LBB2_2-.Ltmp12, $3  }
0x2d1: {  	[sflag:s30] =	ssyncset.done $0x0  }
0x2d2: {  	[sflag:s30] =	ssyncadd.s32 $0xFFFFE000  }
0x2d3: {  	[bflag:$0x0] =	sbarrier.arrive $0xFFFF;
	_ =	sdelay $0x1  }
0x2d4: {  	s11 =	rddreg [dreg:$0x17]  }
0x2d5: {  	s4 =	rddreg [dreg:$0x13];
	s11 =	sadd.s32 $0x1, s11  }
0x2d6: {  	p0 =	sne.s32 s11, s4  }
.Ltmp13:
0x2d7: {  	_ = 	snop;
	(pc) =	sbr.rel @p0 .LBB2_1-.Ltmp13, $1  }
0x2d8: {  	_ =	sdelay $0x3  }
0x2d9: {  	_ =	sfence.sel $0x180000  }
0x2da: {  	[bflag:$0x0] =	sbarrier.arrive $0xFFFF  }
0x2db: {  	_ =	strace $0x9000004A  }
0x2dc: {  	s0 =	stileid.u32;
	[bflag:$0x2] =	sbarrier.arrive $0xFFFF  }
0x2dd: {  	p0 =	sne.s32 s0, $0x0;
	s0 =	rddreg [dreg:$0x5]  }
0x2de: {  	s0 =	sadd.s32 @!p0 $0x100000, s0  }
0x2df: {  	[sflag:s0] =	ssyncadd.tile.s32 @!p0 $0x1;
	_ =	shalt  }
.Lfunc_end2:
_tile_overlayer_lowered:
.L_overlay_start_2:
0x2e0: {  	(tag) =	ssettag $0x2  }
0x2e1: {  	s0 =	rddreg [dreg:$0x0];
	s2 =	stileid.u32  }
0x2e2: {  	s1 =	rddreg [dreg:$0x1];
	p0 =	sne.s32 s2, $0x0  }
0x2e3: {  	s3 =	rddreg [dreg:$0x2];
	[bflag:$0x3] =	sbarrier.arrive $0xFFFF;
	s2 =	simm.s32 @!p0 $0x1C02  }
0x2e4: {  	[timem:s3], [sflag:s2] =	dma.local @!p0 [hbm:s0], s1  }
0x2e5: {  	s0 =	simm.s32 @!p0 $0x2  }
0x2e6: {  	_ =	swait.ge @!p0 [sflag:s0], s1  }
0x2e7: {  	s1 =	ssub.s32 @!p0 $0x0, s1;
	[sflag:s0] =	ssyncset.done @!p0 $0x0  }
0x2e8: {  	[sflag:s0] =	ssyncadd.s32 @!p0 s1  }
0x2e9: {  	[bflag:$0x3] =	sbarrier.arrive $0xFFFF  }
0x2ea: {  	_ =	shalt  }

// kernel: kernel.7.cloned.1.call-start
scs
__scs_entry_jumppad:
0x0: {  	(pc) =	sbr.rel $0x88, $3  }
0x1: {  	(tag) =	ssettag $0x0;
	lr =	simm.s32 $0x1  }
0x2: {  	[smem:$0x3F7E] =	sst lr;
	_ =	strace $0xD0000000  }
0x3: {  	_ = 	snop  }
0x4: {  	_ = 	snop  }
0x5: {  	_ = 	snop  }
0x6: {  	_ = 	snop  }
0x7: {  	_ = 	snop  }
__scs_overlays_trampoline_lowered:
0x8: {  	[smem:$0x3F8D] =	sst s0  }
0x9: {  	[smem:$0x3F8E] =	sst s1  }
0xa: {  	[smem:$0x3F8F] =	sst s2  }
0xb: {  	[smem:$0x3F90] =	sst s3  }
0xc: {  	[smem:$0x3F91] =	sst s4  }
0xd: {  	[smem:$0x3F92] =	sst s5  }
0xe: {  	[smem:$0x3F93] =	sst s6  }
0xf: {  	[smem:$0x3F94] =	sst s7  }
0x10: {  	[smem:$0x3F95] =	sst s8  }
0x11: {  	[smem:$0x3F96] =	sst s9;
	s0 =	simm.s32 @!p0 $0x0  }
0x12: {  	s1 =	sld [smem:$0x3F7C];
	s0 =	simm.s32 @p0 $0x1  }
0x13: {  	[smem:$0x3F97] =	sst s0;
	s0 =	simm.s32 @!p1 $0x0  }
0x14: {  	s2 =	sld [smem:$0x3F7B];
	s0 =	simm.s32 @p1 $0x1  }
0x15: {  	[smem:$0x3F98] =	sst s0;
	s0 =	simm.s32 @!p2 $0x0  }
0x16: {  	s3 =	sld [smem:$0x3FDB];
	s0 =	simm.s32 @p2 $0x1  }
0x17: {  	s4 =	simm.s32 $0x1BF5;
	[smem:$0x3F9A] =	sst s0  }
0x18: {  	s0 =	sld [smem:$0x3F7D];
	_ =	swait.ge [sflag:s4], $0x0  }
0x19: {  	s7 =	sld [smem:$0x3F7E]  }
0x1a: {  	s8 =	sadd.s32 $0xFFFFE003, lr  }
0x1b: {  	s9 =	sadd.s32 $0xFFFFFEF7, lr;
	s5 =	simm.s32 $0xFFFFFFFF;
	p2 =	slt.u32 s8, $0xFFFFF086  }
0x1c: {  	p1 =	slt.u32 s9, $0xF7A;
	s5 =	simm.s32 @!p2 $0x0  }
0x1d: {  	s5 =	simm.s32 @p1 $0x1;
	p0 =	seq.s32 s7, s2  }
0x1e: {  	s7 =	smul.u32 @!p0 $0xF7A, s2;
	p2 =	seq.s32 @!p0 s5, $0x0  }
0x1f: {  	s9 =	smul.u32 $0xF7A, s1;
	s8 =	simm.s32 @!p0 $0x1BF5;
	p2 =	por !p2, p0  }
0x20: {  	[sflag:s8] =	ssyncset.s32 @!p0 $0xFFFFF086;
	s6 =	sadd.s32 @!p0 s3, s7;
	s7 =	simm.s32 @!p0 $0x108  }
0x21: {  	s3 =	sadd.s32 s3, s9;
	s6 =	sadd.s32 @!p0 $0x88, s6;
	s7 =	simm.s32 @p2 $0x1082  }
0x22: {  	[simem:s7], [sflag:s8] =	dma.local @!p0 [hbm:s6], $0xF7A  }
0x23: {  	s9 =	sor.u32 $0xD0000000, s2;
	s6 =	simm.s32 $0x108;
	_ =	swait.ge @!p0 [sflag:s8], $0x0  }
0x24: {  	s3 =	sadd.s32 $0x88, s3;
	s6 =	simm.s32 @!p1 $0x1082;
	[sflag:s4] =	ssyncset.s32 $0xFFFFF086  }
0x25: {  	[simem:s6], [sflag:s4] =	dma.local [hbm:s3], $0xF7A  }
0x26: {  	[smem:$0x3F7E] =	sst s1;
	(tag) =	ssettag s2;
	_ =	strace s9  }
0x27: {  	s1 =	sld [smem:$0x3F8E]  }
0x28: {  	s2 =	sld [smem:$0x3F8F]  }
0x29: {  	s4 =	sld [smem:$0x3F91]  }
0x2a: {  	p0 =	seq.s32 s5, $0x0;
	s5 =	sld [smem:$0x3F92]  }
0x2b: {  	s6 =	sld [smem:$0x3F93]  }
0x2c: {  	s7 =	sld [smem:$0x3F94]  }
0x2d: {  	s3 =	simm.s32 $0x108;
	s8 =	sld [smem:$0x3F95]  }
0x2e: {  	s3 =	simm.s32 @!p0 $0x1082;
	s9 =	sld [smem:$0x3F96]  }
0x2f: {  	lr =	sadd.s32 s0, s3;
	s0 =	sld [smem:$0x3F8D]  }
0x30: {  	s3 =	sld [smem:$0x3F90]  }
0x31: {  	[smem:$0x3F99] =	sst s10  }
0x32: {  	s10 =	sld [smem:$0x3F97];
	_ =	sdelay $0x3  }
0x33: {  	p0 =	seq.s32 s10, $0x1;
	s10 =	sld [smem:$0x3F99];
	_ =	sdelay $0x3  }
0x34: {  	[smem:$0x3F99] =	sst s10  }
0x35: {  	s10 =	sld [smem:$0x3F98];
	_ =	sdelay $0x3  }
0x36: {  	p1 =	seq.s32 s10, $0x1;
	s10 =	sld [smem:$0x3F99];
	_ =	sdelay $0x3  }
0x37: {  	[smem:$0x3F99] =	sst s10  }
0x38: {  	s10 =	sld [smem:$0x3F9A]  }
0x39: {  	_ = 	snop;
	(pc) =	sbr.ind lr, $3  }
0x3a: {  	_ = 	snop  }
0x3b: {  	_ = 	snop  }
0x3c: {  	p2 =	seq.s32 s10, $0x1;
	s10 =	sld [smem:$0x3F99]  }
0x3d: {  	_ =	shalt  }
0x3e: {  	_ =	shalt  }
0x3f: {  	_ =	shalt  }
0x40: {  	_ =	shalt  }
0x41: {  	_ =	shalt  }
0x42: {  	_ =	shalt  }
0x43: {  	_ =	shalt  }
0x44: {  	_ =	shalt  }
0x45: {  	_ =	shalt  }
0x46: {  	_ =	shalt  }
0x47: {  	_ =	shalt  }
0x48: {  	_ =	shalt  }
0x49: {  	_ =	shalt  }
0x4a: {  	_ =	shalt  }
0x4b: {  	_ =	shalt  }
0x4c: {  	_ =	shalt  }
0x4d: {  	_ =	shalt  }
0x4e: {  	_ =	shalt  }
0x4f: {  	_ =	shalt  }
0x50: {  	_ =	shalt  }
0x51: {  	_ =	shalt  }
0x52: {  	_ =	shalt  }
0x53: {  	_ =	shalt  }
0x54: {  	_ =	shalt  }
0x55: {  	_ =	shalt  }
0x56: {  	_ =	shalt  }
0x57: {  	_ =	shalt  }
0x58: {  	_ =	shalt  }
0x59: {  	_ =	shalt  }
0x5a: {  	_ =	shalt  }
0x5b: {  	_ =	shalt  }
0x5c: {  	_ =	shalt  }
0x5d: {  	_ =	shalt  }
0x5e: {  	_ =	shalt  }
0x5f: {  	_ =	shalt  }
0x60: {  	_ =	shalt  }
0x61: {  	_ =	shalt  }
0x62: {  	_ =	shalt  }
0x63: {  	_ =	shalt  }
0x64: {  	_ =	shalt  }
0x65: {  	_ =	shalt  }
0x66: {  	_ =	shalt  }
0x67: {  	_ =	shalt  }
0x68: {  	_ =	shalt  }
0x69: {  	_ =	shalt  }
0x6a: {  	_ =	shalt  }
0x6b: {  	_ =	shalt  }
0x6c: {  	_ =	shalt  }
0x6d: {  	_ =	shalt  }
0x6e: {  	_ =	shalt  }
0x6f: {  	_ =	shalt  }
0x70: {  	_ =	shalt  }
0x71: {  	_ =	shalt  }
0x72: {  	_ =	shalt  }
0x73: {  	_ =	shalt  }
0x74: {  	_ =	shalt  }
0x75: {  	_ =	shalt  }
0x76: {  	_ =	shalt  }
0x77: {  	_ =	shalt  }
0x78: {  	_ =	shalt  }
0x79: {  	_ =	shalt  }
0x7a: {  	_ =	shalt  }
0x7b: {  	_ =	shalt  }
0x7c: {  	_ =	shalt  }
0x7d: {  	_ =	shalt  }
0x7e: {  	_ =	shalt  }
0x7f: {  	_ =	shalt  }
0x80: {  	_ =	shalt  }
0x81: {  	_ =	shalt  }
0x82: {  	_ =	shalt  }
0x83: {  	_ =	shalt  }
0x84: {  	_ =	shalt  }
0x85: {  	_ =	shalt  }
0x86: {  	_ =	shalt  }
0x87: {  	_ =	shalt  }
.Lfunc_end0:
.L_simem_size_0:
called_computation_lowered:
.L_overlay_start_0:
0x88: {  	s2 =	sld [smem:$0x3FD9]  }
0x89: {  	s3 =	sld [smem:$0x3FFE];
	_ =	sdelay $0x1  }
0x8a: {  	s1 =	srdreg.scid  }
0x8b: {  	s0 =	sand.u32 $0x1, s1  }
0x8c: {  	s17 =	sshll.u32 s0, $0xA;
	s2 =	sadd.s32 s3, s2  }
0x8d: {  	s2 =	sadd.s32 s2, s17  }
0x8e: {  	[smem:$0x3FA5] =	sst s2  }
0x8f: {  	_ = 	snop  }
0x90: {  	s2 =	sld [smem:$0x3FC7]  }
0x91: {  	s18 =	sld [smem:$0x3FC5]  }
0x92: {  	s4 =	sld [smem:$0x3FC3]  }
0x93: {  	s5 =	sld [smem:$0x3FC1]  }
0x94: {  	s6 =	sld [smem:$0x3FBF]  }
0x95: {  	s7 =	sld [smem:$0x3FBD]  }
0x96: {  	s8 =	sld [smem:$0x3FBB]  }
0x97: {  	s9 =	sld [smem:$0x3FB9]  }
0x98: {  	s10 =	sld [smem:$0x3FB7]  }
0x99: {  	s11 =	sld [smem:$0x3FB5]  }
0x9a: {  	s12 =	sld [smem:$0x3FB3];
	(tm) =	ssettm $0x1  }
0x9b: {  	s13 =	sld [smem:$0x3FFB];
	_ =	sdelay $0x3  }
0x9c: {  	_ =	strace s13  }
0x9d: {  	s13 =	sld [smem:$0x3FFC];
	_ =	sdelay $0x3  }
0x9e: {  	_ =	strace s13  }
0x9f: {  	s13 =	sld [smem:$0x3FFD];
	_ =	sdelay $0x3  }
0xa0: {  	_ =	strace s13  }
0xa1: {  	_ =	strace $0x8FFFFFFF  }
0xa2: {  	s19 =	sld [smem:$0x3FDB];
	_ =	sdelay $0x1  }
0xa3: {  	s14 =	simm.s32 $_scs_section_size  }
0xa4: {  	s15 =	simm.s32 $_size__tile_overlayer_lowered;
	s16 =	simm.s32 $_tile_overlayer_lowered  }
0xa5: {  	s22 =	simm.s32 $0x1BFF;
	s21 =	sshll.u32 s16, $0x1;
	s13 =	sadd.s32 s14, s19  }
0xa6: {  	s20 =	sshll.u32 s15, $0x1;
	s17 =	simm.s32 $0x0;
	s15 =	sadd.s32 s21, s13  }
0xa7: {  	[timem:s17], [sflag:s22] =	dma.local [hbm:s15], s20  }
0xa8: {  	_ =	swait.ge [sflag:s22], s20  }
0xa9: {  	s14 =	ssub.s32 $0x0, s20;
	[sflag:s22] =	ssyncset.done $0x0  }
0xaa: {  	[sflag:s22] =	ssyncadd.s32 s14;
	_ =	sdelay $0x1  }
0xab: {  	s23 =	simm.s32 $0x1B8B  }
0xac: {  	_ =	swait.ge [sflag:s23], $0x1  }
0xad: {  	[sflag:s23] =	ssyncset.done $0x0  }
0xae: {  	s25 =	simm.s32 $0x1B8E;
	s24 =	sld [smem:$0x3FFE];
	[sflag:s23] =	ssyncadd.s32 $0xFFFFFFFF  }
0xaf: {  	s26 =	simm.s32 $execute0_lowered;
	[smem:$0x3FD2] =	sst s25  }
0xb0: {  	s15 =	sshll.u32 s26, $0x1;
	_ =	strace $0x80000046;
	[dreg:$0x1] =	wrdreg $0xFFFFFFFF  }
0xb1: {  	s28 =	simm.s32 $_size_execute0_lowered;
	s13 =	sadd.s32 s13, s15;
	[dreg:$0x0] =	wrdreg $0x0  }
0xb2: {  	s15 =	sshll.u32 s28, $0x1;
	[dreg:$0x2] =	wrdreg s13  }
0xb3: {  	[dreg:$0x3] =	wrdreg s15  }
0xb4: {  	[dreg:$0x4] =	wrdreg $0xC0  }
0xb5: {  	_ =	task [dreg:s17], $0x5FFFF  }
0xb6: {  	[dreg:$0x1] =	wrdreg $0xFFFFFFFF  }
0xb7: {  	[dreg:$0x0] =	wrdreg $0x60  }
0xb8: {  	[dreg:$0x2] =	wrdreg s24  }
0xb9: {  	[dreg:$0x3] =	wrdreg s2  }
0xba: {  	[dreg:$0x4] =	wrdreg s18  }
0xbb: {  	[dreg:$0x5] =	wrdreg s4  }
0xbc: {  	[dreg:$0x6] =	wrdreg s5  }
0xbd: {  	[dreg:$0x7] =	wrdreg s6  }
0xbe: {  	[dreg:$0x8] =	wrdreg s7  }
0xbf: {  	[dreg:$0x9] =	wrdreg s8  }
0xc0: {  	[dreg:$0xa] =	wrdreg s9  }
0xc1: {  	[dreg:$0xb] =	wrdreg s10  }
0xc2: {  	[dreg:$0xc] =	wrdreg s11  }
0xc3: {  	[dreg:$0xd] =	wrdreg s12  }
0xc4: {  	[dreg:$0xe] =	wrdreg $0x9  }
0xc5: {  	_ =	task.clear_ibuf [dreg:s17], $0xFFFFF;
	_ =	strace $0x90000046  }
0xc6: {  	s29 =	simm.s32 $0x9;
	_ =	strace $0x80000048  }
0xc7: {  	_ =	swait.ge [sflag:s29], $0x1  }
0xc8: {  	[sflag:s29] =	ssyncadd.s32 $0xFFFFFFFF  }
0xc9: {  	_ =	strace $0x90000048  }
0xca: {  	_ =	sfence  }
0xcb: {  	s30 =	sld [smem:$0x0];
	_ =	sdelay $0x2  }
0xcc: {  	s31 =	sshll.u32 s1, $0xD;
	s1 =	sshrl.u32 s1, $0x2  }
0xcd: {  	s3 =	sand.u32 $0x4000, s31;
	s1 =	sadd.s32 s1, s30  }
0xce: {  	s0 =	sor.u32 s3, s0;
	s1 =	sshll.u32 s1, $0x11  }
0xcf: {  	s0 =	sor.u32 s1, s0  }
0xd0: {  	s0 =	sadd.s32 $0x8F2B, s0  }
0xd1: {  	[sflag:s0] =	ssyncadd.remote.s32 $0x1  }
0xd2: {  	_ =	sfence.sel $0xFFFF  }
0xd3: {  	[dreg:$0x0] =	wrdreg $0xFFFFFFFF;
	(pc) =	sbr.abs _section_cstart, $3  }
0xd4: {  	[dreg:$0x1] =	wrdreg $0xFFFFFFFF  }
0xd5: {  	_ =	task.clear_ibuf [dreg:s17], $0x2FFFF;
	_ =	strace $0x9FFFFFFF  }
0xd6: {  	(tm) =	ssettm $0x7FFFFFFF  }
0xd7: {  	_ =	shalt  }
tec
execute0_lowered:
.L_overlay_start_1:
0x0: {  	(tag) =	ssettag $0x1  }
0x1: {  	s15 =	rddreg [dreg:$0x0]  }
0x2: {  	s0 =	rddreg [dreg:$0x1]  }
0x3: {  	s1 =	rddreg [dreg:$0x2]  }
0x4: {  	s2 =	rddreg [dreg:$0x3]  }
0x5: {  	s3 =	rddreg [dreg:$0x4]  }
0x6: {  	s4 =	rddreg [dreg:$0x5]  }
0x7: {  	s5 =	rddreg [dreg:$0x6];
	s6 =	srdreg.scid  }
0x8: {  	s7 =	rddreg [dreg:$0x7];
	s9 =	sand.u32 $0x1, s6  }
0x9: {  	s8 =	rddreg [dreg:$0x8];
	s26 =	stileid.u32;
	s12 =	sshll.u32 s9, $0x4  }
0xa: {  	s10 =	rddreg [dreg:$0x9];
	s16 =	sor.u32 s26, s12  }
0xb: {  	s11 =	rddreg [dreg:$0xa];
	s13 =	simm.s32 $0x0;
	s17 =	smul.u32 $0x140, s16  }
0xc: {  	s18 =	sadd.s32 $0x8A600, s15;
	[smem:$0x7FF] =	sst s13;
	s15 =	sadd.s32 $0xC0200, s15  }
0xd: {  	s12 =	rddreg [dreg:$0xb];
	_ =	strace $0x80000047;
	s14 =	sshrl.u32 s17, $0x3  }
0xe: {  	s20 =	sadd.s32 $0x40, s17;
	s21 =	sadd.s32 $0x80, s17;
	s26 =	sadd.s32 $0xC0, s17  }
0xf: {  	s17 =	sadd.s32 $0x100, s17;
	s14 =	sadd.s32 s18, s14;
	s6 =	sshrl.u32 s20, $0x3  }
0x10: {  	s20 =	sshll.u32 s20, $0x4;
	s22 =	sshrl.u32 s21, $0x3;
	s19 =	sadd.s32 $0x30D40, s14  }
0x11: {  	[tilespmem:s13], [sflag:$0x2] =	stream.linear.gather [hbm4b:s14+s13], $0x40, $0x38;
	[tilespmem:$0x2080] =	vst v63  }
0x12: {  	s24 =	sshll.u32 s21, $0x4;
	s20 =	sadd.s32 s15, s20;
	[dreg:$0xd] =	wrdreg s19  }
0x13: {  	s21 =	sshrl.u32 s17, $0x3;
	s23 =	sadd.s32 s18, s22;
	[dreg:$0xf] =	wrdreg s20  }
0x14: {  	s17 =	sshll.u32 s17, $0x4;
	s25 =	sadd.s32 s15, s24;
	[dreg:$0x10] =	wrdreg s23  }
0x15: {  	s17 =	sadd.s32 s15, s17;
	[dreg:$0x11] =	wrdreg s25  }
0x16: {  	s22 =	sadd.s32 $0x4E20, s14;
	[dreg:$0x15] =	wrdreg s17  }
0x17: {  	s24 =	sadd.s32 $0x4E28, s14;
	[dreg:$0x16] =	wrdreg s22  }
0x18: {  	s19 =	sadd.s32 s18, s6;
	s6 =	sshrl.u32 s26, $0x3;
	[dreg:$0x18] =	wrdreg s24  }
0x19: {  	s20 =	sshll.u32 s26, $0x4;
	s26 =	sadd.s32 $0x4E30, s14;
	[dreg:$0xe] =	wrdreg s19  }
0x1a: {  	s17 =	sadd.s32 $0x4E38, s14;
	[dreg:$0x1a] =	wrdreg s26  }
0x1b: {  	s19 =	sadd.s32 s18, s6;
	[dreg:$0x1c] =	wrdreg s17  }
0x1c: {  	s16 =	smul.u32 $0x1400, s16;
	s20 =	sadd.s32 s15, s20;
	[dreg:$0x12] =	wrdreg s19  }
0x1d: {  	s18 =	sadd.s32 s18, s21;
	[dreg:$0x13] =	wrdreg s20  }
0x1e: {  	s15 =	sadd.s32 s15, s16;
	s21 =	sadd.s32 $0x9C40, s14;
	[dreg:$0x14] =	wrdreg s18  }
0x1f: {  	s23 =	sadd.s32 $0x28000, s15;
	[smem:$0x7B0] =	sst s21  }
0x20: {  	s25 =	sadd.s32 $0x28400, s15;
	[dreg:$0x17] =	wrdreg s23  }
0x21: {  	s6 =	sadd.s32 $0x28800, s15;
	[dreg:$0x19] =	wrdreg s25  }
0x22: {  	s18 =	sadd.s32 $0x28C00, s15;
	[dreg:$0x1b] =	wrdreg s6  }
0x23: {  	s19 =	sadd.s32 $0x4E40, s14;
	[dreg:$0x1d] =	wrdreg s18  }
0x24: {  	s20 =	sadd.s32 $0x29000, s15;
	[dreg:$0x1e] =	wrdreg s19  }
0x25: {  	s22 =	sadd.s32 $0x50000, s15;
	[dreg:$0x1f] =	wrdreg s20  }
0x26: {  	s24 =	sadd.s32 $0x50400, s15;
	[smem:$0x7B1] =	sst s22  }
0x27: {  	s26 =	sadd.s32 $0x50800, s15;
	[smem:$0x7B3] =	sst s24  }
0x28: {  	s17 =	sadd.s32 $0x50C00, s15;
	[smem:$0x7B5] =	sst s26  }
0x29: {  	s21 =	sadd.s32 $0x78000, s15;
	[smem:$0x7B7] =	sst s17  }
0x2a: {  	s23 =	sadd.s32 $0x9C48, s14;
	[smem:$0x7BB] =	sst s21  }
0x2b: {  	s25 =	sadd.s32 $0x9C50, s14;
	[smem:$0x7B2] =	sst s23  }
0x2c: {  	s6 =	sadd.s32 $0x9C58, s14;
	[smem:$0x7B4] =	sst s25  }
0x2d: {  	s18 =	sadd.s32 $0x9C60, s14;
	[smem:$0x7B6] =	sst s6  }
0x2e: {  	s19 =	sadd.s32 $0x51000, s15;
	[smem:$0x7B8] =	sst s18  }
0x2f: {  	s20 =	sadd.s32 $0xEA60, s14;
	[smem:$0x7B9] =	sst s19  }
0x30: {  	s22 =	sadd.s32 $0xEA68, s14;
	[smem:$0x7BA] =	sst s20  }
0x31: {  	s24 =	sadd.s32 $0xEA70, s14;
	[smem:$0x7BC] =	sst s22  }
0x32: {  	s26 =	sadd.s32 $0xEA78, s14;
	[smem:$0x7BE] =	sst s24  }
0x33: {  	s17 =	sadd.s32 $0xEA80, s14;
	[smem:$0x7C0] =	sst s26  }
0x34: {  	s21 =	sadd.s32 $0x13888, s14;
	[smem:$0x7C2] =	sst s17  }
0x35: {  	s23 =	sadd.s32 $0x78400, s15;
	[smem:$0x7C6] =	sst s21  }
0x36: {  	s25 =	sadd.s32 $0x78800, s15;
	[smem:$0x7BD] =	sst s23  }
0x37: {  	s6 =	sadd.s32 $0x78C00, s15;
	[smem:$0x7BF] =	sst s25  }
0x38: {  	s18 =	sadd.s32 $0x79000, s15;
	[smem:$0x7C1] =	sst s6  }
0x39: {  	s19 =	sadd.s32 $0x13880, s14;
	[smem:$0x7C3] =	sst s18  }
0x3a: {  	s20 =	sadd.s32 $0xA0000, s15;
	[smem:$0x7C4] =	sst s19  }
0x3b: {  	s22 =	sadd.s32 $0xA0400, s15;
	[smem:$0x7C5] =	sst s20  }
0x3c: {  	s24 =	sadd.s32 $0xA0800, s15;
	[smem:$0x7C7] =	sst s22  }
0x3d: {  	s26 =	sadd.s32 $0xA0C00, s15;
	[smem:$0x7C9] =	sst s24  }
0x3e: {  	s17 =	sadd.s32 $0xA1000, s15;
	[smem:$0x7CB] =	sst s26  }
0x3f: {  	s21 =	sadd.s32 $0xC8400, s15;
	[smem:$0x7CD] =	sst s17  }
0x40: {  	s23 =	sadd.s32 $0x13890, s14;
	[smem:$0x7D1] =	sst s21  }
0x41: {  	s25 =	sadd.s32 $0x13898, s14;
	[smem:$0x7C8] =	sst s23  }
0x42: {  	s6 =	sadd.s32 $0x138A0, s14;
	[smem:$0x7CA] =	sst s25  }
0x43: {  	s18 =	sadd.s32 $0x186A0, s14;
	[smem:$0x7CC] =	sst s6  }
0x44: {  	s19 =	sadd.s32 $0xC8000, s15;
	[smem:$0x7CE] =	sst s18  }
0x45: {  	s20 =	sadd.s32 $0x186A8, s14;
	[smem:$0x7CF] =	sst s19  }
0x46: {  	s22 =	sadd.s32 $0x186B0, s14;
	[smem:$0x7D0] =	sst s20  }
0x47: {  	s24 =	sadd.s32 $0x186B8, s14;
	[smem:$0x7D2] =	sst s22  }
0x48: {  	s26 =	sadd.s32 $0x186C0, s14;
	[smem:$0x7D4] =	sst s24  }
0x49: {  	s17 =	sadd.s32 $0x1D4C0, s14;
	[smem:$0x7D6] =	sst s26  }
0x4a: {  	s21 =	sadd.s32 $0x1D4D0, s14;
	[smem:$0x7D8] =	sst s17  }
0x4b: {  	s23 =	sadd.s32 $0xC8800, s15;
	[smem:$0x7DC] =	sst s21  }
0x4c: {  	s25 =	sadd.s32 $0xC8C00, s15;
	[smem:$0x7D3] =	sst s23  }
0x4d: {  	s6 =	sadd.s32 $0xC9000, s15;
	[smem:$0x7D5] =	sst s25  }
0x4e: {  	s18 =	sadd.s32 $0xF0000, s15;
	[smem:$0x7D7] =	sst s6  }
0x4f: {  	s19 =	sadd.s32 $0x1D4C8, s14;
	[smem:$0x7D9] =	sst s18  }
0x50: {  	s20 =	sadd.s32 $0xF0400, s15;
	[smem:$0x7DA] =	sst s19  }
0x51: {  	s22 =	sadd.s32 $0xF0800, s15;
	[smem:$0x7DB] =	sst s20  }
0x52: {  	s24 =	sadd.s32 $0xF0C00, s15;
	[smem:$0x7DD] =	sst s22  }
0x53: {  	s26 =	sadd.s32 $0xF1000, s15;
	[smem:$0x7DF] =	sst s24  }
0x54: {  	s17 =	sadd.s32 $0x118000, s15;
	[smem:$0x7E1] =	sst s26  }
0x55: {  	s21 =	sadd.s32 $0x118800, s15;
	[smem:$0x7E3] =	sst s17  }
0x56: {  	s23 =	sadd.s32 $0x1D4D8, s14;
	[smem:$0x7E7] =	sst s21  }
0x57: {  	s25 =	sadd.s32 $0x1D4E0, s14;
	[smem:$0x7DE] =	sst s23  }
0x58: {  	s6 =	sadd.s32 $0x222E0, s14;
	[smem:$0x7E0] =	sst s25  }
0x59: {  	s18 =	sadd.s32 $0x222E8, s14;
	[smem:$0x7E2] =	sst s6  }
0x5a: {  	s19 =	sadd.s32 $0x118400, s15;
	[smem:$0x7E4] =	sst s18  }
0x5b: {  	s20 =	sadd.s32 $0x222F0, s14;
	[smem:$0x7E5] =	sst s19  }
0x5c: {  	s22 =	sadd.s32 $0x222F8, s14;
	[smem:$0x7E6] =	sst s20  }
0x5d: {  	s24 =	sadd.s32 $0x22300, s14;
	[smem:$0x7E8] =	sst s22  }
0x5e: {  	s26 =	sadd.s32 $0x27100, s14;
	[smem:$0x7EA] =	sst s24  }
0x5f: {  	s17 =	sadd.s32 $0x27108, s14;
	[smem:$0x7EC] =	sst s26  }
0x60: {  	s21 =	sadd.s32 $0x27118, s14;
	[smem:$0x7EE] =	sst s17  }
0x61: {  	s23 =	sadd.s32 $0x118C00, s15;
	[smem:$0x7F2] =	sst s21  }
0x62: {  	s25 =	sadd.s32 $0x119000, s15;
	[smem:$0x7E9] =	sst s23  }
0x63: {  	s6 =	sadd.s32 $0x140000, s15;
	[smem:$0x7EB] =	sst s25  }
0x64: {  	s18 =	sadd.s32 $0x140400, s15;
	[smem:$0x7ED] =	sst s6  }
0x65: {  	s19 =	sadd.s32 $0x27110, s14;
	[smem:$0x7EF] =	sst s18  }
0x66: {  	s20 =	sadd.s32 $0x140800, s15;
	[smem:$0x7F0] =	sst s19  }
0x67: {  	s22 =	sadd.s32 $0x140C00, s15;
	[smem:$0x7F1] =	sst s20  }
0x68: {  	s24 =	sadd.s32 $0x141000, s15;
	[smem:$0x7F3] =	sst s22  }
0x69: {  	s26 =	sadd.s32 $0x168000, s15;
	[smem:$0x7F5] =	sst s24  }
0x6a: {  	s17 =	sadd.s32 $0x168400, s15;
	[smem:$0x7F7] =	sst s26  }
0x6b: {  	s21 =	sadd.s32 $0x168C00, s15;
	[smem:$0x7F9] =	sst s17  }
0x6c: {  	s23 =	sadd.s32 $0x27120, s14;
	[smem:$0x7FD] =	sst s21  }
0x6d: {  	s25 =	sadd.s32 $0x2BF20, s14;
	[smem:$0x7F4] =	sst s23  }
0x6e: {  	s6 =	sadd.s32 $0x2BF28, s14;
	[smem:$0x7F6] =	sst s25  }
0x6f: {  	s18 =	sadd.s32 $0x2BF30, s14;
	[smem:$0x7F8] =	sst s6  }
0x70: {  	s19 =	sadd.s32 $0x168800, s15;
	[smem:$0x7FA] =	sst s18  }
0x71: {  	s20 =	sadd.s32 $0x2BF38, s14;
	[smem:$0x7FB] =	sst s19  }
0x72: {  	s16 =	simm.s32 $0x2;
	[smem:$0x7FC] =	sst s20  }
0x73: {  	_ =	swait.ge [sflag:s16], $0x40  }
0x74: {  	s17 =	simm.s32 $0x40;
	[sflag:s16] =	ssyncset.done $0x0  }
0x75: {  	s18 =	simm.s32 $0x80;
	s19 =	simm.s32 $0x1;
	[sflag:s16] =	ssyncadd.s32 $0xFFFFFFC0  }
0x76: {  	[tilespmem:s18], [sflag:$0x1] =	stream.indirect.gather [hbm4b:s0+s17], $0x80, s13, s17, $0xb8;
	[tilespmem:$0x2080] =	vst v63  }
0x77: {  	_ =	swait.ge [sflag:s19], $0x2000  }
0x78: {  	[sflag:s19] =	ssyncset.done $0x0  }
0x79: {  	[sflag:s19] =	ssyncadd.s32 $0xFFFFE000  }
0x7a: {  	[hbm4b:s15+s13] =	stream.linear.scatter [tilespmem:s18], [sflag:$0x2], $0x2000, $0x38;
	[tilespmem:$0x2080] =	vst v63  }
0x7b: {  	_ =	swait.ge [sflag:s16], $0x2000  }
0x7c: {  	[sflag:s16] =	ssyncset.done $0x0  }
0x7d: {  	s22 =	rddreg [dreg:$0xe];
	[sflag:s16] =	ssyncadd.s32 $0xFFFFE000  }
0x7e: {  	[tilespmem:s13], [sflag:$0x2] =	stream.linear.gather [hbm4b:s22+s13], $0x40, $0x38;
	[tilespmem:$0x2080] =	vst v63  }
0x7f: {  	_ =	swait.ge [sflag:s16], $0x40  }
0x80: {  	[sflag:s16] =	ssyncset.done $0x0  }
0x81: {  	[sflag:s16] =	ssyncadd.s32 $0xFFFFFFC0  }
0x82: {  	[tilespmem:s18], [sflag:$0x1] =	stream.indirect.gather [hbm4b:s0+s17], $0x80, s13, s17, $0xb8;
	[tilespmem:$0x2080] =	vst v63  }
0x83: {  	_ =	swait.ge [sflag:s19], $0x2000  }
0x84: {  	[sflag:s19] =	ssyncset.done $0x0  }
0x85: {  	s23 =	rddreg [dreg:$0xf];
	[sflag:s19] =	ssyncadd.s32 $0xFFFFE000  }
0x86: {  	[hbm4b:s23+s13] =	stream.linear.scatter [tilespmem:s18], [sflag:$0x2], $0x2000, $0x38;
	[tilespmem:$0x2080] =	vst v63  }
0x87: {  	_ =	swait.ge [sflag:s16], $0x2000  }
0x88: {  	[sflag:s16] =	ssyncset.done $0x0  }
0x89: {  	s24 =	rddreg [dreg:$0x10];
	[sflag:s16] =	ssyncadd.s32 $0xFFFFE000  }
0x8a: {  	[tilespmem:s13], [sflag:$0x2] =	stream.linear.gather [hbm4b:s24+s13], $0x40, $0x38;
	[tilespmem:$0x2080] =	vst v63  }
0x8b: {  	_ =	swait.ge [sflag:s16], $0x40  }
0x8c: {  	[sflag:s16] =	ssyncset.done $0x0  }
0x8d: {  	[sflag:s16] =	ssyncadd.s32 $0xFFFFFFC0  }
0x8e: {  	[tilespmem:s18], [sflag:$0x1] =	stream.indirect.gather [hbm4b:s0+s17], $0x80, s13, s17, $0xb8;
	[tilespmem:$0x2080] =	vst v63  }
0x8f: {  	_ =	swait.ge [sflag:s19], $0x2000  }
0x90: {  	[sflag:s19] =	ssyncset.done $0x0  }
0x91: {  	s25 =	rddreg [dreg:$0x11];
	[sflag:s19] =	ssyncadd.s32 $0xFFFFE000  }
0x92: {  	[hbm4b:s25+s13] =	stream.linear.scatter [tilespmem:s18], [sflag:$0x2], $0x2000, $0x38;
	[tilespmem:$0x2080] =	vst v63  }
0x93: {  	_ =	swait.ge [sflag:s16], $0x2000  }
0x94: {  	[sflag:s16] =	ssyncset.done $0x0  }
0x95: {  	s26 =	rddreg [dreg:$0x12];
	[sflag:s16] =	ssyncadd.s32 $0xFFFFE000  }
0x96: {  	[tilespmem:s13], [sflag:$0x2] =	stream.linear.gather [hbm4b:s26+s13], $0x40, $0x38;
	[tilespmem:$0x2080] =	vst v63  }
0x97: {  	_ =	swait.ge [sflag:s16], $0x40  }
0x98: {  	[sflag:s16] =	ssyncset.done $0x0  }
0x99: {  	[sflag:s16] =	ssyncadd.s32 $0xFFFFFFC0  }
0x9a: {  	[tilespmem:s18], [sflag:$0x1] =	stream.indirect.gather [hbm4b:s0+s17], $0x80, s13, s17, $0xb8;
	[tilespmem:$0x2080] =	vst v63  }
0x9b: {  	_ =	swait.ge [sflag:s19], $0x2000  }
0x9c: {  	[sflag:s19] =	ssyncset.done $0x0  }
0x9d: {  	s6 =	rddreg [dreg:$0x13];
	[sflag:s19] =	ssyncadd.s32 $0xFFFFE000  }
0x9e: {  	[hbm4b:s6+s13] =	stream.linear.scatter [tilespmem:s18], [sflag:$0x2], $0x2000, $0x38;
	[tilespmem:$0x2080] =	vst v63  }
0x9f: {  	_ =	swait.ge [sflag:s16], $0x2000  }
0xa0: {  	[sflag:s16] =	ssyncset.done $0x0  }
0xa1: {  	s21 =	rddreg [dreg:$0x14];
	[sflag:s16] =	ssyncadd.s32 $0xFFFFE000  }
0xa2: {  	[tilespmem:s13], [sflag:$0x2] =	stream.linear.gather [hbm4b:s21+s13], $0x40, $0x38;
	[tilespmem:$0x2080] =	vst v63  }
0xa3: {  	_ =	swait.ge [sflag:s16], $0x40  }
0xa4: {  	[sflag:s16] =	ssyncset.done $0x0  }
0xa5: {  	[sflag:s16] =	ssyncadd.s32 $0xFFFFFFC0  }
0xa6: {  	[tilespmem:s18], [sflag:$0x1] =	stream.indirect.gather [hbm4b:s0+s17], $0x80, s13, s17, $0xb8;
	[tilespmem:$0x2080] =	vst v63  }
0xa7: {  	_ =	swait.ge [sflag:s19], $0x2000  }
0xa8: {  	[sflag:s19] =	ssyncset.done $0x0  }
0xa9: {  	s22 =	rddreg [dreg:$0x15];
	[sflag:s19] =	ssyncadd.s32 $0xFFFFE000  }
0xaa: {  	[hbm4b:s22+s13] =	stream.linear.scatter [tilespmem:s18], [sflag:$0x2], $0x2000, $0x38;
	[tilespmem:$0x2080] =	vst v63  }
0xab: {  	_ =	swait.ge [sflag:s16], $0x2000  }
0xac: {  	[sflag:s16] =	ssyncset.done $0x0  }
0xad: {  	s23 =	rddreg [dreg:$0x16];
	[sflag:s16] =	ssyncadd.s32 $0xFFFFE000  }
0xae: {  	[tilespmem:s13], [sflag:$0x2] =	stream.linear.gather [hbm4b:s23+s13], $0x40, $0x38;
	[tilespmem:$0x2080] =	vst v63  }
0xaf: {  	_ =	swait.ge [sflag:s16], $0x40  }
0xb0: {  	[sflag:s16] =	ssyncset.done $0x0  }
0xb1: {  	[sflag:s16] =	ssyncadd.s32 $0xFFFFFFC0  }
0xb2: {  	[tilespmem:s18], [sflag:$0x1] =	stream.indirect.gather [hbm4b:s1+s17], $0x80, s13, s17, $0xb8;
	[tilespmem:$0x2080] =	vst v63  }
0xb3: {  	_ =	swait.ge [sflag:s19], $0x2000  }
0xb4: {  	[sflag:s19] =	ssyncset.done $0x0  }
0xb5: {  	s24 =	rddreg [dreg:$0x17];
	[sflag:s19] =	ssyncadd.s32 $0xFFFFE000  }
0xb6: {  	[hbm4b:s24+s13] =	stream.linear.scatter [tilespmem:s18], [sflag:$0x2], $0x2000, $0x38;
	[tilespmem:$0x2080] =	vst v63  }
0xb7: {  	_ =	swait.ge [sflag:s16], $0x2000  }
0xb8: {  	[sflag:s16] =	ssyncset.done $0x0  }
0xb9: {  	s25 =	rddreg [dreg:$0x18];
	[sflag:s16] =	ssyncadd.s32 $0xFFFFE000  }
0xba: {  	[tilespmem:s13], [sflag:$0x2] =	stream.linear.gather [hbm4b:s25+s13], $0x40, $0x38;
	[tilespmem:$0x2080] =	vst v63  }
0xbb: {  	_ =	swait.ge [sflag:s16], $0x40  }
0xbc: {  	[sflag:s16] =	ssyncset.done $0x0  }
0xbd: {  	[sflag:s16] =	ssyncadd.s32 $0xFFFFFFC0  }
0xbe: {  	[tilespmem:s18], [sflag:$0x1] =	stream.indirect.gather [hbm4b:s1+s17], $0x80, s13, s17, $0xb8;
	[tilespmem:$0x2080] =	vst v63  }
0xbf: {  	_ =	swait.ge [sflag:s19], $0x2000  }
0xc0: {  	[sflag:s19] =	ssyncset.done $0x0  }
0xc1: {  	s26 =	rddreg [dreg:$0x19];
	[sflag:s19] =	ssyncadd.s32 $0xFFFFE000  }
0xc2: {  	[hbm4b:s26+s13] =	stream.linear.scatter [tilespmem:s18], [sflag:$0x2], $0x2000, $0x38;
	[tilespmem:$0x2080] =	vst v63  }
0xc3: {  	_ =	swait.ge [sflag:s16], $0x2000  }
0xc4: {  	[sflag:s16] =	ssyncset.done $0x0  }
0xc5: {  	s6 =	rddreg [dreg:$0x1a];
	[sflag:s16] =	ssyncadd.s32 $0xFFFFE000  }
0xc6: {  	[tilespmem:s13], [sflag:$0x2] =	stream.linear.gather [hbm4b:s6+s13], $0x40, $0x38;
	[tilespmem:$0x2080] =	vst v63  }
0xc7: {  	_ =	swait.ge [sflag:s16], $0x40  }
0xc8: {  	[sflag:s16] =	ssyncset.done $0x0  }
0xc9: {  	[sflag:s16] =	ssyncadd.s32 $0xFFFFFFC0  }
0xca: {  	[tilespmem:s18], [sflag:$0x1] =	stream.indirect.gather [hbm4b:s1+s17], $0x80, s13, s17, $0xb8;
	[tilespmem:$0x2080] =	vst v63  }
0xcb: {  	_ =	swait.ge [sflag:s19], $0x2000  }
0xcc: {  	[sflag:s19] =	ssyncset.done $0x0  }
0xcd: {  	s21 =	rddreg [dreg:$0x1b];
	[sflag:s19] =	ssyncadd.s32 $0xFFFFE000  }
0xce: {  	[hbm4b:s21+s13] =	stream.linear.scatter [tilespmem:s18], [sflag:$0x2], $0x2000, $0x38;
	[tilespmem:$0x2080] =	vst v63  }
0xcf: {  	_ =	swait.ge [sflag:s16], $0x2000  }
0xd0: {  	[sflag:s16] =	ssyncset.done $0x0  }
0xd1: {  	s22 =	rddreg [dreg:$0x1c];
	[sflag:s16] =	ssyncadd.s32 $0xFFFFE000  }
0xd2: {  	[tilespmem:s13], [sflag:$0x2] =	stream.linear.gather [hbm4b:s22+s13], $0x40, $0x38;
	[tilespmem:$0x2080] =	vst v63  }
0xd3: {  	_ =	swait.ge [sflag:s16], $0x40  }
0xd4: {  	[sflag:s16] =	ssyncset.done $0x0  }
0xd5: {  	[sflag:s16] =	ssyncadd.s32 $0xFFFFFFC0  }
0xd6: {  	[tilespmem:s18], [sflag:$0x1] =	stream.indirect.gather [hbm4b:s1+s17], $0x80, s13, s17, $0xb8;
	[tilespmem:$0x2080] =	vst v63  }
0xd7: {  	_ =	swait.ge [sflag:s19], $0x2000  }
0xd8: {  	[sflag:s19] =	ssyncset.done $0x0  }
0xd9: {  	s23 =	rddreg [dreg:$0x1d];
	[sflag:s19] =	ssyncadd.s32 $0xFFFFE000  }
0xda: {  	[hbm4b:s23+s13] =	stream.linear.scatter [tilespmem:s18], [sflag:$0x2], $0x2000, $0x38;
	[tilespmem:$0x2080] =	vst v63  }
0xdb: {  	_ =	swait.ge [sflag:s16], $0x2000  }
0xdc: {  	[sflag:s16] =	ssyncset.done $0x0  }
0xdd: {  	s24 =	rddreg [dreg:$0x1e];
	[sflag:s16] =	ssyncadd.s32 $0xFFFFE000  }
0xde: {  	[tilespmem:s13], [sflag:$0x2] =	stream.linear.gather [hbm4b:s24+s13], $0x40, $0x38;
	[tilespmem:$0x2080] =	vst v63  }
0xdf: {  	_ =	swait.ge [sflag:s16], $0x40  }
0xe0: {  	[sflag:s16] =	ssyncset.done $0x0  }
0xe1: {  	[sflag:s16] =	ssyncadd.s32 $0xFFFFFFC0  }
0xe2: {  	[tilespmem:s18], [sflag:$0x1] =	stream.indirect.gather [hbm4b:s1+s17], $0x80, s13, s17, $0xb8;
	[tilespmem:$0x2080] =	vst v63  }
0xe3: {  	_ =	swait.ge [sflag:s19], $0x2000  }
0xe4: {  	[sflag:s19] =	ssyncset.done $0x0  }
0xe5: {  	s25 =	rddreg [dreg:$0x1f];
	[sflag:s19] =	ssyncadd.s32 $0xFFFFE000  }
0xe6: {  	[hbm4b:s25+s13] =	stream.linear.scatter [tilespmem:s18], [sflag:$0x2], $0x2000, $0x38;
	[tilespmem:$0x2080] =	vst v63  }
0xe7: {  	_ =	swait.ge [sflag:s16], $0x2000  }
0xe8: {  	s26 =	sld [smem:$0x7B0]  }
0xe9: {  	[sflag:s16] =	ssyncset.done $0x0  }
0xea: {  	[sflag:s16] =	ssyncadd.s32 $0xFFFFE000  }
0xeb: {  	[tilespmem:s13], [sflag:$0x2] =	stream.linear.gather [hbm4b:s26+s13], $0x40, $0x38;
	[tilespmem:$0x2080] =	vst v63  }
0xec: {  	_ =	swait.ge [sflag:s16], $0x40  }
0xed: {  	[sflag:s16] =	ssyncset.done $0x0  }
0xee: {  	[sflag:s16] =	ssyncadd.s32 $0xFFFFFFC0  }
0xef: {  	[tilespmem:s18], [sflag:$0x1] =	stream.indirect.gather [hbm4b:s2+s17], $0x80, s13, s17, $0xb8;
	[tilespmem:$0x2080] =	vst v63  }
0xf0: {  	_ =	swait.ge [sflag:s19], $0x2000  }
0xf1: {  	s6 =	sld [smem:$0x7B1]  }
0xf2: {  	[sflag:s19] =	ssyncset.done $0x0  }
0xf3: {  	[sflag:s19] =	ssyncadd.s32 $0xFFFFE000  }
0xf4: {  	[hbm4b:s6+s13] =	stream.linear.scatter [tilespmem:s18], [sflag:$0x2], $0x2000, $0x38;
	[tilespmem:$0x2080] =	vst v63  }
0xf5: {  	_ =	swait.ge [sflag:s16], $0x2000  }
0xf6: {  	s21 =	sld [smem:$0x7B2]  }
0xf7: {  	[sflag:s16] =	ssyncset.done $0x0  }
0xf8: {  	[sflag:s16] =	ssyncadd.s32 $0xFFFFE000  }
0xf9: {  	[tilespmem:s13], [sflag:$0x2] =	stream.linear.gather [hbm4b:s21+s13], $0x40, $0x38;
	[tilespmem:$0x2080] =	vst v63  }
0xfa: {  	_ =	swait.ge [sflag:s16], $0x40  }
0xfb: {  	[sflag:s16] =	ssyncset.done $0x0  }
0xfc: {  	[sflag:s16] =	ssyncadd.s32 $0xFFFFFFC0  }
0xfd: {  	[tilespmem:s18], [sflag:$0x1] =	stream.indirect.gather [hbm4b:s2+s17], $0x80, s13, s17, $0xb8;
	[tilespmem:$0x2080] =	vst v63  }
0xfe: {  	_ =	swait.ge [sflag:s19], $0x2000  }
0xff: {  	s22 =	sld [smem:$0x7B3]  }
0x100: {  	[sflag:s19] =	ssyncset.done $0x0  }
0x101: {  	[sflag:s19] =	ssyncadd.s32 $0xFFFFE000  }
0x102: {  	[hbm4b:s22+s13] =	stream.linear.scatter [tilespmem:s18], [sflag:$0x2], $0x2000, $0x38;
	[tilespmem:$0x2080] =	vst v63  }
0x103: {  	_ =	swait.ge [sflag:s16], $0x2000  }
0x104: {  	s23 =	sld [smem:$0x7B4]  }
0x105: {  	[sflag:s16] =	ssyncset.done $0x0  }
0x106: {  	[sflag:s16] =	ssyncadd.s32 $0xFFFFE000  }
0x107: {  	[tilespmem:s13], [sflag:$0x2] =	stream.linear.gather [hbm4b:s23+s13], $0x40, $0x38;
	[tilespmem:$0x2080] =	vst v63  }
0x108: {  	_ =	swait.ge [sflag:s16], $0x40  }
0x109: {  	[sflag:s16] =	ssyncset.done $0x0  }
0x10a: {  	[sflag:s16] =	ssyncadd.s32 $0xFFFFFFC0  }
0x10b: {  	[tilespmem:s18], [sflag:$0x1] =	stream.indirect.gather [hbm4b:s2+s17], $0x80, s13, s17, $0xb8;
	[tilespmem:$0x2080] =	vst v63  }
0x10c: {  	_ =	swait.ge [sflag:s19], $0x2000  }
0x10d: {  	s24 =	sld [smem:$0x7B5]  }
0x10e: {  	[sflag:s19] =	ssyncset.done $0x0  }
0x10f: {  	[sflag:s19] =	ssyncadd.s32 $0xFFFFE000  }
0x110: {  	[hbm4b:s24+s13] =	stream.linear.scatter [tilespmem:s18], [sflag:$0x2], $0x2000, $0x38;
	[tilespmem:$0x2080] =	vst v63  }
0x111: {  	_ =	swait.ge [sflag:s16], $0x2000  }
0x112: {  	s25 =	sld [smem:$0x7B6]  }
0x113: {  	[sflag:s16] =	ssyncset.done $0x0  }
0x114: {  	[sflag:s16] =	ssyncadd.s32 $0xFFFFE000  }
0x115: {  	[tilespmem:s13], [sflag:$0x2] =	stream.linear.gather [hbm4b:s25+s13], $0x40, $0x38;
	[tilespmem:$0x2080] =	vst v63  }
0x116: {  	_ =	swait.ge [sflag:s16], $0x40  }
0x117: {  	[sflag:s16] =	ssyncset.done $0x0  }
0x118: {  	[sflag:s16] =	ssyncadd.s32 $0xFFFFFFC0  }
0x119: {  	[tilespmem:s18], [sflag:$0x1] =	stream.indirect.gather [hbm4b:s2+s17], $0x80, s13, s17, $0xb8;
	[tilespmem:$0x2080] =	vst v63  }
0x11a: {  	_ =	swait.ge [sflag:s19], $0x2000  }
0x11b: {  	s26 =	sld [smem:$0x7B7]  }
0x11c: {  	[sflag:s19] =	ssyncset.done $0x0  }
0x11d: {  	[sflag:s19] =	ssyncadd.s32 $0xFFFFE000  }
0x11e: {  	[hbm4b:s26+s13] =	stream.linear.scatter [tilespmem:s18], [sflag:$0x2], $0x2000, $0x38;
	[tilespmem:$0x2080] =	vst v63  }
0x11f: {  	_ =	swait.ge [sflag:s16], $0x2000  }
0x120: {  	s6 =	sld [smem:$0x7B8]  }
0x121: {  	[sflag:s16] =	ssyncset.done $0x0  }
0x122: {  	[sflag:s16] =	ssyncadd.s32 $0xFFFFE000  }
0x123: {  	[tilespmem:s13], [sflag:$0x2] =	stream.linear.gather [hbm4b:s6+s13], $0x40, $0x38;
	[tilespmem:$0x2080] =	vst v63  }
0x124: {  	_ =	swait.ge [sflag:s16], $0x40  }
0x125: {  	[sflag:s16] =	ssyncset.done $0x0  }
0x126: {  	[sflag:s16] =	ssyncadd.s32 $0xFFFFFFC0  }
0x127: {  	[tilespmem:s18], [sflag:$0x1] =	stream.indirect.gather [hbm4b:s2+s17], $0x80, s13, s17, $0xb8;
	[tilespmem:$0x2080] =	vst v63  }
0x128: {  	_ =	swait.ge [sflag:s19], $0x2000  }
0x129: {  	s21 =	sld [smem:$0x7B9]  }
0x12a: {  	[sflag:s19] =	ssyncset.done $0x0  }
0x12b: {  	[sflag:s19] =	ssyncadd.s32 $0xFFFFE000  }
0x12c: {  	[hbm4b:s21+s13] =	stream.linear.scatter [tilespmem:s18], [sflag:$0x2], $0x2000, $0x38;
	[tilespmem:$0x2080] =	vst v63  }
0x12d: {  	_ =	swait.ge [sflag:s16], $0x2000  }
0x12e: {  	s22 =	sld [smem:$0x7BA]  }
0x12f: {  	[sflag:s16] =	ssyncset.done $0x0  }
0x130: {  	[sflag:s16] =	ssyncadd.s32 $0xFFFFE000  }
0x131: {  	[tilespmem:s13], [sflag:$0x2] =	stream.linear.gather [hbm4b:s22+s13], $0x40, $0x38;
	[tilespmem:$0x2080] =	vst v63  }
0x132: {  	_ =	swait.ge [sflag:s16], $0x40  }
0x133: {  	[sflag:s16] =	ssyncset.done $0x0  }
0x134: {  	[sflag:s16] =	ssyncadd.s32 $0xFFFFFFC0  }
0x135: {  	[tilespmem:s18], [sflag:$0x1] =	stream.indirect.gather [hbm4b:s3+s17], $0x80, s13, s17, $0xb8;
	[tilespmem:$0x2080] =	vst v63  }
0x136: {  	_ =	swait.ge [sflag:s19], $0x2000  }
0x137: {  	s23 =	sld [smem:$0x7BB]  }
0x138: {  	[sflag:s19] =	ssyncset.done $0x0  }
0x139: {  	[sflag:s19] =	ssyncadd.s32 $0xFFFFE000  }
0x13a: {  	[hbm4b:s23+s13] =	stream.linear.scatter [tilespmem:s18], [sflag:$0x2], $0x2000, $0x38;
	[tilespmem:$0x2080] =	vst v63  }
0x13b: {  	_ =	swait.ge [sflag:s16], $0x2000  }
0x13c: {  	s24 =	sld [smem:$0x7BC]  }
0x13d: {  	[sflag:s16] =	ssyncset.done $0x0  }
0x13e: {  	[sflag:s16] =	ssyncadd.s32 $0xFFFFE000  }
0x13f: {  	[tilespmem:s13], [sflag:$0x2] =	stream.linear.gather [hbm4b:s24+s13], $0x40, $0x38;
	[tilespmem:$0x2080] =	vst v63  }
0x140: {  	_ =	swait.ge [sflag:s16], $0x40  }
0x141: {  	[sflag:s16] =	ssyncset.done $0x0  }
0x142: {  	[sflag:s16] =	ssyncadd.s32 $0xFFFFFFC0  }
0x143: {  	[tilespmem:s18], [sflag:$0x1] =	stream.indirect.gather [hbm4b:s3+s17], $0x80, s13, s17, $0xb8;
	[tilespmem:$0x2080] =	vst v63  }
0x144: {  	_ =	swait.ge [sflag:s19], $0x2000  }
0x145: {  	s25 =	sld [smem:$0x7BD]  }
0x146: {  	[sflag:s19] =	ssyncset.done $0x0  }
0x147: {  	[sflag:s19] =	ssyncadd.s32 $0xFFFFE000  }
0x148: {  	[hbm4b:s25+s13] =	stream.linear.scatter [tilespmem:s18], [sflag:$0x2], $0x2000, $0x38;
	[tilespmem:$0x2080] =	vst v63  }
0x149: {  	_ =	swait.ge [sflag:s16], $0x2000  }
0x14a: {  	s26 =	sld [smem:$0x7BE]  }
0x14b: {  	[sflag:s16] =	ssyncset.done $0x0  }
0x14c: {  	[sflag:s16] =	ssyncadd.s32 $0xFFFFE000  }
0x14d: {  	[tilespmem:s13], [sflag:$0x2] =	stream.linear.gather [hbm4b:s26+s13], $0x40, $0x38;
	[tilespmem:$0x2080] =	vst v63  }
0x14e: {  	_ =	swait.ge [sflag:s16], $0x40  }
0x14f: {  	[sflag:s16] =	ssyncset.done $0x0  }
0x150: {  	[sflag:s16] =	ssyncadd.s32 $0xFFFFFFC0  }
0x151: {  	[tilespmem:s18], [sflag:$0x1] =	stream.indirect.gather [hbm4b:s3+s17], $0x80, s13, s17, $0xb8;
	[tilespmem:$0x2080] =	vst v63  }
0x152: {  	_ =	swait.ge [sflag:s19], $0x2000  }
0x153: {  	s6 =	sld [smem:$0x7BF]  }
0x154: {  	[sflag:s19] =	ssyncset.done $0x0  }
0x155: {  	[sflag:s19] =	ssyncadd.s32 $0xFFFFE000  }
0x156: {  	[hbm4b:s6+s13] =	stream.linear.scatter [tilespmem:s18], [sflag:$0x2], $0x2000, $0x38;
	[tilespmem:$0x2080] =	vst v63  }
0x157: {  	_ =	swait.ge [sflag:s16], $0x2000  }
0x158: {  	s21 =	sld [smem:$0x7C0]  }
0x159: {  	[sflag:s16] =	ssyncset.done $0x0  }
0x15a: {  	[sflag:s16] =	ssyncadd.s32 $0xFFFFE000  }
0x15b: {  	[tilespmem:s13], [sflag:$0x2] =	stream.linear.gather [hbm4b:s21+s13], $0x40, $0x38;
	[tilespmem:$0x2080] =	vst v63  }
0x15c: {  	_ =	swait.ge [sflag:s16], $0x40  }
0x15d: {  	[sflag:s16] =	ssyncset.done $0x0  }
0x15e: {  	[sflag:s16] =	ssyncadd.s32 $0xFFFFFFC0  }
0x15f: {  	[tilespmem:s18], [sflag:$0x1] =	stream.indirect.gather [hbm4b:s3+s17], $0x80, s13, s17, $0xb8;
	[tilespmem:$0x2080] =	vst v63  }
0x160: {  	_ =	swait.ge [sflag:s19], $0x2000  }
0x161: {  	s22 =	sld [smem:$0x7C1]  }
0x162: {  	[sflag:s19] =	ssyncset.done $0x0  }
0x163: {  	[sflag:s19] =	ssyncadd.s32 $0xFFFFE000  }
0x164: {  	[hbm4b:s22+s13] =	stream.linear.scatter [tilespmem:s18], [sflag:$0x2], $0x2000, $0x38;
	[tilespmem:$0x2080] =	vst v63  }
0x165: {  	_ =	swait.ge [sflag:s16], $0x2000  }
0x166: {  	s23 =	sld [smem:$0x7C2]  }
0x167: {  	[sflag:s16] =	ssyncset.done $0x0  }
0x168: {  	[sflag:s16] =	ssyncadd.s32 $0xFFFFE000  }
0x169: {  	[tilespmem:s13], [sflag:$0x2] =	stream.linear.gather [hbm4b:s23+s13], $0x40, $0x38;
	[tilespmem:$0x2080] =	vst v63  }
0x16a: {  	_ =	swait.ge [sflag:s16], $0x40  }
0x16b: {  	[sflag:s16] =	ssyncset.done $0x0  }
0x16c: {  	[sflag:s16] =	ssyncadd.s32 $0xFFFFFFC0  }
0x16d: {  	[tilespmem:s18], [sflag:$0x1] =	stream.indirect.gather [hbm4b:s3+s17], $0x80, s13, s17, $0xb8;
	[tilespmem:$0x2080] =	vst v63  }
0x16e: {  	_ =	swait.ge [sflag:s19], $0x2000  }
0x16f: {  	s24 =	sld [smem:$0x7C3]  }
0x170: {  	[sflag:s19] =	ssyncset.done $0x0  }
0x171: {  	[sflag:s19] =	ssyncadd.s32 $0xFFFFE000  }
0x172: {  	[hbm4b:s24+s13] =	stream.linear.scatter [tilespmem:s18], [sflag:$0x2], $0x2000, $0x38;
	[tilespmem:$0x2080] =	vst v63  }
0x173: {  	_ =	swait.ge [sflag:s16], $0x2000  }
0x174: {  	s25 =	sld [smem:$0x7C4]  }
0x175: {  	[sflag:s16] =	ssyncset.done $0x0  }
0x176: {  	[sflag:s16] =	ssyncadd.s32 $0xFFFFE000  }
0x177: {  	[tilespmem:s13], [sflag:$0x2] =	stream.linear.gather [hbm4b:s25+s13], $0x40, $0x38;
	[tilespmem:$0x2080] =	vst v63  }
0x178: {  	_ =	swait.ge [sflag:s16], $0x40  }
0x179: {  	[sflag:s16] =	ssyncset.done $0x0  }
0x17a: {  	[sflag:s16] =	ssyncadd.s32 $0xFFFFFFC0  }
0x17b: {  	[tilespmem:s18], [sflag:$0x1] =	stream.indirect.gather [hbm4b:s4+s17], $0x80, s13, s17, $0xb8;
	[tilespmem:$0x2080] =	vst v63  }
0x17c: {  	_ =	swait.ge [sflag:s19], $0x2000  }
0x17d: {  	s26 =	sld [smem:$0x7C5]  }
0x17e: {  	[sflag:s19] =	ssyncset.done $0x0  }
0x17f: {  	[sflag:s19] =	ssyncadd.s32 $0xFFFFE000  }
0x180: {  	[hbm4b:s26+s13] =	stream.linear.scatter [tilespmem:s18], [sflag:$0x2], $0x2000, $0x38;
	[tilespmem:$0x2080] =	vst v63  }
0x181: {  	_ =	swait.ge [sflag:s16], $0x2000  }
0x182: {  	s6 =	sld [smem:$0x7C6]  }
0x183: {  	[sflag:s16] =	ssyncset.done $0x0  }
0x184: {  	[sflag:s16] =	ssyncadd.s32 $0xFFFFE000  }
0x185: {  	[tilespmem:s13], [sflag:$0x2] =	stream.linear.gather [hbm4b:s6+s13], $0x40, $0x38;
	[tilespmem:$0x2080] =	vst v63  }
0x186: {  	_ =	swait.ge [sflag:s16], $0x40  }
0x187: {  	[sflag:s16] =	ssyncset.done $0x0  }
0x188: {  	[sflag:s16] =	ssyncadd.s32 $0xFFFFFFC0  }
0x189: {  	[tilespmem:s18], [sflag:$0x1] =	stream.indirect.gather [hbm4b:s4+s17], $0x80, s13, s17, $0xb8;
	[tilespmem:$0x2080] =	vst v63  }
0x18a: {  	_ =	swait.ge [sflag:s19], $0x2000  }
0x18b: {  	s21 =	sld [smem:$0x7C7]  }
0x18c: {  	[sflag:s19] =	ssyncset.done $0x0  }
0x18d: {  	[sflag:s19] =	ssyncadd.s32 $0xFFFFE000  }
0x18e: {  	[hbm4b:s21+s13] =	stream.linear.scatter [tilespmem:s18], [sflag:$0x2], $0x2000, $0x38;
	[tilespmem:$0x2080] =	vst v63  }
0x18f: {  	_ =	swait.ge [sflag:s16], $0x2000  }
0x190: {  	s22 =	sld [smem:$0x7C8]  }
0x191: {  	[sflag:s16] =	ssyncset.done $0x0  }
0x192: {  	[sflag:s16] =	ssyncadd.s32 $0xFFFFE000  }
0x193: {  	[tilespmem:s13], [sflag:$0x2] =	stream.linear.gather [hbm4b:s22+s13], $0x40, $0x38;
	[tilespmem:$0x2080] =	vst v63  }
0x194: {  	_ =	swait.ge [sflag:s16], $0x40  }
0x195: {  	[sflag:s16] =	ssyncset.done $0x0  }
0x196: {  	[sflag:s16] =	ssyncadd.s32 $0xFFFFFFC0  }
0x197: {  	[tilespmem:s18], [sflag:$0x1] =	stream.indirect.gather [hbm4b:s4+s17], $0x80, s13, s17, $0xb8;
	[tilespmem:$0x2080] =	vst v63  }
0x198: {  	_ =	swait.ge [sflag:s19], $0x2000  }
0x199: {  	s23 =	sld [smem:$0x7C9]  }
0x19a: {  	[sflag:s19] =	ssyncset.done $0x0  }
0x19b: {  	[sflag:s19] =	ssyncadd.s32 $0xFFFFE000  }
0x19c: {  	[hbm4b:s23+s13] =	stream.linear.scatter [tilespmem:s18], [sflag:$0x2], $0x2000, $0x38;
	[tilespmem:$0x2080] =	vst v63  }
0x19d: {  	_ =	swait.ge [sflag:s16], $0x2000  }
0x19e: {  	s24 =	sld [smem:$0x7CA]  }
0x19f: {  	[sflag:s16] =	ssyncset.done $0x0  }
0x1a0: {  	[sflag:s16] =	ssyncadd.s32 $0xFFFFE000  }
0x1a1: {  	[tilespmem:s13], [sflag:$0x2] =	stream.linear.gather [hbm4b:s24+s13], $0x40, $0x38;
	[tilespmem:$0x2080] =	vst v63  }
0x1a2: {  	_ =	swait.ge [sflag:s16], $0x40  }
0x1a3: {  	[sflag:s16] =	ssyncset.done $0x0  }
0x1a4: {  	[sflag:s16] =	ssyncadd.s32 $0xFFFFFFC0  }
0x1a5: {  	[tilespmem:s18], [sflag:$0x1] =	stream.indirect.gather [hbm4b:s4+s17], $0x80, s13, s17, $0xb8;
	[tilespmem:$0x2080] =	vst v63  }
0x1a6: {  	_ =	swait.ge [sflag:s19], $0x2000  }
0x1a7: {  	s25 =	sld [smem:$0x7CB]  }
0x1a8: {  	[sflag:s19] =	ssyncset.done $0x0  }
0x1a9: {  	[sflag:s19] =	ssyncadd.s32 $0xFFFFE000  }
0x1aa: {  	[hbm4b:s25+s13] =	stream.linear.scatter [tilespmem:s18], [sflag:$0x2], $0x2000, $0x38;
	[tilespmem:$0x2080] =	vst v63  }
0x1ab: {  	_ =	swait.ge [sflag:s16], $0x2000  }
0x1ac: {  	s26 =	sld [smem:$0x7CC]  }
0x1ad: {  	[sflag:s16] =	ssyncset.done $0x0  }
0x1ae: {  	[sflag:s16] =	ssyncadd.s32 $0xFFFFE000  }
0x1af: {  	[tilespmem:s13], [sflag:$0x2] =	stream.linear.gather [hbm4b:s26+s13], $0x40, $0x38;
	[tilespmem:$0x2080] =	vst v63  }
0x1b0: {  	_ =	swait.ge [sflag:s16], $0x40  }
0x1b1: {  	[sflag:s16] =	ssyncset.done $0x0  }
0x1b2: {  	[sflag:s16] =	ssyncadd.s32 $0xFFFFFFC0  }
0x1b3: {  	[tilespmem:s18], [sflag:$0x1] =	stream.indirect.gather [hbm4b:s4+s17], $0x80, s13, s17, $0xb8;
	[tilespmem:$0x2080] =	vst v63  }
0x1b4: {  	_ =	swait.ge [sflag:s19], $0x2000  }
0x1b5: {  	s6 =	sld [smem:$0x7CD]  }
0x1b6: {  	[sflag:s19] =	ssyncset.done $0x0  }
0x1b7: {  	[sflag:s19] =	ssyncadd.s32 $0xFFFFE000  }
0x1b8: {  	[hbm4b:s6+s13] =	stream.linear.scatter [tilespmem:s18], [sflag:$0x2], $0x2000, $0x38;
	[tilespmem:$0x2080] =	vst v63  }
0x1b9: {  	_ =	swait.ge [sflag:s16], $0x2000  }
0x1ba: {  	s21 =	sld [smem:$0x7CE]  }
0x1bb: {  	[sflag:s16] =	ssyncset.done $0x0  }
0x1bc: {  	[sflag:s16] =	ssyncadd.s32 $0xFFFFE000  }
0x1bd: {  	[tilespmem:s13], [sflag:$0x2] =	stream.linear.gather [hbm4b:s21+s13], $0x40, $0x38;
	[tilespmem:$0x2080] =	vst v63  }
0x1be: {  	_ =	swait.ge [sflag:s16], $0x40  }
0x1bf: {  	[sflag:s16] =	ssyncset.done $0x0  }
0x1c0: {  	[sflag:s16] =	ssyncadd.s32 $0xFFFFFFC0  }
0x1c1: {  	[tilespmem:s18], [sflag:$0x1] =	stream.indirect.gather [hbm4b:s5+s17], $0x80, s13, s17, $0xb8;
	[tilespmem:$0x2080] =	vst v63  }
0x1c2: {  	_ =	swait.ge [sflag:s19], $0x2000  }
0x1c3: {  	s22 =	sld [smem:$0x7CF]  }
0x1c4: {  	[sflag:s19] =	ssyncset.done $0x0  }
0x1c5: {  	[sflag:s19] =	ssyncadd.s32 $0xFFFFE000  }
0x1c6: {  	[hbm4b:s22+s13] =	stream.linear.scatter [tilespmem:s18], [sflag:$0x2], $0x2000, $0x38;
	[tilespmem:$0x2080] =	vst v63  }
0x1c7: {  	_ =	swait.ge [sflag:s16], $0x2000  }
0x1c8: {  	s23 =	sld [smem:$0x7D0]  }
0x1c9: {  	[sflag:s16] =	ssyncset.done $0x0  }
0x1ca: {  	[sflag:s16] =	ssyncadd.s32 $0xFFFFE000  }
0x1cb: {  	[tilespmem:s13], [sflag:$0x2] =	stream.linear.gather [hbm4b:s23+s13], $0x40, $0x38;
	[tilespmem:$0x2080] =	vst v63  }
0x1cc: {  	_ =	swait.ge [sflag:s16], $0x40  }
0x1cd: {  	[sflag:s16] =	ssyncset.done $0x0  }
0x1ce: {  	[sflag:s16] =	ssyncadd.s32 $0xFFFFFFC0  }
0x1cf: {  	[tilespmem:s18], [sflag:$0x1] =	stream.indirect.gather [hbm4b:s5+s17], $0x80, s13, s17, $0xb8;
	[tilespmem:$0x2080] =	vst v63  }
0x1d0: {  	_ =	swait.ge [sflag:s19], $0x2000  }
0x1d1: {  	s24 =	sld [smem:$0x7D1]  }
0x1d2: {  	[sflag:s19] =	ssyncset.done $0x0  }
0x1d3: {  	[sflag:s19] =	ssyncadd.s32 $0xFFFFE000  }
0x1d4: {  	[hbm4b:s24+s13] =	stream.linear.scatter [tilespmem:s18], [sflag:$0x2], $0x2000, $0x38;
	[tilespmem:$0x2080] =	vst v63  }
0x1d5: {  	_ =	swait.ge [sflag:s16], $0x2000  }
0x1d6: {  	s25 =	sld [smem:$0x7D2]  }
0x1d7: {  	[sflag:s16] =	ssyncset.done $0x0  }
0x1d8: {  	[sflag:s16] =	ssyncadd.s32 $0xFFFFE000  }
0x1d9: {  	[tilespmem:s13], [sflag:$0x2] =	stream.linear.gather [hbm4b:s25+s13], $0x40, $0x38;
	[tilespmem:$0x2080] =	vst v63  }
0x1da: {  	_ =	swait.ge [sflag:s16], $0x40  }
0x1db: {  	[sflag:s16] =	ssyncset.done $0x0  }
0x1dc: {  	[sflag:s16] =	ssyncadd.s32 $0xFFFFFFC0  }
0x1dd: {  	[tilespmem:s18], [sflag:$0x1] =	stream.indirect.gather [hbm4b:s5+s17], $0x80, s13, s17, $0xb8;
	[tilespmem:$0x2080] =	vst v63  }
0x1de: {  	_ =	swait.ge [sflag:s19], $0x2000  }
0x1df: {  	s26 =	sld [smem:$0x7D3]  }
0x1e0: {  	[sflag:s19] =	ssyncset.done $0x0  }
0x1e1: {  	[sflag:s19] =	ssyncadd.s32 $0xFFFFE000  }
0x1e2: {  	[hbm4b:s26+s13] =	stream.linear.scatter [tilespmem:s18], [sflag:$0x2], $0x2000, $0x38;
	[tilespmem:$0x2080] =	vst v63  }
0x1e3: {  	_ =	swait.ge [sflag:s16], $0x2000  }
0x1e4: {  	s6 =	sld [smem:$0x7D4]  }
0x1e5: {  	[sflag:s16] =	ssyncset.done $0x0  }
0x1e6: {  	[sflag:s16] =	ssyncadd.s32 $0xFFFFE000  }
0x1e7: {  	[tilespmem:s13], [sflag:$0x2] =	stream.linear.gather [hbm4b:s6+s13], $0x40, $0x38;
	[tilespmem:$0x2080] =	vst v63  }
0x1e8: {  	_ =	swait.ge [sflag:s16], $0x40  }
0x1e9: {  	[sflag:s16] =	ssyncset.done $0x0  }
0x1ea: {  	[sflag:s16] =	ssyncadd.s32 $0xFFFFFFC0  }
0x1eb: {  	[tilespmem:s18], [sflag:$0x1] =	stream.indirect.gather [hbm4b:s5+s17], $0x80, s13, s17, $0xb8;
	[tilespmem:$0x2080] =	vst v63  }
0x1ec: {  	_ =	swait.ge [sflag:s19], $0x2000  }
0x1ed: {  	s21 =	sld [smem:$0x7D5]  }
0x1ee: {  	[sflag:s19] =	ssyncset.done $0x0  }
0x1ef: {  	[sflag:s19] =	ssyncadd.s32 $0xFFFFE000  }
0x1f0: {  	[hbm4b:s21+s13] =	stream.linear.scatter [tilespmem:s18], [sflag:$0x2], $0x2000, $0x38;
	[tilespmem:$0x2080] =	vst v63  }
0x1f1: {  	_ =	swait.ge [sflag:s16], $0x2000  }
0x1f2: {  	s22 =	sld [smem:$0x7D6]  }
0x1f3: {  	[sflag:s16] =	ssyncset.done $0x0  }
0x1f4: {  	[sflag:s16] =	ssyncadd.s32 $0xFFFFE000  }
0x1f5: {  	[tilespmem:s13], [sflag:$0x2] =	stream.linear.gather [hbm4b:s22+s13], $0x40, $0x38;
	[tilespmem:$0x2080] =	vst v63  }
0x1f6: {  	_ =	swait.ge [sflag:s16], $0x40  }
0x1f7: {  	[sflag:s16] =	ssyncset.done $0x0  }
0x1f8: {  	[sflag:s16] =	ssyncadd.s32 $0xFFFFFFC0  }
0x1f9: {  	[tilespmem:s18], [sflag:$0x1] =	stream.indirect.gather [hbm4b:s5+s17], $0x80, s13, s17, $0xb8;
	[tilespmem:$0x2080] =	vst v63  }
0x1fa: {  	_ =	swait.ge [sflag:s19], $0x2000  }
0x1fb: {  	s23 =	sld [smem:$0x7D7]  }
0x1fc: {  	[sflag:s19] =	ssyncset.done $0x0  }
0x1fd: {  	[sflag:s19] =	ssyncadd.s32 $0xFFFFE000  }
0x1fe: {  	[hbm4b:s23+s13] =	stream.linear.scatter [tilespmem:s18], [sflag:$0x2], $0x2000, $0x38;
	[tilespmem:$0x2080] =	vst v63  }
0x1ff: {  	_ =	swait.ge [sflag:s16], $0x2000  }
0x200: {  	s24 =	sld [smem:$0x7D8]  }
0x201: {  	[sflag:s16] =	ssyncset.done $0x0  }
0x202: {  	[sflag:s16] =	ssyncadd.s32 $0xFFFFE000  }
0x203: {  	[tilespmem:s13], [sflag:$0x2] =	stream.linear.gather [hbm4b:s24+s13], $0x40, $0x38;
	[tilespmem:$0x2080] =	vst v63  }
0x204: {  	_ =	swait.ge [sflag:s16], $0x40  }
0x205: {  	[sflag:s16] =	ssyncset.done $0x0  }
0x206: {  	[sflag:s16] =	ssyncadd.s32 $0xFFFFFFC0  }
0x207: {  	[tilespmem:s18], [sflag:$0x1] =	stream.indirect.gather [hbm4b:s7+s17], $0x80, s13, s17, $0xb8;
	[tilespmem:$0x2080] =	vst v63  }
0x208: {  	_ =	swait.ge [sflag:s19], $0x2000  }
0x209: {  	s25 =	sld [smem:$0x7D9]  }
0x20a: {  	[sflag:s19] =	ssyncset.done $0x0  }
0x20b: {  	[sflag:s19] =	ssyncadd.s32 $0xFFFFE000  }
0x20c: {  	[hbm4b:s25+s13] =	stream.linear.scatter [tilespmem:s18], [sflag:$0x2], $0x2000, $0x38;
	[tilespmem:$0x2080] =	vst v63  }
0x20d: {  	_ =	swait.ge [sflag:s16], $0x2000  }
0x20e: {  	s26 =	sld [smem:$0x7DA]  }
0x20f: {  	[sflag:s16] =	ssyncset.done $0x0  }
0x210: {  	[sflag:s16] =	ssyncadd.s32 $0xFFFFE000  }
0x211: {  	[tilespmem:s13], [sflag:$0x2] =	stream.linear.gather [hbm4b:s26+s13], $0x40, $0x38;
	[tilespmem:$0x2080] =	vst v63  }
0x212: {  	_ =	swait.ge [sflag:s16], $0x40  }
0x213: {  	[sflag:s16] =	ssyncset.done $0x0  }
0x214: {  	[sflag:s16] =	ssyncadd.s32 $0xFFFFFFC0  }
0x215: {  	[tilespmem:s18], [sflag:$0x1] =	stream.indirect.gather [hbm4b:s7+s17], $0x80, s13, s17, $0xb8;
	[tilespmem:$0x2080] =	vst v63  }
0x216: {  	_ =	swait.ge [sflag:s19], $0x2000  }
0x217: {  	s6 =	sld [smem:$0x7DB]  }
0x218: {  	[sflag:s19] =	ssyncset.done $0x0  }
0x219: {  	[sflag:s19] =	ssyncadd.s32 $0xFFFFE000  }
0x21a: {  	[hbm4b:s6+s13] =	stream.linear.scatter [tilespmem:s18], [sflag:$0x2], $0x2000, $0x38;
	[tilespmem:$0x2080] =	vst v63  }
0x21b: {  	_ =	swait.ge [sflag:s16], $0x2000  }
0x21c: {  	s21 =	sld [smem:$0x7DC]  }
0x21d: {  	[sflag:s16] =	ssyncset.done $0x0  }
0x21e: {  	[sflag:s16] =	ssyncadd.s32 $0xFFFFE000  }
0x21f: {  	[tilespmem:s13], [sflag:$0x2] =	stream.linear.gather [hbm4b:s21+s13], $0x40, $0x38;
	[tilespmem:$0x2080] =	vst v63  }
0x220: {  	_ =	swait.ge [sflag:s16], $0x40  }
0x221: {  	[sflag:s16] =	ssyncset.done $0x0  }
0x222: {  	[sflag:s16] =	ssyncadd.s32 $0xFFFFFFC0  }
0x223: {  	[tilespmem:s18], [sflag:$0x1] =	stream.indirect.gather [hbm4b:s7+s17], $0x80, s13, s17, $0xb8;
	[tilespmem:$0x2080] =	vst v63  }
0x224: {  	_ =	swait.ge [sflag:s19], $0x2000  }
0x225: {  	s22 =	sld [smem:$0x7DD]  }
0x226: {  	[sflag:s19] =	ssyncset.done $0x0  }
0x227: {  	[sflag:s19] =	ssyncadd.s32 $0xFFFFE000  }
0x228: {  	[hbm4b:s22+s13] =	stream.linear.scatter [tilespmem:s18], [sflag:$0x2], $0x2000, $0x38;
	[tilespmem:$0x2080] =	vst v63  }
0x229: {  	_ =	swait.ge [sflag:s16], $0x2000  }
0x22a: {  	s23 =	sld [smem:$0x7DE]  }
0x22b: {  	[sflag:s16] =	ssyncset.done $0x0  }
0x22c: {  	[sflag:s16] =	ssyncadd.s32 $0xFFFFE000  }
0x22d: {  	[tilespmem:s13], [sflag:$0x2] =	stream.linear.gather [hbm4b:s23+s13], $0x40, $0x38;
	[tilespmem:$0x2080] =	vst v63  }
0x22e: {  	_ =	swait.ge [sflag:s16], $0x40  }
0x22f: {  	[sflag:s16] =	ssyncset.done $0x0  }
0x230: {  	[sflag:s16] =	ssyncadd.s32 $0xFFFFFFC0  }
0x231: {  	[tilespmem:s18], [sflag:$0x1] =	stream.indirect.gather [hbm4b:s7+s17], $0x80, s13, s17, $0xb8;
	[tilespmem:$0x2080] =	vst v63  }
0x232: {  	_ =	swait.ge [sflag:s19], $0x2000  }
0x233: {  	s24 =	sld [smem:$0x7DF]  }
0x234: {  	[sflag:s19] =	ssyncset.done $0x0  }
0x235: {  	[sflag:s19] =	ssyncadd.s32 $0xFFFFE000  }
0x236: {  	[hbm4b:s24+s13] =	stream.linear.scatter [tilespmem:s18], [sflag:$0x2], $0x2000, $0x38;
	[tilespmem:$0x2080] =	vst v63  }
0x237: {  	_ =	swait.ge [sflag:s16], $0x2000  }
0x238: {  	s25 =	sld [smem:$0x7E0]  }
0x239: {  	[sflag:s16] =	ssyncset.done $0x0  }
0x23a: {  	[sflag:s16] =	ssyncadd.s32 $0xFFFFE000  }
0x23b: {  	[tilespmem:s13], [sflag:$0x2] =	stream.linear.gather [hbm4b:s25+s13], $0x40, $0x38;
	[tilespmem:$0x2080] =	vst v63  }
0x23c: {  	_ =	swait.ge [sflag:s16], $0x40  }
0x23d: {  	[sflag:s16] =	ssyncset.done $0x0  }
0x23e: {  	[sflag:s16] =	ssyncadd.s32 $0xFFFFFFC0  }
0x23f: {  	[tilespmem:s18], [sflag:$0x1] =	stream.indirect.gather [hbm4b:s7+s17], $0x80, s13, s17, $0xb8;
	[tilespmem:$0x2080] =	vst v63  }
0x240: {  	_ =	swait.ge [sflag:s19], $0x2000  }
0x241: {  	s26 =	sld [smem:$0x7E1]  }
0x242: {  	[sflag:s19] =	ssyncset.done $0x0  }
0x243: {  	[sflag:s19] =	ssyncadd.s32 $0xFFFFE000  }
0x244: {  	[hbm4b:s26+s13] =	stream.linear.scatter [tilespmem:s18], [sflag:$0x2], $0x2000, $0x38;
	[tilespmem:$0x2080] =	vst v63  }
0x245: {  	_ =	swait.ge [sflag:s16], $0x2000  }
0x246: {  	s6 =	sld [smem:$0x7E2]  }
0x247: {  	[sflag:s16] =	ssyncset.done $0x0  }
0x248: {  	[sflag:s16] =	ssyncadd.s32 $0xFFFFE000  }
0x249: {  	[tilespmem:s13], [sflag:$0x2] =	stream.linear.gather [hbm4b:s6+s13], $0x40, $0x38;
	[tilespmem:$0x2080] =	vst v63  }
0x24a: {  	_ =	swait.ge [sflag:s16], $0x40  }
0x24b: {  	[sflag:s16] =	ssyncset.done $0x0  }
0x24c: {  	[sflag:s16] =	ssyncadd.s32 $0xFFFFFFC0  }
0x24d: {  	[tilespmem:s18], [sflag:$0x1] =	stream.indirect.gather [hbm4b:s8+s17], $0x80, s13, s17, $0xb8;
	[tilespmem:$0x2080] =	vst v63  }
0x24e: {  	_ =	swait.ge [sflag:s19], $0x2000  }
0x24f: {  	s21 =	sld [smem:$0x7E3]  }
0x250: {  	[sflag:s19] =	ssyncset.done $0x0  }
0x251: {  	[sflag:s19] =	ssyncadd.s32 $0xFFFFE000  }
0x252: {  	[hbm4b:s21+s13] =	stream.linear.scatter [tilespmem:s18], [sflag:$0x2], $0x2000, $0x38;
	[tilespmem:$0x2080] =	vst v63  }
0x253: {  	_ =	swait.ge [sflag:s16], $0x2000  }
0x254: {  	s22 =	sld [smem:$0x7E4]  }
0x255: {  	[sflag:s16] =	ssyncset.done $0x0  }
0x256: {  	[sflag:s16] =	ssyncadd.s32 $0xFFFFE000  }
0x257: {  	[tilespmem:s13], [sflag:$0x2] =	stream.linear.gather [hbm4b:s22+s13], $0x40, $0x38;
	[tilespmem:$0x2080] =	vst v63  }
0x258: {  	_ =	swait.ge [sflag:s16], $0x40  }
0x259: {  	[sflag:s16] =	ssyncset.done $0x0  }
0x25a: {  	[sflag:s16] =	ssyncadd.s32 $0xFFFFFFC0  }
0x25b: {  	[tilespmem:s18], [sflag:$0x1] =	stream.indirect.gather [hbm4b:s8+s17], $0x80, s13, s17, $0xb8;
	[tilespmem:$0x2080] =	vst v63  }
0x25c: {  	_ =	swait.ge [sflag:s19], $0x2000  }
0x25d: {  	s23 =	sld [smem:$0x7E5]  }
0x25e: {  	[sflag:s19] =	ssyncset.done $0x0  }
0x25f: {  	[sflag:s19] =	ssyncadd.s32 $0xFFFFE000  }
0x260: {  	[hbm4b:s23+s13] =	stream.linear.scatter [tilespmem:s18], [sflag:$0x2], $0x2000, $0x38;
	[tilespmem:$0x2080] =	vst v63  }
0x261: {  	_ =	swait.ge [sflag:s16], $0x2000  }
0x262: {  	s24 =	sld [smem:$0x7E6]  }
0x263: {  	[sflag:s16] =	ssyncset.done $0x0  }
0x264: {  	[sflag:s16] =	ssyncadd.s32 $0xFFFFE000  }
0x265: {  	[tilespmem:s13], [sflag:$0x2] =	stream.linear.gather [hbm4b:s24+s13], $0x40, $0x38;
	[tilespmem:$0x2080] =	vst v63  }
0x266: {  	_ =	swait.ge [sflag:s16], $0x40  }
0x267: {  	[sflag:s16] =	ssyncset.done $0x0  }
0x268: {  	[sflag:s16] =	ssyncadd.s32 $0xFFFFFFC0  }
0x269: {  	[tilespmem:s18], [sflag:$0x1] =	stream.indirect.gather [hbm4b:s8+s17], $0x80, s13, s17, $0xb8;
	[tilespmem:$0x2080] =	vst v63  }
0x26a: {  	_ =	swait.ge [sflag:s19], $0x2000  }
0x26b: {  	s25 =	sld [smem:$0x7E7]  }
0x26c: {  	[sflag:s19] =	ssyncset.done $0x0  }
0x26d: {  	[sflag:s19] =	ssyncadd.s32 $0xFFFFE000  }
0x26e: {  	[hbm4b:s25+s13] =	stream.linear.scatter [tilespmem:s18], [sflag:$0x2], $0x2000, $0x38;
	[tilespmem:$0x2080] =	vst v63  }
0x26f: {  	_ =	swait.ge [sflag:s16], $0x2000  }
0x270: {  	s26 =	sld [smem:$0x7E8]  }
0x271: {  	[sflag:s16] =	ssyncset.done $0x0  }
0x272: {  	[sflag:s16] =	ssyncadd.s32 $0xFFFFE000  }
0x273: {  	[tilespmem:s13], [sflag:$0x2] =	stream.linear.gather [hbm4b:s26+s13], $0x40, $0x38;
	[tilespmem:$0x2080] =	vst v63  }
0x274: {  	_ =	swait.ge [sflag:s16], $0x40  }
0x275: {  	[sflag:s16] =	ssyncset.done $0x0  }
0x276: {  	[sflag:s16] =	ssyncadd.s32 $0xFFFFFFC0  }
0x277: {  	[tilespmem:s18], [sflag:$0x1] =	stream.indirect.gather [hbm4b:s8+s17], $0x80, s13, s17, $0xb8;
	[tilespmem:$0x2080] =	vst v63  }
0x278: {  	_ =	swait.ge [sflag:s19], $0x2000  }
0x279: {  	s6 =	sld [smem:$0x7E9]  }
0x27a: {  	[sflag:s19] =	ssyncset.done $0x0  }
0x27b: {  	[sflag:s19] =	ssyncadd.s32 $0xFFFFE000  }
0x27c: {  	[hbm4b:s6+s13] =	stream.linear.scatter [tilespmem:s18], [sflag:$0x2], $0x2000, $0x38;
	[tilespmem:$0x2080] =	vst v63  }
0x27d: {  	_ =	swait.ge [sflag:s16], $0x2000  }
0x27e: {  	s21 =	sld [smem:$0x7EA]  }
0x27f: {  	[sflag:s16] =	ssyncset.done $0x0  }
0x280: {  	[sflag:s16] =	ssyncadd.s32 $0xFFFFE000  }
0x281: {  	[tilespmem:s13], [sflag:$0x2] =	stream.linear.gather [hbm4b:s21+s13], $0x40, $0x38;
	[tilespmem:$0x2080] =	vst v63  }
0x282: {  	_ =	swait.ge [sflag:s16], $0x40  }
0x283: {  	[sflag:s16] =	ssyncset.done $0x0  }
0x284: {  	[sflag:s16] =	ssyncadd.s32 $0xFFFFFFC0  }
0x285: {  	[tilespmem:s18], [sflag:$0x1] =	stream.indirect.gather [hbm4b:s8+s17], $0x80, s13, s17, $0xb8;
	[tilespmem:$0x2080] =	vst v63  }
0x286: {  	_ =	swait.ge [sflag:s19], $0x2000  }
0x287: {  	s22 =	sld [smem:$0x7EB]  }
0x288: {  	[sflag:s19] =	ssyncset.done $0x0  }
0x289: {  	[sflag:s19] =	ssyncadd.s32 $0xFFFFE000  }
0x28a: {  	[hbm4b:s22+s13] =	stream.linear.scatter [tilespmem:s18], [sflag:$0x2], $0x2000, $0x38;
	[tilespmem:$0x2080] =	vst v63  }
0x28b: {  	_ =	swait.ge [sflag:s16], $0x2000  }
0x28c: {  	s23 =	sld [smem:$0x7EC]  }
0x28d: {  	[sflag:s16] =	ssyncset.done $0x0  }
0x28e: {  	[sflag:s16] =	ssyncadd.s32 $0xFFFFE000  }
0x28f: {  	[tilespmem:s13], [sflag:$0x2] =	stream.linear.gather [hbm4b:s23+s13], $0x40, $0x38;
	[tilespmem:$0x2080] =	vst v63  }
0x290: {  	_ =	swait.ge [sflag:s16], $0x40  }
0x291: {  	[sflag:s16] =	ssyncset.done $0x0  }
0x292: {  	[sflag:s16] =	ssyncadd.s32 $0xFFFFFFC0  }
0x293: {  	[tilespmem:s18], [sflag:$0x1] =	stream.indirect.gather [hbm4b:s10+s17], $0x80, s13, s17, $0xb8;
	[tilespmem:$0x2080] =	vst v63  }
0x294: {  	_ =	swait.ge [sflag:s19], $0x2000  }
0x295: {  	s24 =	sld [smem:$0x7ED]  }
0x296: {  	[sflag:s19] =	ssyncset.done $0x0  }
0x297: {  	[sflag:s19] =	ssyncadd.s32 $0xFFFFE000  }
0x298: {  	[hbm4b:s24+s13] =	stream.linear.scatter [tilespmem:s18], [sflag:$0x2], $0x2000, $0x38;
	[tilespmem:$0x2080] =	vst v63  }
0x299: {  	_ =	swait.ge [sflag:s16], $0x2000  }
0x29a: {  	s25 =	sld [smem:$0x7EE]  }
0x29b: {  	[sflag:s16] =	ssyncset.done $0x0  }
0x29c: {  	[sflag:s16] =	ssyncadd.s32 $0xFFFFE000  }
0x29d: {  	[tilespmem:s13], [sflag:$0x2] =	stream.linear.gather [hbm4b:s25+s13], $0x40, $0x38;
	[tilespmem:$0x2080] =	vst v63  }
0x29e: {  	_ =	swait.ge [sflag:s16], $0x40  }
0x29f: {  	[sflag:s16] =	ssyncset.done $0x0  }
0x2a0: {  	[sflag:s16] =	ssyncadd.s32 $0xFFFFFFC0  }
0x2a1: {  	[tilespmem:s18], [sflag:$0x1] =	stream.indirect.gather [hbm4b:s10+s17], $0x80, s13, s17, $0xb8;
	[tilespmem:$0x2080] =	vst v63  }
0x2a2: {  	_ =	swait.ge [sflag:s19], $0x2000  }
0x2a3: {  	s26 =	sld [smem:$0x7EF]  }
0x2a4: {  	[sflag:s19] =	ssyncset.done $0x0  }
0x2a5: {  	[sflag:s19] =	ssyncadd.s32 $0xFFFFE000  }
0x2a6: {  	[hbm4b:s26+s13] =	stream.linear.scatter [tilespmem:s18], [sflag:$0x2], $0x2000, $0x38;
	[tilespmem:$0x2080] =	vst v63  }
0x2a7: {  	_ =	swait.ge [sflag:s16], $0x2000  }
0x2a8: {  	s6 =	sld [smem:$0x7F0]  }
0x2a9: {  	[sflag:s16] =	ssyncset.done $0x0  }
0x2aa: {  	[sflag:s16] =	ssyncadd.s32 $0xFFFFE000  }
0x2ab: {  	[tilespmem:s13], [sflag:$0x2] =	stream.linear.gather [hbm4b:s6+s13], $0x40, $0x38;
	[tilespmem:$0x2080] =	vst v63  }
0x2ac: {  	_ =	swait.ge [sflag:s16], $0x40  }
0x2ad: {  	[sflag:s16] =	ssyncset.done $0x0  }
0x2ae: {  	[sflag:s16] =	ssyncadd.s32 $0xFFFFFFC0  }
0x2af: {  	[tilespmem:s18], [sflag:$0x1] =	stream.indirect.gather [hbm4b:s10+s17], $0x80, s13, s17, $0xb8;
	[tilespmem:$0x2080] =	vst v63  }
0x2b0: {  	_ =	swait.ge [sflag:s19], $0x2000  }
0x2b1: {  	s21 =	sld [smem:$0x7F1]  }
0x2b2: {  	[sflag:s19] =	ssyncset.done $0x0  }
0x2b3: {  	[sflag:s19] =	ssyncadd.s32 $0xFFFFE000  }
0x2b4: {  	[hbm4b:s21+s13] =	stream.linear.scatter [tilespmem:s18], [sflag:$0x2], $0x2000, $0x38;
	[tilespmem:$0x2080] =	vst v63  }
0x2b5: {  	_ =	swait.ge [sflag:s16], $0x2000  }
0x2b6: {  	s22 =	sld [smem:$0x7F2]  }
0x2b7: {  	[sflag:s16] =	ssyncset.done $0x0  }
0x2b8: {  	[sflag:s16] =	ssyncadd.s32 $0xFFFFE000  }
0x2b9: {  	[tilespmem:s13], [sflag:$0x2] =	stream.linear.gather [hbm4b:s22+s13], $0x40, $0x38;
	[tilespmem:$0x2080] =	vst v63  }
0x2ba: {  	_ =	swait.ge [sflag:s16], $0x40  }
0x2bb: {  	[sflag:s16] =	ssyncset.done $0x0  }
0x2bc: {  	[sflag:s16] =	ssyncadd.s32 $0xFFFFFFC0  }
0x2bd: {  	[tilespmem:s18], [sflag:$0x1] =	stream.indirect.gather [hbm4b:s10+s17], $0x80, s13, s17, $0xb8;
	[tilespmem:$0x2080] =	vst v63  }
0x2be: {  	_ =	swait.ge [sflag:s19], $0x2000  }
0x2bf: {  	s23 =	sld [smem:$0x7F3]  }
0x2c0: {  	[sflag:s19] =	ssyncset.done $0x0  }
0x2c1: {  	[sflag:s19] =	ssyncadd.s32 $0xFFFFE000  }
0x2c2: {  	[hbm4b:s23+s13] =	stream.linear.scatter [tilespmem:s18], [sflag:$0x2], $0x2000, $0x38;
	[tilespmem:$0x2080] =	vst v63  }
0x2c3: {  	_ =	swait.ge [sflag:s16], $0x2000  }
0x2c4: {  	s24 =	sld [smem:$0x7F4]  }
0x2c5: {  	[sflag:s16] =	ssyncset.done $0x0  }
0x2c6: {  	[sflag:s16] =	ssyncadd.s32 $0xFFFFE000  }
0x2c7: {  	[tilespmem:s13], [sflag:$0x2] =	stream.linear.gather [hbm4b:s24+s13], $0x40, $0x38;
	[tilespmem:$0x2080] =	vst v63  }
0x2c8: {  	_ =	swait.ge [sflag:s16], $0x40  }
0x2c9: {  	[sflag:s16] =	ssyncset.done $0x0  }
0x2ca: {  	[sflag:s16] =	ssyncadd.s32 $0xFFFFFFC0  }
0x2cb: {  	[tilespmem:s18], [sflag:$0x1] =	stream.indirect.gather [hbm4b:s10+s17], $0x80, s13, s17, $0xb8;
	[tilespmem:$0x2080] =	vst v63  }
0x2cc: {  	_ =	swait.ge [sflag:s19], $0x2000  }
0x2cd: {  	s25 =	sld [smem:$0x7F5]  }
0x2ce: {  	[sflag:s19] =	ssyncset.done $0x0  }
0x2cf: {  	[sflag:s19] =	ssyncadd.s32 $0xFFFFE000  }
0x2d0: {  	[hbm4b:s25+s13] =	stream.linear.scatter [tilespmem:s18], [sflag:$0x2], $0x2000, $0x38;
	[tilespmem:$0x2080] =	vst v63  }
0x2d1: {  	_ =	swait.ge [sflag:s16], $0x2000  }
0x2d2: {  	s26 =	sld [smem:$0x7F6]  }
0x2d3: {  	[sflag:s16] =	ssyncset.done $0x0  }
0x2d4: {  	[sflag:s16] =	ssyncadd.s32 $0xFFFFE000  }
0x2d5: {  	[tilespmem:s13], [sflag:$0x2] =	stream.linear.gather [hbm4b:s26+s13], $0x40, $0x38;
	[tilespmem:$0x2080] =	vst v63  }
0x2d6: {  	_ =	swait.ge [sflag:s16], $0x40  }
0x2d7: {  	[sflag:s16] =	ssyncset.done $0x0  }
0x2d8: {  	[sflag:s16] =	ssyncadd.s32 $0xFFFFFFC0  }
0x2d9: {  	[tilespmem:s18], [sflag:$0x1] =	stream.indirect.gather [hbm4b:s11+s17], $0x80, s13, s17, $0xb8;
	[tilespmem:$0x2080] =	vst v63  }
0x2da: {  	_ =	swait.ge [sflag:s19], $0x2000  }
0x2db: {  	s6 =	sld [smem:$0x7F7]  }
0x2dc: {  	[sflag:s19] =	ssyncset.done $0x0  }
0x2dd: {  	[sflag:s19] =	ssyncadd.s32 $0xFFFFE000  }
0x2de: {  	[hbm4b:s6+s13] =	stream.linear.scatter [tilespmem:s18], [sflag:$0x2], $0x2000, $0x38;
	[tilespmem:$0x2080] =	vst v63  }
0x2df: {  	_ =	swait.ge [sflag:s16], $0x2000  }
0x2e0: {  	s21 =	sld [smem:$0x7F8]  }
0x2e1: {  	[sflag:s16] =	ssyncset.done $0x0  }
0x2e2: {  	[sflag:s16] =	ssyncadd.s32 $0xFFFFE000  }
0x2e3: {  	[tilespmem:s13], [sflag:$0x2] =	stream.linear.gather [hbm4b:s21+s13], $0x40, $0x38;
	[tilespmem:$0x2080] =	vst v63  }
0x2e4: {  	_ =	swait.ge [sflag:s16], $0x40  }
0x2e5: {  	[sflag:s16] =	ssyncset.done $0x0  }
0x2e6: {  	[sflag:s16] =	ssyncadd.s32 $0xFFFFFFC0  }
0x2e7: {  	[tilespmem:s18], [sflag:$0x1] =	stream.indirect.gather [hbm4b:s11+s17], $0x80, s13, s17, $0xb8;
	[tilespmem:$0x2080] =	vst v63  }
0x2e8: {  	_ =	swait.ge [sflag:s19], $0x2000  }
0x2e9: {  	s22 =	sld [smem:$0x7F9]  }
0x2ea: {  	[sflag:s19] =	ssyncset.done $0x0  }
0x2eb: {  	[sflag:s19] =	ssyncadd.s32 $0xFFFFE000  }
0x2ec: {  	[hbm4b:s22+s13] =	stream.linear.scatter [tilespmem:s18], [sflag:$0x2], $0x2000, $0x38;
	[tilespmem:$0x2080] =	vst v63  }
0x2ed: {  	_ =	swait.ge [sflag:s16], $0x2000  }
0x2ee: {  	s23 =	sld [smem:$0x7FA]  }
0x2ef: {  	[sflag:s16] =	ssyncset.done $0x0  }
0x2f0: {  	[sflag:s16] =	ssyncadd.s32 $0xFFFFE000  }
0x2f1: {  	[tilespmem:s13], [sflag:$0x2] =	stream.linear.gather [hbm4b:s23+s13], $0x40, $0x38;
	[tilespmem:$0x2080] =	vst v63  }
0x2f2: {  	_ =	swait.ge [sflag:s16], $0x40  }
0x2f3: {  	[sflag:s16] =	ssyncset.done $0x0  }
0x2f4: {  	[sflag:s16] =	ssyncadd.s32 $0xFFFFFFC0  }
0x2f5: {  	[tilespmem:s18], [sflag:$0x1] =	stream.indirect.gather [hbm4b:s11+s17], $0x80, s13, s17, $0xb8;
	[tilespmem:$0x2080] =	vst v63  }
0x2f6: {  	_ =	swait.ge [sflag:s19], $0x2000  }
0x2f7: {  	s24 =	sld [smem:$0x7FB]  }
0x2f8: {  	[sflag:s19] =	ssyncset.done $0x0  }
0x2f9: {  	[sflag:s19] =	ssyncadd.s32 $0xFFFFE000  }
0x2fa: {  	[hbm4b:s24+s13] =	stream.linear.scatter [tilespmem:s18], [sflag:$0x2], $0x2000, $0x38;
	[tilespmem:$0x2080] =	vst v63  }
0x2fb: {  	_ =	swait.ge [sflag:s16], $0x2000  }
0x2fc: {  	s25 =	sld [smem:$0x7FC]  }
0x2fd: {  	[sflag:s16] =	ssyncset.done $0x0  }
0x2fe: {  	[sflag:s16] =	ssyncadd.s32 $0xFFFFE000  }
0x2ff: {  	[tilespmem:s13], [sflag:$0x2] =	stream.linear.gather [hbm4b:s25+s13], $0x40, $0x38;
	[tilespmem:$0x2080] =	vst v63  }
0x300: {  	_ =	swait.ge [sflag:s16], $0x40  }
0x301: {  	[sflag:s16] =	ssyncset.done $0x0  }
0x302: {  	[sflag:s16] =	ssyncadd.s32 $0xFFFFFFC0  }
0x303: {  	[tilespmem:s18], [sflag:$0x1] =	stream.indirect.gather [hbm4b:s11+s17], $0x80, s13, s17, $0xb8;
	[tilespmem:$0x2080] =	vst v63  }
0x304: {  	_ =	swait.ge [sflag:s19], $0x2000  }
0x305: {  	s26 =	sld [smem:$0x7FD]  }
0x306: {  	[sflag:s19] =	ssyncset.done $0x0  }
0x307: {  	[sflag:s19] =	ssyncadd.s32 $0xFFFFE000  }
0x308: {  	[hbm4b:s26+s13] =	stream.linear.scatter [tilespmem:s18], [sflag:$0x2], $0x2000, $0x38;
	[tilespmem:$0x2080] =	vst v63  }
0x309: {  	_ =	swait.ge [sflag:s16], $0x2000  }
0x30a: {  	[sflag:s16] =	ssyncset.done $0x0  }
0x30b: {  	s20 =	sadd.s32 $0x2BF40, s14;
	[sflag:s16] =	ssyncadd.s32 $0xFFFFE000  }
0x30c: {  	[tilespmem:s13], [sflag:$0x2] =	stream.linear.gather [hbm4b:s20+s13], $0x40, $0x38;
	[tilespmem:$0x2080] =	vst v63  }
0x30d: {  	_ =	swait.ge [sflag:s16], $0x40  }
0x30e: {  	[sflag:s16] =	ssyncset.done $0x0  }
0x30f: {  	[sflag:s16] =	ssyncadd.s32 $0xFFFFFFC0  }
0x310: {  	[tilespmem:s18], [sflag:$0x1] =	stream.indirect.gather [hbm4b:s11+s17], $0x80, s13, s17, $0xb8;
	[tilespmem:$0x2080] =	vst v63  }
0x311: {  	_ =	swait.ge [sflag:s19], $0x2000  }
0x312: {  	[sflag:s19] =	ssyncset.done $0x0  }
0x313: {  	s21 =	sadd.s32 $0x169000, s15;
	[sflag:s19] =	ssyncadd.s32 $0xFFFFE000  }
0x314: {  	[hbm4b:s21+s13] =	stream.linear.scatter [tilespmem:s18], [sflag:$0x2], $0x2000, $0x38;
	[tilespmem:$0x2080] =	vst v63  }
0x315: {  	_ =	swait.ge [sflag:s16], $0x2000  }
0x316: {  	[sflag:s16] =	ssyncset.done $0x0  }
0x317: {  	s22 =	rddreg [dreg:$0xd];
	[sflag:s16] =	ssyncadd.s32 $0xFFFFE000  }
0x318: {  	[tilespmem:s13], [sflag:$0x2] =	stream.linear.gather [hbm4b:s22+s13], $0x40, $0x38;
	[tilespmem:$0x2080] =	vst v63  }
0x319: {  	_ =	swait.ge [sflag:s16], $0x40  }
0x31a: {  	[sflag:s16] =	ssyncset.done $0x0  }
0x31b: {  	[sflag:s16] =	ssyncadd.s32 $0xFFFFFFC0  }
0x31c: {  	[tilespmem:s18], [sflag:$0x1] =	stream.indirect.gather [hbm4b:s12+s17], $0x80, s13, s17, $0xb8;
	[tilespmem:$0x2080] =	vst v63  }
0x31d: {  	_ =	swait.ge [sflag:s19], $0x2000  }
0x31e: {  	[sflag:s19] =	ssyncset.done $0x0  }
0x31f: {  	s22 =	sadd.s32 $0x190000, s15;
	[sflag:s19] =	ssyncadd.s32 $0xFFFFE000  }
0x320: {  	[hbm4b:s22+s13] =	stream.linear.scatter [tilespmem:s18], [sflag:$0x2], $0x2000, $0x38;
	[tilespmem:$0x2080] =	vst v63  }
0x321: {  	_ =	swait.ge [sflag:s16], $0x2000  }
0x322: {  	[sflag:s16] =	ssyncset.done $0x0  }
0x323: {  	s23 =	sadd.s32 $0x30D48, s14;
	[sflag:s16] =	ssyncadd.s32 $0xFFFFE000  }
0x324: {  	[tilespmem:s13], [sflag:$0x2] =	stream.linear.gather [hbm4b:s23+s13], $0x40, $0x38;
	[tilespmem:$0x2080] =	vst v63  }
0x325: {  	_ =	swait.ge [sflag:s16], $0x40  }
0x326: {  	[sflag:s16] =	ssyncset.done $0x0  }
0x327: {  	[sflag:s16] =	ssyncadd.s32 $0xFFFFFFC0  }
0x328: {  	[tilespmem:s18], [sflag:$0x1] =	stream.indirect.gather [hbm4b:s12+s17], $0x80, s13, s17, $0xb8;
	[tilespmem:$0x2080] =	vst v63  }
0x329: {  	_ =	swait.ge [sflag:s19], $0x2000  }
0x32a: {  	[sflag:s19] =	ssyncset.done $0x0  }
0x32b: {  	s24 =	sadd.s32 $0x190400, s15;
	[sflag:s19] =	ssyncadd.s32 $0xFFFFE000  }
0x32c: {  	[hbm4b:s24+s13] =	stream.linear.scatter [tilespmem:s18], [sflag:$0x2], $0x2000, $0x38;
	[tilespmem:$0x2080] =	vst v63  }
0x32d: {  	_ =	swait.ge [sflag:s16], $0x2000  }
0x32e: {  	[sflag:s16] =	ssyncset.done $0x0  }
0x32f: {  	s25 =	sadd.s32 $0x30D50, s14;
	[sflag:s16] =	ssyncadd.s32 $0xFFFFE000  }
0x330: {  	[tilespmem:s13], [sflag:$0x2] =	stream.linear.gather [hbm4b:s25+s13], $0x40, $0x38;
	[tilespmem:$0x2080] =	vst v63  }
0x331: {  	_ =	swait.ge [sflag:s16], $0x40  }
0x332: {  	[sflag:s16] =	ssyncset.done $0x0  }
0x333: {  	[sflag:s16] =	ssyncadd.s32 $0xFFFFFFC0  }
0x334: {  	[tilespmem:s18], [sflag:$0x1] =	stream.indirect.gather [hbm4b:s12+s17], $0x80, s13, s17, $0xb8;
	[tilespmem:$0x2080] =	vst v63  }
0x335: {  	_ =	swait.ge [sflag:s19], $0x2000  }
0x336: {  	[sflag:s19] =	ssyncset.done $0x0  }
0x337: {  	s26 =	sadd.s32 $0x190800, s15;
	[sflag:s19] =	ssyncadd.s32 $0xFFFFE000  }
0x338: {  	[hbm4b:s26+s13] =	stream.linear.scatter [tilespmem:s18], [sflag:$0x2], $0x2000, $0x38;
	[tilespmem:$0x2080] =	vst v63  }
0x339: {  	_ =	swait.ge [sflag:s16], $0x2000  }
0x33a: {  	[sflag:s16] =	ssyncset.done $0x0  }
0x33b: {  	s28 =	sadd.s32 $0x30D58, s14;
	[sflag:s16] =	ssyncadd.s32 $0xFFFFE000  }
0x33c: {  	[tilespmem:s13], [sflag:$0x2] =	stream.linear.gather [hbm4b:s28+s13], $0x40, $0x38;
	[tilespmem:$0x2080] =	vst v63  }
0x33d: {  	_ =	swait.ge [sflag:s16], $0x40  }
0x33e: {  	[sflag:s16] =	ssyncset.done $0x0  }
0x33f: {  	[sflag:s16] =	ssyncadd.s32 $0xFFFFFFC0  }
0x340: {  	[tilespmem:s18], [sflag:$0x1] =	stream.indirect.gather [hbm4b:s12+s17], $0x80, s13, s17, $0xb8;
	[tilespmem:$0x2080] =	vst v63  }
0x341: {  	_ =	swait.ge [sflag:s19], $0x2000  }
0x342: {  	[sflag:s19] =	ssyncset.done $0x0  }
0x343: {  	s29 =	sadd.s32 $0x190C00, s15;
	[sflag:s19] =	ssyncadd.s32 $0xFFFFE000  }
0x344: {  	[hbm4b:s29+s13] =	stream.linear.scatter [tilespmem:s18], [sflag:$0x2], $0x2000, $0x38;
	[tilespmem:$0x2080] =	vst v63  }
0x345: {  	_ =	swait.ge [sflag:s16], $0x2000  }
0x346: {  	[sflag:s16] =	ssyncset.done $0x0  }
0x347: {  	s9 =	ssub.s32 $0x2, s9;
	s30 =	sadd.s32 $0x30D60, s14;
	[sflag:s16] =	ssyncadd.s32 $0xFFFFE000  }
0x348: {  	[tilespmem:s13], [sflag:$0x2] =	stream.linear.gather [hbm4b:s30+s13], $0x40, $0x38;
	[tilespmem:$0x2080] =	vst v63  }
0x349: {  	s31 =	sshrl.u32 s9, $0x1;
	_ =	swait.ge [sflag:s16], $0x40  }
0x34a: {  	s9 =	ssub.s32 s9, s31;
	[sflag:s16] =	ssyncset.done $0x0  }
0x34b: {  	s9 =	smax.u32 s9, $0x1;
	[sflag:s16] =	ssyncadd.s32 $0xFFFFFFC0  }
0x34c: {  	[tilespmem:s18], [sflag:$0x1] =	stream.indirect.gather [hbm4b:s12+s17], $0x80, s13, s17, $0xb8;
	[tilespmem:$0x2080] =	vst v63  }
0x34d: {  	p0 =	sne.s32 s9, $0x1;
	_ =	swait.ge [sflag:s19], $0x2000  }
.Ltmp0:
0x34e: {  	[sflag:s19] =	ssyncset.done $0x0;
	(pc) =	sbr.rel @!p0 .LBB2_2-.Ltmp0, $4  }
0x34f: {  	s31 =	sadd.s32 $0x191000, s15;
	[sflag:s19] =	ssyncadd.s32 $0xFFFFE000  }
0x350: {  	[hbm4b:s31+s13] =	stream.linear.scatter [tilespmem:s18], [sflag:$0x2], $0x2000, $0x38;
	[tilespmem:$0x2080] =	vst v63  }
0x351: {  	_ =	swait.ge [sflag:s16], $0x2000  }
0x352: {  	s9 =	sadd.s32 $0xFFFFFFFF, s9;
	[sflag:s16] =	ssyncset.done $0x0  }
.LBB2_1:
0x353: {  	[sflag:s16] =	ssyncadd.s32 $0xFFFFE000  }
0x354: {  	[tilespmem:s13], [sflag:$0x2] =	stream.linear.gather [hbm4b:s14+s13], $0x40, $0x38;
	[tilespmem:$0x2080] =	vst v63  }
0x355: {  	_ =	swait.ge [sflag:s16], $0x40  }
0x356: {  	[sflag:s16] =	ssyncset.done $0x0  }
0x357: {  	[sflag:s16] =	ssyncadd.s32 $0xFFFFFFC0  }
0x358: {  	[tilespmem:s18], [sflag:$0x1] =	stream.indirect.gather [hbm4b:s0+s17], $0x80, s13, s17, $0xb8;
	[tilespmem:$0x2080] =	vst v63  }
0x359: {  	_ =	swait.ge [sflag:s19], $0x2000  }
0x35a: {  	[sflag:s19] =	ssyncset.done $0x0  }
0x35b: {  	[sflag:s19] =	ssyncadd.s32 $0xFFFFE000  }
0x35c: {  	[hbm4b:s15+s13] =	stream.linear.scatter [tilespmem:s18], [sflag:$0x2], $0x2000, $0x38;
	[tilespmem:$0x2080] =	vst v63  }
0x35d: {  	_ =	swait.ge [sflag:s16], $0x2000  }
0x35e: {  	[sflag:s16] =	ssyncset.done $0x0  }
0x35f: {  	s6 =	rddreg [dreg:$0xe];
	[sflag:s16] =	ssyncadd.s32 $0xFFFFE000  }
0x360: {  	[tilespmem:s13], [sflag:$0x2] =	stream.linear.gather [hbm4b:s6+s13], $0x40, $0x38;
	[tilespmem:$0x2080] =	vst v63  }
0x361: {  	_ =	swait.ge [sflag:s16], $0x40  }
0x362: {  	[sflag:s16] =	ssyncset.done $0x0  }
0x363: {  	[sflag:s16] =	ssyncadd.s32 $0xFFFFFFC0  }
0x364: {  	[tilespmem:s18], [sflag:$0x1] =	stream.indirect.gather [hbm4b:s0+s17], $0x80, s13, s17, $0xb8;
	[tilespmem:$0x2080] =	vst v63  }
0x365: {  	_ =	swait.ge [sflag:s19], $0x2000  }
0x366: {  	[sflag:s19] =	ssyncset.done $0x0  }
0x367: {  	s6 =	rddreg [dreg:$0xf];
	[sflag:s19] =	ssyncadd.s32 $0xFFFFE000  }
0x368: {  	[hbm4b:s6+s13] =	stream.linear.scatter [tilespmem:s18], [sflag:$0x2], $0x2000, $0x38;
	[tilespmem:$0x2080] =	vst v63  }
0x369: {  	_ =	swait.ge [sflag:s16], $0x2000  }
0x36a: {  	[sflag:s16] =	ssyncset.done $0x0  }
0x36b: {  	s6 =	rddreg [dreg:$0x10];
	[sflag:s16] =	ssyncadd.s32 $0xFFFFE000  }
0x36c: {  	[tilespmem:s13], [sflag:$0x2] =	stream.linear.gather [hbm4b:s6+s13], $0x40, $0x38;
	[tilespmem:$0x2080] =	vst v63  }
0x36d: {  	_ =	swait.ge [sflag:s16], $0x40  }
0x36e: {  	[sflag:s16] =	ssyncset.done $0x0  }
0x36f: {  	[sflag:s16] =	ssyncadd.s32 $0xFFFFFFC0  }
0x370: {  	[tilespmem:s18], [sflag:$0x1] =	stream.indirect.gather [hbm4b:s0+s17], $0x80, s13, s17, $0xb8;
	[tilespmem:$0x2080] =	vst v63  }
0x371: {  	_ =	swait.ge [sflag:s19], $0x2000  }
0x372: {  	[sflag:s19] =	ssyncset.done $0x0  }
0x373: {  	s6 =	rddreg [dreg:$0x11];
	[sflag:s19] =	ssyncadd.s32 $0xFFFFE000  }
0x374: {  	[hbm4b:s6+s13] =	stream.linear.scatter [tilespmem:s18], [sflag:$0x2], $0x2000, $0x38;
	[tilespmem:$0x2080] =	vst v63  }
0x375: {  	_ =	swait.ge [sflag:s16], $0x2000  }
0x376: {  	[sflag:s16] =	ssyncset.done $0x0  }
0x377: {  	s6 =	rddreg [dreg:$0x12];
	[sflag:s16] =	ssyncadd.s32 $0xFFFFE000  }
0x378: {  	[tilespmem:s13], [sflag:$0x2] =	stream.linear.gather [hbm4b:s6+s13], $0x40, $0x38;
	[tilespmem:$0x2080] =	vst v63  }
0x379: {  	_ =	swait.ge [sflag:s16], $0x40  }
0x37a: {  	[sflag:s16] =	ssyncset.done $0x0  }
0x37b: {  	[sflag:s16] =	ssyncadd.s32 $0xFFFFFFC0  }
0x37c: {  	[tilespmem:s18], [sflag:$0x1] =	stream.indirect.gather [hbm4b:s0+s17], $0x80, s13, s17, $0xb8;
	[tilespmem:$0x2080] =	vst v63  }
0x37d: {  	_ =	swait.ge [sflag:s19], $0x2000  }
0x37e: {  	[sflag:s19] =	ssyncset.done $0x0  }
0x37f: {  	s6 =	rddreg [dreg:$0x13];
	[sflag:s19] =	ssyncadd.s32 $0xFFFFE000  }
0x380: {  	[hbm4b:s6+s13] =	stream.linear.scatter [tilespmem:s18], [sflag:$0x2], $0x2000, $0x38;
	[tilespmem:$0x2080] =	vst v63  }
0x381: {  	_ =	swait.ge [sflag:s16], $0x2000  }
0x382: {  	[sflag:s16] =	ssyncset.done $0x0  }
0x383: {  	s6 =	rddreg [dreg:$0x14];
	[sflag:s16] =	ssyncadd.s32 $0xFFFFE000  }
0x384: {  	[tilespmem:s13], [sflag:$0x2] =	stream.linear.gather [hbm4b:s6+s13], $0x40, $0x38;
	[tilespmem:$0x2080] =	vst v63  }
0x385: {  	_ =	swait.ge [sflag:s16], $0x40  }
0x386: {  	[sflag:s16] =	ssyncset.done $0x0  }
0x387: {  	[sflag:s16] =	ssyncadd.s32 $0xFFFFFFC0  }
0x388: {  	[tilespmem:s18], [sflag:$0x1] =	stream.indirect.gather [hbm4b:s0+s17], $0x80, s13, s17, $0xb8;
	[tilespmem:$0x2080] =	vst v63  }
0x389: {  	_ =	swait.ge [sflag:s19], $0x2000  }
0x38a: {  	[sflag:s19] =	ssyncset.done $0x0  }
0x38b: {  	s6 =	rddreg [dreg:$0x15];
	[sflag:s19] =	ssyncadd.s32 $0xFFFFE000  }
0x38c: {  	[hbm4b:s6+s13] =	stream.linear.scatter [tilespmem:s18], [sflag:$0x2], $0x2000, $0x38;
	[tilespmem:$0x2080] =	vst v63  }
0x38d: {  	_ =	swait.ge [sflag:s16], $0x2000  }
0x38e: {  	[sflag:s16] =	ssyncset.done $0x0  }
0x38f: {  	s6 =	rddreg [dreg:$0x16];
	[sflag:s16] =	ssyncadd.s32 $0xFFFFE000  }
0x390: {  	[tilespmem:s13], [sflag:$0x2] =	stream.linear.gather [hbm4b:s6+s13], $0x40, $0x38;
	[tilespmem:$0x2080] =	vst v63  }
0x391: {  	_ =	swait.ge [sflag:s16], $0x40  }
0x392: {  	[sflag:s16] =	ssyncset.done $0x0  }
0x393: {  	[sflag:s16] =	ssyncadd.s32 $0xFFFFFFC0  }
0x394: {  	[tilespmem:s18], [sflag:$0x1] =	stream.indirect.gather [hbm4b:s1+s17], $0x80, s13, s17, $0xb8;
	[tilespmem:$0x2080] =	vst v63  }
0x395: {  	_ =	swait.ge [sflag:s19], $0x2000  }
0x396: {  	[sflag:s19] =	ssyncset.done $0x0  }
0x397: {  	s6 =	rddreg [dreg:$0x17];
	[sflag:s19] =	ssyncadd.s32 $0xFFFFE000  }
0x398: {  	[hbm4b:s6+s13] =	stream.linear.scatter [tilespmem:s18], [sflag:$0x2], $0x2000, $0x38;
	[tilespmem:$0x2080] =	vst v63  }
0x399: {  	_ =	swait.ge [sflag:s16], $0x2000  }
0x39a: {  	[sflag:s16] =	ssyncset.done $0x0  }
0x39b: {  	s6 =	rddreg [dreg:$0x18];
	[sflag:s16] =	ssyncadd.s32 $0xFFFFE000  }
0x39c: {  	[tilespmem:s13], [sflag:$0x2] =	stream.linear.gather [hbm4b:s6+s13], $0x40, $0x38;
	[tilespmem:$0x2080] =	vst v63  }
0x39d: {  	_ =	swait.ge [sflag:s16], $0x40  }
0x39e: {  	[sflag:s16] =	ssyncset.done $0x0  }
0x39f: {  	[sflag:s16] =	ssyncadd.s32 $0xFFFFFFC0  }
0x3a0: {  	[tilespmem:s18], [sflag:$0x1] =	stream.indirect.gather [hbm4b:s1+s17], $0x80, s13, s17, $0xb8;
	[tilespmem:$0x2080] =	vst v63  }
0x3a1: {  	_ =	swait.ge [sflag:s19], $0x2000  }
0x3a2: {  	[sflag:s19] =	ssyncset.done $0x0  }
0x3a3: {  	s6 =	rddreg [dreg:$0x19];
	[sflag:s19] =	ssyncadd.s32 $0xFFFFE000  }
0x3a4: {  	[hbm4b:s6+s13] =	stream.linear.scatter [tilespmem:s18], [sflag:$0x2], $0x2000, $0x38;
	[tilespmem:$0x2080] =	vst v63  }
0x3a5: {  	_ =	swait.ge [sflag:s16], $0x2000  }
0x3a6: {  	[sflag:s16] =	ssyncset.done $0x0  }
0x3a7: {  	s6 =	rddreg [dreg:$0x1a];
	[sflag:s16] =	ssyncadd.s32 $0xFFFFE000  }
0x3a8: {  	[tilespmem:s13], [sflag:$0x2] =	stream.linear.gather [hbm4b:s6+s13], $0x40, $0x38;
	[tilespmem:$0x2080] =	vst v63  }
0x3a9: {  	_ =	swait.ge [sflag:s16], $0x40  }
0x3aa: {  	[sflag:s16] =	ssyncset.done $0x0  }
0x3ab: {  	[sflag:s16] =	ssyncadd.s32 $0xFFFFFFC0  }
0x3ac: {  	[tilespmem:s18], [sflag:$0x1] =	stream.indirect.gather [hbm4b:s1+s17], $0x80, s13, s17, $0xb8;
	[tilespmem:$0x2080] =	vst v63  }
0x3ad: {  	_ =	swait.ge [sflag:s19], $0x2000  }
0x3ae: {  	[sflag:s19] =	ssyncset.done $0x0  }
0x3af: {  	s6 =	rddreg [dreg:$0x1b];
	[sflag:s19] =	ssyncadd.s32 $0xFFFFE000  }
0x3b0: {  	[hbm4b:s6+s13] =	stream.linear.scatter [tilespmem:s18], [sflag:$0x2], $0x2000, $0x38;
	[tilespmem:$0x2080] =	vst v63  }
0x3b1: {  	_ =	swait.ge [sflag:s16], $0x2000  }
0x3b2: {  	[sflag:s16] =	ssyncset.done $0x0  }
0x3b3: {  	s6 =	rddreg [dreg:$0x1c];
	[sflag:s16] =	ssyncadd.s32 $0xFFFFE000  }
0x3b4: {  	[tilespmem:s13], [sflag:$0x2] =	stream.linear.gather [hbm4b:s6+s13], $0x40, $0x38;
	[tilespmem:$0x2080] =	vst v63  }
0x3b5: {  	_ =	swait.ge [sflag:s16], $0x40  }
0x3b6: {  	[sflag:s16] =	ssyncset.done $0x0  }
0x3b7: {  	[sflag:s16] =	ssyncadd.s32 $0xFFFFFFC0  }
0x3b8: {  	[tilespmem:s18], [sflag:$0x1] =	stream.indirect.gather [hbm4b:s1+s17], $0x80, s13, s17, $0xb8;
	[tilespmem:$0x2080] =	vst v63  }
0x3b9: {  	_ =	swait.ge [sflag:s19], $0x2000  }
0x3ba: {  	[sflag:s19] =	ssyncset.done $0x0  }
0x3bb: {  	[sflag:s19] =	ssyncadd.s32 $0xFFFFE000;
	s6 =	rddreg [dreg:$0x1d]  }
0x3bc: {  	[hbm4b:s6+s13] =	stream.linear.scatter [tilespmem:s18], [sflag:$0x2], $0x2000, $0x38;
	[tilespmem:$0x2080] =	vst v63  }
0x3bd: {  	_ =	swait.ge [sflag:s16], $0x2000  }
0x3be: {  	[sflag:s16] =	ssyncset.done $0x0  }
0x3bf: {  	s6 =	rddreg [dreg:$0x1e];
	[sflag:s16] =	ssyncadd.s32 $0xFFFFE000  }
0x3c0: {  	[tilespmem:s13], [sflag:$0x2] =	stream.linear.gather [hbm4b:s6+s13], $0x40, $0x38;
	[tilespmem:$0x2080] =	vst v63  }
0x3c1: {  	_ =	swait.ge [sflag:s16], $0x40  }
0x3c2: {  	[sflag:s16] =	ssyncset.done $0x0  }
0x3c3: {  	[sflag:s16] =	ssyncadd.s32 $0xFFFFFFC0  }
0x3c4: {  	[tilespmem:s18], [sflag:$0x1] =	stream.indirect.gather [hbm4b:s1+s17], $0x80, s13, s17, $0xb8;
	[tilespmem:$0x2080] =	vst v63  }
0x3c5: {  	_ =	swait.ge [sflag:s19], $0x2000  }
0x3c6: {  	[sflag:s19] =	ssyncset.done $0x0  }
0x3c7: {  	s6 =	rddreg [dreg:$0x1f];
	[sflag:s19] =	ssyncadd.s32 $0xFFFFE000  }
0x3c8: {  	[hbm4b:s6+s13] =	stream.linear.scatter [tilespmem:s18], [sflag:$0x2], $0x2000, $0x38;
	[tilespmem:$0x2080] =	vst v63  }
0x3c9: {  	_ =	swait.ge [sflag:s16], $0x2000  }
0x3ca: {  	s6 =	sld [smem:$0x7B0]  }
0x3cb: {  	[sflag:s16] =	ssyncset.done $0x0  }
0x3cc: {  	[sflag:s16] =	ssyncadd.s32 $0xFFFFE000  }
0x3cd: {  	[tilespmem:s13], [sflag:$0x2] =	stream.linear.gather [hbm4b:s6+s13], $0x40, $0x38;
	[tilespmem:$0x2080] =	vst v63  }
0x3ce: {  	_ =	swait.ge [sflag:s16], $0x40  }
0x3cf: {  	[sflag:s16] =	ssyncset.done $0x0  }
0x3d0: {  	[sflag:s16] =	ssyncadd.s32 $0xFFFFFFC0  }
0x3d1: {  	[tilespmem:s18], [sflag:$0x1] =	stream.indirect.gather [hbm4b:s2+s17], $0x80, s13, s17, $0xb8;
	[tilespmem:$0x2080] =	vst v63  }
0x3d2: {  	_ =	swait.ge [sflag:s19], $0x2000  }
0x3d3: {  	s6 =	sld [smem:$0x7B1]  }
0x3d4: {  	[sflag:s19] =	ssyncset.done $0x0  }
0x3d5: {  	[sflag:s19] =	ssyncadd.s32 $0xFFFFE000  }
0x3d6: {  	[hbm4b:s6+s13] =	stream.linear.scatter [tilespmem:s18], [sflag:$0x2], $0x2000, $0x38;
	[tilespmem:$0x2080] =	vst v63  }
0x3d7: {  	_ =	swait.ge [sflag:s16], $0x2000  }
0x3d8: {  	s6 =	sld [smem:$0x7B2]  }
0x3d9: {  	[sflag:s16] =	ssyncset.done $0x0  }
0x3da: {  	[sflag:s16] =	ssyncadd.s32 $0xFFFFE000  }
0x3db: {  	[tilespmem:s13], [sflag:$0x2] =	stream.linear.gather [hbm4b:s6+s13], $0x40, $0x38;
	[tilespmem:$0x2080] =	vst v63  }
0x3dc: {  	_ =	swait.ge [sflag:s16], $0x40  }
0x3dd: {  	[sflag:s16] =	ssyncset.done $0x0  }
0x3de: {  	[sflag:s16] =	ssyncadd.s32 $0xFFFFFFC0  }
0x3df: {  	[tilespmem:s18], [sflag:$0x1] =	stream.indirect.gather [hbm4b:s2+s17], $0x80, s13, s17, $0xb8;
	[tilespmem:$0x2080] =	vst v63  }
0x3e0: {  	_ =	swait.ge [sflag:s19], $0x2000  }
0x3e1: {  	s6 =	sld [smem:$0x7B3]  }
0x3e2: {  	[sflag:s19] =	ssyncset.done $0x0  }
0x3e3: {  	[sflag:s19] =	ssyncadd.s32 $0xFFFFE000  }
0x3e4: {  	[hbm4b:s6+s13] =	stream.linear.scatter [tilespmem:s18], [sflag:$0x2], $0x2000, $0x38;
	[tilespmem:$0x2080] =	vst v63  }
0x3e5: {  	_ =	swait.ge [sflag:s16], $0x2000  }
0x3e6: {  	s6 =	sld [smem:$0x7B4]  }
0x3e7: {  	[sflag:s16] =	ssyncset.done $0x0  }
0x3e8: {  	[sflag:s16] =	ssyncadd.s32 $0xFFFFE000  }
0x3e9: {  	[tilespmem:s13], [sflag:$0x2] =	stream.linear.gather [hbm4b:s6+s13], $0x40, $0x38;
	[tilespmem:$0x2080] =	vst v63  }
0x3ea: {  	_ =	swait.ge [sflag:s16], $0x40  }
0x3eb: {  	[sflag:s16] =	ssyncset.done $0x0  }
0x3ec: {  	[sflag:s16] =	ssyncadd.s32 $0xFFFFFFC0  }
0x3ed: {  	[tilespmem:s18], [sflag:$0x1] =	stream.indirect.gather [hbm4b:s2+s17], $0x80, s13, s17, $0xb8;
	[tilespmem:$0x2080] =	vst v63  }
0x3ee: {  	_ =	swait.ge [sflag:s19], $0x2000  }
0x3ef: {  	s6 =	sld [smem:$0x7B5]  }
0x3f0: {  	[sflag:s19] =	ssyncset.done $0x0  }
0x3f1: {  	[sflag:s19] =	ssyncadd.s32 $0xFFFFE000  }
0x3f2: {  	[hbm4b:s6+s13] =	stream.linear.scatter [tilespmem:s18], [sflag:$0x2], $0x2000, $0x38;
	[tilespmem:$0x2080] =	vst v63  }
0x3f3: {  	_ =	swait.ge [sflag:s16], $0x2000  }
0x3f4: {  	s6 =	sld [smem:$0x7B6]  }
0x3f5: {  	[sflag:s16] =	ssyncset.done $0x0  }
0x3f6: {  	[sflag:s16] =	ssyncadd.s32 $0xFFFFE000  }
0x3f7: {  	[tilespmem:s13], [sflag:$0x2] =	stream.linear.gather [hbm4b:s6+s13], $0x40, $0x38;
	[tilespmem:$0x2080] =	vst v63  }
0x3f8: {  	_ =	swait.ge [sflag:s16], $0x40  }
0x3f9: {  	[sflag:s16] =	ssyncset.done $0x0  }
0x3fa: {  	[sflag:s16] =	ssyncadd.s32 $0xFFFFFFC0  }
0x3fb: {  	[tilespmem:s18], [sflag:$0x1] =	stream.indirect.gather [hbm4b:s2+s17], $0x80, s13, s17, $0xb8;
	[tilespmem:$0x2080] =	vst v63  }
0x3fc: {  	_ =	swait.ge [sflag:s19], $0x2000  }
0x3fd: {  	s6 =	sld [smem:$0x7B7]  }
0x3fe: {  	[sflag:s19] =	ssyncset.done $0x0  }
0x3ff: {  	[sflag:s19] =	ssyncadd.s32 $0xFFFFE000  }
0x400: {  	[hbm4b:s6+s13] =	stream.linear.scatter [tilespmem:s18], [sflag:$0x2], $0x2000, $0x38;
	[tilespmem:$0x2080] =	vst v63  }
0x401: {  	_ =	swait.ge [sflag:s16], $0x2000  }
0x402: {  	s6 =	sld [smem:$0x7B8]  }
0x403: {  	[sflag:s16] =	ssyncset.done $0x0  }
0x404: {  	[sflag:s16] =	ssyncadd.s32 $0xFFFFE000  }
0x405: {  	[tilespmem:s13], [sflag:$0x2] =	stream.linear.gather [hbm4b:s6+s13], $0x40, $0x38;
	[tilespmem:$0x2080] =	vst v63  }
0x406: {  	_ =	swait.ge [sflag:s16], $0x40  }
0x407: {  	[sflag:s16] =	ssyncset.done $0x0  }
0x408: {  	[sflag:s16] =	ssyncadd.s32 $0xFFFFFFC0  }
0x409: {  	[tilespmem:s18], [sflag:$0x1] =	stream.indirect.gather [hbm4b:s2+s17], $0x80, s13, s17, $0xb8;
	[tilespmem:$0x2080] =	vst v63  }
0x40a: {  	_ =	swait.ge [sflag:s19], $0x2000  }
0x40b: {  	s6 =	sld [smem:$0x7B9]  }
0x40c: {  	[sflag:s19] =	ssyncset.done $0x0  }
0x40d: {  	[sflag:s19] =	ssyncadd.s32 $0xFFFFE000  }
0x40e: {  	[hbm4b:s6+s13] =	stream.linear.scatter [tilespmem:s18], [sflag:$0x2], $0x2000, $0x38;
	[tilespmem:$0x2080] =	vst v63  }
0x40f: {  	_ =	swait.ge [sflag:s16], $0x2000  }
0x410: {  	s6 =	sld [smem:$0x7BA]  }
0x411: {  	[sflag:s16] =	ssyncset.done $0x0  }
0x412: {  	[sflag:s16] =	ssyncadd.s32 $0xFFFFE000  }
0x413: {  	[tilespmem:s13], [sflag:$0x2] =	stream.linear.gather [hbm4b:s6+s13], $0x40, $0x38;
	[tilespmem:$0x2080] =	vst v63  }
0x414: {  	_ =	swait.ge [sflag:s16], $0x40  }
0x415: {  	[sflag:s16] =	ssyncset.done $0x0  }
0x416: {  	[sflag:s16] =	ssyncadd.s32 $0xFFFFFFC0  }
0x417: {  	[tilespmem:s18], [sflag:$0x1] =	stream.indirect.gather [hbm4b:s3+s17], $0x80, s13, s17, $0xb8;
	[tilespmem:$0x2080] =	vst v63  }
0x418: {  	_ =	swait.ge [sflag:s19], $0x2000  }
0x419: {  	s6 =	sld [smem:$0x7BB]  }
0x41a: {  	[sflag:s19] =	ssyncset.done $0x0  }
0x41b: {  	[sflag:s19] =	ssyncadd.s32 $0xFFFFE000  }
0x41c: {  	[hbm4b:s6+s13] =	stream.linear.scatter [tilespmem:s18], [sflag:$0x2], $0x2000, $0x38;
	[tilespmem:$0x2080] =	vst v63  }
0x41d: {  	_ =	swait.ge [sflag:s16], $0x2000  }
0x41e: {  	s6 =	sld [smem:$0x7BC]  }
0x41f: {  	[sflag:s16] =	ssyncset.done $0x0  }
0x420: {  	[sflag:s16] =	ssyncadd.s32 $0xFFFFE000  }
0x421: {  	[tilespmem:s13], [sflag:$0x2] =	stream.linear.gather [hbm4b:s6+s13], $0x40, $0x38;
	[tilespmem:$0x2080] =	vst v63  }
0x422: {  	_ =	swait.ge [sflag:s16], $0x40  }
0x423: {  	[sflag:s16] =	ssyncset.done $0x0  }
0x424: {  	[sflag:s16] =	ssyncadd.s32 $0xFFFFFFC0  }
0x425: {  	[tilespmem:s18], [sflag:$0x1] =	stream.indirect.gather [hbm4b:s3+s17], $0x80, s13, s17, $0xb8;
	[tilespmem:$0x2080] =	vst v63  }
0x426: {  	_ =	swait.ge [sflag:s19], $0x2000  }
0x427: {  	s6 =	sld [smem:$0x7BD]  }
0x428: {  	[sflag:s19] =	ssyncset.done $0x0  }
0x429: {  	[sflag:s19] =	ssyncadd.s32 $0xFFFFE000  }
0x42a: {  	[hbm4b:s6+s13] =	stream.linear.scatter [tilespmem:s18], [sflag:$0x2], $0x2000, $0x38;
	[tilespmem:$0x2080] =	vst v63  }
0x42b: {  	_ =	swait.ge [sflag:s16], $0x2000  }
0x42c: {  	s6 =	sld [smem:$0x7BE]  }
0x42d: {  	[sflag:s16] =	ssyncset.done $0x0  }
0x42e: {  	[sflag:s16] =	ssyncadd.s32 $0xFFFFE000  }
0x42f: {  	[tilespmem:s13], [sflag:$0x2] =	stream.linear.gather [hbm4b:s6+s13], $0x40, $0x38;
	[tilespmem:$0x2080] =	vst v63  }
0x430: {  	_ =	swait.ge [sflag:s16], $0x40  }
0x431: {  	[sflag:s16] =	ssyncset.done $0x0  }
0x432: {  	[sflag:s16] =	ssyncadd.s32 $0xFFFFFFC0  }
0x433: {  	[tilespmem:s18], [sflag:$0x1] =	stream.indirect.gather [hbm4b:s3+s17], $0x80, s13, s17, $0xb8;
	[tilespmem:$0x2080] =	vst v63  }
0x434: {  	_ =	swait.ge [sflag:s19], $0x2000  }
0x435: {  	s6 =	sld [smem:$0x7BF]  }
0x436: {  	[sflag:s19] =	ssyncset.done $0x0  }
0x437: {  	[sflag:s19] =	ssyncadd.s32 $0xFFFFE000  }
0x438: {  	[hbm4b:s6+s13] =	stream.linear.scatter [tilespmem:s18], [sflag:$0x2], $0x2000, $0x38;
	[tilespmem:$0x2080] =	vst v63  }
0x439: {  	_ =	swait.ge [sflag:s16], $0x2000  }
0x43a: {  	s6 =	sld [smem:$0x7C0]  }
0x43b: {  	[sflag:s16] =	ssyncset.done $0x0  }
0x43c: {  	[sflag:s16] =	ssyncadd.s32 $0xFFFFE000  }
0x43d: {  	[tilespmem:s13], [sflag:$0x2] =	stream.linear.gather [hbm4b:s6+s13], $0x40, $0x38;
	[tilespmem:$0x2080] =	vst v63  }
0x43e: {  	_ =	swait.ge [sflag:s16], $0x40  }
0x43f: {  	[sflag:s16] =	ssyncset.done $0x0  }
0x440: {  	[sflag:s16] =	ssyncadd.s32 $0xFFFFFFC0  }
0x441: {  	[tilespmem:s18], [sflag:$0x1] =	stream.indirect.gather [hbm4b:s3+s17], $0x80, s13, s17, $0xb8;
	[tilespmem:$0x2080] =	vst v63  }
0x442: {  	_ =	swait.ge [sflag:s19], $0x2000  }
0x443: {  	s6 =	sld [smem:$0x7C1]  }
0x444: {  	[sflag:s19] =	ssyncset.done $0x0  }
0x445: {  	[sflag:s19] =	ssyncadd.s32 $0xFFFFE000  }
0x446: {  	[hbm4b:s6+s13] =	stream.linear.scatter [tilespmem:s18], [sflag:$0x2], $0x2000, $0x38;
	[tilespmem:$0x2080] =	vst v63  }
0x447: {  	_ =	swait.ge [sflag:s16], $0x2000  }
0x448: {  	s6 =	sld [smem:$0x7C2]  }
0x449: {  	[sflag:s16] =	ssyncset.done $0x0  }
0x44a: {  	[sflag:s16] =	ssyncadd.s32 $0xFFFFE000  }
0x44b: {  	[tilespmem:s13], [sflag:$0x2] =	stream.linear.gather [hbm4b:s6+s13], $0x40, $0x38;
	[tilespmem:$0x2080] =	vst v63  }
0x44c: {  	_ =	swait.ge [sflag:s16], $0x40  }
0x44d: {  	[sflag:s16] =	ssyncset.done $0x0  }
0x44e: {  	[sflag:s16] =	ssyncadd.s32 $0xFFFFFFC0  }
0x44f: {  	[tilespmem:s18], [sflag:$0x1] =	stream.indirect.gather [hbm4b:s3+s17], $0x80, s13, s17, $0xb8;
	[tilespmem:$0x2080] =	vst v63  }
0x450: {  	_ =	swait.ge [sflag:s19], $0x2000  }
0x451: {  	s6 =	sld [smem:$0x7C3]  }
0x452: {  	[sflag:s19] =	ssyncset.done $0x0  }
0x453: {  	[sflag:s19] =	ssyncadd.s32 $0xFFFFE000  }
0x454: {  	[hbm4b:s6+s13] =	stream.linear.scatter [tilespmem:s18], [sflag:$0x2], $0x2000, $0x38;
	[tilespmem:$0x2080] =	vst v63  }
0x455: {  	_ =	swait.ge [sflag:s16], $0x2000  }
0x456: {  	s6 =	sld [smem:$0x7C4]  }
0x457: {  	[sflag:s16] =	ssyncset.done $0x0  }
0x458: {  	[sflag:s16] =	ssyncadd.s32 $0xFFFFE000  }
0x459: {  	[tilespmem:s13], [sflag:$0x2] =	stream.linear.gather [hbm4b:s6+s13], $0x40, $0x38;
	[tilespmem:$0x2080] =	vst v63  }
0x45a: {  	_ =	swait.ge [sflag:s16], $0x40  }
0x45b: {  	[sflag:s16] =	ssyncset.done $0x0  }
0x45c: {  	[sflag:s16] =	ssyncadd.s32 $0xFFFFFFC0  }
0x45d: {  	[tilespmem:s18], [sflag:$0x1] =	stream.indirect.gather [hbm4b:s4+s17], $0x80, s13, s17, $0xb8;
	[tilespmem:$0x2080] =	vst v63  }
0x45e: {  	_ =	swait.ge [sflag:s19], $0x2000  }
0x45f: {  	s6 =	sld [smem:$0x7C5]  }
0x460: {  	[sflag:s19] =	ssyncset.done $0x0  }
0x461: {  	[sflag:s19] =	ssyncadd.s32 $0xFFFFE000  }
0x462: {  	[hbm4b:s6+s13] =	stream.linear.scatter [tilespmem:s18], [sflag:$0x2], $0x2000, $0x38;
	[tilespmem:$0x2080] =	vst v63  }
0x463: {  	_ =	swait.ge [sflag:s16], $0x2000  }
0x464: {  	s6 =	sld [smem:$0x7C6]  }
0x465: {  	[sflag:s16] =	ssyncset.done $0x0  }
0x466: {  	[sflag:s16] =	ssyncadd.s32 $0xFFFFE000  }
0x467: {  	[tilespmem:s13], [sflag:$0x2] =	stream.linear.gather [hbm4b:s6+s13], $0x40, $0x38;
	[tilespmem:$0x2080] =	vst v63  }
0x468: {  	_ =	swait.ge [sflag:s16], $0x40  }
0x469: {  	[sflag:s16] =	ssyncset.done $0x0  }
0x46a: {  	[sflag:s16] =	ssyncadd.s32 $0xFFFFFFC0  }
0x46b: {  	[tilespmem:s18], [sflag:$0x1] =	stream.indirect.gather [hbm4b:s4+s17], $0x80, s13, s17, $0xb8;
	[tilespmem:$0x2080] =	vst v63  }
0x46c: {  	_ =	swait.ge [sflag:s19], $0x2000  }
0x46d: {  	s6 =	sld [smem:$0x7C7]  }
0x46e: {  	[sflag:s19] =	ssyncset.done $0x0  }
0x46f: {  	[sflag:s19] =	ssyncadd.s32 $0xFFFFE000  }
0x470: {  	[hbm4b:s6+s13] =	stream.linear.scatter [tilespmem:s18], [sflag:$0x2], $0x2000, $0x38;
	[tilespmem:$0x2080] =	vst v63  }
0x471: {  	_ =	swait.ge [sflag:s16], $0x2000  }
0x472: {  	s6 =	sld [smem:$0x7C8]  }
0x473: {  	[sflag:s16] =	ssyncset.done $0x0  }
0x474: {  	[sflag:s16] =	ssyncadd.s32 $0xFFFFE000  }
0x475: {  	[tilespmem:s13], [sflag:$0x2] =	stream.linear.gather [hbm4b:s6+s13], $0x40, $0x38;
	[tilespmem:$0x2080] =	vst v63  }
0x476: {  	_ =	swait.ge [sflag:s16], $0x40  }
0x477: {  	[sflag:s16] =	ssyncset.done $0x0  }
0x478: {  	[sflag:s16] =	ssyncadd.s32 $0xFFFFFFC0  }
0x479: {  	[tilespmem:s18], [sflag:$0x1] =	stream.indirect.gather [hbm4b:s4+s17], $0x80, s13, s17, $0xb8;
	[tilespmem:$0x2080] =	vst v63  }
0x47a: {  	_ =	swait.ge [sflag:s19], $0x2000  }
0x47b: {  	s6 =	sld [smem:$0x7C9]  }
0x47c: {  	[sflag:s19] =	ssyncset.done $0x0  }
0x47d: {  	[sflag:s19] =	ssyncadd.s32 $0xFFFFE000  }
0x47e: {  	[hbm4b:s6+s13] =	stream.linear.scatter [tilespmem:s18], [sflag:$0x2], $0x2000, $0x38;
	[tilespmem:$0x2080] =	vst v63  }
0x47f: {  	_ =	swait.ge [sflag:s16], $0x2000  }
0x480: {  	s6 =	sld [smem:$0x7CA]  }
0x481: {  	[sflag:s16] =	ssyncset.done $0x0  }
0x482: {  	[sflag:s16] =	ssyncadd.s32 $0xFFFFE000  }
0x483: {  	[tilespmem:s13], [sflag:$0x2] =	stream.linear.gather [hbm4b:s6+s13], $0x40, $0x38;
	[tilespmem:$0x2080] =	vst v63  }
0x484: {  	_ =	swait.ge [sflag:s16], $0x40  }
0x485: {  	[sflag:s16] =	ssyncset.done $0x0  }
0x486: {  	[sflag:s16] =	ssyncadd.s32 $0xFFFFFFC0  }
0x487: {  	[tilespmem:s18], [sflag:$0x1] =	stream.indirect.gather [hbm4b:s4+s17], $0x80, s13, s17, $0xb8;
	[tilespmem:$0x2080] =	vst v63  }
0x488: {  	_ =	swait.ge [sflag:s19], $0x2000  }
0x489: {  	s6 =	sld [smem:$0x7CB]  }
0x48a: {  	[sflag:s19] =	ssyncset.done $0x0  }
0x48b: {  	[sflag:s19] =	ssyncadd.s32 $0xFFFFE000  }
0x48c: {  	[hbm4b:s6+s13] =	stream.linear.scatter [tilespmem:s18], [sflag:$0x2], $0x2000, $0x38;
	[tilespmem:$0x2080] =	vst v63  }
0x48d: {  	_ =	swait.ge [sflag:s16], $0x2000  }
0x48e: {  	s6 =	sld [smem:$0x7CC]  }
0x48f: {  	[sflag:s16] =	ssyncset.done $0x0  }
0x490: {  	[sflag:s16] =	ssyncadd.s32 $0xFFFFE000  }
0x491: {  	[tilespmem:s13], [sflag:$0x2] =	stream.linear.gather [hbm4b:s6+s13], $0x40, $0x38;
	[tilespmem:$0x2080] =	vst v63  }
0x492: {  	_ =	swait.ge [sflag:s16], $0x40  }
0x493: {  	[sflag:s16] =	ssyncset.done $0x0  }
0x494: {  	[sflag:s16] =	ssyncadd.s32 $0xFFFFFFC0  }
0x495: {  	[tilespmem:s18], [sflag:$0x1] =	stream.indirect.gather [hbm4b:s4+s17], $0x80, s13, s17, $0xb8;
	[tilespmem:$0x2080] =	vst v63  }
0x496: {  	_ =	swait.ge [sflag:s19], $0x2000  }
0x497: {  	s6 =	sld [smem:$0x7CD]  }
0x498: {  	[sflag:s19] =	ssyncset.done $0x0  }
0x499: {  	[sflag:s19] =	ssyncadd.s32 $0xFFFFE000  }
0x49a: {  	[hbm4b:s6+s13] =	stream.linear.scatter [tilespmem:s18], [sflag:$0x2], $0x2000, $0x38;
	[tilespmem:$0x2080] =	vst v63  }
0x49b: {  	_ =	swait.ge [sflag:s16], $0x2000  }
0x49c: {  	s6 =	sld [smem:$0x7CE]  }
0x49d: {  	[sflag:s16] =	ssyncset.done $0x0  }
0x49e: {  	[sflag:s16] =	ssyncadd.s32 $0xFFFFE000  }
0x49f: {  	[tilespmem:s13], [sflag:$0x2] =	stream.linear.gather [hbm4b:s6+s13], $0x40, $0x38;
	[tilespmem:$0x2080] =	vst v63  }
0x4a0: {  	_ =	swait.ge [sflag:s16], $0x40  }
0x4a1: {  	[sflag:s16] =	ssyncset.done $0x0  }
0x4a2: {  	[sflag:s16] =	ssyncadd.s32 $0xFFFFFFC0  }
0x4a3: {  	[tilespmem:s18], [sflag:$0x1] =	stream.indirect.gather [hbm4b:s5+s17], $0x80, s13, s17, $0xb8;
	[tilespmem:$0x2080] =	vst v63  }
0x4a4: {  	_ =	swait.ge [sflag:s19], $0x2000  }
0x4a5: {  	s6 =	sld [smem:$0x7CF]  }
0x4a6: {  	[sflag:s19] =	ssyncset.done $0x0  }
0x4a7: {  	[sflag:s19] =	ssyncadd.s32 $0xFFFFE000  }
0x4a8: {  	[hbm4b:s6+s13] =	stream.linear.scatter [tilespmem:s18], [sflag:$0x2], $0x2000, $0x38;
	[tilespmem:$0x2080] =	vst v63  }
0x4a9: {  	_ =	swait.ge [sflag:s16], $0x2000  }
0x4aa: {  	s6 =	sld [smem:$0x7D0]  }
0x4ab: {  	[sflag:s16] =	ssyncset.done $0x0  }
0x4ac: {  	[sflag:s16] =	ssyncadd.s32 $0xFFFFE000  }
0x4ad: {  	[tilespmem:s13], [sflag:$0x2] =	stream.linear.gather [hbm4b:s6+s13], $0x40, $0x38;
	[tilespmem:$0x2080] =	vst v63  }
0x4ae: {  	_ =	swait.ge [sflag:s16], $0x40  }
0x4af: {  	[sflag:s16] =	ssyncset.done $0x0  }
0x4b0: {  	[sflag:s16] =	ssyncadd.s32 $0xFFFFFFC0  }
0x4b1: {  	[tilespmem:s18], [sflag:$0x1] =	stream.indirect.gather [hbm4b:s5+s17], $0x80, s13, s17, $0xb8;
	[tilespmem:$0x2080] =	vst v63  }
0x4b2: {  	_ =	swait.ge [sflag:s19], $0x2000  }
0x4b3: {  	s6 =	sld [smem:$0x7D1]  }
0x4b4: {  	[sflag:s19] =	ssyncset.done $0x0  }
0x4b5: {  	[sflag:s19] =	ssyncadd.s32 $0xFFFFE000  }
0x4b6: {  	[hbm4b:s6+s13] =	stream.linear.scatter [tilespmem:s18], [sflag:$0x2], $0x2000, $0x38;
	[tilespmem:$0x2080] =	vst v63  }
0x4b7: {  	_ =	swait.ge [sflag:s16], $0x2000  }
0x4b8: {  	s6 =	sld [smem:$0x7D2]  }
0x4b9: {  	[sflag:s16] =	ssyncset.done $0x0  }
0x4ba: {  	[sflag:s16] =	ssyncadd.s32 $0xFFFFE000  }
0x4bb: {  	[tilespmem:s13], [sflag:$0x2] =	stream.linear.gather [hbm4b:s6+s13], $0x40, $0x38;
	[tilespmem:$0x2080] =	vst v63  }
0x4bc: {  	_ =	swait.ge [sflag:s16], $0x40  }
0x4bd: {  	[sflag:s16] =	ssyncset.done $0x0  }
0x4be: {  	[sflag:s16] =	ssyncadd.s32 $0xFFFFFFC0  }
0x4bf: {  	[tilespmem:s18], [sflag:$0x1] =	stream.indirect.gather [hbm4b:s5+s17], $0x80, s13, s17, $0xb8;
	[tilespmem:$0x2080] =	vst v63  }
0x4c0: {  	_ =	swait.ge [sflag:s19], $0x2000  }
0x4c1: {  	s6 =	sld [smem:$0x7D3]  }
0x4c2: {  	[sflag:s19] =	ssyncset.done $0x0  }
0x4c3: {  	[sflag:s19] =	ssyncadd.s32 $0xFFFFE000  }
0x4c4: {  	[hbm4b:s6+s13] =	stream.linear.scatter [tilespmem:s18], [sflag:$0x2], $0x2000, $0x38;
	[tilespmem:$0x2080] =	vst v63  }
0x4c5: {  	_ =	swait.ge [sflag:s16], $0x2000  }
0x4c6: {  	s6 =	sld [smem:$0x7D4]  }
0x4c7: {  	[sflag:s16] =	ssyncset.done $0x0  }
0x4c8: {  	[sflag:s16] =	ssyncadd.s32 $0xFFFFE000  }
0x4c9: {  	[tilespmem:s13], [sflag:$0x2] =	stream.linear.gather [hbm4b:s6+s13], $0x40, $0x38;
	[tilespmem:$0x2080] =	vst v63  }
0x4ca: {  	_ =	swait.ge [sflag:s16], $0x40  }
0x4cb: {  	[sflag:s16] =	ssyncset.done $0x0  }
0x4cc: {  	[sflag:s16] =	ssyncadd.s32 $0xFFFFFFC0  }
0x4cd: {  	[tilespmem:s18], [sflag:$0x1] =	stream.indirect.gather [hbm4b:s5+s17], $0x80, s13, s17, $0xb8;
	[tilespmem:$0x2080] =	vst v63  }
0x4ce: {  	_ =	swait.ge [sflag:s19], $0x2000  }
0x4cf: {  	s6 =	sld [smem:$0x7D5]  }
0x4d0: {  	[sflag:s19] =	ssyncset.done $0x0  }
0x4d1: {  	[sflag:s19] =	ssyncadd.s32 $0xFFFFE000  }
0x4d2: {  	[hbm4b:s6+s13] =	stream.linear.scatter [tilespmem:s18], [sflag:$0x2], $0x2000, $0x38;
	[tilespmem:$0x2080] =	vst v63  }
0x4d3: {  	_ =	swait.ge [sflag:s16], $0x2000  }
0x4d4: {  	s6 =	sld [smem:$0x7D6]  }
0x4d5: {  	[sflag:s16] =	ssyncset.done $0x0  }
0x4d6: {  	[sflag:s16] =	ssyncadd.s32 $0xFFFFE000  }
0x4d7: {  	[tilespmem:s13], [sflag:$0x2] =	stream.linear.gather [hbm4b:s6+s13], $0x40, $0x38;
	[tilespmem:$0x2080] =	vst v63  }
0x4d8: {  	_ =	swait.ge [sflag:s16], $0x40  }
0x4d9: {  	[sflag:s16] =	ssyncset.done $0x0  }
0x4da: {  	[sflag:s16] =	ssyncadd.s32 $0xFFFFFFC0  }
0x4db: {  	[tilespmem:s18], [sflag:$0x1] =	stream.indirect.gather [hbm4b:s5+s17], $0x80, s13, s17, $0xb8;
	[tilespmem:$0x2080] =	vst v63  }
0x4dc: {  	_ =	swait.ge [sflag:s19], $0x2000  }
0x4dd: {  	s6 =	sld [smem:$0x7D7]  }
0x4de: {  	[sflag:s19] =	ssyncset.done $0x0  }
0x4df: {  	[sflag:s19] =	ssyncadd.s32 $0xFFFFE000  }
0x4e0: {  	[hbm4b:s6+s13] =	stream.linear.scatter [tilespmem:s18], [sflag:$0x2], $0x2000, $0x38;
	[tilespmem:$0x2080] =	vst v63  }
0x4e1: {  	_ =	swait.ge [sflag:s16], $0x2000  }
0x4e2: {  	s6 =	sld [smem:$0x7D8]  }
0x4e3: {  	[sflag:s16] =	ssyncset.done $0x0  }
0x4e4: {  	[sflag:s16] =	ssyncadd.s32 $0xFFFFE000  }
0x4e5: {  	[tilespmem:s13], [sflag:$0x2] =	stream.linear.gather [hbm4b:s6+s13], $0x40, $0x38;
	[tilespmem:$0x2080] =	vst v63  }
0x4e6: {  	_ =	swait.ge [sflag:s16], $0x40  }
0x4e7: {  	[sflag:s16] =	ssyncset.done $0x0  }
0x4e8: {  	[sflag:s16] =	ssyncadd.s32 $0xFFFFFFC0  }
0x4e9: {  	[tilespmem:s18], [sflag:$0x1] =	stream.indirect.gather [hbm4b:s7+s17], $0x80, s13, s17, $0xb8;
	[tilespmem:$0x2080] =	vst v63  }
0x4ea: {  	_ =	swait.ge [sflag:s19], $0x2000  }
0x4eb: {  	s6 =	sld [smem:$0x7D9]  }
0x4ec: {  	[sflag:s19] =	ssyncset.done $0x0  }
0x4ed: {  	[sflag:s19] =	ssyncadd.s32 $0xFFFFE000  }
0x4ee: {  	[hbm4b:s6+s13] =	stream.linear.scatter [tilespmem:s18], [sflag:$0x2], $0x2000, $0x38;
	[tilespmem:$0x2080] =	vst v63  }
0x4ef: {  	_ =	swait.ge [sflag:s16], $0x2000  }
0x4f0: {  	s6 =	sld [smem:$0x7DA]  }
0x4f1: {  	[sflag:s16] =	ssyncset.done $0x0  }
0x4f2: {  	[sflag:s16] =	ssyncadd.s32 $0xFFFFE000  }
0x4f3: {  	[tilespmem:s13], [sflag:$0x2] =	stream.linear.gather [hbm4b:s6+s13], $0x40, $0x38;
	[tilespmem:$0x2080] =	vst v63  }
0x4f4: {  	_ =	swait.ge [sflag:s16], $0x40  }
0x4f5: {  	[sflag:s16] =	ssyncset.done $0x0  }
0x4f6: {  	[sflag:s16] =	ssyncadd.s32 $0xFFFFFFC0  }
0x4f7: {  	[tilespmem:s18], [sflag:$0x1] =	stream.indirect.gather [hbm4b:s7+s17], $0x80, s13, s17, $0xb8;
	[tilespmem:$0x2080] =	vst v63  }
0x4f8: {  	_ =	swait.ge [sflag:s19], $0x2000  }
0x4f9: {  	s6 =	sld [smem:$0x7DB]  }
0x4fa: {  	[sflag:s19] =	ssyncset.done $0x0  }
0x4fb: {  	[sflag:s19] =	ssyncadd.s32 $0xFFFFE000  }
0x4fc: {  	[hbm4b:s6+s13] =	stream.linear.scatter [tilespmem:s18], [sflag:$0x2], $0x2000, $0x38;
	[tilespmem:$0x2080] =	vst v63  }
0x4fd: {  	_ =	swait.ge [sflag:s16], $0x2000  }
0x4fe: {  	s6 =	sld [smem:$0x7DC]  }
0x4ff: {  	[sflag:s16] =	ssyncset.done $0x0  }
0x500: {  	[sflag:s16] =	ssyncadd.s32 $0xFFFFE000  }
0x501: {  	[tilespmem:s13], [sflag:$0x2] =	stream.linear.gather [hbm4b:s6+s13], $0x40, $0x38;
	[tilespmem:$0x2080] =	vst v63  }
0x502: {  	_ =	swait.ge [sflag:s16], $0x40  }
0x503: {  	[sflag:s16] =	ssyncset.done $0x0  }
0x504: {  	[sflag:s16] =	ssyncadd.s32 $0xFFFFFFC0  }
0x505: {  	[tilespmem:s18], [sflag:$0x1] =	stream.indirect.gather [hbm4b:s7+s17], $0x80, s13, s17, $0xb8;
	[tilespmem:$0x2080] =	vst v63  }
0x506: {  	_ =	swait.ge [sflag:s19], $0x2000  }
0x507: {  	s6 =	sld [smem:$0x7DD]  }
0x508: {  	[sflag:s19] =	ssyncset.done $0x0  }
0x509: {  	[sflag:s19] =	ssyncadd.s32 $0xFFFFE000  }
0x50a: {  	[hbm4b:s6+s13] =	stream.linear.scatter [tilespmem:s18], [sflag:$0x2], $0x2000, $0x38;
	[tilespmem:$0x2080] =	vst v63  }
0x50b: {  	_ =	swait.ge [sflag:s16], $0x2000  }
0x50c: {  	s6 =	sld [smem:$0x7DE]  }
0x50d: {  	[sflag:s16] =	ssyncset.done $0x0  }
0x50e: {  	[sflag:s16] =	ssyncadd.s32 $0xFFFFE000  }
0x50f: {  	[tilespmem:s13], [sflag:$0x2] =	stream.linear.gather [hbm4b:s6+s13], $0x40, $0x38;
	[tilespmem:$0x2080] =	vst v63  }
0x510: {  	_ =	swait.ge [sflag:s16], $0x40  }
0x511: {  	[sflag:s16] =	ssyncset.done $0x0  }
0x512: {  	[sflag:s16] =	ssyncadd.s32 $0xFFFFFFC0  }
0x513: {  	[tilespmem:s18], [sflag:$0x1] =	stream.indirect.gather [hbm4b:s7+s17], $0x80, s13, s17, $0xb8;
	[tilespmem:$0x2080] =	vst v63  }
0x514: {  	_ =	swait.ge [sflag:s19], $0x2000  }
0x515: {  	s6 =	sld [smem:$0x7DF]  }
0x516: {  	[sflag:s19] =	ssyncset.done $0x0  }
0x517: {  	[sflag:s19] =	ssyncadd.s32 $0xFFFFE000  }
0x518: {  	[hbm4b:s6+s13] =	stream.linear.scatter [tilespmem:s18], [sflag:$0x2], $0x2000, $0x38;
	[tilespmem:$0x2080] =	vst v63  }
0x519: {  	_ =	swait.ge [sflag:s16], $0x2000  }
0x51a: {  	s6 =	sld [smem:$0x7E0]  }
0x51b: {  	[sflag:s16] =	ssyncset.done $0x0  }
0x51c: {  	[sflag:s16] =	ssyncadd.s32 $0xFFFFE000  }
0x51d: {  	[tilespmem:s13], [sflag:$0x2] =	stream.linear.gather [hbm4b:s6+s13], $0x40, $0x38;
	[tilespmem:$0x2080] =	vst v63  }
0x51e: {  	_ =	swait.ge [sflag:s16], $0x40  }
0x51f: {  	[sflag:s16] =	ssyncset.done $0x0  }
0x520: {  	[sflag:s16] =	ssyncadd.s32 $0xFFFFFFC0  }
0x521: {  	[tilespmem:s18], [sflag:$0x1] =	stream.indirect.gather [hbm4b:s7+s17], $0x80, s13, s17, $0xb8;
	[tilespmem:$0x2080] =	vst v63  }
0x522: {  	_ =	swait.ge [sflag:s19], $0x2000  }
0x523: {  	s6 =	sld [smem:$0x7E1]  }
0x524: {  	[sflag:s19] =	ssyncset.done $0x0  }
0x525: {  	[sflag:s19] =	ssyncadd.s32 $0xFFFFE000  }
0x526: {  	[hbm4b:s6+s13] =	stream.linear.scatter [tilespmem:s18], [sflag:$0x2], $0x2000, $0x38;
	[tilespmem:$0x2080] =	vst v63  }
0x527: {  	_ =	swait.ge [sflag:s16], $0x2000  }
0x528: {  	s6 =	sld [smem:$0x7E2]  }
0x529: {  	[sflag:s16] =	ssyncset.done $0x0  }
0x52a: {  	[sflag:s16] =	ssyncadd.s32 $0xFFFFE000  }
0x52b: {  	[tilespmem:s13], [sflag:$0x2] =	stream.linear.gather [hbm4b:s6+s13], $0x40, $0x38;
	[tilespmem:$0x2080] =	vst v63  }
0x52c: {  	_ =	swait.ge [sflag:s16], $0x40  }
0x52d: {  	[sflag:s16] =	ssyncset.done $0x0  }
0x52e: {  	[sflag:s16] =	ssyncadd.s32 $0xFFFFFFC0  }
0x52f: {  	[tilespmem:s18], [sflag:$0x1] =	stream.indirect.gather [hbm4b:s8+s17], $0x80, s13, s17, $0xb8;
	[tilespmem:$0x2080] =	vst v63  }
0x530: {  	_ =	swait.ge [sflag:s19], $0x2000  }
0x531: {  	s6 =	sld [smem:$0x7E3]  }
0x532: {  	[sflag:s19] =	ssyncset.done $0x0  }
0x533: {  	[sflag:s19] =	ssyncadd.s32 $0xFFFFE000  }
0x534: {  	[hbm4b:s6+s13] =	stream.linear.scatter [tilespmem:s18], [sflag:$0x2], $0x2000, $0x38;
	[tilespmem:$0x2080] =	vst v63  }
0x535: {  	_ =	swait.ge [sflag:s16], $0x2000  }
0x536: {  	s6 =	sld [smem:$0x7E4]  }
0x537: {  	[sflag:s16] =	ssyncset.done $0x0  }
0x538: {  	[sflag:s16] =	ssyncadd.s32 $0xFFFFE000  }
0x539: {  	[tilespmem:s13], [sflag:$0x2] =	stream.linear.gather [hbm4b:s6+s13], $0x40, $0x38;
	[tilespmem:$0x2080] =	vst v63  }
0x53a: {  	_ =	swait.ge [sflag:s16], $0x40  }
0x53b: {  	[sflag:s16] =	ssyncset.done $0x0  }
0x53c: {  	[sflag:s16] =	ssyncadd.s32 $0xFFFFFFC0  }
0x53d: {  	[tilespmem:s18], [sflag:$0x1] =	stream.indirect.gather [hbm4b:s8+s17], $0x80, s13, s17, $0xb8;
	[tilespmem:$0x2080] =	vst v63  }
0x53e: {  	_ =	swait.ge [sflag:s19], $0x2000  }
0x53f: {  	s6 =	sld [smem:$0x7E5]  }
0x540: {  	[sflag:s19] =	ssyncset.done $0x0  }
0x541: {  	[sflag:s19] =	ssyncadd.s32 $0xFFFFE000  }
0x542: {  	[hbm4b:s6+s13] =	stream.linear.scatter [tilespmem:s18], [sflag:$0x2], $0x2000, $0x38;
	[tilespmem:$0x2080] =	vst v63  }
0x543: {  	_ =	swait.ge [sflag:s16], $0x2000  }
0x544: {  	s6 =	sld [smem:$0x7E6]  }
0x545: {  	[sflag:s16] =	ssyncset.done $0x0  }
0x546: {  	[sflag:s16] =	ssyncadd.s32 $0xFFFFE000  }
0x547: {  	[tilespmem:s13], [sflag:$0x2] =	stream.linear.gather [hbm4b:s6+s13], $0x40, $0x38;
	[tilespmem:$0x2080] =	vst v63  }
0x548: {  	_ =	swait.ge [sflag:s16], $0x40  }
0x549: {  	[sflag:s16] =	ssyncset.done $0x0  }
0x54a: {  	[sflag:s16] =	ssyncadd.s32 $0xFFFFFFC0  }
0x54b: {  	[tilespmem:s18], [sflag:$0x1] =	stream.indirect.gather [hbm4b:s8+s17], $0x80, s13, s17, $0xb8;
	[tilespmem:$0x2080] =	vst v63  }
0x54c: {  	_ =	swait.ge [sflag:s19], $0x2000  }
0x54d: {  	s6 =	sld [smem:$0x7E7]  }
0x54e: {  	[sflag:s19] =	ssyncset.done $0x0  }
0x54f: {  	[sflag:s19] =	ssyncadd.s32 $0xFFFFE000  }
0x550: {  	[hbm4b:s6+s13] =	stream.linear.scatter [tilespmem:s18], [sflag:$0x2], $0x2000, $0x38;
	[tilespmem:$0x2080] =	vst v63  }
0x551: {  	_ =	swait.ge [sflag:s16], $0x2000  }
0x552: {  	s6 =	sld [smem:$0x7E8]  }
0x553: {  	[sflag:s16] =	ssyncset.done $0x0  }
0x554: {  	[sflag:s16] =	ssyncadd.s32 $0xFFFFE000  }
0x555: {  	[tilespmem:s13], [sflag:$0x2] =	stream.linear.gather [hbm4b:s6+s13], $0x40, $0x38;
	[tilespmem:$0x2080] =	vst v63  }
0x556: {  	_ =	swait.ge [sflag:s16], $0x40  }
0x557: {  	[sflag:s16] =	ssyncset.done $0x0  }
0x558: {  	[sflag:s16] =	ssyncadd.s32 $0xFFFFFFC0  }
0x559: {  	[tilespmem:s18], [sflag:$0x1] =	stream.indirect.gather [hbm4b:s8+s17], $0x80, s13, s17, $0xb8;
	[tilespmem:$0x2080] =	vst v63  }
0x55a: {  	_ =	swait.ge [sflag:s19], $0x2000  }
0x55b: {  	s6 =	sld [smem:$0x7E9]  }
0x55c: {  	[sflag:s19] =	ssyncset.done $0x0  }
0x55d: {  	[sflag:s19] =	ssyncadd.s32 $0xFFFFE000  }
0x55e: {  	[hbm4b:s6+s13] =	stream.linear.scatter [tilespmem:s18], [sflag:$0x2], $0x2000, $0x38;
	[tilespmem:$0x2080] =	vst v63  }
0x55f: {  	_ =	swait.ge [sflag:s16], $0x2000  }
0x560: {  	s6 =	sld [smem:$0x7EA]  }
0x561: {  	[sflag:s16] =	ssyncset.done $0x0  }
0x562: {  	[sflag:s16] =	ssyncadd.s32 $0xFFFFE000  }
0x563: {  	[tilespmem:s13], [sflag:$0x2] =	stream.linear.gather [hbm4b:s6+s13], $0x40, $0x38;
	[tilespmem:$0x2080] =	vst v63  }
0x564: {  	_ =	swait.ge [sflag:s16], $0x40  }
0x565: {  	[sflag:s16] =	ssyncset.done $0x0  }
0x566: {  	[sflag:s16] =	ssyncadd.s32 $0xFFFFFFC0  }
0x567: {  	[tilespmem:s18], [sflag:$0x1] =	stream.indirect.gather [hbm4b:s8+s17], $0x80, s13, s17, $0xb8;
	[tilespmem:$0x2080] =	vst v63  }
0x568: {  	_ =	swait.ge [sflag:s19], $0x2000  }
0x569: {  	s6 =	sld [smem:$0x7EB]  }
0x56a: {  	[sflag:s19] =	ssyncset.done $0x0  }
0x56b: {  	[sflag:s19] =	ssyncadd.s32 $0xFFFFE000  }
0x56c: {  	[hbm4b:s6+s13] =	stream.linear.scatter [tilespmem:s18], [sflag:$0x2], $0x2000, $0x38;
	[tilespmem:$0x2080] =	vst v63  }
0x56d: {  	_ =	swait.ge [sflag:s16], $0x2000  }
0x56e: {  	s6 =	sld [smem:$0x7EC]  }
0x56f: {  	[sflag:s16] =	ssyncset.done $0x0  }
0x570: {  	[sflag:s16] =	ssyncadd.s32 $0xFFFFE000  }
0x571: {  	[tilespmem:s13], [sflag:$0x2] =	stream.linear.gather [hbm4b:s6+s13], $0x40, $0x38;
	[tilespmem:$0x2080] =	vst v63  }
0x572: {  	_ =	swait.ge [sflag:s16], $0x40  }
0x573: {  	[sflag:s16] =	ssyncset.done $0x0  }
0x574: {  	[sflag:s16] =	ssyncadd.s32 $0xFFFFFFC0  }
0x575: {  	[tilespmem:s18], [sflag:$0x1] =	stream.indirect.gather [hbm4b:s10+s17], $0x80, s13, s17, $0xb8;
	[tilespmem:$0x2080] =	vst v63  }
0x576: {  	_ =	swait.ge [sflag:s19], $0x2000  }
0x577: {  	s6 =	sld [smem:$0x7ED]  }
0x578: {  	[sflag:s19] =	ssyncset.done $0x0  }
0x579: {  	[sflag:s19] =	ssyncadd.s32 $0xFFFFE000  }
0x57a: {  	[hbm4b:s6+s13] =	stream.linear.scatter [tilespmem:s18], [sflag:$0x2], $0x2000, $0x38;
	[tilespmem:$0x2080] =	vst v63  }
0x57b: {  	_ =	swait.ge [sflag:s16], $0x2000  }
0x57c: {  	s6 =	sld [smem:$0x7EE]  }
0x57d: {  	[sflag:s16] =	ssyncset.done $0x0  }
0x57e: {  	[sflag:s16] =	ssyncadd.s32 $0xFFFFE000  }
0x57f: {  	[tilespmem:s13], [sflag:$0x2] =	stream.linear.gather [hbm4b:s6+s13], $0x40, $0x38;
	[tilespmem:$0x2080] =	vst v63  }
0x580: {  	_ =	swait.ge [sflag:s16], $0x40  }
0x581: {  	[sflag:s16] =	ssyncset.done $0x0  }
0x582: {  	[sflag:s16] =	ssyncadd.s32 $0xFFFFFFC0  }
0x583: {  	[tilespmem:s18], [sflag:$0x1] =	stream.indirect.gather [hbm4b:s10+s17], $0x80, s13, s17, $0xb8;
	[tilespmem:$0x2080] =	vst v63  }
0x584: {  	_ =	swait.ge [sflag:s19], $0x2000  }
0x585: {  	s6 =	sld [smem:$0x7EF]  }
0x586: {  	[sflag:s19] =	ssyncset.done $0x0  }
0x587: {  	[sflag:s19] =	ssyncadd.s32 $0xFFFFE000  }
0x588: {  	[hbm4b:s6+s13] =	stream.linear.scatter [tilespmem:s18], [sflag:$0x2], $0x2000, $0x38;
	[tilespmem:$0x2080] =	vst v63  }
0x589: {  	_ =	swait.ge [sflag:s16], $0x2000  }
0x58a: {  	s6 =	sld [smem:$0x7F0]  }
0x58b: {  	[sflag:s16] =	ssyncset.done $0x0  }
0x58c: {  	[sflag:s16] =	ssyncadd.s32 $0xFFFFE000  }
0x58d: {  	[tilespmem:s13], [sflag:$0x2] =	stream.linear.gather [hbm4b:s6+s13], $0x40, $0x38;
	[tilespmem:$0x2080] =	vst v63  }
0x58e: {  	_ =	swait.ge [sflag:s16], $0x40  }
0x58f: {  	[sflag:s16] =	ssyncset.done $0x0  }
0x590: {  	[sflag:s16] =	ssyncadd.s32 $0xFFFFFFC0  }
0x591: {  	[tilespmem:s18], [sflag:$0x1] =	stream.indirect.gather [hbm4b:s10+s17], $0x80, s13, s17, $0xb8;
	[tilespmem:$0x2080] =	vst v63  }
0x592: {  	_ =	swait.ge [sflag:s19], $0x2000  }
0x593: {  	s6 =	sld [smem:$0x7F1]  }
0x594: {  	[sflag:s19] =	ssyncset.done $0x0  }
0x595: {  	[sflag:s19] =	ssyncadd.s32 $0xFFFFE000  }
0x596: {  	[hbm4b:s6+s13] =	stream.linear.scatter [tilespmem:s18], [sflag:$0x2], $0x2000, $0x38;
	[tilespmem:$0x2080] =	vst v63  }
0x597: {  	_ =	swait.ge [sflag:s16], $0x2000  }
0x598: {  	s6 =	sld [smem:$0x7F2]  }
0x599: {  	[sflag:s16] =	ssyncset.done $0x0  }
0x59a: {  	[sflag:s16] =	ssyncadd.s32 $0xFFFFE000  }
0x59b: {  	[tilespmem:s13], [sflag:$0x2] =	stream.linear.gather [hbm4b:s6+s13], $0x40, $0x38;
	[tilespmem:$0x2080] =	vst v63  }
0x59c: {  	_ =	swait.ge [sflag:s16], $0x40  }
0x59d: {  	[sflag:s16] =	ssyncset.done $0x0  }
0x59e: {  	[sflag:s16] =	ssyncadd.s32 $0xFFFFFFC0  }
0x59f: {  	[tilespmem:s18], [sflag:$0x1] =	stream.indirect.gather [hbm4b:s10+s17], $0x80, s13, s17, $0xb8;
	[tilespmem:$0x2080] =	vst v63  }
0x5a0: {  	_ =	swait.ge [sflag:s19], $0x2000  }
0x5a1: {  	s6 =	sld [smem:$0x7F3]  }
0x5a2: {  	[sflag:s19] =	ssyncset.done $0x0  }
0x5a3: {  	[sflag:s19] =	ssyncadd.s32 $0xFFFFE000  }
0x5a4: {  	[hbm4b:s6+s13] =	stream.linear.scatter [tilespmem:s18], [sflag:$0x2], $0x2000, $0x38;
	[tilespmem:$0x2080] =	vst v63  }
0x5a5: {  	_ =	swait.ge [sflag:s16], $0x2000  }
0x5a6: {  	s6 =	sld [smem:$0x7F4]  }
0x5a7: {  	[sflag:s16] =	ssyncset.done $0x0  }
0x5a8: {  	[sflag:s16] =	ssyncadd.s32 $0xFFFFE000  }
0x5a9: {  	[tilespmem:s13], [sflag:$0x2] =	stream.linear.gather [hbm4b:s6+s13], $0x40, $0x38;
	[tilespmem:$0x2080] =	vst v63  }
0x5aa: {  	_ =	swait.ge [sflag:s16], $0x40  }
0x5ab: {  	[sflag:s16] =	ssyncset.done $0x0  }
0x5ac: {  	[sflag:s16] =	ssyncadd.s32 $0xFFFFFFC0  }
0x5ad: {  	[tilespmem:s18], [sflag:$0x1] =	stream.indirect.gather [hbm4b:s10+s17], $0x80, s13, s17, $0xb8;
	[tilespmem:$0x2080] =	vst v63  }
0x5ae: {  	_ =	swait.ge [sflag:s19], $0x2000  }
0x5af: {  	s6 =	sld [smem:$0x7F5]  }
0x5b0: {  	[sflag:s19] =	ssyncset.done $0x0  }
0x5b1: {  	[sflag:s19] =	ssyncadd.s32 $0xFFFFE000  }
0x5b2: {  	[hbm4b:s6+s13] =	stream.linear.scatter [tilespmem:s18], [sflag:$0x2], $0x2000, $0x38;
	[tilespmem:$0x2080] =	vst v63  }
0x5b3: {  	_ =	swait.ge [sflag:s16], $0x2000  }
0x5b4: {  	s6 =	sld [smem:$0x7F6]  }
0x5b5: {  	[sflag:s16] =	ssyncset.done $0x0  }
0x5b6: {  	[sflag:s16] =	ssyncadd.s32 $0xFFFFE000  }
0x5b7: {  	[tilespmem:s13], [sflag:$0x2] =	stream.linear.gather [hbm4b:s6+s13], $0x40, $0x38;
	[tilespmem:$0x2080] =	vst v63  }
0x5b8: {  	_ =	swait.ge [sflag:s16], $0x40  }
0x5b9: {  	[sflag:s16] =	ssyncset.done $0x0  }
0x5ba: {  	[sflag:s16] =	ssyncadd.s32 $0xFFFFFFC0  }
0x5bb: {  	[tilespmem:s18], [sflag:$0x1] =	stream.indirect.gather [hbm4b:s11+s17], $0x80, s13, s17, $0xb8;
	[tilespmem:$0x2080] =	vst v63  }
0x5bc: {  	_ =	swait.ge [sflag:s19], $0x2000  }
0x5bd: {  	s6 =	sld [smem:$0x7F7]  }
0x5be: {  	[sflag:s19] =	ssyncset.done $0x0  }
0x5bf: {  	[sflag:s19] =	ssyncadd.s32 $0xFFFFE000  }
0x5c0: {  	[hbm4b:s6+s13] =	stream.linear.scatter [tilespmem:s18], [sflag:$0x2], $0x2000, $0x38;
	[tilespmem:$0x2080] =	vst v63  }
0x5c1: {  	_ =	swait.ge [sflag:s16], $0x2000  }
0x5c2: {  	s6 =	sld [smem:$0x7F8]  }
0x5c3: {  	[sflag:s16] =	ssyncset.done $0x0  }
0x5c4: {  	[sflag:s16] =	ssyncadd.s32 $0xFFFFE000  }
0x5c5: {  	[tilespmem:s13], [sflag:$0x2] =	stream.linear.gather [hbm4b:s6+s13], $0x40, $0x38;
	[tilespmem:$0x2080] =	vst v63  }
0x5c6: {  	_ =	swait.ge [sflag:s16], $0x40  }
0x5c7: {  	[sflag:s16] =	ssyncset.done $0x0  }
0x5c8: {  	[sflag:s16] =	ssyncadd.s32 $0xFFFFFFC0  }
0x5c9: {  	[tilespmem:s18], [sflag:$0x1] =	stream.indirect.gather [hbm4b:s11+s17], $0x80, s13, s17, $0xb8;
	[tilespmem:$0x2080] =	vst v63  }
0x5ca: {  	_ =	swait.ge [sflag:s19], $0x2000  }
0x5cb: {  	s6 =	sld [smem:$0x7F9]  }
0x5cc: {  	[sflag:s19] =	ssyncset.done $0x0  }
0x5cd: {  	[sflag:s19] =	ssyncadd.s32 $0xFFFFE000  }
0x5ce: {  	[hbm4b:s6+s13] =	stream.linear.scatter [tilespmem:s18], [sflag:$0x2], $0x2000, $0x38;
	[tilespmem:$0x2080] =	vst v63  }
0x5cf: {  	_ =	swait.ge [sflag:s16], $0x2000  }
0x5d0: {  	s6 =	sld [smem:$0x7FA]  }
0x5d1: {  	[sflag:s16] =	ssyncset.done $0x0  }
0x5d2: {  	[sflag:s16] =	ssyncadd.s32 $0xFFFFE000  }
0x5d3: {  	[tilespmem:s13], [sflag:$0x2] =	stream.linear.gather [hbm4b:s6+s13], $0x40, $0x38;
	[tilespmem:$0x2080] =	vst v63  }
0x5d4: {  	_ =	swait.ge [sflag:s16], $0x40  }
0x5d5: {  	[sflag:s16] =	ssyncset.done $0x0  }
0x5d6: {  	[sflag:s16] =	ssyncadd.s32 $0xFFFFFFC0  }
0x5d7: {  	[tilespmem:s18], [sflag:$0x1] =	stream.indirect.gather [hbm4b:s11+s17], $0x80, s13, s17, $0xb8;
	[tilespmem:$0x2080] =	vst v63  }
0x5d8: {  	_ =	swait.ge [sflag:s19], $0x2000  }
0x5d9: {  	s6 =	sld [smem:$0x7FB]  }
0x5da: {  	[sflag:s19] =	ssyncset.done $0x0  }
0x5db: {  	[sflag:s19] =	ssyncadd.s32 $0xFFFFE000  }
0x5dc: {  	[hbm4b:s6+s13] =	stream.linear.scatter [tilespmem:s18], [sflag:$0x2], $0x2000, $0x38;
	[tilespmem:$0x2080] =	vst v63  }
0x5dd: {  	_ =	swait.ge [sflag:s16], $0x2000  }
0x5de: {  	s6 =	sld [smem:$0x7FC]  }
0x5df: {  	[sflag:s16] =	ssyncset.done $0x0  }
0x5e0: {  	[sflag:s16] =	ssyncadd.s32 $0xFFFFE000  }
0x5e1: {  	[tilespmem:s13], [sflag:$0x2] =	stream.linear.gather [hbm4b:s6+s13], $0x40, $0x38;
	[tilespmem:$0x2080] =	vst v63  }
0x5e2: {  	_ =	swait.ge [sflag:s16], $0x40  }
0x5e3: {  	[sflag:s16] =	ssyncset.done $0x0  }
0x5e4: {  	[sflag:s16] =	ssyncadd.s32 $0xFFFFFFC0  }
0x5e5: {  	[tilespmem:s18], [sflag:$0x1] =	stream.indirect.gather [hbm4b:s11+s17], $0x80, s13, s17, $0xb8;
	[tilespmem:$0x2080] =	vst v63  }
0x5e6: {  	_ =	swait.ge [sflag:s19], $0x2000  }
0x5e7: {  	s6 =	sld [smem:$0x7FD]  }
0x5e8: {  	[sflag:s19] =	ssyncset.done $0x0  }
0x5e9: {  	[sflag:s19] =	ssyncadd.s32 $0xFFFFE000  }
0x5ea: {  	[hbm4b:s6+s13] =	stream.linear.scatter [tilespmem:s18], [sflag:$0x2], $0x2000, $0x38;
	[tilespmem:$0x2080] =	vst v63  }
0x5eb: {  	_ =	swait.ge [sflag:s16], $0x2000  }
0x5ec: {  	[sflag:s16] =	ssyncset.done $0x0  }
0x5ed: {  	[sflag:s16] =	ssyncadd.s32 $0xFFFFE000  }
0x5ee: {  	[tilespmem:s13], [sflag:$0x2] =	stream.linear.gather [hbm4b:s20+s13], $0x40, $0x38;
	[tilespmem:$0x2080] =	vst v63  }
0x5ef: {  	_ =	swait.ge [sflag:s16], $0x40  }
0x5f0: {  	[sflag:s16] =	ssyncset.done $0x0  }
0x5f1: {  	[sflag:s16] =	ssyncadd.s32 $0xFFFFFFC0  }
0x5f2: {  	[tilespmem:s18], [sflag:$0x1] =	stream.indirect.gather [hbm4b:s11+s17], $0x80, s13, s17, $0xb8;
	[tilespmem:$0x2080] =	vst v63  }
0x5f3: {  	_ =	swait.ge [sflag:s19], $0x2000  }
0x5f4: {  	[sflag:s19] =	ssyncset.done $0x0  }
0x5f5: {  	[sflag:s19] =	ssyncadd.s32 $0xFFFFE000  }
0x5f6: {  	[hbm4b:s21+s13] =	stream.linear.scatter [tilespmem:s18], [sflag:$0x2], $0x2000, $0x38;
	[tilespmem:$0x2080] =	vst v63  }
0x5f7: {  	_ =	swait.ge [sflag:s16], $0x2000  }
0x5f8: {  	[sflag:s16] =	ssyncset.done $0x0  }
0x5f9: {  	s6 =	rddreg [dreg:$0xd];
	[sflag:s16] =	ssyncadd.s32 $0xFFFFE000  }
0x5fa: {  	[tilespmem:s13], [sflag:$0x2] =	stream.linear.gather [hbm4b:s6+s13], $0x40, $0x38;
	[tilespmem:$0x2080] =	vst v63  }
0x5fb: {  	_ =	swait.ge [sflag:s16], $0x40  }
0x5fc: {  	[sflag:s16] =	ssyncset.done $0x0  }
0x5fd: {  	[sflag:s16] =	ssyncadd.s32 $0xFFFFFFC0  }
0x5fe: {  	[tilespmem:s18], [sflag:$0x1] =	stream.indirect.gather [hbm4b:s12+s17], $0x80, s13, s17, $0xb8;
	[tilespmem:$0x2080] =	vst v63  }
0x5ff: {  	_ =	swait.ge [sflag:s19], $0x2000  }
0x600: {  	[sflag:s19] =	ssyncset.done $0x0  }
0x601: {  	[sflag:s19] =	ssyncadd.s32 $0xFFFFE000  }
0x602: {  	[hbm4b:s22+s13] =	stream.linear.scatter [tilespmem:s18], [sflag:$0x2], $0x2000, $0x38;
	[tilespmem:$0x2080] =	vst v63  }
0x603: {  	_ =	swait.ge [sflag:s16], $0x2000  }
0x604: {  	[sflag:s16] =	ssyncset.done $0x0  }
0x605: {  	[sflag:s16] =	ssyncadd.s32 $0xFFFFE000  }
0x606: {  	[tilespmem:s13], [sflag:$0x2] =	stream.linear.gather [hbm4b:s23+s13], $0x40, $0x38;
	[tilespmem:$0x2080] =	vst v63  }
0x607: {  	_ =	swait.ge [sflag:s16], $0x40  }
0x608: {  	[sflag:s16] =	ssyncset.done $0x0  }
0x609: {  	[sflag:s16] =	ssyncadd.s32 $0xFFFFFFC0  }
0x60a: {  	[tilespmem:s18], [sflag:$0x1] =	stream.indirect.gather [hbm4b:s12+s17], $0x80, s13, s17, $0xb8;
	[tilespmem:$0x2080] =	vst v63  }
0x60b: {  	_ =	swait.ge [sflag:s19], $0x2000  }
0x60c: {  	[sflag:s19] =	ssyncset.done $0x0  }
0x60d: {  	[sflag:s19] =	ssyncadd.s32 $0xFFFFE000  }
0x60e: {  	[hbm4b:s24+s13] =	stream.linear.scatter [tilespmem:s18], [sflag:$0x2], $0x2000, $0x38;
	[tilespmem:$0x2080] =	vst v63  }
0x60f: {  	_ =	swait.ge [sflag:s16], $0x2000  }
0x610: {  	[sflag:s16] =	ssyncset.done $0x0  }
0x611: {  	[sflag:s16] =	ssyncadd.s32 $0xFFFFE000  }
0x612: {  	[tilespmem:s13], [sflag:$0x2] =	stream.linear.gather [hbm4b:s25+s13], $0x40, $0x38;
	[tilespmem:$0x2080] =	vst v63  }
0x613: {  	_ =	swait.ge [sflag:s16], $0x40  }
0x614: {  	[sflag:s16] =	ssyncset.done $0x0  }
0x615: {  	[sflag:s16] =	ssyncadd.s32 $0xFFFFFFC0  }
0x616: {  	[tilespmem:s18], [sflag:$0x1] =	stream.indirect.gather [hbm4b:s12+s17], $0x80, s13, s17, $0xb8;
	[tilespmem:$0x2080] =	vst v63  }
0x617: {  	_ =	swait.ge [sflag:s19], $0x2000  }
0x618: {  	[sflag:s19] =	ssyncset.done $0x0  }
0x619: {  	[sflag:s19] =	ssyncadd.s32 $0xFFFFE000  }
0x61a: {  	[hbm4b:s26+s13] =	stream.linear.scatter [tilespmem:s18], [sflag:$0x2], $0x2000, $0x38;
	[tilespmem:$0x2080] =	vst v63  }
0x61b: {  	_ =	swait.ge [sflag:s16], $0x2000  }
0x61c: {  	[sflag:s16] =	ssyncset.done $0x0  }
0x61d: {  	[sflag:s16] =	ssyncadd.s32 $0xFFFFE000  }
0x61e: {  	[tilespmem:s13], [sflag:$0x2] =	stream.linear.gather [hbm4b:s28+s13], $0x40, $0x38;
	[tilespmem:$0x2080] =	vst v63  }
0x61f: {  	_ =	swait.ge [sflag:s16], $0x40  }
0x620: {  	[sflag:s16] =	ssyncset.done $0x0  }
0x621: {  	[sflag:s16] =	ssyncadd.s32 $0xFFFFFFC0  }
0x622: {  	[tilespmem:s18], [sflag:$0x1] =	stream.indirect.gather [hbm4b:s12+s17], $0x80, s13, s17, $0xb8;
	[tilespmem:$0x2080] =	vst v63  }
0x623: {  	_ =	swait.ge [sflag:s19], $0x2000  }
0x624: {  	[sflag:s19] =	ssyncset.done $0x0  }
0x625: {  	[sflag:s19] =	ssyncadd.s32 $0xFFFFE000  }
0x626: {  	[hbm4b:s29+s13] =	stream.linear.scatter [tilespmem:s18], [sflag:$0x2], $0x2000, $0x38;
	[tilespmem:$0x2080] =	vst v63  }
0x627: {  	_ =	swait.ge [sflag:s16], $0x2000  }
0x628: {  	[sflag:s16] =	ssyncset.done $0x0  }
0x629: {  	[sflag:s16] =	ssyncadd.s32 $0xFFFFE000  }
0x62a: {  	[tilespmem:s13], [sflag:$0x2] =	stream.linear.gather [hbm4b:s30+s13], $0x40, $0x38;
	[tilespmem:$0x2080] =	vst v63  }
0x62b: {  	_ =	swait.ge [sflag:s16], $0x40  }
0x62c: {  	[sflag:s16] =	ssyncset.done $0x0  }
0x62d: {  	[sflag:s16] =	ssyncadd.s32 $0xFFFFFFC0  }
0x62e: {  	[tilespmem:s18], [sflag:$0x1] =	stream.indirect.gather [hbm4b:s12+s17], $0x80, s13, s17, $0xb8;
	[tilespmem:$0x2080] =	vst v63  }
0x62f: {  	p0 =	sne.s32 s9, $0x1;
	_ =	swait.ge [sflag:s19], $0x2000  }
.Ltmp1:
0x630: {  	[sflag:s19] =	ssyncset.done $0x0;
	(pc) =	sbr.rel @p0 .LBB2_1-.Ltmp1, $4  }
0x631: {  	[sflag:s19] =	ssyncadd.s32 $0xFFFFE000  }
0x632: {  	[hbm4b:s31+s13] =	stream.linear.scatter [tilespmem:s18], [sflag:$0x2], $0x2000, $0x38;
	[tilespmem:$0x2080] =	vst v63  }
0x633: {  	_ =	swait.ge [sflag:s16], $0x2000  }
0x634: {  	s9 =	sadd.s32 $0xFFFFFFFF, s9;
	[sflag:s16] =	ssyncset.done $0x0  }
.LBB2_2:
0x635: {  	[sflag:s16] =	ssyncadd.s32 $0xFFFFE000  }
0x636: {  	_ =	sfence.sel $0x180000  }
0x637: {  	[bflag:$0x0] =	sbarrier.arrive $0xFFFF  }
0x638: {  	_ =	strace $0x90000047  }
0x639: {  	s0 =	stileid.u32;
	[bflag:$0x2] =	sbarrier.arrive $0xFFFF  }
0x63a: {  	p0 =	sne.s32 s0, $0x0;
	s0 =	rddreg [dreg:$0xc]  }
0x63b: {  	s0 =	sadd.s32 @!p0 $0x100000, s0  }
0x63c: {  	[sflag:s0] =	ssyncadd.tile.s32 @!p0 $0x1;
	_ =	shalt  }
.Lfunc_end2:
_tile_overlayer_lowered:
.L_overlay_start_2:
0x63d: {  	(tag) =	ssettag $0x2  }
0x63e: {  	s0 =	rddreg [dreg:$0x0];
	s2 =	stileid.u32  }
0x63f: {  	s1 =	rddreg [dreg:$0x1];
	p0 =	sne.s32 s2, $0x0  }
0x640: {  	s3 =	rddreg [dreg:$0x2];
	[bflag:$0x3] =	sbarrier.arrive $0xFFFF;
	s2 =	simm.s32 @!p0 $0x1C02  }
0x641: {  	[timem:s3], [sflag:s2] =	dma.local @!p0 [hbm:s0], s1  }
0x642: {  	s0 =	simm.s32 @!p0 $0x2  }
0x643: {  	_ =	swait.ge @!p0 [sflag:s0], s1  }
0x644: {  	s1 =	ssub.s32 @!p0 $0x0, s1;
	[sflag:s0] =	ssyncset.done @!p0 $0x0  }
0x645: {  	[sflag:s0] =	ssyncadd.s32 @!p0 s1  }
0x646: {  	[bflag:$0x3] =	sbarrier.arrive $0xFFFF  }
0x647: {  	_ =	shalt  }

</sc_bundles>
